<compile_context>
chip_gen: v7x
topology: tpu7x:2x2x1
jax: 0.10.2.dev20260603
libtpu: 0.0.44.dev20260713+nightly
codegen_flags: <defaults>
</compile_context>

<pallas_src>
import jax
import jax.numpy as jnp
from jax import lax
from jax.experimental import pallas as pl
from jax.experimental.pallas import tpu as pltpu
from jax.experimental.pallas import tpu_sc as plsc

B, N, M, D = 4096, 12, 4, 128
BN = B * N
F = 9
NC, NS = 2, 16
CG = 4
EG = NS // CG
E_SC = BN // NC
E_TILE = E_SC // EG
SB = 768
NSB = E_TILE // SB
OB = 256
NOB = SB // OB
GPO = OB // 16
NBLK = NSB * NOB
WPR = 16
TABW = 4515 * WPR

_V = 1000
_BASES = (1, 1 + _V, 1 + 2 * _V, 1 + 3 * _V, 1 + 3 * _V, 1 + 3 * _V,
          1 + 3 * _V, 1 + 4 * _V, 1 + 4 * _V + 512)
_MASKED = (True, True, True, True, True, True, True, False, False)
_VTOT = 1 + 4 * _V + 512 + 2
_INVALID_MAX = 2


def _sc_body(tok_hbm, tab_hbm, out_hbm, tab, tokv, idxv, stage, tsem, osem):
    c = lax.axis_index("c")
    s = lax.axis_index("s")
    g = lax.rem(s, CG)
    q = lax.div(s, CG)
    ebase = c * E_SC + q * E_TILE
    pltpu.sync_copy(tab_hbm.at[g], tab)
    iota = lax.iota(jnp.int32, 16)
    for f in range(F):
        pltpu.sync_copy(tok_hbm.at[f, pl.ds(ebase, SB)], tokv.at[f])

    def superblock(sb, carry):
        sbase = ebase + sb * SB

        def prep(i, c2):
            for f in range(F):
                t = tokv[f, pl.ds(i * 16, 16)]
                shifted = t + _BASES[f]
                if _MASKED[f]:
                    idx = jnp.where(t > _INVALID_MAX, shifted, 0)
                else:
                    idx = shifted
                idxv[f, pl.ds(i * 16, 16)] = idx * WPR
            return c2

        lax.fori_loop(0, SB // 16, prep, 0)

        @pl.when(sb < NSB - 1)
        def _():
            for f in range(F):
                pltpu.async_copy(tok_hbm.at[f, pl.ds(sbase + SB, SB)],
                                 tokv.at[f], tsem)

        def outblock(ob, c3):
            blk = sb * NOB + ob
            k = lax.rem(blk, 2)

            @pl.when(blk >= 2)
            def _():
                pltpu.make_async_copy(
                    stage.at[0].at[:, pl.ds(0, 32)],
                    out_hbm.at[pl.ds(ebase, OB), pl.ds(g * 32, 32)],
                    osem).wait()

            stg = stage.at[k]

            @plsc.parallel_loop(0, GPO, unroll=2)
            def group(gi):
                gb = ob * OB + gi * 16
                ent = gi * 16 + iota
                rw = [idxv[f, pl.ds(gb, 16)] for f in range(F)]
                for w in range(WPR):
                    ph = jnp.bitwise_and(w + iota, WPR - 1)
                    vals = [
                        plsc.bitcast(
                            plsc.load_gather(tab, [rw[f] + ph]), jnp.bfloat16)
                        for f in range(F)
                    ]
                    p1 = vals[0]
                    for f in range(1, 4):
                        p1 = p1 + vals[f]
                    p2 = vals[4]
                    for f in range(5, F):
                        p2 = p2 + vals[f]
                    a1, b1 = plsc.unpack(p1, format=plsc.PackFormat.INTERLEAVED)
                    a2, b2 = plsc.unpack(p2, format=plsc.PackFormat.INTERLEAVED)
                    col_a = 2 * ph
                    col_b = col_a + 1
                    plsc.store_scatter(stg, [ent, col_a], a1 + a2)
                    plsc.store_scatter(stg, [ent, col_b], b1 + b2)

            pltpu.async_copy(
                stg.at[:, pl.ds(0, 32)],
                out_hbm.at[pl.ds(sbase + ob * OB, OB), pl.ds(g * 32, 32)],
                osem)
            return c3

        lax.fori_loop(0, NOB, outblock, 0)

        @pl.when(sb < NSB - 1)
        def _():
            for f in range(F):
                pltpu.make_async_copy(tok_hbm.at[f, pl.ds(sbase + SB, SB)],
                                      tokv.at[f], tsem).wait()

        return carry

    lax.fori_loop(0, NSB, superblock, 0)
    for _ in range(2):
        pltpu.make_async_copy(
            stage.at[0].at[:, pl.ds(0, 32)],
            out_hbm.at[pl.ds(ebase, OB), pl.ds(g * 32, 32)],
            osem).wait()


@jax.jit
def _encoder_sc(tok2d, tab4):
    mesh = plsc.VectorSubcoreMesh(core_axis_name="c", subcore_axis_name="s")
    run = pl.kernel(
        _sc_body,
        out_type=jax.ShapeDtypeStruct((BN, D), jnp.float32),
        mesh=mesh,
        scratch_types=[
            pltpu.VMEM((TABW,), jnp.int32),
            pltpu.VMEM((F, SB), jnp.int32),
            pltpu.VMEM((F, SB), jnp.int32),
            pltpu.VMEM((2, OB, 33), jnp.float32),
            pltpu.SemaphoreType.DMA,
            pltpu.SemaphoreType.DMA,
        ],
        compiler_params=pltpu.CompilerParams(use_tc_tiling_on_sc=False,
                                             needs_layout_passes=False),
    )
    return run(tok2d, tab4)


def kernel(species_token, item_token, ability_token, move_tokens, effect_token,
           side_token, species_w, items_w, abilities_w, moves_w, effect_table,
           side_table):
    tok2d = jnp.stack([
        species_token.reshape(BN),
        item_token.reshape(BN),
        ability_token.reshape(BN),
        move_tokens[:, :, 0].reshape(BN),
        move_tokens[:, :, 1].reshape(BN),
        move_tokens[:, :, 2].reshape(BN),
        move_tokens[:, :, 3].reshape(BN),
        effect_token.reshape(BN),
        side_token.reshape(BN),
    ], axis=0)
    comb = jnp.concatenate([
        jnp.zeros((1, D), jnp.float32), species_w, items_w, abilities_w,
        moves_w, effect_table, side_table,
    ], axis=0).astype(jnp.bfloat16)
    tab4 = lax.bitcast_convert_type(
        comb.reshape(_VTOT, CG, WPR, 2).transpose(1, 0, 2, 3), jnp.int32
    ).reshape(CG, TABW)
    out = _encoder_sc(tok2d, tab4)
    return out.reshape(B, N, D)

# --- scband reference (transcript-rebuilt; emitter-appended) ---
"""Pipeline reference for scband-encoder-73684458930659 (READ-ONLY COPY).

The authoritative reference and input builder live on the scoring server;
editing this copy changes nothing except your own understanding.
"""

import jax, jax.numpy as jnp
import numpy as np

B, N, M, D = 4096, 12, 4, 128
V_SPECIES = V_ITEMS = V_ABILITIES = V_MOVES = 1000
V_EFFECTS = 512
# Enum convention from the original module: UNSPECIFIED=0, PAD=1, NULL=2 are invalid tokens.
INVALID_MAX = 2


def _valid_mask(token):
    # ~((tok == UNSPECIFIED) | (tok == PAD) | (tok == NULL))
    return (token > INVALID_MAX).astype(jnp.float32)[..., None]


def setup_inputs(seed: int = 0) -> dict:
    key = jax.random.key(seed)
    ks = jax.random.split(key, 12)
    species_token = jax.random.randint(ks[0], (B, N), 0, V_SPECIES, dtype=jnp.int32)
    item_token = jax.random.randint(ks[1], (B, N), 0, V_ITEMS, dtype=jnp.int32)
    ability_token = jax.random.randint(ks[2], (B, N), 0, V_ABILITIES, dtype=jnp.int32)
    move_tokens = jax.random.randint(ks[3], (B, N, M), 0, V_MOVES, dtype=jnp.int32)
    effect_token = jax.random.randint(ks[4], (B, N), 0, V_EFFECTS, dtype=jnp.int32)
    side_token = jax.random.randint(ks[5], (B, N), 0, 2, dtype=jnp.int32)
    # Learned parameters. nn.Dense(use_bias=False) applied to a one-hot vector is
    # mathematically identical to a row-gather from the kernel, so each
    # *_linear(one_hot(token)) becomes table[token].
    scale = 0.02
    species_w = jax.random.normal(ks[6], (V_SPECIES, D), dtype=jnp.float32) * scale
    items_w = jax.random.normal(ks[7], (V_ITEMS, D), dtype=jnp.float32) * scale
    abilities_w = jax.random.normal(ks[8], (V_ABILITIES, D), dtype=jnp.float32) * scale
    moves_w = jax.random.normal(ks[9], (V_MOVES, D), dtype=jnp.float32) * scale
    effect_table = jax.random.normal(ks[10], (V_EFFECTS, D), dtype=jnp.float32) * scale
    side_table = jax.random.normal(ks[11], (2, D), dtype=jnp.float32) * scale
    return {
        "species_token": species_token,
        "item_token": item_token,
        "ability_token": ability_token,
        "move_tokens": move_tokens,
        "effect_token": effect_token,
        "side_token": side_token,
        "species_w": species_w,
        "items_w": items_w,
        "abilities_w": abilities_w,
        "moves_w": moves_w,
        "effect_table": effect_table,
        "side_table": side_table,
    }


def reference(species_token, item_token, ability_token, move_tokens, effect_token,
              side_token, species_w, items_w, abilities_w, moves_w, effect_table,
              side_table):
    # _embed_species: mask * species_linear(one_hot(token)) == mask * species_w[token]
    species_emb = _valid_mask(species_token) * jnp.take(species_w, species_token, axis=0)
    item_emb = _valid_mask(item_token) * jnp.take(items_w, item_token, axis=0)
    ability_emb = _valid_mask(ability_token) * jnp.take(abilities_w, ability_token, axis=0)
    # moves: [B, N, M] tokens -> masked gather, summed over the move slot axis
    move_emb = _valid_mask(move_tokens) * jnp.take(moves_w, move_tokens, axis=0)
    move_emb = jnp.sum(move_emb, axis=2)
    # effect_from_source_embedding / side_embedding: plain nn.Embed lookups
    effect_emb = jnp.take(effect_table, effect_token, axis=0)
    side_emb = jnp.take(side_table, side_token, axis=0)
    # SumEmbeddings-style fusion of the per-entity embeddings
    entity = species_emb + item_emb + ability_emb + move_emb + effect_emb + side_emb
    return entity


if False:  # reference __main__ guard neutralized (emitter)
    out = reference(**setup_inputs())
    print(out.shape, out.dtype)

if __name__ == "__main__":
    import jax
    _d = setup_inputs()
    print(jax.jit(kernel)(*tuple(_d.values())))

</pallas_src>

<mosaic_0001>
#map = affine_map<(d0, d1) -> (0, 0)>
module attributes {stable_mosaic.version = 14 : i64} {
  func.func @_sc_body(%arg0: i32, %arg1: i32, %arg2: memref<9x49152xi32, #tpu.memory_space<hbm>>, %arg3: memref<4x72240xi32, #tpu.memory_space<hbm>>, %arg4: memref<49152x128xf32, #tpu.memory_space<hbm>>, %arg5: memref<72240xi32, #tpu.memory_space<vmem>>, %arg6: memref<9x768xi32, #tpu.memory_space<vmem>>, %arg7: memref<9x768xi32, #tpu.memory_space<vmem>>, %arg8: memref<2x256x33xf32, #tpu.memory_space<vmem>>, %arg9: memref<!tpu.dma_semaphore, #tpu.memory_space<semaphore_mem>>, %arg10: memref<!tpu.dma_semaphore, #tpu.memory_space<semaphore_mem>>) attributes {dimension_semantics = [#tpu.dimension_semantics<core_parallel>, #tpu.dimension_semantics<subcore_parallel>], iteration_bounds = array<i64: 2, 16>, scalar_prefetch = 0 : i64, scratch_operands = 6 : i64, tpu.core_type = #tpu.core_type<sc_vector_subcore>, window_params = [{transform_indices = #map}, {transform_indices = #map}, {transform_indices = #map}]} {
    %rem3A = arith.constant 4 : i32
    %rem3A_0 = arith.remsi %arg1, %rem3A : i32
    %div3A = arith.constant 4 : i32
    %div3A_1 = arith.divsi %arg1, %div3A : i32
    %mul3A = arith.constant 24576 : i32
    %mul3A_2 = arith.muli %arg0, %mul3A : i32
    %mul3A_3 = arith.constant 6144 : i32
    %mul3A_4 = arith.muli %div3A_1, %mul3A_3 : i32
    %add3A = arith.addi %mul3A_2, %mul3A_4 : i32
    "tpu.region"() ({
      %run_scoped3A_64 = tpu.sem_alloc : memref<!tpu.dma_semaphore, #tpu.memory_space<semaphore_mem>>
      %dma_start3A = arith.constant 0 : i32
      %dma_start3A_65 = tpu.memref_slice %arg3[%rem3A_0, %dma_start3A] : memref<4x72240xi32, #tpu.memory_space<hbm>> -> memref<1x72240xi32, #tpu.memory_space<hbm>>
      %dma_start3A_66 = tpu.memref_squeeze %dma_start3A_65 : memref<1x72240xi32, #tpu.memory_space<hbm>> -> memref<72240xi32, #tpu.memory_space<hbm>>
      %dma_start3A_67 = arith.constant 0 : i32
      %dma_start3A_68 = tpu.memref_slice %arg3[%rem3A_0, %dma_start3A_67] : memref<4x72240xi32, #tpu.memory_space<hbm>> -> memref<1x72240xi32, #tpu.memory_space<hbm>>
      %dma_start3A_69 = tpu.memref_squeeze %dma_start3A_68 : memref<1x72240xi32, #tpu.memory_space<hbm>> -> memref<72240xi32, #tpu.memory_space<hbm>>
      tpu.enqueue_dma source(%dma_start3A_69 : memref<72240xi32, #tpu.memory_space<hbm>>) target(%arg5 : memref<72240xi32, #tpu.memory_space<vmem>>) target_semaphore(%run_scoped3A_64 : memref<!tpu.dma_semaphore, #tpu.memory_space<semaphore_mem>>)
      %dma_wait3A_70 = arith.constant 0 : i32
      %dma_wait3A_71 = tpu.memref_slice %arg3[%rem3A_0, %dma_wait3A_70] : memref<4x72240xi32, #tpu.memory_space<hbm>> -> memref<1x72240xi32, #tpu.memory_space<hbm>>
      %dma_wait3A_72 = tpu.memref_squeeze %dma_wait3A_71 : memref<1x72240xi32, #tpu.memory_space<hbm>> -> memref<72240xi32, #tpu.memory_space<hbm>>
      %dma_wait3A_73 = arith.constant 0 : i32
      %dma_wait3A_74 = tpu.memref_slice %arg3[%rem3A_0, %dma_wait3A_73] : memref<4x72240xi32, #tpu.memory_space<hbm>> -> memref<1x72240xi32, #tpu.memory_space<hbm>>
      %dma_wait3A_75 = tpu.memref_squeeze %dma_wait3A_74 : memref<1x72240xi32, #tpu.memory_space<hbm>> -> memref<72240xi32, #tpu.memory_space<hbm>>
      tpu.wait_dma2 semaphore(%run_scoped3A_64 : memref<!tpu.dma_semaphore, #tpu.memory_space<semaphore_mem>>) src(%dma_wait3A_75 : memref<72240xi32, #tpu.memory_space<hbm>>) dst(%arg5 : memref<72240xi32, #tpu.memory_space<vmem>>)
      tpu.yield
    }) : () -> ()
    %iota3A = tpu.iota {dimensions = array<i32: 0>} : vector<16xi32>
    %run_scoped3A = arith.constant 0 : i32
    %run_scoped3A_5 = arith.constant 0 : i32
    "tpu.region"() ({
      %run_scoped3A_64 = tpu.sem_alloc : memref<!tpu.dma_semaphore, #tpu.memory_space<semaphore_mem>>
      %dma_start3A = arith.constant 0 : i32
      %dma_start3A_65 = tpu.memref_slice %arg6[%run_scoped3A_5, %dma_start3A] : memref<9x768xi32, #tpu.memory_space<vmem>> -> memref<1x768xi32, #tpu.memory_space<vmem>>
      %dma_start3A_66 = tpu.memref_squeeze %dma_start3A_65 : memref<1x768xi32, #tpu.memory_space<vmem>> -> memref<768xi32, #tpu.memory_space<vmem>>
      %dma_start3A_67 = tpu.memref_slice %arg2[%run_scoped3A, %add3A] : memref<9x49152xi32, #tpu.memory_space<hbm>> -> memref<1x768xi32, #tpu.memory_space<hbm>>
      %dma_start3A_68 = tpu.memref_squeeze %dma_start3A_67 : memref<1x768xi32, #tpu.memory_space<hbm>> -> memref<768xi32, #tpu.memory_space<hbm>>
      %dma_start3A_69 = arith.constant 0 : i32
      %dma_start3A_70 = tpu.memref_slice %arg6[%run_scoped3A_5, %dma_start3A_69] : memref<9x768xi32, #tpu.memory_space<vmem>> -> memref<1x768xi32, #tpu.memory_space<vmem>>
      %dma_start3A_71 = tpu.memref_squeeze %dma_start3A_70 : memref<1x768xi32, #tpu.memory_space<vmem>> -> memref<768xi32, #tpu.memory_space<vmem>>
      %dma_start3A_72 = tpu.memref_slice %arg2[%run_scoped3A, %add3A] : memref<9x49152xi32, #tpu.memory_space<hbm>> -> memref<1x768xi32, #tpu.memory_space<hbm>>
      %dma_start3A_73 = tpu.memref_squeeze %dma_start3A_72 : memref<1x768xi32, #tpu.memory_space<hbm>> -> memref<768xi32, #tpu.memory_space<hbm>>
      tpu.enqueue_dma source(%dma_start3A_73 : memref<768xi32, #tpu.memory_space<hbm>>) target(%dma_start3A_71 : memref<768xi32, #tpu.memory_space<vmem>>) target_semaphore(%run_scoped3A_64 : memref<!tpu.dma_semaphore, #tpu.memory_space<semaphore_mem>>)
      %dma_wait3A_74 = arith.constant 0 : i32
      %dma_wait3A_75 = tpu.memref_slice %arg6[%run_scoped3A_5, %dma_wait3A_74] : memref<9x768xi32, #tpu.memory_space<vmem>> -> memref<1x768xi32, #tpu.memory_space<vmem>>
      %dma_wait3A_76 = tpu.memref_squeeze %dma_wait3A_75 : memref<1x768xi32, #tpu.memory_space<vmem>> -> memref<768xi32, #tpu.memory_space<vmem>>
      %dma_wait3A_77 = tpu.memref_slice %arg2[%run_scoped3A, %add3A] : memref<9x49152xi32, #tpu.memory_space<hbm>> -> memref<1x768xi32, #tpu.memory_space<hbm>>
      %dma_wait3A_78 = tpu.memref_squeeze %dma_wait3A_77 : memref<1x768xi32, #tpu.memory_space<hbm>> -> memref<768xi32, #tpu.memory_space<hbm>>
      %dma_wait3A_79 = arith.constant 0 : i32
      %dma_wait3A_80 = tpu.memref_slice %arg6[%run_scoped3A_5, %dma_wait3A_79] : memref<9x768xi32, #tpu.memory_space<vmem>> -> memref<1x768xi32, #tpu.memory_space<vmem>>
      %dma_wait3A_81 = tpu.memref_squeeze %dma_wait3A_80 : memref<1x768xi32, #tpu.memory_space<vmem>> -> memref<768xi32, #tpu.memory_space<vmem>>
      %dma_wait3A_82 = tpu.memref_slice %arg2[%run_scoped3A, %add3A] : memref<9x49152xi32, #tpu.memory_space<hbm>> -> memref<1x768xi32, #tpu.memory_space<hbm>>
      %dma_wait3A_83 = tpu.memref_squeeze %dma_wait3A_82 : memref<1x768xi32, #tpu.memory_space<hbm>> -> memref<768xi32, #tpu.memory_space<hbm>>
      tpu.wait_dma2 semaphore(%run_scoped3A_64 : memref<!tpu.dma_semaphore, #tpu.memory_space<semaphore_mem>>) src(%dma_wait3A_83 : memref<768xi32, #tpu.memory_space<hbm>>) dst(%dma_wait3A_81 : memref<768xi32, #tpu.memory_space<vmem>>)
      tpu.yield
    }) : () -> ()
    %run_scoped3A_6 = arith.constant 1 : i32
    %run_scoped3A_7 = arith.constant 1 : i32
    "tpu.region"() ({
      %run_scoped3A_64 = tpu.sem_alloc : memref<!tpu.dma_semaphore, #tpu.memory_space<semaphore_mem>>
      %dma_start3A = arith.constant 0 : i32
      %dma_start3A_65 = tpu.memref_slice %arg6[%run_scoped3A_7, %dma_start3A] : memref<9x768xi32, #tpu.memory_space<vmem>> -> memref<1x768xi32, #tpu.memory_space<vmem>>
      %dma_start3A_66 = tpu.memref_squeeze %dma_start3A_65 : memref<1x768xi32, #tpu.memory_space<vmem>> -> memref<768xi32, #tpu.memory_space<vmem>>
      %dma_start3A_67 = tpu.memref_slice %arg2[%run_scoped3A_6, %add3A] : memref<9x49152xi32, #tpu.memory_space<hbm>> -> memref<1x768xi32, #tpu.memory_space<hbm>>
      %dma_start3A_68 = tpu.memref_squeeze %dma_start3A_67 : memref<1x768xi32, #tpu.memory_space<hbm>> -> memref<768xi32, #tpu.memory_space<hbm>>
      %dma_start3A_69 = arith.constant 0 : i32
      %dma_start3A_70 = tpu.memref_slice %arg6[%run_scoped3A_7, %dma_start3A_69] : memref<9x768xi32, #tpu.memory_space<vmem>> -> memref<1x768xi32, #tpu.memory_space<vmem>>
      %dma_start3A_71 = tpu.memref_squeeze %dma_start3A_70 : memref<1x768xi32, #tpu.memory_space<vmem>> -> memref<768xi32, #tpu.memory_space<vmem>>
      %dma_start3A_72 = tpu.memref_slice %arg2[%run_scoped3A_6, %add3A] : memref<9x49152xi32, #tpu.memory_space<hbm>> -> memref<1x768xi32, #tpu.memory_space<hbm>>
      %dma_start3A_73 = tpu.memref_squeeze %dma_start3A_72 : memref<1x768xi32, #tpu.memory_space<hbm>> -> memref<768xi32, #tpu.memory_space<hbm>>
      tpu.enqueue_dma source(%dma_start3A_73 : memref<768xi32, #tpu.memory_space<hbm>>) target(%dma_start3A_71 : memref<768xi32, #tpu.memory_space<vmem>>) target_semaphore(%run_scoped3A_64 : memref<!tpu.dma_semaphore, #tpu.memory_space<semaphore_mem>>)
      %dma_wait3A_74 = arith.constant 0 : i32
      %dma_wait3A_75 = tpu.memref_slice %arg6[%run_scoped3A_7, %dma_wait3A_74] : memref<9x768xi32, #tpu.memory_space<vmem>> -> memref<1x768xi32, #tpu.memory_space<vmem>>
      %dma_wait3A_76 = tpu.memref_squeeze %dma_wait3A_75 : memref<1x768xi32, #tpu.memory_space<vmem>> -> memref<768xi32, #tpu.memory_space<vmem>>
      %dma_wait3A_77 = tpu.memref_slice %arg2[%run_scoped3A_6, %add3A] : memref<9x49152xi32, #tpu.memory_space<hbm>> -> memref<1x768xi32, #tpu.memory_space<hbm>>
      %dma_wait3A_78 = tpu.memref_squeeze %dma_wait3A_77 : memref<1x768xi32, #tpu.memory_space<hbm>> -> memref<768xi32, #tpu.memory_space<hbm>>
      %dma_wait3A_79 = arith.constant 0 : i32
      %dma_wait3A_80 = tpu.memref_slice %arg6[%run_scoped3A_7, %dma_wait3A_79] : memref<9x768xi32, #tpu.memory_space<vmem>> -> memref<1x768xi32, #tpu.memory_space<vmem>>
      %dma_wait3A_81 = tpu.memref_squeeze %dma_wait3A_80 : memref<1x768xi32, #tpu.memory_space<vmem>> -> memref<768xi32, #tpu.memory_space<vmem>>
      %dma_wait3A_82 = tpu.memref_slice %arg2[%run_scoped3A_6, %add3A] : memref<9x49152xi32, #tpu.memory_space<hbm>> -> memref<1x768xi32, #tpu.memory_space<hbm>>
      %dma_wait3A_83 = tpu.memref_squeeze %dma_wait3A_82 : memref<1x768xi32, #tpu.memory_space<hbm>> -> memref<768xi32, #tpu.memory_space<hbm>>
      tpu.wait_dma2 semaphore(%run_scoped3A_64 : memref<!tpu.dma_semaphore, #tpu.memory_space<semaphore_mem>>) src(%dma_wait3A_83 : memref<768xi32, #tpu.memory_space<hbm>>) dst(%dma_wait3A_81 : memref<768xi32, #tpu.memory_space<vmem>>)
      tpu.yield
    }) : () -> ()
    %run_scoped3A_8 = arith.constant 2 : i32
    %run_scoped3A_9 = arith.constant 2 : i32
    "tpu.region"() ({
      %run_scoped3A_64 = tpu.sem_alloc : memref<!tpu.dma_semaphore, #tpu.memory_space<semaphore_mem>>
      %dma_start3A = arith.constant 0 : i32
      %dma_start3A_65 = tpu.memref_slice %arg6[%run_scoped3A_9, %dma_start3A] : memref<9x768xi32, #tpu.memory_space<vmem>> -> memref<1x768xi32, #tpu.memory_space<vmem>>
      %dma_start3A_66 = tpu.memref_squeeze %dma_start3A_65 : memref<1x768xi32, #tpu.memory_space<vmem>> -> memref<768xi32, #tpu.memory_space<vmem>>
      %dma_start3A_67 = tpu.memref_slice %arg2[%run_scoped3A_8, %add3A] : memref<9x49152xi32, #tpu.memory_space<hbm>> -> memref<1x768xi32, #tpu.memory_space<hbm>>
      %dma_start3A_68 = tpu.memref_squeeze %dma_start3A_67 : memref<1x768xi32, #tpu.memory_space<hbm>> -> memref<768xi32, #tpu.memory_space<hbm>>
      %dma_start3A_69 = arith.constant 0 : i32
      %dma_start3A_70 = tpu.memref_slice %arg6[%run_scoped3A_9, %dma_start3A_69] : memref<9x768xi32, #tpu.memory_space<vmem>> -> memref<1x768xi32, #tpu.memory_space<vmem>>
      %dma_start3A_71 = tpu.memref_squeeze %dma_start3A_70 : memref<1x768xi32, #tpu.memory_space<vmem>> -> memref<768xi32, #tpu.memory_space<vmem>>
      %dma_start3A_72 = tpu.memref_slice %arg2[%run_scoped3A_8, %add3A] : memref<9x49152xi32, #tpu.memory_space<hbm>> -> memref<1x768xi32, #tpu.memory_space<hbm>>
      %dma_start3A_73 = tpu.memref_squeeze %dma_start3A_72 : memref<1x768xi32, #tpu.memory_space<hbm>> -> memref<768xi32, #tpu.memory_space<hbm>>
      tpu.enqueue_dma source(%dma_start3A_73 : memref<768xi32, #tpu.memory_space<hbm>>) target(%dma_start3A_71 : memref<768xi32, #tpu.memory_space<vmem>>) target_semaphore(%run_scoped3A_64 : memref<!tpu.dma_semaphore, #tpu.memory_space<semaphore_mem>>)
      %dma_wait3A_74 = arith.constant 0 : i32
      %dma_wait3A_75 = tpu.memref_slice %arg6[%run_scoped3A_9, %dma_wait3A_74] : memref<9x768xi32, #tpu.memory_space<vmem>> -> memref<1x768xi32, #tpu.memory_space<vmem>>
      %dma_wait3A_76 = tpu.memref_squeeze %dma_wait3A_75 : memref<1x768xi32, #tpu.memory_space<vmem>> -> memref<768xi32, #tpu.memory_space<vmem>>
      %dma_wait3A_77 = tpu.memref_slice %arg2[%run_scoped3A_8, %add3A] : memref<9x49152xi32, #tpu.memory_space<hbm>> -> memref<1x768xi32, #tpu.memory_space<hbm>>
      %dma_wait3A_78 = tpu.memref_squeeze %dma_wait3A_77 : memref<1x768xi32, #tpu.memory_space<hbm>> -> memref<768xi32, #tpu.memory_space<hbm>>
      %dma_wait3A_79 = arith.constant 0 : i32
      %dma_wait3A_80 = tpu.memref_slice %arg6[%run_scoped3A_9, %dma_wait3A_79] : memref<9x768xi32, #tpu.memory_space<vmem>> -> memref<1x768xi32, #tpu.memory_space<vmem>>
      %dma_wait3A_81 = tpu.memref_squeeze %dma_wait3A_80 : memref<1x768xi32, #tpu.memory_space<vmem>> -> memref<768xi32, #tpu.memory_space<vmem>>
      %dma_wait3A_82 = tpu.memref_slice %arg2[%run_scoped3A_8, %add3A] : memref<9x49152xi32, #tpu.memory_space<hbm>> -> memref<1x768xi32, #tpu.memory_space<hbm>>
      %dma_wait3A_83 = tpu.memref_squeeze %dma_wait3A_82 : memref<1x768xi32, #tpu.memory_space<hbm>> -> memref<768xi32, #tpu.memory_space<hbm>>
      tpu.wait_dma2 semaphore(%run_scoped3A_64 : memref<!tpu.dma_semaphore, #tpu.memory_space<semaphore_mem>>) src(%dma_wait3A_83 : memref<768xi32, #tpu.memory_space<hbm>>) dst(%dma_wait3A_81 : memref<768xi32, #tpu.memory_space<vmem>>)
      tpu.yield
    }) : () -> ()
    %run_scoped3A_10 = arith.constant 3 : i32
    %run_scoped3A_11 = arith.constant 3 : i32
    "tpu.region"() ({
      %run_scoped3A_64 = tpu.sem_alloc : memref<!tpu.dma_semaphore, #tpu.memory_space<semaphore_mem>>
      %dma_start3A = arith.constant 0 : i32
      %dma_start3A_65 = tpu.memref_slice %arg6[%run_scoped3A_11, %dma_start3A] : memref<9x768xi32, #tpu.memory_space<vmem>> -> memref<1x768xi32, #tpu.memory_space<vmem>>
      %dma_start3A_66 = tpu.memref_squeeze %dma_start3A_65 : memref<1x768xi32, #tpu.memory_space<vmem>> -> memref<768xi32, #tpu.memory_space<vmem>>
      %dma_start3A_67 = tpu.memref_slice %arg2[%run_scoped3A_10, %add3A] : memref<9x49152xi32, #tpu.memory_space<hbm>> -> memref<1x768xi32, #tpu.memory_space<hbm>>
      %dma_start3A_68 = tpu.memref_squeeze %dma_start3A_67 : memref<1x768xi32, #tpu.memory_space<hbm>> -> memref<768xi32, #tpu.memory_space<hbm>>
      %dma_start3A_69 = arith.constant 0 : i32
      %dma_start3A_70 = tpu.memref_slice %arg6[%run_scoped3A_11, %dma_start3A_69] : memref<9x768xi32, #tpu.memory_space<vmem>> -> memref<1x768xi32, #tpu.memory_space<vmem>>
      %dma_start3A_71 = tpu.memref_squeeze %dma_start3A_70 : memref<1x768xi32, #tpu.memory_space<vmem>> -> memref<768xi32, #tpu.memory_space<vmem>>
      %dma_start3A_72 = tpu.memref_slice %arg2[%run_scoped3A_10, %add3A] : memref<9x49152xi32, #tpu.memory_space<hbm>> -> memref<1x768xi32, #tpu.memory_space<hbm>>
      %dma_start3A_73 = tpu.memref_squeeze %dma_start3A_72 : memref<1x768xi32, #tpu.memory_space<hbm>> -> memref<768xi32, #tpu.memory_space<hbm>>
      tpu.enqueue_dma source(%dma_start3A_73 : memref<768xi32, #tpu.memory_space<hbm>>) target(%dma_start3A_71 : memref<768xi32, #tpu.memory_space<vmem>>) target_semaphore(%run_scoped3A_64 : memref<!tpu.dma_semaphore, #tpu.memory_space<semaphore_mem>>)
      %dma_wait3A_74 = arith.constant 0 : i32
      %dma_wait3A_75 = tpu.memref_slice %arg6[%run_scoped3A_11, %dma_wait3A_74] : memref<9x768xi32, #tpu.memory_space<vmem>> -> memref<1x768xi32, #tpu.memory_space<vmem>>
      %dma_wait3A_76 = tpu.memref_squeeze %dma_wait3A_75 : memref<1x768xi32, #tpu.memory_space<vmem>> -> memref<768xi32, #tpu.memory_space<vmem>>
      %dma_wait3A_77 = tpu.memref_slice %arg2[%run_scoped3A_10, %add3A] : memref<9x49152xi32, #tpu.memory_space<hbm>> -> memref<1x768xi32, #tpu.memory_space<hbm>>
      %dma_wait3A_78 = tpu.memref_squeeze %dma_wait3A_77 : memref<1x768xi32, #tpu.memory_space<hbm>> -> memref<768xi32, #tpu.memory_space<hbm>>
      %dma_wait3A_79 = arith.constant 0 : i32
      %dma_wait3A_80 = tpu.memref_slice %arg6[%run_scoped3A_11, %dma_wait3A_79] : memref<9x768xi32, #tpu.memory_space<vmem>> -> memref<1x768xi32, #tpu.memory_space<vmem>>
      %dma_wait3A_81 = tpu.memref_squeeze %dma_wait3A_80 : memref<1x768xi32, #tpu.memory_space<vmem>> -> memref<768xi32, #tpu.memory_space<vmem>>
      %dma_wait3A_82 = tpu.memref_slice %arg2[%run_scoped3A_10, %add3A] : memref<9x49152xi32, #tpu.memory_space<hbm>> -> memref<1x768xi32, #tpu.memory_space<hbm>>
      %dma_wait3A_83 = tpu.memref_squeeze %dma_wait3A_82 : memref<1x768xi32, #tpu.memory_space<hbm>> -> memref<768xi32, #tpu.memory_space<hbm>>
      tpu.wait_dma2 semaphore(%run_scoped3A_64 : memref<!tpu.dma_semaphore, #tpu.memory_space<semaphore_mem>>) src(%dma_wait3A_83 : memref<768xi32, #tpu.memory_space<hbm>>) dst(%dma_wait3A_81 : memref<768xi32, #tpu.memory_space<vmem>>)
      tpu.yield
    }) : () -> ()
    %run_scoped3A_12 = arith.constant 4 : i32
    %run_scoped3A_13 = arith.constant 4 : i32
    "tpu.region"() ({
      %run_scoped3A_64 = tpu.sem_alloc : memref<!tpu.dma_semaphore, #tpu.memory_space<semaphore_mem>>
      %dma_start3A = arith.constant 0 : i32
      %dma_start3A_65 = tpu.memref_slice %arg6[%run_scoped3A_13, %dma_start3A] : memref<9x768xi32, #tpu.memory_space<vmem>> -> memref<1x768xi32, #tpu.memory_space<vmem>>
      %dma_start3A_66 = tpu.memref_squeeze %dma_start3A_65 : memref<1x768xi32, #tpu.memory_space<vmem>> -> memref<768xi32, #tpu.memory_space<vmem>>
      %dma_start3A_67 = tpu.memref_slice %arg2[%run_scoped3A_12, %add3A] : memref<9x49152xi32, #tpu.memory_space<hbm>> -> memref<1x768xi32, #tpu.memory_space<hbm>>
      %dma_start3A_68 = tpu.memref_squeeze %dma_start3A_67 : memref<1x768xi32, #tpu.memory_space<hbm>> -> memref<768xi32, #tpu.memory_space<hbm>>
      %dma_start3A_69 = arith.constant 0 : i32
      %dma_start3A_70 = tpu.memref_slice %arg6[%run_scoped3A_13, %dma_start3A_69] : memref<9x768xi32, #tpu.memory_space<vmem>> -> memref<1x768xi32, #tpu.memory_space<vmem>>
      %dma_start3A_71 = tpu.memref_squeeze %dma_start3A_70 : memref<1x768xi32, #tpu.memory_space<vmem>> -> memref<768xi32, #tpu.memory_space<vmem>>
      %dma_start3A_72 = tpu.memref_slice %arg2[%run_scoped3A_12, %add3A] : memref<9x49152xi32, #tpu.memory_space<hbm>> -> memref<1x768xi32, #tpu.memory_space<hbm>>
      %dma_start3A_73 = tpu.memref_squeeze %dma_start3A_72 : memref<1x768xi32, #tpu.memory_space<hbm>> -> memref<768xi32, #tpu.memory_space<hbm>>
      tpu.enqueue_dma source(%dma_start3A_73 : memref<768xi32, #tpu.memory_space<hbm>>) target(%dma_start3A_71 : memref<768xi32, #tpu.memory_space<vmem>>) target_semaphore(%run_scoped3A_64 : memref<!tpu.dma_semaphore, #tpu.memory_space<semaphore_mem>>)
      %dma_wait3A_74 = arith.constant 0 : i32
      %dma_wait3A_75 = tpu.memref_slice %arg6[%run_scoped3A_13, %dma_wait3A_74] : memref<9x768xi32, #tpu.memory_space<vmem>> -> memref<1x768xi32, #tpu.memory_space<vmem>>
      %dma_wait3A_76 = tpu.memref_squeeze %dma_wait3A_75 : memref<1x768xi32, #tpu.memory_space<vmem>> -> memref<768xi32, #tpu.memory_space<vmem>>
      %dma_wait3A_77 = tpu.memref_slice %arg2[%run_scoped3A_12, %add3A] : memref<9x49152xi32, #tpu.memory_space<hbm>> -> memref<1x768xi32, #tpu.memory_space<hbm>>
      %dma_wait3A_78 = tpu.memref_squeeze %dma_wait3A_77 : memref<1x768xi32, #tpu.memory_space<hbm>> -> memref<768xi32, #tpu.memory_space<hbm>>
      %dma_wait3A_79 = arith.constant 0 : i32
      %dma_wait3A_80 = tpu.memref_slice %arg6[%run_scoped3A_13, %dma_wait3A_79] : memref<9x768xi32, #tpu.memory_space<vmem>> -> memref<1x768xi32, #tpu.memory_space<vmem>>
      %dma_wait3A_81 = tpu.memref_squeeze %dma_wait3A_80 : memref<1x768xi32, #tpu.memory_space<vmem>> -> memref<768xi32, #tpu.memory_space<vmem>>
      %dma_wait3A_82 = tpu.memref_slice %arg2[%run_scoped3A_12, %add3A] : memref<9x49152xi32, #tpu.memory_space<hbm>> -> memref<1x768xi32, #tpu.memory_space<hbm>>
      %dma_wait3A_83 = tpu.memref_squeeze %dma_wait3A_82 : memref<1x768xi32, #tpu.memory_space<hbm>> -> memref<768xi32, #tpu.memory_space<hbm>>
      tpu.wait_dma2 semaphore(%run_scoped3A_64 : memref<!tpu.dma_semaphore, #tpu.memory_space<semaphore_mem>>) src(%dma_wait3A_83 : memref<768xi32, #tpu.memory_space<hbm>>) dst(%dma_wait3A_81 : memref<768xi32, #tpu.memory_space<vmem>>)
      tpu.yield
    }) : () -> ()
    %run_scoped3A_14 = arith.constant 5 : i32
    %run_scoped3A_15 = arith.constant 5 : i32
    "tpu.region"() ({
      %run_scoped3A_64 = tpu.sem_alloc : memref<!tpu.dma_semaphore, #tpu.memory_space<semaphore_mem>>
      %dma_start3A = arith.constant 0 : i32
      %dma_start3A_65 = tpu.memref_slice %arg6[%run_scoped3A_15, %dma_start3A] : memref<9x768xi32, #tpu.memory_space<vmem>> -> memref<1x768xi32, #tpu.memory_space<vmem>>
      %dma_start3A_66 = tpu.memref_squeeze %dma_start3A_65 : memref<1x768xi32, #tpu.memory_space<vmem>> -> memref<768xi32, #tpu.memory_space<vmem>>
      %dma_start3A_67 = tpu.memref_slice %arg2[%run_scoped3A_14, %add3A] : memref<9x49152xi32, #tpu.memory_space<hbm>> -> memref<1x768xi32, #tpu.memory_space<hbm>>
      %dma_start3A_68 = tpu.memref_squeeze %dma_start3A_67 : memref<1x768xi32, #tpu.memory_space<hbm>> -> memref<768xi32, #tpu.memory_space<hbm>>
      %dma_start3A_69 = arith.constant 0 : i32
      %dma_start3A_70 = tpu.memref_slice %arg6[%run_scoped3A_15, %dma_start3A_69] : memref<9x768xi32, #tpu.memory_space<vmem>> -> memref<1x768xi32, #tpu.memory_space<vmem>>
      %dma_start3A_71 = tpu.memref_squeeze %dma_start3A_70 : memref<1x768xi32, #tpu.memory_space<vmem>> -> memref<768xi32, #tpu.memory_space<vmem>>
      %dma_start3A_72 = tpu.memref_slice %arg2[%run_scoped3A_14, %add3A] : memref<9x49152xi32, #tpu.memory_space<hbm>> -> memref<1x768xi32, #tpu.memory_space<hbm>>
      %dma_start3A_73 = tpu.memref_squeeze %dma_start3A_72 : memref<1x768xi32, #tpu.memory_space<hbm>> -> memref<768xi32, #tpu.memory_space<hbm>>
      tpu.enqueue_dma source(%dma_start3A_73 : memref<768xi32, #tpu.memory_space<hbm>>) target(%dma_start3A_71 : memref<768xi32, #tpu.memory_space<vmem>>) target_semaphore(%run_scoped3A_64 : memref<!tpu.dma_semaphore, #tpu.memory_space<semaphore_mem>>)
      %dma_wait3A_74 = arith.constant 0 : i32
      %dma_wait3A_75 = tpu.memref_slice %arg6[%run_scoped3A_15, %dma_wait3A_74] : memref<9x768xi32, #tpu.memory_space<vmem>> -> memref<1x768xi32, #tpu.memory_space<vmem>>
      %dma_wait3A_76 = tpu.memref_squeeze %dma_wait3A_75 : memref<1x768xi32, #tpu.memory_space<vmem>> -> memref<768xi32, #tpu.memory_space<vmem>>
      %dma_wait3A_77 = tpu.memref_slice %arg2[%run_scoped3A_14, %add3A] : memref<9x49152xi32, #tpu.memory_space<hbm>> -> memref<1x768xi32, #tpu.memory_space<hbm>>
      %dma_wait3A_78 = tpu.memref_squeeze %dma_wait3A_77 : memref<1x768xi32, #tpu.memory_space<hbm>> -> memref<768xi32, #tpu.memory_space<hbm>>
      %dma_wait3A_79 = arith.constant 0 : i32
      %dma_wait3A_80 = tpu.memref_slice %arg6[%run_scoped3A_15, %dma_wait3A_79] : memref<9x768xi32, #tpu.memory_space<vmem>> -> memref<1x768xi32, #tpu.memory_space<vmem>>
      %dma_wait3A_81 = tpu.memref_squeeze %dma_wait3A_80 : memref<1x768xi32, #tpu.memory_space<vmem>> -> memref<768xi32, #tpu.memory_space<vmem>>
      %dma_wait3A_82 = tpu.memref_slice %arg2[%run_scoped3A_14, %add3A] : memref<9x49152xi32, #tpu.memory_space<hbm>> -> memref<1x768xi32, #tpu.memory_space<hbm>>
      %dma_wait3A_83 = tpu.memref_squeeze %dma_wait3A_82 : memref<1x768xi32, #tpu.memory_space<hbm>> -> memref<768xi32, #tpu.memory_space<hbm>>
      tpu.wait_dma2 semaphore(%run_scoped3A_64 : memref<!tpu.dma_semaphore, #tpu.memory_space<semaphore_mem>>) src(%dma_wait3A_83 : memref<768xi32, #tpu.memory_space<hbm>>) dst(%dma_wait3A_81 : memref<768xi32, #tpu.memory_space<vmem>>)
      tpu.yield
    }) : () -> ()
    %run_scoped3A_16 = arith.constant 6 : i32
    %run_scoped3A_17 = arith.constant 6 : i32
    "tpu.region"() ({
      %run_scoped3A_64 = tpu.sem_alloc : memref<!tpu.dma_semaphore, #tpu.memory_space<semaphore_mem>>
      %dma_start3A = arith.constant 0 : i32
      %dma_start3A_65 = tpu.memref_slice %arg6[%run_scoped3A_17, %dma_start3A] : memref<9x768xi32, #tpu.memory_space<vmem>> -> memref<1x768xi32, #tpu.memory_space<vmem>>
      %dma_start3A_66 = tpu.memref_squeeze %dma_start3A_65 : memref<1x768xi32, #tpu.memory_space<vmem>> -> memref<768xi32, #tpu.memory_space<vmem>>
      %dma_start3A_67 = tpu.memref_slice %arg2[%run_scoped3A_16, %add3A] : memref<9x49152xi32, #tpu.memory_space<hbm>> -> memref<1x768xi32, #tpu.memory_space<hbm>>
      %dma_start3A_68 = tpu.memref_squeeze %dma_start3A_67 : memref<1x768xi32, #tpu.memory_space<hbm>> -> memref<768xi32, #tpu.memory_space<hbm>>
      %dma_start3A_69 = arith.constant 0 : i32
      %dma_start3A_70 = tpu.memref_slice %arg6[%run_scoped3A_17, %dma_start3A_69] : memref<9x768xi32, #tpu.memory_space<vmem>> -> memref<1x768xi32, #tpu.memory_space<vmem>>
      %dma_start3A_71 = tpu.memref_squeeze %dma_start3A_70 : memref<1x768xi32, #tpu.memory_space<vmem>> -> memref<768xi32, #tpu.memory_space<vmem>>
      %dma_start3A_72 = tpu.memref_slice %arg2[%run_scoped3A_16, %add3A] : memref<9x49152xi32, #tpu.memory_space<hbm>> -> memref<1x768xi32, #tpu.memory_space<hbm>>
      %dma_start3A_73 = tpu.memref_squeeze %dma_start3A_72 : memref<1x768xi32, #tpu.memory_space<hbm>> -> memref<768xi32, #tpu.memory_space<hbm>>
      tpu.enqueue_dma source(%dma_start3A_73 : memref<768xi32, #tpu.memory_space<hbm>>) target(%dma_start3A_71 : memref<768xi32, #tpu.memory_space<vmem>>) target_semaphore(%run_scoped3A_64 : memref<!tpu.dma_semaphore, #tpu.memory_space<semaphore_mem>>)
      %dma_wait3A_74 = arith.constant 0 : i32
      %dma_wait3A_75 = tpu.memref_slice %arg6[%run_scoped3A_17, %dma_wait3A_74] : memref<9x768xi32, #tpu.memory_space<vmem>> -> memref<1x768xi32, #tpu.memory_space<vmem>>
      %dma_wait3A_76 = tpu.memref_squeeze %dma_wait3A_75 : memref<1x768xi32, #tpu.memory_space<vmem>> -> memref<768xi32, #tpu.memory_space<vmem>>
      %dma_wait3A_77 = tpu.memref_slice %arg2[%run_scoped3A_16, %add3A] : memref<9x49152xi32, #tpu.memory_space<hbm>> -> memref<1x768xi32, #tpu.memory_space<hbm>>
      %dma_wait3A_78 = tpu.memref_squeeze %dma_wait3A_77 : memref<1x768xi32, #tpu.memory_space<hbm>> -> memref<768xi32, #tpu.memory_space<hbm>>
      %dma_wait3A_79 = arith.constant 0 : i32
      %dma_wait3A_80 = tpu.memref_slice %arg6[%run_scoped3A_17, %dma_wait3A_79] : memref<9x768xi32, #tpu.memory_space<vmem>> -> memref<1x768xi32, #tpu.memory_space<vmem>>
      %dma_wait3A_81 = tpu.memref_squeeze %dma_wait3A_80 : memref<1x768xi32, #tpu.memory_space<vmem>> -> memref<768xi32, #tpu.memory_space<vmem>>
      %dma_wait3A_82 = tpu.memref_slice %arg2[%run_scoped3A_16, %add3A] : memref<9x49152xi32, #tpu.memory_space<hbm>> -> memref<1x768xi32, #tpu.memory_space<hbm>>
      %dma_wait3A_83 = tpu.memref_squeeze %dma_wait3A_82 : memref<1x768xi32, #tpu.memory_space<hbm>> -> memref<768xi32, #tpu.memory_space<hbm>>
      tpu.wait_dma2 semaphore(%run_scoped3A_64 : memref<!tpu.dma_semaphore, #tpu.memory_space<semaphore_mem>>) src(%dma_wait3A_83 : memref<768xi32, #tpu.memory_space<hbm>>) dst(%dma_wait3A_81 : memref<768xi32, #tpu.memory_space<vmem>>)
      tpu.yield
    }) : () -> ()
    %run_scoped3A_18 = arith.constant 7 : i32
    %run_scoped3A_19 = arith.constant 7 : i32
    "tpu.region"() ({
      %run_scoped3A_64 = tpu.sem_alloc : memref<!tpu.dma_semaphore, #tpu.memory_space<semaphore_mem>>
      %dma_start3A = arith.constant 0 : i32
      %dma_start3A_65 = tpu.memref_slice %arg6[%run_scoped3A_19, %dma_start3A] : memref<9x768xi32, #tpu.memory_space<vmem>> -> memref<1x768xi32, #tpu.memory_space<vmem>>
      %dma_start3A_66 = tpu.memref_squeeze %dma_start3A_65 : memref<1x768xi32, #tpu.memory_space<vmem>> -> memref<768xi32, #tpu.memory_space<vmem>>
      %dma_start3A_67 = tpu.memref_slice %arg2[%run_scoped3A_18, %add3A] : memref<9x49152xi32, #tpu.memory_space<hbm>> -> memref<1x768xi32, #tpu.memory_space<hbm>>
      %dma_start3A_68 = tpu.memref_squeeze %dma_start3A_67 : memref<1x768xi32, #tpu.memory_space<hbm>> -> memref<768xi32, #tpu.memory_space<hbm>>
      %dma_start3A_69 = arith.constant 0 : i32
      %dma_start3A_70 = tpu.memref_slice %arg6[%run_scoped3A_19, %dma_start3A_69] : memref<9x768xi32, #tpu.memory_space<vmem>> -> memref<1x768xi32, #tpu.memory_space<vmem>>
      %dma_start3A_71 = tpu.memref_squeeze %dma_start3A_70 : memref<1x768xi32, #tpu.memory_space<vmem>> -> memref<768xi32, #tpu.memory_space<vmem>>
      %dma_start3A_72 = tpu.memref_slice %arg2[%run_scoped3A_18, %add3A] : memref<9x49152xi32, #tpu.memory_space<hbm>> -> memref<1x768xi32, #tpu.memory_space<hbm>>
      %dma_start3A_73 = tpu.memref_squeeze %dma_start3A_72 : memref<1x768xi32, #tpu.memory_space<hbm>> -> memref<768xi32, #tpu.memory_space<hbm>>
      tpu.enqueue_dma source(%dma_start3A_73 : memref<768xi32, #tpu.memory_space<hbm>>) target(%dma_start3A_71 : memref<768xi32, #tpu.memory_space<vmem>>) target_semaphore(%run_scoped3A_64 : memref<!tpu.dma_semaphore, #tpu.memory_space<semaphore_mem>>)
      %dma_wait3A_74 = arith.constant 0 : i32
      %dma_wait3A_75 = tpu.memref_slice %arg6[%run_scoped3A_19, %dma_wait3A_74] : memref<9x768xi32, #tpu.memory_space<vmem>> -> memref<1x768xi32, #tpu.memory_space<vmem>>
      %dma_wait3A_76 = tpu.memref_squeeze %dma_wait3A_75 : memref<1x768xi32, #tpu.memory_space<vmem>> -> memref<768xi32, #tpu.memory_space<vmem>>
      %dma_wait3A_77 = tpu.memref_slice %arg2[%run_scoped3A_18, %add3A] : memref<9x49152xi32, #tpu.memory_space<hbm>> -> memref<1x768xi32, #tpu.memory_space<hbm>>
      %dma_wait3A_78 = tpu.memref_squeeze %dma_wait3A_77 : memref<1x768xi32, #tpu.memory_space<hbm>> -> memref<768xi32, #tpu.memory_space<hbm>>
      %dma_wait3A_79 = arith.constant 0 : i32
      %dma_wait3A_80 = tpu.memref_slice %arg6[%run_scoped3A_19, %dma_wait3A_79] : memref<9x768xi32, #tpu.memory_space<vmem>> -> memref<1x768xi32, #tpu.memory_space<vmem>>
      %dma_wait3A_81 = tpu.memref_squeeze %dma_wait3A_80 : memref<1x768xi32, #tpu.memory_space<vmem>> -> memref<768xi32, #tpu.memory_space<vmem>>
      %dma_wait3A_82 = tpu.memref_slice %arg2[%run_scoped3A_18, %add3A] : memref<9x49152xi32, #tpu.memory_space<hbm>> -> memref<1x768xi32, #tpu.memory_space<hbm>>
      %dma_wait3A_83 = tpu.memref_squeeze %dma_wait3A_82 : memref<1x768xi32, #tpu.memory_space<hbm>> -> memref<768xi32, #tpu.memory_space<hbm>>
      tpu.wait_dma2 semaphore(%run_scoped3A_64 : memref<!tpu.dma_semaphore, #tpu.memory_space<semaphore_mem>>) src(%dma_wait3A_83 : memref<768xi32, #tpu.memory_space<hbm>>) dst(%dma_wait3A_81 : memref<768xi32, #tpu.memory_space<vmem>>)
      tpu.yield
    }) : () -> ()
    %run_scoped3A_20 = arith.constant 8 : i32
    %run_scoped3A_21 = arith.constant 8 : i32
    "tpu.region"() ({
      %run_scoped3A_64 = tpu.sem_alloc : memref<!tpu.dma_semaphore, #tpu.memory_space<semaphore_mem>>
      %dma_start3A = arith.constant 0 : i32
      %dma_start3A_65 = tpu.memref_slice %arg6[%run_scoped3A_21, %dma_start3A] : memref<9x768xi32, #tpu.memory_space<vmem>> -> memref<1x768xi32, #tpu.memory_space<vmem>>
      %dma_start3A_66 = tpu.memref_squeeze %dma_start3A_65 : memref<1x768xi32, #tpu.memory_space<vmem>> -> memref<768xi32, #tpu.memory_space<vmem>>
      %dma_start3A_67 = tpu.memref_slice %arg2[%run_scoped3A_20, %add3A] : memref<9x49152xi32, #tpu.memory_space<hbm>> -> memref<1x768xi32, #tpu.memory_space<hbm>>
      %dma_start3A_68 = tpu.memref_squeeze %dma_start3A_67 : memref<1x768xi32, #tpu.memory_space<hbm>> -> memref<768xi32, #tpu.memory_space<hbm>>
      %dma_start3A_69 = arith.constant 0 : i32
      %dma_start3A_70 = tpu.memref_slice %arg6[%run_scoped3A_21, %dma_start3A_69] : memref<9x768xi32, #tpu.memory_space<vmem>> -> memref<1x768xi32, #tpu.memory_space<vmem>>
      %dma_start3A_71 = tpu.memref_squeeze %dma_start3A_70 : memref<1x768xi32, #tpu.memory_space<vmem>> -> memref<768xi32, #tpu.memory_space<vmem>>
      %dma_start3A_72 = tpu.memref_slice %arg2[%run_scoped3A_20, %add3A] : memref<9x49152xi32, #tpu.memory_space<hbm>> -> memref<1x768xi32, #tpu.memory_space<hbm>>
      %dma_start3A_73 = tpu.memref_squeeze %dma_start3A_72 : memref<1x768xi32, #tpu.memory_space<hbm>> -> memref<768xi32, #tpu.memory_space<hbm>>
      tpu.enqueue_dma source(%dma_start3A_73 : memref<768xi32, #tpu.memory_space<hbm>>) target(%dma_start3A_71 : memref<768xi32, #tpu.memory_space<vmem>>) target_semaphore(%run_scoped3A_64 : memref<!tpu.dma_semaphore, #tpu.memory_space<semaphore_mem>>)
      %dma_wait3A_74 = arith.constant 0 : i32
      %dma_wait3A_75 = tpu.memref_slice %arg6[%run_scoped3A_21, %dma_wait3A_74] : memref<9x768xi32, #tpu.memory_space<vmem>> -> memref<1x768xi32, #tpu.memory_space<vmem>>
      %dma_wait3A_76 = tpu.memref_squeeze %dma_wait3A_75 : memref<1x768xi32, #tpu.memory_space<vmem>> -> memref<768xi32, #tpu.memory_space<vmem>>
      %dma_wait3A_77 = tpu.memref_slice %arg2[%run_scoped3A_20, %add3A] : memref<9x49152xi32, #tpu.memory_space<hbm>> -> memref<1x768xi32, #tpu.memory_space<hbm>>
      %dma_wait3A_78 = tpu.memref_squeeze %dma_wait3A_77 : memref<1x768xi32, #tpu.memory_space<hbm>> -> memref<768xi32, #tpu.memory_space<hbm>>
      %dma_wait3A_79 = arith.constant 0 : i32
      %dma_wait3A_80 = tpu.memref_slice %arg6[%run_scoped3A_21, %dma_wait3A_79] : memref<9x768xi32, #tpu.memory_space<vmem>> -> memref<1x768xi32, #tpu.memory_space<vmem>>
      %dma_wait3A_81 = tpu.memref_squeeze %dma_wait3A_80 : memref<1x768xi32, #tpu.memory_space<vmem>> -> memref<768xi32, #tpu.memory_space<vmem>>
      %dma_wait3A_82 = tpu.memref_slice %arg2[%run_scoped3A_20, %add3A] : memref<9x49152xi32, #tpu.memory_space<hbm>> -> memref<1x768xi32, #tpu.memory_space<hbm>>
      %dma_wait3A_83 = tpu.memref_squeeze %dma_wait3A_82 : memref<1x768xi32, #tpu.memory_space<hbm>> -> memref<768xi32, #tpu.memory_space<hbm>>
      tpu.wait_dma2 semaphore(%run_scoped3A_64 : memref<!tpu.dma_semaphore, #tpu.memory_space<semaphore_mem>>) src(%dma_wait3A_83 : memref<768xi32, #tpu.memory_space<hbm>>) dst(%dma_wait3A_81 : memref<768xi32, #tpu.memory_space<vmem>>)
      tpu.yield
    }) : () -> ()
    %scan3A = arith.constant 0 : i32
    %scan3A_22 = arith.constant 0 : i32
    %scan3A_23 = arith.constant 8 : i32
    %scan3A_24 = arith.addi %scan3A_22, %scan3A_23 : i32
    %scan3A_25 = arith.constant 1 : i32
    scf.for %scan3A_64 = %scan3A_22 to %scan3A_24 step %scan3A_25  : i32 {
      %mul3A_65 = arith.constant 768 : i32
      %mul3A_66 = arith.muli %scan3A_64, %mul3A_65 : i32
      %add3A_67 = arith.addi %add3A, %mul3A_66 : i32
      %scan3A_68 = arith.constant 0 : i32
      %scan3A_69 = arith.constant 0 : i32
      %scan3A_70 = arith.constant 48 : i32
      %scan3A_71 = arith.addi %scan3A_69, %scan3A_70 : i32
      %scan3A_72 = arith.constant 1 : i32
      scf.for %scan3A_87 = %scan3A_69 to %scan3A_71 step %scan3A_72  : i32 {
        %mul3A_88 = arith.constant 16 : i32
        %mul3A_89 = arith.muli %scan3A_87, %mul3A_88 : i32
        %get3A = arith.constant 0 : i32
        %get3A_90 = arith.index_cast %get3A : i32 to index
        %get3A_91 = arith.index_cast %mul3A_89 : i32 to index
        %get3A_92 = tpu.vector_load %arg6[%get3A_90, %get3A_91] {strides = array<i32>} : memref<9x768xi32, #tpu.memory_space<vmem>>, vector<16xi32>,
        %add3A_93 = arith.constant 1 : i32
        %add3A_94 = vector.broadcast %add3A_93 : i32 to vector<16xi32>
        %add3A_95 = arith.addi %get3A_92, %add3A_94 : vector<16xi32>
        %gt3A = arith.constant 2 : i32
        %gt3A_96 = vector.broadcast %gt3A : i32 to vector<16xi32>
        %gt3A_97 = arith.cmpi sgt, %get3A_92, %gt3A_96 : vector<16xi32>
        %jit3A = arith.constant 0 : i32
        %broadcast_in_dim3A = vector.broadcast %jit3A : i32 to vector<16xi32>
        %select_n3A = arith.select %gt3A_97, %add3A_95, %broadcast_in_dim3A : vector<16xi1>, vector<16xi32>
        %mul3A_98 = arith.constant 16 : i32
        %mul3A_99 = vector.broadcast %mul3A_98 : i32 to vector<16xi32>
        %mul3A_100 = arith.muli %select_n3A, %mul3A_99 : vector<16xi32>
        %mul3A_101 = arith.constant 16 : i32
        %mul3A_102 = arith.muli %scan3A_87, %mul3A_101 : i32
        %swap3A = arith.constant 0 : i32
        %swap3A_103 = arith.index_cast %swap3A : i32 to index
        %swap3A_104 = arith.index_cast %mul3A_102 : i32 to index
        %swap3A_105 = tpu.vector_load %arg7[%swap3A_103, %swap3A_104] {strides = array<i32>} : memref<9x768xi32, #tpu.memory_space<vmem>>, vector<16xi32>,
        tpu.vector_store %arg7[%swap3A_103, %swap3A_104], %mul3A_100 {strides = array<i32>} : memref<9x768xi32, #tpu.memory_space<vmem>>, vector<16xi32>,
        %mul3A_106 = arith.constant 16 : i32
        %mul3A_107 = arith.muli %scan3A_87, %mul3A_106 : i32
        %get3A_108 = arith.constant 1 : i32
        %get3A_109 = arith.index_cast %get3A_108 : i32 to index
        %get3A_110 = arith.index_cast %mul3A_107 : i32 to index
        %get3A_111 = tpu.vector_load %arg6[%get3A_109, %get3A_110] {strides = array<i32>} : memref<9x768xi32, #tpu.memory_space<vmem>>, vector<16xi32>,
        %add3A_112 = arith.constant 1001 : i32
        %add3A_113 = vector.broadcast %add3A_112 : i32 to vector<16xi32>
        %add3A_114 = arith.addi %get3A_111, %add3A_113 : vector<16xi32>
        %gt3A_115 = arith.constant 2 : i32
        %gt3A_116 = vector.broadcast %gt3A_115 : i32 to vector<16xi32>
        %gt3A_117 = arith.cmpi sgt, %get3A_111, %gt3A_116 : vector<16xi32>
        %jit3A_118 = arith.constant 0 : i32
        %broadcast_in_dim3A_119 = vector.broadcast %jit3A_118 : i32 to vector<16xi32>
        %select_n3A_120 = arith.select %gt3A_117, %add3A_114, %broadcast_in_dim3A_119 : vector<16xi1>, vector<16xi32>
        %mul3A_121 = arith.constant 16 : i32
        %mul3A_122 = vector.broadcast %mul3A_121 : i32 to vector<16xi32>
        %mul3A_123 = arith.muli %select_n3A_120, %mul3A_122 : vector<16xi32>
        %mul3A_124 = arith.constant 16 : i32
        %mul3A_125 = arith.muli %scan3A_87, %mul3A_124 : i32
        %swap3A_126 = arith.constant 1 : i32
        %swap3A_127 = arith.index_cast %swap3A_126 : i32 to index
        %swap3A_128 = arith.index_cast %mul3A_125 : i32 to index
        %swap3A_129 = tpu.vector_load %arg7[%swap3A_127, %swap3A_128] {strides = array<i32>} : memref<9x768xi32, #tpu.memory_space<vmem>>, vector<16xi32>,
        tpu.vector_store %arg7[%swap3A_127, %swap3A_128], %mul3A_123 {strides = array<i32>} : memref<9x768xi32, #tpu.memory_space<vmem>>, vector<16xi32>,
        %mul3A_130 = arith.constant 16 : i32
        %mul3A_131 = arith.muli %scan3A_87, %mul3A_130 : i32
        %get3A_132 = arith.constant 2 : i32
        %get3A_133 = arith.index_cast %get3A_132 : i32 to index
        %get3A_134 = arith.index_cast %mul3A_131 : i32 to index
        %get3A_135 = tpu.vector_load %arg6[%get3A_133, %get3A_134] {strides = array<i32>} : memref<9x768xi32, #tpu.memory_space<vmem>>, vector<16xi32>,
        %add3A_136 = arith.constant 2001 : i32
        %add3A_137 = vector.broadcast %add3A_136 : i32 to vector<16xi32>
        %add3A_138 = arith.addi %get3A_135, %add3A_137 : vector<16xi32>
        %gt3A_139 = arith.constant 2 : i32
        %gt3A_140 = vector.broadcast %gt3A_139 : i32 to vector<16xi32>
        %gt3A_141 = arith.cmpi sgt, %get3A_135, %gt3A_140 : vector<16xi32>
        %jit3A_142 = arith.constant 0 : i32
        %broadcast_in_dim3A_143 = vector.broadcast %jit3A_142 : i32 to vector<16xi32>
        %select_n3A_144 = arith.select %gt3A_141, %add3A_138, %broadcast_in_dim3A_143 : vector<16xi1>, vector<16xi32>
        %mul3A_145 = arith.constant 16 : i32
        %mul3A_146 = vector.broadcast %mul3A_145 : i32 to vector<16xi32>
        %mul3A_147 = arith.muli %select_n3A_144, %mul3A_146 : vector<16xi32>
        %mul3A_148 = arith.constant 16 : i32
        %mul3A_149 = arith.muli %scan3A_87, %mul3A_148 : i32
        %swap3A_150 = arith.constant 2 : i32
        %swap3A_151 = arith.index_cast %swap3A_150 : i32 to index
        %swap3A_152 = arith.index_cast %mul3A_149 : i32 to index
        %swap3A_153 = tpu.vector_load %arg7[%swap3A_151, %swap3A_152] {strides = array<i32>} : memref<9x768xi32, #tpu.memory_space<vmem>>, vector<16xi32>,
        tpu.vector_store %arg7[%swap3A_151, %swap3A_152], %mul3A_147 {strides = array<i32>} : memref<9x768xi32, #tpu.memory_space<vmem>>, vector<16xi32>,
        %mul3A_154 = arith.constant 16 : i32
        %mul3A_155 = arith.muli %scan3A_87, %mul3A_154 : i32
        %get3A_156 = arith.constant 3 : i32
        %get3A_157 = arith.index_cast %get3A_156 : i32 to index
        %get3A_158 = arith.index_cast %mul3A_155 : i32 to index
        %get3A_159 = tpu.vector_load %arg6[%get3A_157, %get3A_158] {strides = array<i32>} : memref<9x768xi32, #tpu.memory_space<vmem>>, vector<16xi32>,
        %add3A_160 = arith.constant 3001 : i32
        %add3A_161 = vector.broadcast %add3A_160 : i32 to vector<16xi32>
        %add3A_162 = arith.addi %get3A_159, %add3A_161 : vector<16xi32>
        %gt3A_163 = arith.constant 2 : i32
        %gt3A_164 = vector.broadcast %gt3A_163 : i32 to vector<16xi32>
        %gt3A_165 = arith.cmpi sgt, %get3A_159, %gt3A_164 : vector<16xi32>
        %jit3A_166 = arith.constant 0 : i32
        %broadcast_in_dim3A_167 = vector.broadcast %jit3A_166 : i32 to vector<16xi32>
        %select_n3A_168 = arith.select %gt3A_165, %add3A_162, %broadcast_in_dim3A_167 : vector<16xi1>, vector<16xi32>
        %mul3A_169 = arith.constant 16 : i32
        %mul3A_170 = vector.broadcast %mul3A_169 : i32 to vector<16xi32>
        %mul3A_171 = arith.muli %select_n3A_168, %mul3A_170 : vector<16xi32>
        %mul3A_172 = arith.constant 16 : i32
        %mul3A_173 = arith.muli %scan3A_87, %mul3A_172 : i32
        %swap3A_174 = arith.constant 3 : i32
        %swap3A_175 = arith.index_cast %swap3A_174 : i32 to index
        %swap3A_176 = arith.index_cast %mul3A_173 : i32 to index
        %swap3A_177 = tpu.vector_load %arg7[%swap3A_175, %swap3A_176] {strides = array<i32>} : memref<9x768xi32, #tpu.memory_space<vmem>>, vector<16xi32>,
        tpu.vector_store %arg7[%swap3A_175, %swap3A_176], %mul3A_171 {strides = array<i32>} : memref<9x768xi32, #tpu.memory_space<vmem>>, vector<16xi32>,
        %mul3A_178 = arith.constant 16 : i32
        %mul3A_179 = arith.muli %scan3A_87, %mul3A_178 : i32
        %get3A_180 = arith.constant 4 : i32
        %get3A_181 = arith.index_cast %get3A_180 : i32 to index
        %get3A_182 = arith.index_cast %mul3A_179 : i32 to index
        %get3A_183 = tpu.vector_load %arg6[%get3A_181, %get3A_182] {strides = array<i32>} : memref<9x768xi32, #tpu.memory_space<vmem>>, vector<16xi32>,
        %add3A_184 = arith.constant 3001 : i32
        %add3A_185 = vector.broadcast %add3A_184 : i32 to vector<16xi32>
        %add3A_186 = arith.addi %get3A_183, %add3A_185 : vector<16xi32>
        %gt3A_187 = arith.constant 2 : i32
        %gt3A_188 = vector.broadcast %gt3A_187 : i32 to vector<16xi32>
        %gt3A_189 = arith.cmpi sgt, %get3A_183, %gt3A_188 : vector<16xi32>
        %jit3A_190 = arith.constant 0 : i32
        %broadcast_in_dim3A_191 = vector.broadcast %jit3A_190 : i32 to vector<16xi32>
        %select_n3A_192 = arith.select %gt3A_189, %add3A_186, %broadcast_in_dim3A_191 : vector<16xi1>, vector<16xi32>
        %mul3A_193 = arith.constant 16 : i32
        %mul3A_194 = vector.broadcast %mul3A_193 : i32 to vector<16xi32>
        %mul3A_195 = arith.muli %select_n3A_192, %mul3A_194 : vector<16xi32>
        %mul3A_196 = arith.constant 16 : i32
        %mul3A_197 = arith.muli %scan3A_87, %mul3A_196 : i32
        %swap3A_198 = arith.constant 4 : i32
        %swap3A_199 = arith.index_cast %swap3A_198 : i32 to index
        %swap3A_200 = arith.index_cast %mul3A_197 : i32 to index
        %swap3A_201 = tpu.vector_load %arg7[%swap3A_199, %swap3A_200] {strides = array<i32>} : memref<9x768xi32, #tpu.memory_space<vmem>>, vector<16xi32>,
        tpu.vector_store %arg7[%swap3A_199, %swap3A_200], %mul3A_195 {strides = array<i32>} : memref<9x768xi32, #tpu.memory_space<vmem>>, vector<16xi32>,
        %mul3A_202 = arith.constant 16 : i32
        %mul3A_203 = arith.muli %scan3A_87, %mul3A_202 : i32
        %get3A_204 = arith.constant 5 : i32
        %get3A_205 = arith.index_cast %get3A_204 : i32 to index
        %get3A_206 = arith.index_cast %mul3A_203 : i32 to index
        %get3A_207 = tpu.vector_load %arg6[%get3A_205, %get3A_206] {strides = array<i32>} : memref<9x768xi32, #tpu.memory_space<vmem>>, vector<16xi32>,
        %add3A_208 = arith.constant 3001 : i32
        %add3A_209 = vector.broadcast %add3A_208 : i32 to vector<16xi32>
        %add3A_210 = arith.addi %get3A_207, %add3A_209 : vector<16xi32>
        %gt3A_211 = arith.constant 2 : i32
        %gt3A_212 = vector.broadcast %gt3A_211 : i32 to vector<16xi32>
        %gt3A_213 = arith.cmpi sgt, %get3A_207, %gt3A_212 : vector<16xi32>
        %jit3A_214 = arith.constant 0 : i32
        %broadcast_in_dim3A_215 = vector.broadcast %jit3A_214 : i32 to vector<16xi32>
        %select_n3A_216 = arith.select %gt3A_213, %add3A_210, %broadcast_in_dim3A_215 : vector<16xi1>, vector<16xi32>
        %mul3A_217 = arith.constant 16 : i32
        %mul3A_218 = vector.broadcast %mul3A_217 : i32 to vector<16xi32>
        %mul3A_219 = arith.muli %select_n3A_216, %mul3A_218 : vector<16xi32>
        %mul3A_220 = arith.constant 16 : i32
        %mul3A_221 = arith.muli %scan3A_87, %mul3A_220 : i32
        %swap3A_222 = arith.constant 5 : i32
        %swap3A_223 = arith.index_cast %swap3A_222 : i32 to index
        %swap3A_224 = arith.index_cast %mul3A_221 : i32 to index
        %swap3A_225 = tpu.vector_load %arg7[%swap3A_223, %swap3A_224] {strides = array<i32>} : memref<9x768xi32, #tpu.memory_space<vmem>>, vector<16xi32>,
        tpu.vector_store %arg7[%swap3A_223, %swap3A_224], %mul3A_219 {strides = array<i32>} : memref<9x768xi32, #tpu.memory_space<vmem>>, vector<16xi32>,
        %mul3A_226 = arith.constant 16 : i32
        %mul3A_227 = arith.muli %scan3A_87, %mul3A_226 : i32
        %get3A_228 = arith.constant 6 : i32
        %get3A_229 = arith.index_cast %get3A_228 : i32 to index
        %get3A_230 = arith.index_cast %mul3A_227 : i32 to index
        %get3A_231 = tpu.vector_load %arg6[%get3A_229, %get3A_230] {strides = array<i32>} : memref<9x768xi32, #tpu.memory_space<vmem>>, vector<16xi32>,
        %add3A_232 = arith.constant 3001 : i32
        %add3A_233 = vector.broadcast %add3A_232 : i32 to vector<16xi32>
        %add3A_234 = arith.addi %get3A_231, %add3A_233 : vector<16xi32>
        %gt3A_235 = arith.constant 2 : i32
        %gt3A_236 = vector.broadcast %gt3A_235 : i32 to vector<16xi32>
        %gt3A_237 = arith.cmpi sgt, %get3A_231, %gt3A_236 : vector<16xi32>
        %jit3A_238 = arith.constant 0 : i32
        %broadcast_in_dim3A_239 = vector.broadcast %jit3A_238 : i32 to vector<16xi32>
        %select_n3A_240 = arith.select %gt3A_237, %add3A_234, %broadcast_in_dim3A_239 : vector<16xi1>, vector<16xi32>
        %mul3A_241 = arith.constant 16 : i32
        %mul3A_242 = vector.broadcast %mul3A_241 : i32 to vector<16xi32>
        %mul3A_243 = arith.muli %select_n3A_240, %mul3A_242 : vector<16xi32>
        %mul3A_244 = arith.constant 16 : i32
        %mul3A_245 = arith.muli %scan3A_87, %mul3A_244 : i32
        %swap3A_246 = arith.constant 6 : i32
        %swap3A_247 = arith.index_cast %swap3A_246 : i32 to index
        %swap3A_248 = arith.index_cast %mul3A_245 : i32 to index
        %swap3A_249 = tpu.vector_load %arg7[%swap3A_247, %swap3A_248] {strides = array<i32>} : memref<9x768xi32, #tpu.memory_space<vmem>>, vector<16xi32>,
        tpu.vector_store %arg7[%swap3A_247, %swap3A_248], %mul3A_243 {strides = array<i32>} : memref<9x768xi32, #tpu.memory_space<vmem>>, vector<16xi32>,
        %mul3A_250 = arith.constant 16 : i32
        %mul3A_251 = arith.muli %scan3A_87, %mul3A_250 : i32
        %get3A_252 = arith.constant 7 : i32
        %get3A_253 = arith.index_cast %get3A_252 : i32 to index
        %get3A_254 = arith.index_cast %mul3A_251 : i32 to index
        %get3A_255 = tpu.vector_load %arg6[%get3A_253, %get3A_254] {strides = array<i32>} : memref<9x768xi32, #tpu.memory_space<vmem>>, vector<16xi32>,
        %add3A_256 = arith.constant 4001 : i32
        %add3A_257 = vector.broadcast %add3A_256 : i32 to vector<16xi32>
        %add3A_258 = arith.addi %get3A_255, %add3A_257 : vector<16xi32>
        %mul3A_259 = arith.constant 16 : i32
        %mul3A_260 = vector.broadcast %mul3A_259 : i32 to vector<16xi32>
        %mul3A_261 = arith.muli %add3A_258, %mul3A_260 : vector<16xi32>
        %mul3A_262 = arith.constant 16 : i32
        %mul3A_263 = arith.muli %scan3A_87, %mul3A_262 : i32
        %swap3A_264 = arith.constant 7 : i32
        %swap3A_265 = arith.index_cast %swap3A_264 : i32 to index
        %swap3A_266 = arith.index_cast %mul3A_263 : i32 to index
        %swap3A_267 = tpu.vector_load %arg7[%swap3A_265, %swap3A_266] {strides = array<i32>} : memref<9x768xi32, #tpu.memory_space<vmem>>, vector<16xi32>,
        tpu.vector_store %arg7[%swap3A_265, %swap3A_266], %mul3A_261 {strides = array<i32>} : memref<9x768xi32, #tpu.memory_space<vmem>>, vector<16xi32>,
        %mul3A_268 = arith.constant 16 : i32
        %mul3A_269 = arith.muli %scan3A_87, %mul3A_268 : i32
        %get3A_270 = arith.constant 8 : i32
        %get3A_271 = arith.index_cast %get3A_270 : i32 to index
        %get3A_272 = arith.index_cast %mul3A_269 : i32 to index
        %get3A_273 = tpu.vector_load %arg6[%get3A_271, %get3A_272] {strides = array<i32>} : memref<9x768xi32, #tpu.memory_space<vmem>>, vector<16xi32>,
        %add3A_274 = arith.constant 4513 : i32
        %add3A_275 = vector.broadcast %add3A_274 : i32 to vector<16xi32>
        %add3A_276 = arith.addi %get3A_273, %add3A_275 : vector<16xi32>
        %mul3A_277 = arith.constant 16 : i32
        %mul3A_278 = vector.broadcast %mul3A_277 : i32 to vector<16xi32>
        %mul3A_279 = arith.muli %add3A_276, %mul3A_278 : vector<16xi32>
        %mul3A_280 = arith.constant 16 : i32
        %mul3A_281 = arith.muli %scan3A_87, %mul3A_280 : i32
        %swap3A_282 = arith.constant 8 : i32
        %swap3A_283 = arith.index_cast %swap3A_282 : i32 to index
        %swap3A_284 = arith.index_cast %mul3A_281 : i32 to index
        %swap3A_285 = tpu.vector_load %arg7[%swap3A_283, %swap3A_284] {strides = array<i32>} : memref<9x768xi32, #tpu.memory_space<vmem>>, vector<16xi32>,
        tpu.vector_store %arg7[%swap3A_283, %swap3A_284], %mul3A_279 {strides = array<i32>} : memref<9x768xi32, #tpu.memory_space<vmem>>, vector<16xi32>,
      }
      %scan3A_73 = arith.constant 48 : i32
      %lt3A = arith.constant 7 : i32
      %lt3A_74 = arith.cmpi slt, %scan3A_64, %lt3A : i32
      %convert_element_type3A = arith.extui %lt3A_74 : i1 to i32
      %cond3A = arith.constant 0 : i32
      %cond3A_75 = arith.cmpi ne, %convert_element_type3A, %cond3A : i32
      scf.if %cond3A_75 {
        %add3A_87 = arith.constant 768 : i32
        %add3A_88 = arith.addi %add3A_67, %add3A_87 : i32
        %dma_start3A = arith.constant 0 : i32
        %dma_start3A_89 = arith.constant 0 : i32
        %dma_start3A_90 = arith.constant 0 : i32
        %dma_start3A_91 = tpu.memref_slice %arg6[%dma_start3A_89, %dma_start3A_90] : memref<9x768xi32, #tpu.memory_space<vmem>> -> memref<1x768xi32, #tpu.memory_space<vmem>>
        %dma_start3A_92 = tpu.memref_squeeze %dma_start3A_91 : memref<1x768xi32, #tpu.memory_space<vmem>> -> memref<768xi32, #tpu.memory_space<vmem>>
        %dma_start3A_93 = tpu.memref_slice %arg2[%dma_start3A, %add3A_88] : memref<9x49152xi32, #tpu.memory_space<hbm>> -> memref<1x768xi32, #tpu.memory_space<hbm>>
        %dma_start3A_94 = tpu.memref_squeeze %dma_start3A_93 : memref<1x768xi32, #tpu.memory_space<hbm>> -> memref<768xi32, #tpu.memory_space<hbm>>
        %dma_start3A_95 = arith.constant 0 : i32
        %dma_start3A_96 = tpu.memref_slice %arg6[%dma_start3A_89, %dma_start3A_95] : memref<9x768xi32, #tpu.memory_space<vmem>> -> memref<1x768xi32, #tpu.memory_space<vmem>>
        %dma_start3A_97 = tpu.memref_squeeze %dma_start3A_96 : memref<1x768xi32, #tpu.memory_space<vmem>> -> memref<768xi32, #tpu.memory_space<vmem>>
        %dma_start3A_98 = tpu.memref_slice %arg2[%dma_start3A, %add3A_88] : memref<9x49152xi32, #tpu.memory_space<hbm>> -> memref<1x768xi32, #tpu.memory_space<hbm>>
        %dma_start3A_99 = tpu.memref_squeeze %dma_start3A_98 : memref<1x768xi32, #tpu.memory_space<hbm>> -> memref<768xi32, #tpu.memory_space<hbm>>
        tpu.enqueue_dma source(%dma_start3A_99 : memref<768xi32, #tpu.memory_space<hbm>>) target(%dma_start3A_97 : memref<768xi32, #tpu.memory_space<vmem>>) target_semaphore(%arg9 : memref<!tpu.dma_semaphore, #tpu.memory_space<semaphore_mem>>)
        %add3A_100 = arith.constant 768 : i32
        %add3A_101 = arith.addi %add3A_67, %add3A_100 : i32
        %dma_start3A_102 = arith.constant 1 : i32
        %dma_start3A_103 = arith.constant 1 : i32
        %dma_start3A_104 = arith.constant 0 : i32
        %dma_start3A_105 = tpu.memref_slice %arg6[%dma_start3A_103, %dma_start3A_104] : memref<9x768xi32, #tpu.memory_space<vmem>> -> memref<1x768xi32, #tpu.memory_space<vmem>>
        %dma_start3A_106 = tpu.memref_squeeze %dma_start3A_105 : memref<1x768xi32, #tpu.memory_space<vmem>> -> memref<768xi32, #tpu.memory_space<vmem>>
        %dma_start3A_107 = tpu.memref_slice %arg2[%dma_start3A_102, %add3A_101] : memref<9x49152xi32, #tpu.memory_space<hbm>> -> memref<1x768xi32, #tpu.memory_space<hbm>>
        %dma_start3A_108 = tpu.memref_squeeze %dma_start3A_107 : memref<1x768xi32, #tpu.memory_space<hbm>> -> memref<768xi32, #tpu.memory_space<hbm>>
        %dma_start3A_109 = arith.constant 0 : i32
        %dma_start3A_110 = tpu.memref_slice %arg6[%dma_start3A_103, %dma_start3A_109] : memref<9x768xi32, #tpu.memory_space<vmem>> -> memref<1x768xi32, #tpu.memory_space<vmem>>
        %dma_start3A_111 = tpu.memref_squeeze %dma_start3A_110 : memref<1x768xi32, #tpu.memory_space<vmem>> -> memref<768xi32, #tpu.memory_space<vmem>>
        %dma_start3A_112 = tpu.memref_slice %arg2[%dma_start3A_102, %add3A_101] : memref<9x49152xi32, #tpu.memory_space<hbm>> -> memref<1x768xi32, #tpu.memory_space<hbm>>
        %dma_start3A_113 = tpu.memref_squeeze %dma_start3A_112 : memref<1x768xi32, #tpu.memory_space<hbm>> -> memref<768xi32, #tpu.memory_space<hbm>>
        tpu.enqueue_dma source(%dma_start3A_113 : memref<768xi32, #tpu.memory_space<hbm>>) target(%dma_start3A_111 : memref<768xi32, #tpu.memory_space<vmem>>) target_semaphore(%arg9 : memref<!tpu.dma_semaphore, #tpu.memory_space<semaphore_mem>>)
        %add3A_114 = arith.constant 768 : i32
        %add3A_115 = arith.addi %add3A_67, %add3A_114 : i32
        %dma_start3A_116 = arith.constant 2 : i32
        %dma_start3A_117 = arith.constant 2 : i32
        %dma_start3A_118 = arith.constant 0 : i32
        %dma_start3A_119 = tpu.memref_slice %arg6[%dma_start3A_117, %dma_start3A_118] : memref<9x768xi32, #tpu.memory_space<vmem>> -> memref<1x768xi32, #tpu.memory_space<vmem>>
        %dma_start3A_120 = tpu.memref_squeeze %dma_start3A_119 : memref<1x768xi32, #tpu.memory_space<vmem>> -> memref<768xi32, #tpu.memory_space<vmem>>
        %dma_start3A_121 = tpu.memref_slice %arg2[%dma_start3A_116, %add3A_115] : memref<9x49152xi32, #tpu.memory_space<hbm>> -> memref<1x768xi32, #tpu.memory_space<hbm>>
        %dma_start3A_122 = tpu.memref_squeeze %dma_start3A_121 : memref<1x768xi32, #tpu.memory_space<hbm>> -> memref<768xi32, #tpu.memory_space<hbm>>
        %dma_start3A_123 = arith.constant 0 : i32
        %dma_start3A_124 = tpu.memref_slice %arg6[%dma_start3A_117, %dma_start3A_123] : memref<9x768xi32, #tpu.memory_space<vmem>> -> memref<1x768xi32, #tpu.memory_space<vmem>>
        %dma_start3A_125 = tpu.memref_squeeze %dma_start3A_124 : memref<1x768xi32, #tpu.memory_space<vmem>> -> memref<768xi32, #tpu.memory_space<vmem>>
        %dma_start3A_126 = tpu.memref_slice %arg2[%dma_start3A_116, %add3A_115] : memref<9x49152xi32, #tpu.memory_space<hbm>> -> memref<1x768xi32, #tpu.memory_space<hbm>>
        %dma_start3A_127 = tpu.memref_squeeze %dma_start3A_126 : memref<1x768xi32, #tpu.memory_space<hbm>> -> memref<768xi32, #tpu.memory_space<hbm>>
        tpu.enqueue_dma source(%dma_start3A_127 : memref<768xi32, #tpu.memory_space<hbm>>) target(%dma_start3A_125 : memref<768xi32, #tpu.memory_space<vmem>>) target_semaphore(%arg9 : memref<!tpu.dma_semaphore, #tpu.memory_space<semaphore_mem>>)
        %add3A_128 = arith.constant 768 : i32
        %add3A_129 = arith.addi %add3A_67, %add3A_128 : i32
        %dma_start3A_130 = arith.constant 3 : i32
        %dma_start3A_131 = arith.constant 3 : i32
        %dma_start3A_132 = arith.constant 0 : i32
        %dma_start3A_133 = tpu.memref_slice %arg6[%dma_start3A_131, %dma_start3A_132] : memref<9x768xi32, #tpu.memory_space<vmem>> -> memref<1x768xi32, #tpu.memory_space<vmem>>
        %dma_start3A_134 = tpu.memref_squeeze %dma_start3A_133 : memref<1x768xi32, #tpu.memory_space<vmem>> -> memref<768xi32, #tpu.memory_space<vmem>>
        %dma_start3A_135 = tpu.memref_slice %arg2[%dma_start3A_130, %add3A_129] : memref<9x49152xi32, #tpu.memory_space<hbm>> -> memref<1x768xi32, #tpu.memory_space<hbm>>
        %dma_start3A_136 = tpu.memref_squeeze %dma_start3A_135 : memref<1x768xi32, #tpu.memory_space<hbm>> -> memref<768xi32, #tpu.memory_space<hbm>>
        %dma_start3A_137 = arith.constant 0 : i32
        %dma_start3A_138 = tpu.memref_slice %arg6[%dma_start3A_131, %dma_start3A_137] : memref<9x768xi32, #tpu.memory_space<vmem>> -> memref<1x768xi32, #tpu.memory_space<vmem>>
        %dma_start3A_139 = tpu.memref_squeeze %dma_start3A_138 : memref<1x768xi32, #tpu.memory_space<vmem>> -> memref<768xi32, #tpu.memory_space<vmem>>
        %dma_start3A_140 = tpu.memref_slice %arg2[%dma_start3A_130, %add3A_129] : memref<9x49152xi32, #tpu.memory_space<hbm>> -> memref<1x768xi32, #tpu.memory_space<hbm>>
        %dma_start3A_141 = tpu.memref_squeeze %dma_start3A_140 : memref<1x768xi32, #tpu.memory_space<hbm>> -> memref<768xi32, #tpu.memory_space<hbm>>
        tpu.enqueue_dma source(%dma_start3A_141 : memref<768xi32, #tpu.memory_space<hbm>>) target(%dma_start3A_139 : memref<768xi32, #tpu.memory_space<vmem>>) target_semaphore(%arg9 : memref<!tpu.dma_semaphore, #tpu.memory_space<semaphore_mem>>)
        %add3A_142 = arith.constant 768 : i32
        %add3A_143 = arith.addi %add3A_67, %add3A_142 : i32
        %dma_start3A_144 = arith.constant 4 : i32
        %dma_start3A_145 = arith.constant 4 : i32
        %dma_start3A_146 = arith.constant 0 : i32
        %dma_start3A_147 = tpu.memref_slice %arg6[%dma_start3A_145, %dma_start3A_146] : memref<9x768xi32, #tpu.memory_space<vmem>> -> memref<1x768xi32, #tpu.memory_space<vmem>>
        %dma_start3A_148 = tpu.memref_squeeze %dma_start3A_147 : memref<1x768xi32, #tpu.memory_space<vmem>> -> memref<768xi32, #tpu.memory_space<vmem>>
        %dma_start3A_149 = tpu.memref_slice %arg2[%dma_start3A_144, %add3A_143] : memref<9x49152xi32, #tpu.memory_space<hbm>> -> memref<1x768xi32, #tpu.memory_space<hbm>>
        %dma_start3A_150 = tpu.memref_squeeze %dma_start3A_149 : memref<1x768xi32, #tpu.memory_space<hbm>> -> memref<768xi32, #tpu.memory_space<hbm>>
        %dma_start3A_151 = arith.constant 0 : i32
        %dma_start3A_152 = tpu.memref_slice %arg6[%dma_start3A_145, %dma_start3A_151] : memref<9x768xi32, #tpu.memory_space<vmem>> -> memref<1x768xi32, #tpu.memory_space<vmem>>
        %dma_start3A_153 = tpu.memref_squeeze %dma_start3A_152 : memref<1x768xi32, #tpu.memory_space<vmem>> -> memref<768xi32, #tpu.memory_space<vmem>>
        %dma_start3A_154 = tpu.memref_slice %arg2[%dma_start3A_144, %add3A_143] : memref<9x49152xi32, #tpu.memory_space<hbm>> -> memref<1x768xi32, #tpu.memory_space<hbm>>
        %dma_start3A_155 = tpu.memref_squeeze %dma_start3A_154 : memref<1x768xi32, #tpu.memory_space<hbm>> -> memref<768xi32, #tpu.memory_space<hbm>>
        tpu.enqueue_dma source(%dma_start3A_155 : memref<768xi32, #tpu.memory_space<hbm>>) target(%dma_start3A_153 : memref<768xi32, #tpu.memory_space<vmem>>) target_semaphore(%arg9 : memref<!tpu.dma_semaphore, #tpu.memory_space<semaphore_mem>>)
        %add3A_156 = arith.constant 768 : i32
        %add3A_157 = arith.addi %add3A_67, %add3A_156 : i32
        %dma_start3A_158 = arith.constant 5 : i32
        %dma_start3A_159 = arith.constant 5 : i32
        %dma_start3A_160 = arith.constant 0 : i32
        %dma_start3A_161 = tpu.memref_slice %arg6[%dma_start3A_159, %dma_start3A_160] : memref<9x768xi32, #tpu.memory_space<vmem>> -> memref<1x768xi32, #tpu.memory_space<vmem>>
        %dma_start3A_162 = tpu.memref_squeeze %dma_start3A_161 : memref<1x768xi32, #tpu.memory_space<vmem>> -> memref<768xi32, #tpu.memory_space<vmem>>
        %dma_start3A_163 = tpu.memref_slice %arg2[%dma_start3A_158, %add3A_157] : memref<9x49152xi32, #tpu.memory_space<hbm>> -> memref<1x768xi32, #tpu.memory_space<hbm>>
        %dma_start3A_164 = tpu.memref_squeeze %dma_start3A_163 : memref<1x768xi32, #tpu.memory_space<hbm>> -> memref<768xi32, #tpu.memory_space<hbm>>
        %dma_start3A_165 = arith.constant 0 : i32
        %dma_start3A_166 = tpu.memref_slice %arg6[%dma_start3A_159, %dma_start3A_165] : memref<9x768xi32, #tpu.memory_space<vmem>> -> memref<1x768xi32, #tpu.memory_space<vmem>>
        %dma_start3A_167 = tpu.memref_squeeze %dma_start3A_166 : memref<1x768xi32, #tpu.memory_space<vmem>> -> memref<768xi32, #tpu.memory_space<vmem>>
        %dma_start3A_168 = tpu.memref_slice %arg2[%dma_start3A_158, %add3A_157] : memref<9x49152xi32, #tpu.memory_space<hbm>> -> memref<1x768xi32, #tpu.memory_space<hbm>>
        %dma_start3A_169 = tpu.memref_squeeze %dma_start3A_168 : memref<1x768xi32, #tpu.memory_space<hbm>> -> memref<768xi32, #tpu.memory_space<hbm>>
        tpu.enqueue_dma source(%dma_start3A_169 : memref<768xi32, #tpu.memory_space<hbm>>) target(%dma_start3A_167 : memref<768xi32, #tpu.memory_space<vmem>>) target_semaphore(%arg9 : memref<!tpu.dma_semaphore, #tpu.memory_space<semaphore_mem>>)
        %add3A_170 = arith.constant 768 : i32
        %add3A_171 = arith.addi %add3A_67, %add3A_170 : i32
        %dma_start3A_172 = arith.constant 6 : i32
        %dma_start3A_173 = arith.constant 6 : i32
        %dma_start3A_174 = arith.constant 0 : i32
        %dma_start3A_175 = tpu.memref_slice %arg6[%dma_start3A_173, %dma_start3A_174] : memref<9x768xi32, #tpu.memory_space<vmem>> -> memref<1x768xi32, #tpu.memory_space<vmem>>
        %dma_start3A_176 = tpu.memref_squeeze %dma_start3A_175 : memref<1x768xi32, #tpu.memory_space<vmem>> -> memref<768xi32, #tpu.memory_space<vmem>>
        %dma_start3A_177 = tpu.memref_slice %arg2[%dma_start3A_172, %add3A_171] : memref<9x49152xi32, #tpu.memory_space<hbm>> -> memref<1x768xi32, #tpu.memory_space<hbm>>
        %dma_start3A_178 = tpu.memref_squeeze %dma_start3A_177 : memref<1x768xi32, #tpu.memory_space<hbm>> -> memref<768xi32, #tpu.memory_space<hbm>>
        %dma_start3A_179 = arith.constant 0 : i32
        %dma_start3A_180 = tpu.memref_slice %arg6[%dma_start3A_173, %dma_start3A_179] : memref<9x768xi32, #tpu.memory_space<vmem>> -> memref<1x768xi32, #tpu.memory_space<vmem>>
        %dma_start3A_181 = tpu.memref_squeeze %dma_start3A_180 : memref<1x768xi32, #tpu.memory_space<vmem>> -> memref<768xi32, #tpu.memory_space<vmem>>
        %dma_start3A_182 = tpu.memref_slice %arg2[%dma_start3A_172, %add3A_171] : memref<9x49152xi32, #tpu.memory_space<hbm>> -> memref<1x768xi32, #tpu.memory_space<hbm>>
        %dma_start3A_183 = tpu.memref_squeeze %dma_start3A_182 : memref<1x768xi32, #tpu.memory_space<hbm>> -> memref<768xi32, #tpu.memory_space<hbm>>
        tpu.enqueue_dma source(%dma_start3A_183 : memref<768xi32, #tpu.memory_space<hbm>>) target(%dma_start3A_181 : memref<768xi32, #tpu.memory_space<vmem>>) target_semaphore(%arg9 : memref<!tpu.dma_semaphore, #tpu.memory_space<semaphore_mem>>)
        %add3A_184 = arith.constant 768 : i32
        %add3A_185 = arith.addi %add3A_67, %add3A_184 : i32
        %dma_start3A_186 = arith.constant 7 : i32
        %dma_start3A_187 = arith.constant 7 : i32
        %dma_start3A_188 = arith.constant 0 : i32
        %dma_start3A_189 = tpu.memref_slice %arg6[%dma_start3A_187, %dma_start3A_188] : memref<9x768xi32, #tpu.memory_space<vmem>> -> memref<1x768xi32, #tpu.memory_space<vmem>>
        %dma_start3A_190 = tpu.memref_squeeze %dma_start3A_189 : memref<1x768xi32, #tpu.memory_space<vmem>> -> memref<768xi32, #tpu.memory_space<vmem>>
        %dma_start3A_191 = tpu.memref_slice %arg2[%dma_start3A_186, %add3A_185] : memref<9x49152xi32, #tpu.memory_space<hbm>> -> memref<1x768xi32, #tpu.memory_space<hbm>>
        %dma_start3A_192 = tpu.memref_squeeze %dma_start3A_191 : memref<1x768xi32, #tpu.memory_space<hbm>> -> memref<768xi32, #tpu.memory_space<hbm>>
        %dma_start3A_193 = arith.constant 0 : i32
        %dma_start3A_194 = tpu.memref_slice %arg6[%dma_start3A_187, %dma_start3A_193] : memref<9x768xi32, #tpu.memory_space<vmem>> -> memref<1x768xi32, #tpu.memory_space<vmem>>
        %dma_start3A_195 = tpu.memref_squeeze %dma_start3A_194 : memref<1x768xi32, #tpu.memory_space<vmem>> -> memref<768xi32, #tpu.memory_space<vmem>>
        %dma_start3A_196 = tpu.memref_slice %arg2[%dma_start3A_186, %add3A_185] : memref<9x49152xi32, #tpu.memory_space<hbm>> -> memref<1x768xi32, #tpu.memory_space<hbm>>
        %dma_start3A_197 = tpu.memref_squeeze %dma_start3A_196 : memref<1x768xi32, #tpu.memory_space<hbm>> -> memref<768xi32, #tpu.memory_space<hbm>>
        tpu.enqueue_dma source(%dma_start3A_197 : memref<768xi32, #tpu.memory_space<hbm>>) target(%dma_start3A_195 : memref<768xi32, #tpu.memory_space<vmem>>) target_semaphore(%arg9 : memref<!tpu.dma_semaphore, #tpu.memory_space<semaphore_mem>>)
        %add3A_198 = arith.constant 768 : i32
        %add3A_199 = arith.addi %add3A_67, %add3A_198 : i32
        %dma_start3A_200 = arith.constant 8 : i32
        %dma_start3A_201 = arith.constant 8 : i32
        %dma_start3A_202 = arith.constant 0 : i32
        %dma_start3A_203 = tpu.memref_slice %arg6[%dma_start3A_201, %dma_start3A_202] : memref<9x768xi32, #tpu.memory_space<vmem>> -> memref<1x768xi32, #tpu.memory_space<vmem>>
        %dma_start3A_204 = tpu.memref_squeeze %dma_start3A_203 : memref<1x768xi32, #tpu.memory_space<vmem>> -> memref<768xi32, #tpu.memory_space<vmem>>
        %dma_start3A_205 = tpu.memref_slice %arg2[%dma_start3A_200, %add3A_199] : memref<9x49152xi32, #tpu.memory_space<hbm>> -> memref<1x768xi32, #tpu.memory_space<hbm>>
        %dma_start3A_206 = tpu.memref_squeeze %dma_start3A_205 : memref<1x768xi32, #tpu.memory_space<hbm>> -> memref<768xi32, #tpu.memory_space<hbm>>
        %dma_start3A_207 = arith.constant 0 : i32
        %dma_start3A_208 = tpu.memref_slice %arg6[%dma_start3A_201, %dma_start3A_207] : memref<9x768xi32, #tpu.memory_space<vmem>> -> memref<1x768xi32, #tpu.memory_space<vmem>>
        %dma_start3A_209 = tpu.memref_squeeze %dma_start3A_208 : memref<1x768xi32, #tpu.memory_space<vmem>> -> memref<768xi32, #tpu.memory_space<vmem>>
        %dma_start3A_210 = tpu.memref_slice %arg2[%dma_start3A_200, %add3A_199] : memref<9x49152xi32, #tpu.memory_space<hbm>> -> memref<1x768xi32, #tpu.memory_space<hbm>>
        %dma_start3A_211 = tpu.memref_squeeze %dma_start3A_210 : memref<1x768xi32, #tpu.memory_space<hbm>> -> memref<768xi32, #tpu.memory_space<hbm>>
        tpu.enqueue_dma source(%dma_start3A_211 : memref<768xi32, #tpu.memory_space<hbm>>) target(%dma_start3A_209 : memref<768xi32, #tpu.memory_space<vmem>>) target_semaphore(%arg9 : memref<!tpu.dma_semaphore, #tpu.memory_space<semaphore_mem>>)
      } else {
      }
      %scan3A_76 = arith.constant 0 : i32
      %scan3A_77 = arith.constant 0 : i32
      %scan3A_78 = arith.constant 3 : i32
      %scan3A_79 = arith.addi %scan3A_77, %scan3A_78 : i32
      %scan3A_80 = arith.constant 1 : i32
      scf.for %scan3A_87 = %scan3A_77 to %scan3A_79 step %scan3A_80  : i32 {
        %mul3A_88 = arith.constant 3 : i32
        %mul3A_89 = arith.muli %scan3A_64, %mul3A_88 : i32
        %add3A_90 = arith.addi %mul3A_89, %scan3A_87 : i32
        %rem3A_91 = arith.constant 2 : i32
        %rem3A_92 = arith.remsi %add3A_90, %rem3A_91 : i32
        %ge3A = arith.constant 2 : i32
        %ge3A_93 = arith.cmpi sge, %add3A_90, %ge3A : i32
        %convert_element_type3A_94 = arith.extui %ge3A_93 : i1 to i32
        %cond3A_95 = arith.constant 0 : i32
        %cond3A_96 = arith.cmpi ne, %convert_element_type3A_94, %cond3A_95 : i32
        scf.if %cond3A_96 {
          %mul3A_119 = arith.constant 32 : i32
          %mul3A_120 = arith.muli %rem3A_0, %mul3A_119 : i32
          %dma_wait3A_121 = arith.constant 0 : i32
          %dma_wait3A_122 = arith.constant 0 : i32
          %dma_wait3A_123 = arith.constant 0 : i32
          %dma_wait3A_124 = tpu.memref_slice %arg8[%dma_wait3A_121, %dma_wait3A_122, %dma_wait3A_123] : memref<2x256x33xf32, #tpu.memory_space<vmem>> -> memref<1x256x33xf32, #tpu.memory_space<vmem>>
          %dma_wait3A_125 = tpu.memref_squeeze %dma_wait3A_124 : memref<1x256x33xf32, #tpu.memory_space<vmem>> -> memref<256x33xf32, #tpu.memory_space<vmem>>
          %dma_wait3A_126 = arith.constant 0 : i32
          %dma_wait3A_127 = arith.constant 0 : i32
          %dma_wait3A_128 = tpu.memref_slice %dma_wait3A_125[%dma_wait3A_126, %dma_wait3A_127] : memref<256x33xf32, #tpu.memory_space<vmem>> -> memref<256x32xf32, #tpu.memory_space<vmem>>
          %dma_wait3A_129 = tpu.memref_slice %arg4[%add3A, %mul3A_120] : memref<49152x128xf32, #tpu.memory_space<hbm>> -> memref<256x32xf32, #tpu.memory_space<hbm>>
          %dma_wait3A_130 = tpu.memref_slice %arg4[%add3A, %mul3A_120] : memref<49152x128xf32, #tpu.memory_space<hbm>> -> memref<256x32xf32, #tpu.memory_space<hbm>>
          %dma_wait3A_131 = arith.constant 0 : i32
          %dma_wait3A_132 = arith.constant 0 : i32
          %dma_wait3A_133 = tpu.memref_slice %arg8[%dma_wait3A_121, %dma_wait3A_131, %dma_wait3A_132] : memref<2x256x33xf32, #tpu.memory_space<vmem>> -> memref<1x256x33xf32, #tpu.memory_space<vmem>>
          %dma_wait3A_134 = tpu.memref_squeeze %dma_wait3A_133 : memref<1x256x33xf32, #tpu.memory_space<vmem>> -> memref<256x33xf32, #tpu.memory_space<vmem>>
          %dma_wait3A_135 = arith.constant 0 : i32
          %dma_wait3A_136 = arith.constant 0 : i32
          %dma_wait3A_137 = tpu.memref_slice %dma_wait3A_134[%dma_wait3A_135, %dma_wait3A_136] : memref<256x33xf32, #tpu.memory_space<vmem>> -> memref<256x32xf32, #tpu.memory_space<vmem>>
          tpu.wait_dma2 semaphore(%arg10 : memref<!tpu.dma_semaphore, #tpu.memory_space<semaphore_mem>>) src(%dma_wait3A_137 : memref<256x32xf32, #tpu.memory_space<vmem>>) dst(%dma_wait3A_130 : memref<256x32xf32, #tpu.memory_space<hbm>>)
        } else {
        }
        %parallel_loop3A = arith.constant 0 : i32
        %parallel_loop3A_97 = arith.constant 16 : i32
        %parallel_loop3A_98 = arith.constant 1 : i32
        scf.for %parallel_loop3A_119 = %parallel_loop3A to %parallel_loop3A_97 step %parallel_loop3A_98  : i32 {
          %parallel_loop3A_120 = arith.constant 256 : i32
          %parallel_loop3A_121 = arith.muli %scan3A_87, %parallel_loop3A_120 : i32
          %parallel_loop3A_122 = arith.constant 16 : i32
          %parallel_loop3A_123 = arith.muli %parallel_loop3A_119, %parallel_loop3A_122 : i32
          %parallel_loop3A_124 = arith.addi %parallel_loop3A_121, %parallel_loop3A_123 : i32
          %parallel_loop3A_125 = arith.constant 16 : i32
          %parallel_loop3A_126 = arith.muli %parallel_loop3A_119, %parallel_loop3A_125 : i32
          %parallel_loop3A_127 = vector.broadcast %parallel_loop3A_126 : i32 to vector<16xi32>
          %parallel_loop3A_128 = arith.addi %parallel_loop3A_127, %iota3A : vector<16xi32>
          %parallel_loop3A_129 = arith.constant 0 : i32
          %parallel_loop3A_130 = arith.index_cast %parallel_loop3A_129 : i32 to index
          %parallel_loop3A_131 = arith.index_cast %parallel_loop3A_124 : i32 to index
          %parallel_loop3A_132 = tpu.vector_load %arg7[%parallel_loop3A_130, %parallel_loop3A_131] {strides = array<i32>} : memref<9x768xi32, #tpu.memory_space<vmem>>, vector<16xi32>,
          %parallel_loop3A_133 = arith.constant 1 : i32
          %parallel_loop3A_134 = arith.index_cast %parallel_loop3A_133 : i32 to index
          %parallel_loop3A_135 = arith.index_cast %parallel_loop3A_124 : i32 to index
          %parallel_loop3A_136 = tpu.vector_load %arg7[%parallel_loop3A_134, %parallel_loop3A_135] {strides = array<i32>} : memref<9x768xi32, #tpu.memory_space<vmem>>, vector<16xi32>,
          %parallel_loop3A_137 = arith.constant 2 : i32
          %parallel_loop3A_138 = arith.index_cast %parallel_loop3A_137 : i32 to index
          %parallel_loop3A_139 = arith.index_cast %parallel_loop3A_124 : i32 to index
          %parallel_loop3A_140 = tpu.vector_load %arg7[%parallel_loop3A_138, %parallel_loop3A_139] {strides = array<i32>} : memref<9x768xi32, #tpu.memory_space<vmem>>, vector<16xi32>,
          %parallel_loop3A_141 = arith.constant 3 : i32
          %parallel_loop3A_142 = arith.index_cast %parallel_loop3A_141 : i32 to index
          %parallel_loop3A_143 = arith.index_cast %parallel_loop3A_124 : i32 to index
          %parallel_loop3A_144 = tpu.vector_load %arg7[%parallel_loop3A_142, %parallel_loop3A_143] {strides = array<i32>} : memref<9x768xi32, #tpu.memory_space<vmem>>, vector<16xi32>,
          %parallel_loop3A_145 = arith.constant 4 : i32
          %parallel_loop3A_146 = arith.index_cast %parallel_loop3A_145 : i32 to index
          %parallel_loop3A_147 = arith.index_cast %parallel_loop3A_124 : i32 to index
          %parallel_loop3A_148 = tpu.vector_load %arg7[%parallel_loop3A_146, %parallel_loop3A_147] {strides = array<i32>} : memref<9x768xi32, #tpu.memory_space<vmem>>, vector<16xi32>,
          %parallel_loop3A_149 = arith.constant 5 : i32
          %parallel_loop3A_150 = arith.index_cast %parallel_loop3A_149 : i32 to index
          %parallel_loop3A_151 = arith.index_cast %parallel_loop3A_124 : i32 to index
          %parallel_loop3A_152 = tpu.vector_load %arg7[%parallel_loop3A_150, %parallel_loop3A_151] {strides = array<i32>} : memref<9x768xi32, #tpu.memory_space<vmem>>, vector<16xi32>,
          %parallel_loop3A_153 = arith.constant 6 : i32
          %parallel_loop3A_154 = arith.index_cast %parallel_loop3A_153 : i32 to index
          %parallel_loop3A_155 = arith.index_cast %parallel_loop3A_124 : i32 to index
          %parallel_loop3A_156 = tpu.vector_load %arg7[%parallel_loop3A_154, %parallel_loop3A_155] {strides = array<i32>} : memref<9x768xi32, #tpu.memory_space<vmem>>, vector<16xi32>,
          %parallel_loop3A_157 = arith.constant 7 : i32
          %parallel_loop3A_158 = arith.index_cast %parallel_loop3A_157 : i32 to index
          %parallel_loop3A_159 = arith.index_cast %parallel_loop3A_124 : i32 to index
          %parallel_loop3A_160 = tpu.vector_load %arg7[%parallel_loop3A_158, %parallel_loop3A_159] {strides = array<i32>} : memref<9x768xi32, #tpu.memory_space<vmem>>, vector<16xi32>,
          %parallel_loop3A_161 = arith.constant 8 : i32
          %parallel_loop3A_162 = arith.index_cast %parallel_loop3A_161 : i32 to index
          %parallel_loop3A_163 = arith.index_cast %parallel_loop3A_124 : i32 to index
          %parallel_loop3A_164 = tpu.vector_load %arg7[%parallel_loop3A_162, %parallel_loop3A_163] {strides = array<i32>} : memref<9x768xi32, #tpu.memory_space<vmem>>, vector<16xi32>,
          %parallel_loop3A_165 = arith.constant 0 : i32
          %parallel_loop3A_166 = vector.broadcast %parallel_loop3A_165 : i32 to vector<16xi32>
          %parallel_loop3A_167 = arith.addi %parallel_loop3A_166, %iota3A : vector<16xi32>
          %parallel_loop3A_168 = arith.constant 15 : i32
          %parallel_loop3A_169 = vector.broadcast %parallel_loop3A_168 : i32 to vector<16xi32>
          %parallel_loop3A_170 = arith.andi %parallel_loop3A_167, %parallel_loop3A_169 : vector<16xi32>
          %parallel_loop3A_171 = arith.addi %parallel_loop3A_132, %parallel_loop3A_170 : vector<16xi32>
          %parallel_loop3A_172 = tpu.vector_load_idx %arg5[%parallel_loop3A_171] : memref<72240xi32, #tpu.memory_space<vmem>>[vector<16xi32>], vector<16xi32>,
          %parallel_loop3A_173 = vector.bitcast %parallel_loop3A_172 : vector<16xi32> to vector<32xbf16>
          %parallel_loop3A_174 = arith.addi %parallel_loop3A_136, %parallel_loop3A_170 : vector<16xi32>
          %parallel_loop3A_175 = tpu.vector_load_idx %arg5[%parallel_loop3A_174] : memref<72240xi32, #tpu.memory_space<vmem>>[vector<16xi32>], vector<16xi32>,
          %parallel_loop3A_176 = vector.bitcast %parallel_loop3A_175 : vector<16xi32> to vector<32xbf16>
          %parallel_loop3A_177 = arith.addi %parallel_loop3A_140, %parallel_loop3A_170 : vector<16xi32>
          %parallel_loop3A_178 = tpu.vector_load_idx %arg5[%parallel_loop3A_177] : memref<72240xi32, #tpu.memory_space<vmem>>[vector<16xi32>], vector<16xi32>,
          %parallel_loop3A_179 = vector.bitcast %parallel_loop3A_178 : vector<16xi32> to vector<32xbf16>
          %parallel_loop3A_180 = arith.addi %parallel_loop3A_144, %parallel_loop3A_170 : vector<16xi32>
          %parallel_loop3A_181 = tpu.vector_load_idx %arg5[%parallel_loop3A_180] : memref<72240xi32, #tpu.memory_space<vmem>>[vector<16xi32>], vector<16xi32>,
          %parallel_loop3A_182 = vector.bitcast %parallel_loop3A_181 : vector<16xi32> to vector<32xbf16>
          %parallel_loop3A_183 = arith.addi %parallel_loop3A_148, %parallel_loop3A_170 : vector<16xi32>
          %parallel_loop3A_184 = tpu.vector_load_idx %arg5[%parallel_loop3A_183] : memref<72240xi32, #tpu.memory_space<vmem>>[vector<16xi32>], vector<16xi32>,
          %parallel_loop3A_185 = vector.bitcast %parallel_loop3A_184 : vector<16xi32> to vector<32xbf16>
          %parallel_loop3A_186 = arith.addi %parallel_loop3A_152, %parallel_loop3A_170 : vector<16xi32>
          %parallel_loop3A_187 = tpu.vector_load_idx %arg5[%parallel_loop3A_186] : memref<72240xi32, #tpu.memory_space<vmem>>[vector<16xi32>], vector<16xi32>,
          %parallel_loop3A_188 = vector.bitcast %parallel_loop3A_187 : vector<16xi32> to vector<32xbf16>
          %parallel_loop3A_189 = arith.addi %parallel_loop3A_156, %parallel_loop3A_170 : vector<16xi32>
          %parallel_loop3A_190 = tpu.vector_load_idx %arg5[%parallel_loop3A_189] : memref<72240xi32, #tpu.memory_space<vmem>>[vector<16xi32>], vector<16xi32>,
          %parallel_loop3A_191 = vector.bitcast %parallel_loop3A_190 : vector<16xi32> to vector<32xbf16>
          %parallel_loop3A_192 = arith.addi %parallel_loop3A_160, %parallel_loop3A_170 : vector<16xi32>
          %parallel_loop3A_193 = tpu.vector_load_idx %arg5[%parallel_loop3A_192] : memref<72240xi32, #tpu.memory_space<vmem>>[vector<16xi32>], vector<16xi32>,
          %parallel_loop3A_194 = vector.bitcast %parallel_loop3A_193 : vector<16xi32> to vector<32xbf16>
          %parallel_loop3A_195 = arith.addi %parallel_loop3A_164, %parallel_loop3A_170 : vector<16xi32>
          %parallel_loop3A_196 = tpu.vector_load_idx %arg5[%parallel_loop3A_195] : memref<72240xi32, #tpu.memory_space<vmem>>[vector<16xi32>], vector<16xi32>,
          %parallel_loop3A_197 = vector.bitcast %parallel_loop3A_196 : vector<16xi32> to vector<32xbf16>
          %parallel_loop3A_198 = arith.addf %parallel_loop3A_173, %parallel_loop3A_176 : vector<32xbf16>
          %parallel_loop3A_199 = arith.addf %parallel_loop3A_198, %parallel_loop3A_179 : vector<32xbf16>
          %parallel_loop3A_200 = arith.addf %parallel_loop3A_199, %parallel_loop3A_182 : vector<32xbf16>
          %parallel_loop3A_201 = arith.addf %parallel_loop3A_185, %parallel_loop3A_188 : vector<32xbf16>
          %parallel_loop3A_202 = arith.addf %parallel_loop3A_201, %parallel_loop3A_191 : vector<32xbf16>
          %parallel_loop3A_203 = arith.addf %parallel_loop3A_202, %parallel_loop3A_194 : vector<32xbf16>
          %parallel_loop3A_204 = arith.addf %parallel_loop3A_203, %parallel_loop3A_197 : vector<32xbf16>
          %parallel_loop3A_205 = tpu.unpack_subelements %parallel_loop3A_200, 0 {pack_format = #tpu.pack_format<interleaved>} : vector<32xbf16> -> vector<16xf32>
          %parallel_loop3A_206 = tpu.unpack_subelements %parallel_loop3A_200, 1 {pack_format = #tpu.pack_format<interleaved>} : vector<32xbf16> -> vector<16xf32>
          %parallel_loop3A_207 = tpu.unpack_subelements %parallel_loop3A_204, 0 {pack_format = #tpu.pack_format<interleaved>} : vector<32xbf16> -> vector<16xf32>
          %parallel_loop3A_208 = tpu.unpack_subelements %parallel_loop3A_204, 1 {pack_format = #tpu.pack_format<interleaved>} : vector<32xbf16> -> vector<16xf32>
          %parallel_loop3A_209 = arith.constant 2 : i32
          %parallel_loop3A_210 = vector.broadcast %parallel_loop3A_209 : i32 to vector<16xi32>
          %parallel_loop3A_211 = arith.muli %parallel_loop3A_210, %parallel_loop3A_170 : vector<16xi32>
          %parallel_loop3A_212 = arith.constant 1 : i32
          %parallel_loop3A_213 = vector.broadcast %parallel_loop3A_212 : i32 to vector<16xi32>
          %parallel_loop3A_214 = arith.addi %parallel_loop3A_211, %parallel_loop3A_213 : vector<16xi32>
          %parallel_loop3A_215 = arith.addf %parallel_loop3A_205, %parallel_loop3A_207 : vector<16xf32>
          %parallel_loop3A_216 = arith.constant 0 : i32
          %parallel_loop3A_217 = arith.constant 0 : i32
          %parallel_loop3A_218 = tpu.memref_slice %arg8[%rem3A_92, %parallel_loop3A_216, %parallel_loop3A_217] : memref<2x256x33xf32, #tpu.memory_space<vmem>> -> memref<1x256x33xf32, #tpu.memory_space<vmem>>
          %parallel_loop3A_219 = tpu.memref_squeeze %parallel_loop3A_218 : memref<1x256x33xf32, #tpu.memory_space<vmem>> -> memref<256x33xf32, #tpu.memory_space<vmem>>
          tpu.vector_store_idx %parallel_loop3A_219[%parallel_loop3A_128, %parallel_loop3A_211], %parallel_loop3A_215 : memref<256x33xf32, #tpu.memory_space<vmem>>[vector<16xi32>, vector<16xi32>], vector<16xf32>,
          %parallel_loop3A_220 = arith.addf %parallel_loop3A_206, %parallel_loop3A_208 : vector<16xf32>
          %parallel_loop3A_221 = arith.constant 0 : i32
          %parallel_loop3A_222 = arith.constant 0 : i32
          %parallel_loop3A_223 = tpu.memref_slice %arg8[%rem3A_92, %parallel_loop3A_221, %parallel_loop3A_222] : memref<2x256x33xf32, #tpu.memory_space<vmem>> -> memref<1x256x33xf32, #tpu.memory_space<vmem>>
          %parallel_loop3A_224 = tpu.memref_squeeze %parallel_loop3A_223 : memref<1x256x33xf32, #tpu.memory_space<vmem>> -> memref<256x33xf32, #tpu.memory_space<vmem>>
          tpu.vector_store_idx %parallel_loop3A_224[%parallel_loop3A_128, %parallel_loop3A_214], %parallel_loop3A_220 : memref<256x33xf32, #tpu.memory_space<vmem>>[vector<16xi32>, vector<16xi32>], vector<16xf32>,
          %parallel_loop3A_225 = arith.constant 1 : i32
          %parallel_loop3A_226 = vector.broadcast %parallel_loop3A_225 : i32 to vector<16xi32>
          %parallel_loop3A_227 = arith.addi %parallel_loop3A_226, %iota3A : vector<16xi32>
          %parallel_loop3A_228 = arith.constant 15 : i32
          %parallel_loop3A_229 = vector.broadcast %parallel_loop3A_228 : i32 to vector<16xi32>
          %parallel_loop3A_230 = arith.andi %parallel_loop3A_227, %parallel_loop3A_229 : vector<16xi32>
          %parallel_loop3A_231 = arith.addi %parallel_loop3A_132, %parallel_loop3A_230 : vector<16xi32>
          %parallel_loop3A_232 = tpu.vector_load_idx %arg5[%parallel_loop3A_231] : memref<72240xi32, #tpu.memory_space<vmem>>[vector<16xi32>], vector<16xi32>,
          %parallel_loop3A_233 = vector.bitcast %parallel_loop3A_232 : vector<16xi32> to vector<32xbf16>
          %parallel_loop3A_234 = arith.addi %parallel_loop3A_136, %parallel_loop3A_230 : vector<16xi32>
          %parallel_loop3A_235 = tpu.vector_load_idx %arg5[%parallel_loop3A_234] : memref<72240xi32, #tpu.memory_space<vmem>>[vector<16xi32>], vector<16xi32>,
          %parallel_loop3A_236 = vector.bitcast %parallel_loop3A_235 : vector<16xi32> to vector<32xbf16>
          %parallel_loop3A_237 = arith.addi %parallel_loop3A_140, %parallel_loop3A_230 : vector<16xi32>
          %parallel_loop3A_238 = tpu.vector_load_idx %arg5[%parallel_loop3A_237] : memref<72240xi32, #tpu.memory_space<vmem>>[vector<16xi32>], vector<16xi32>,
          %parallel_loop3A_239 = vector.bitcast %parallel_loop3A_238 : vector<16xi32> to vector<32xbf16>
          %parallel_loop3A_240 = arith.addi %parallel_loop3A_144, %parallel_loop3A_230 : vector<16xi32>
          %parallel_loop3A_241 = tpu.vector_load_idx %arg5[%parallel_loop3A_240] : memref<72240xi32, #tpu.memory_space<vmem>>[vector<16xi32>], vector<16xi32>,
          %parallel_loop3A_242 = vector.bitcast %parallel_loop3A_241 : vector<16xi32> to vector<32xbf16>
          %parallel_loop3A_243 = arith.addi %parallel_loop3A_148, %parallel_loop3A_230 : vector<16xi32>
          %parallel_loop3A_244 = tpu.vector_load_idx %arg5[%parallel_loop3A_243] : memref<72240xi32, #tpu.memory_space<vmem>>[vector<16xi32>], vector<16xi32>,
          %parallel_loop3A_245 = vector.bitcast %parallel_loop3A_244 : vector<16xi32> to vector<32xbf16>
          %parallel_loop3A_246 = arith.addi %parallel_loop3A_152, %parallel_loop3A_230 : vector<16xi32>
          %parallel_loop3A_247 = tpu.vector_load_idx %arg5[%parallel_loop3A_246] : memref<72240xi32, #tpu.memory_space<vmem>>[vector<16xi32>], vector<16xi32>,
          %parallel_loop3A_248 = vector.bitcast %parallel_loop3A_247 : vector<16xi32> to vector<32xbf16>
          %parallel_loop3A_249 = arith.addi %parallel_loop3A_156, %parallel_loop3A_230 : vector<16xi32>
          %parallel_loop3A_250 = tpu.vector_load_idx %arg5[%parallel_loop3A_249] : memref<72240xi32, #tpu.memory_space<vmem>>[vector<16xi32>], vector<16xi32>,
          %parallel_loop3A_251 = vector.bitcast %parallel_loop3A_250 : vector<16xi32> to vector<32xbf16>
          %parallel_loop3A_252 = arith.addi %parallel_loop3A_160, %parallel_loop3A_230 : vector<16xi32>
          %parallel_loop3A_253 = tpu.vector_load_idx %arg5[%parallel_loop3A_252] : memref<72240xi32, #tpu.memory_space<vmem>>[vector<16xi32>], vector<16xi32>,
          %parallel_loop3A_254 = vector.bitcast %parallel_loop3A_253 : vector<16xi32> to vector<32xbf16>
          %parallel_loop3A_255 = arith.addi %parallel_loop3A_164, %parallel_loop3A_230 : vector<16xi32>
          %parallel_loop3A_256 = tpu.vector_load_idx %arg5[%parallel_loop3A_255] : memref<72240xi32, #tpu.memory_space<vmem>>[vector<16xi32>], vector<16xi32>,
          %parallel_loop3A_257 = vector.bitcast %parallel_loop3A_256 : vector<16xi32> to vector<32xbf16>
          %parallel_loop3A_258 = arith.addf %parallel_loop3A_233, %parallel_loop3A_236 : vector<32xbf16>
          %parallel_loop3A_259 = arith.addf %parallel_loop3A_258, %parallel_loop3A_239 : vector<32xbf16>
          %parallel_loop3A_260 = arith.addf %parallel_loop3A_259, %parallel_loop3A_242 : vector<32xbf16>
          %parallel_loop3A_261 = arith.addf %parallel_loop3A_245, %parallel_loop3A_248 : vector<32xbf16>
          %parallel_loop3A_262 = arith.addf %parallel_loop3A_261, %parallel_loop3A_251 : vector<32xbf16>
          %parallel_loop3A_263 = arith.addf %parallel_loop3A_262, %parallel_loop3A_254 : vector<32xbf16>
          %parallel_loop3A_264 = arith.addf %parallel_loop3A_263, %parallel_loop3A_257 : vector<32xbf16>
          %parallel_loop3A_265 = tpu.unpack_subelements %parallel_loop3A_260, 0 {pack_format = #tpu.pack_format<interleaved>} : vector<32xbf16> -> vector<16xf32>
          %parallel_loop3A_266 = tpu.unpack_subelements %parallel_loop3A_260, 1 {pack_format = #tpu.pack_format<interleaved>} : vector<32xbf16> -> vector<16xf32>
          %parallel_loop3A_267 = tpu.unpack_subelements %parallel_loop3A_264, 0 {pack_format = #tpu.pack_format<interleaved>} : vector<32xbf16> -> vector<16xf32>
          %parallel_loop3A_268 = tpu.unpack_subelements %parallel_loop3A_264, 1 {pack_format = #tpu.pack_format<interleaved>} : vector<32xbf16> -> vector<16xf32>
          %parallel_loop3A_269 = arith.constant 2 : i32
          %parallel_loop3A_270 = vector.broadcast %parallel_loop3A_269 : i32 to vector<16xi32>
          %parallel_loop3A_271 = arith.muli %parallel_loop3A_270, %parallel_loop3A_230 : vector<16xi32>
          %parallel_loop3A_272 = arith.constant 1 : i32
          %parallel_loop3A_273 = vector.broadcast %parallel_loop3A_272 : i32 to vector<16xi32>
          %parallel_loop3A_274 = arith.addi %parallel_loop3A_271, %parallel_loop3A_273 : vector<16xi32>
          %parallel_loop3A_275 = arith.addf %parallel_loop3A_265, %parallel_loop3A_267 : vector<16xf32>
          %parallel_loop3A_276 = arith.constant 0 : i32
          %parallel_loop3A_277 = arith.constant 0 : i32
          %parallel_loop3A_278 = tpu.memref_slice %arg8[%rem3A_92, %parallel_loop3A_276, %parallel_loop3A_277] : memref<2x256x33xf32, #tpu.memory_space<vmem>> -> memref<1x256x33xf32, #tpu.memory_space<vmem>>
          %parallel_loop3A_279 = tpu.memref_squeeze %parallel_loop3A_278 : memref<1x256x33xf32, #tpu.memory_space<vmem>> -> memref<256x33xf32, #tpu.memory_space<vmem>>
          tpu.vector_store_idx %parallel_loop3A_279[%parallel_loop3A_128, %parallel_loop3A_271], %parallel_loop3A_275 : memref<256x33xf32, #tpu.memory_space<vmem>>[vector<16xi32>, vector<16xi32>], vector<16xf32>,
          %parallel_loop3A_280 = arith.addf %parallel_loop3A_266, %parallel_loop3A_268 : vector<16xf32>
          %parallel_loop3A_281 = arith.constant 0 : i32
          %parallel_loop3A_282 = arith.constant 0 : i32
          %parallel_loop3A_283 = tpu.memref_slice %arg8[%rem3A_92, %parallel_loop3A_281, %parallel_loop3A_282] : memref<2x256x33xf32, #tpu.memory_space<vmem>> -> memref<1x256x33xf32, #tpu.memory_space<vmem>>
          %parallel_loop3A_284 = tpu.memref_squeeze %parallel_loop3A_283 : memref<1x256x33xf32, #tpu.memory_space<vmem>> -> memref<256x33xf32, #tpu.memory_space<vmem>>
          tpu.vector_store_idx %parallel_loop3A_284[%parallel_loop3A_128, %parallel_loop3A_274], %parallel_loop3A_280 : memref<256x33xf32, #tpu.memory_space<vmem>>[vector<16xi32>, vector<16xi32>], vector<16xf32>,
          %parallel_loop3A_285 = arith.constant 2 : i32
          %parallel_loop3A_286 = vector.broadcast %parallel_loop3A_285 : i32 to vector<16xi32>
          %parallel_loop3A_287 = arith.addi %parallel_loop3A_286, %iota3A : vector<16xi32>
          %parallel_loop3A_288 = arith.constant 15 : i32
          %parallel_loop3A_289 = vector.broadcast %parallel_loop3A_288 : i32 to vector<16xi32>
          %parallel_loop3A_290 = arith.andi %parallel_loop3A_287, %parallel_loop3A_289 : vector<16xi32>
          %parallel_loop3A_291 = arith.addi %parallel_loop3A_132, %parallel_loop3A_290 : vector<16xi32>
          %parallel_loop3A_292 = tpu.vector_load_idx %arg5[%parallel_loop3A_291] : memref<72240xi32, #tpu.memory_space<vmem>>[vector<16xi32>], vector<16xi32>,
          %parallel_loop3A_293 = vector.bitcast %parallel_loop3A_292 : vector<16xi32> to vector<32xbf16>
          %parallel_loop3A_294 = arith.addi %parallel_loop3A_136, %parallel_loop3A_290 : vector<16xi32>
          %parallel_loop3A_295 = tpu.vector_load_idx %arg5[%parallel_loop3A_294] : memref<72240xi32, #tpu.memory_space<vmem>>[vector<16xi32>], vector<16xi32>,
          %parallel_loop3A_296 = vector.bitcast %parallel_loop3A_295 : vector<16xi32> to vector<32xbf16>
          %parallel_loop3A_297 = arith.addi %parallel_loop3A_140, %parallel_loop3A_290 : vector<16xi32>
          %parallel_loop3A_298 = tpu.vector_load_idx %arg5[%parallel_loop3A_297] : memref<72240xi32, #tpu.memory_space<vmem>>[vector<16xi32>], vector<16xi32>,
          %parallel_loop3A_299 = vector.bitcast %parallel_loop3A_298 : vector<16xi32> to vector<32xbf16>
          %parallel_loop3A_300 = arith.addi %parallel_loop3A_144, %parallel_loop3A_290 : vector<16xi32>
          %parallel_loop3A_301 = tpu.vector_load_idx %arg5[%parallel_loop3A_300] : memref<72240xi32, #tpu.memory_space<vmem>>[vector<16xi32>], vector<16xi32>,
          %parallel_loop3A_302 = vector.bitcast %parallel_loop3A_301 : vector<16xi32> to vector<32xbf16>
          %parallel_loop3A_303 = arith.addi %parallel_loop3A_148, %parallel_loop3A_290 : vector<16xi32>
          %parallel_loop3A_304 = tpu.vector_load_idx %arg5[%parallel_loop3A_303] : memref<72240xi32, #tpu.memory_space<vmem>>[vector<16xi32>], vector<16xi32>,
          %parallel_loop3A_305 = vector.bitcast %parallel_loop3A_304 : vector<16xi32> to vector<32xbf16>
          %parallel_loop3A_306 = arith.addi %parallel_loop3A_152, %parallel_loop3A_290 : vector<16xi32>
          %parallel_loop3A_307 = tpu.vector_load_idx %arg5[%parallel_loop3A_306] : memref<72240xi32, #tpu.memory_space<vmem>>[vector<16xi32>], vector<16xi32>,
          %parallel_loop3A_308 = vector.bitcast %parallel_loop3A_307 : vector<16xi32> to vector<32xbf16>
          %parallel_loop3A_309 = arith.addi %parallel_loop3A_156, %parallel_loop3A_290 : vector<16xi32>
          %parallel_loop3A_310 = tpu.vector_load_idx %arg5[%parallel_loop3A_309] : memref<72240xi32, #tpu.memory_space<vmem>>[vector<16xi32>], vector<16xi32>,
          %parallel_loop3A_311 = vector.bitcast %parallel_loop3A_310 : vector<16xi32> to vector<32xbf16>
          %parallel_loop3A_312 = arith.addi %parallel_loop3A_160, %parallel_loop3A_290 : vector<16xi32>
          %parallel_loop3A_313 = tpu.vector_load_idx %arg5[%parallel_loop3A_312] : memref<72240xi32, #tpu.memory_space<vmem>>[vector<16xi32>], vector<16xi32>,
          %parallel_loop3A_314 = vector.bitcast %parallel_loop3A_313 : vector<16xi32> to vector<32xbf16>
          %parallel_loop3A_315 = arith.addi %parallel_loop3A_164, %parallel_loop3A_290 : vector<16xi32>
          %parallel_loop3A_316 = tpu.vector_load_idx %arg5[%parallel_loop3A_315] : memref<72240xi32, #tpu.memory_space<vmem>>[vector<16xi32>], vector<16xi32>,
          %parallel_loop3A_317 = vector.bitcast %parallel_loop3A_316 : vector<16xi32> to vector<32xbf16>
          %parallel_loop3A_318 = arith.addf %parallel_loop3A_293, %parallel_loop3A_296 : vector<32xbf16>
          %parallel_loop3A_319 = arith.addf %parallel_loop3A_318, %parallel_loop3A_299 : vector<32xbf16>
          %parallel_loop3A_320 = arith.addf %parallel_loop3A_319, %parallel_loop3A_302 : vector<32xbf16>
          %parallel_loop3A_321 = arith.addf %parallel_loop3A_305, %parallel_loop3A_308 : vector<32xbf16>
          %parallel_loop3A_322 = arith.addf %parallel_loop3A_321, %parallel_loop3A_311 : vector<32xbf16>
          %parallel_loop3A_323 = arith.addf %parallel_loop3A_322, %parallel_loop3A_314 : vector<32xbf16>
          %parallel_loop3A_324 = arith.addf %parallel_loop3A_323, %parallel_loop3A_317 : vector<32xbf16>
          %parallel_loop3A_325 = tpu.unpack_subelements %parallel_loop3A_320, 0 {pack_format = #tpu.pack_format<interleaved>} : vector<32xbf16> -> vector<16xf32>
          %parallel_loop3A_326 = tpu.unpack_subelements %parallel_loop3A_320, 1 {pack_format = #tpu.pack_format<interleaved>} : vector<32xbf16> -> vector<16xf32>
          %parallel_loop3A_327 = tpu.unpack_subelements %parallel_loop3A_324, 0 {pack_format = #tpu.pack_format<interleaved>} : vector<32xbf16> -> vector<16xf32>
          %parallel_loop3A_328 = tpu.unpack_subelements %parallel_loop3A_324, 1 {pack_format = #tpu.pack_format<interleaved>} : vector<32xbf16> -> vector<16xf32>
          %parallel_loop3A_329 = arith.constant 2 : i32
          %parallel_loop3A_330 = vector.broadcast %parallel_loop3A_329 : i32 to vector<16xi32>
          %parallel_loop3A_331 = arith.muli %parallel_loop3A_330, %parallel_loop3A_290 : vector<16xi32>
          %parallel_loop3A_332 = arith.constant 1 : i32
          %parallel_loop3A_333 = vector.broadcast %parallel_loop3A_332 : i32 to vector<16xi32>
          %parallel_loop3A_334 = arith.addi %parallel_loop3A_331, %parallel_loop3A_333 : vector<16xi32>
          %parallel_loop3A_335 = arith.addf %parallel_loop3A_325, %parallel_loop3A_327 : vector<16xf32>
          %parallel_loop3A_336 = arith.constant 0 : i32
          %parallel_loop3A_337 = arith.constant 0 : i32
          %parallel_loop3A_338 = tpu.memref_slice %arg8[%rem3A_92, %parallel_loop3A_336, %parallel_loop3A_337] : memref<2x256x33xf32, #tpu.memory_space<vmem>> -> memref<1x256x33xf32, #tpu.memory_space<vmem>>
          %parallel_loop3A_339 = tpu.memref_squeeze %parallel_loop3A_338 : memref<1x256x33xf32, #tpu.memory_space<vmem>> -> memref<256x33xf32, #tpu.memory_space<vmem>>
          tpu.vector_store_idx %parallel_loop3A_339[%parallel_loop3A_128, %parallel_loop3A_331], %parallel_loop3A_335 : memref<256x33xf32, #tpu.memory_space<vmem>>[vector<16xi32>, vector<16xi32>], vector<16xf32>,
          %parallel_loop3A_340 = arith.addf %parallel_loop3A_326, %parallel_loop3A_328 : vector<16xf32>
          %parallel_loop3A_341 = arith.constant 0 : i32
          %parallel_loop3A_342 = arith.constant 0 : i32
          %parallel_loop3A_343 = tpu.memref_slice %arg8[%rem3A_92, %parallel_loop3A_341, %parallel_loop3A_342] : memref<2x256x33xf32, #tpu.memory_space<vmem>> -> memref<1x256x33xf32, #tpu.memory_space<vmem>>
          %parallel_loop3A_344 = tpu.memref_squeeze %parallel_loop3A_343 : memref<1x256x33xf32, #tpu.memory_space<vmem>> -> memref<256x33xf32, #tpu.memory_space<vmem>>
          tpu.vector_store_idx %parallel_loop3A_344[%parallel_loop3A_128, %parallel_loop3A_334], %parallel_loop3A_340 : memref<256x33xf32, #tpu.memory_space<vmem>>[vector<16xi32>, vector<16xi32>], vector<16xf32>,
          %parallel_loop3A_345 = arith.constant 3 : i32
          %parallel_loop3A_346 = vector.broadcast %parallel_loop3A_345 : i32 to vector<16xi32>
          %parallel_loop3A_347 = arith.addi %parallel_loop3A_346, %iota3A : vector<16xi32>
          %parallel_loop3A_348 = arith.constant 15 : i32
          %parallel_loop3A_349 = vector.broadcast %parallel_loop3A_348 : i32 to vector<16xi32>
          %parallel_loop3A_350 = arith.andi %parallel_loop3A_347, %parallel_loop3A_349 : vector<16xi32>
          %parallel_loop3A_351 = arith.addi %parallel_loop3A_132, %parallel_loop3A_350 : vector<16xi32>
          %parallel_loop3A_352 = tpu.vector_load_idx %arg5[%parallel_loop3A_351] : memref<72240xi32, #tpu.memory_space<vmem>>[vector<16xi32>], vector<16xi32>,
          %parallel_loop3A_353 = vector.bitcast %parallel_loop3A_352 : vector<16xi32> to vector<32xbf16>
          %parallel_loop3A_354 = arith.addi %parallel_loop3A_136, %parallel_loop3A_350 : vector<16xi32>
          %parallel_loop3A_355 = tpu.vector_load_idx %arg5[%parallel_loop3A_354] : memref<72240xi32, #tpu.memory_space<vmem>>[vector<16xi32>], vector<16xi32>,
          %parallel_loop3A_356 = vector.bitcast %parallel_loop3A_355 : vector<16xi32> to vector<32xbf16>
          %parallel_loop3A_357 = arith.addi %parallel_loop3A_140, %parallel_loop3A_350 : vector<16xi32>
          %parallel_loop3A_358 = tpu.vector_load_idx %arg5[%parallel_loop3A_357] : memref<72240xi32, #tpu.memory_space<vmem>>[vector<16xi32>], vector<16xi32>,
          %parallel_loop3A_359 = vector.bitcast %parallel_loop3A_358 : vector<16xi32> to vector<32xbf16>
          %parallel_loop3A_360 = arith.addi %parallel_loop3A_144, %parallel_loop3A_350 : vector<16xi32>
          %parallel_loop3A_361 = tpu.vector_load_idx %arg5[%parallel_loop3A_360] : memref<72240xi32, #tpu.memory_space<vmem>>[vector<16xi32>], vector<16xi32>,
          %parallel_loop3A_362 = vector.bitcast %parallel_loop3A_361 : vector<16xi32> to vector<32xbf16>
          %parallel_loop3A_363 = arith.addi %parallel_loop3A_148, %parallel_loop3A_350 : vector<16xi32>
          %parallel_loop3A_364 = tpu.vector_load_idx %arg5[%parallel_loop3A_363] : memref<72240xi32, #tpu.memory_space<vmem>>[vector<16xi32>], vector<16xi32>,
          %parallel_loop3A_365 = vector.bitcast %parallel_loop3A_364 : vector<16xi32> to vector<32xbf16>
          %parallel_loop3A_366 = arith.addi %parallel_loop3A_152, %parallel_loop3A_350 : vector<16xi32>
          %parallel_loop3A_367 = tpu.vector_load_idx %arg5[%parallel_loop3A_366] : memref<72240xi32, #tpu.memory_space<vmem>>[vector<16xi32>], vector<16xi32>,
          %parallel_loop3A_368 = vector.bitcast %parallel_loop3A_367 : vector<16xi32> to vector<32xbf16>
          %parallel_loop3A_369 = arith.addi %parallel_loop3A_156, %parallel_loop3A_350 : vector<16xi32>
          %parallel_loop3A_370 = tpu.vector_load_idx %arg5[%parallel_loop3A_369] : memref<72240xi32, #tpu.memory_space<vmem>>[vector<16xi32>], vector<16xi32>,
          %parallel_loop3A_371 = vector.bitcast %parallel_loop3A_370 : vector<16xi32> to vector<32xbf16>
          %parallel_loop3A_372 = arith.addi %parallel_loop3A_160, %parallel_loop3A_350 : vector<16xi32>
          %parallel_loop3A_373 = tpu.vector_load_idx %arg5[%parallel_loop3A_372] : memref<72240xi32, #tpu.memory_space<vmem>>[vector<16xi32>], vector<16xi32>,
          %parallel_loop3A_374 = vector.bitcast %parallel_loop3A_373 : vector<16xi32> to vector<32xbf16>
          %parallel_loop3A_375 = arith.addi %parallel_loop3A_164, %parallel_loop3A_350 : vector<16xi32>
          %parallel_loop3A_376 = tpu.vector_load_idx %arg5[%parallel_loop3A_375] : memref<72240xi32, #tpu.memory_space<vmem>>[vector<16xi32>], vector<16xi32>,
          %parallel_loop3A_377 = vector.bitcast %parallel_loop3A_376 : vector<16xi32> to vector<32xbf16>
          %parallel_loop3A_378 = arith.addf %parallel_loop3A_353, %parallel_loop3A_356 : vector<32xbf16>
          %parallel_loop3A_379 = arith.addf %parallel_loop3A_378, %parallel_loop3A_359 : vector<32xbf16>
          %parallel_loop3A_380 = arith.addf %parallel_loop3A_379, %parallel_loop3A_362 : vector<32xbf16>
          %parallel_loop3A_381 = arith.addf %parallel_loop3A_365, %parallel_loop3A_368 : vector<32xbf16>
          %parallel_loop3A_382 = arith.addf %parallel_loop3A_381, %parallel_loop3A_371 : vector<32xbf16>
          %parallel_loop3A_383 = arith.addf %parallel_loop3A_382, %parallel_loop3A_374 : vector<32xbf16>
          %parallel_loop3A_384 = arith.addf %parallel_loop3A_383, %parallel_loop3A_377 : vector<32xbf16>
          %parallel_loop3A_385 = tpu.unpack_subelements %parallel_loop3A_380, 0 {pack_format = #tpu.pack_format<interleaved>} : vector<32xbf16> -> vector<16xf32>
          %parallel_loop3A_386 = tpu.unpack_subelements %parallel_loop3A_380, 1 {pack_format = #tpu.pack_format<interleaved>} : vector<32xbf16> -> vector<16xf32>
          %parallel_loop3A_387 = tpu.unpack_subelements %parallel_loop3A_384, 0 {pack_format = #tpu.pack_format<interleaved>} : vector<32xbf16> -> vector<16xf32>
          %parallel_loop3A_388 = tpu.unpack_subelements %parallel_loop3A_384, 1 {pack_format = #tpu.pack_format<interleaved>} : vector<32xbf16> -> vector<16xf32>
          %parallel_loop3A_389 = arith.constant 2 : i32
          %parallel_loop3A_390 = vector.broadcast %parallel_loop3A_389 : i32 to vector<16xi32>
          %parallel_loop3A_391 = arith.muli %parallel_loop3A_390, %parallel_loop3A_350 : vector<16xi32>
          %parallel_loop3A_392 = arith.constant 1 : i32
          %parallel_loop3A_393 = vector.broadcast %parallel_loop3A_392 : i32 to vector<16xi32>
          %parallel_loop3A_394 = arith.addi %parallel_loop3A_391, %parallel_loop3A_393 : vector<16xi32>
          %parallel_loop3A_395 = arith.addf %parallel_loop3A_385, %parallel_loop3A_387 : vector<16xf32>
          %parallel_loop3A_396 = arith.constant 0 : i32
          %parallel_loop3A_397 = arith.constant 0 : i32
          %parallel_loop3A_398 = tpu.memref_slice %arg8[%rem3A_92, %parallel_loop3A_396, %parallel_loop3A_397] : memref<2x256x33xf32, #tpu.memory_space<vmem>> -> memref<1x256x33xf32, #tpu.memory_space<vmem>>
          %parallel_loop3A_399 = tpu.memref_squeeze %parallel_loop3A_398 : memref<1x256x33xf32, #tpu.memory_space<vmem>> -> memref<256x33xf32, #tpu.memory_space<vmem>>
          tpu.vector_store_idx %parallel_loop3A_399[%parallel_loop3A_128, %parallel_loop3A_391], %parallel_loop3A_395 : memref<256x33xf32, #tpu.memory_space<vmem>>[vector<16xi32>, vector<16xi32>], vector<16xf32>,
          %parallel_loop3A_400 = arith.addf %parallel_loop3A_386, %parallel_loop3A_388 : vector<16xf32>
          %parallel_loop3A_401 = arith.constant 0 : i32
          %parallel_loop3A_402 = arith.constant 0 : i32
          %parallel_loop3A_403 = tpu.memref_slice %arg8[%rem3A_92, %parallel_loop3A_401, %parallel_loop3A_402] : memref<2x256x33xf32, #tpu.memory_space<vmem>> -> memref<1x256x33xf32, #tpu.memory_space<vmem>>
          %parallel_loop3A_404 = tpu.memref_squeeze %parallel_loop3A_403 : memref<1x256x33xf32, #tpu.memory_space<vmem>> -> memref<256x33xf32, #tpu.memory_space<vmem>>
          tpu.vector_store_idx %parallel_loop3A_404[%parallel_loop3A_128, %parallel_loop3A_394], %parallel_loop3A_400 : memref<256x33xf32, #tpu.memory_space<vmem>>[vector<16xi32>, vector<16xi32>], vector<16xf32>,
          %parallel_loop3A_405 = arith.constant 4 : i32
          %parallel_loop3A_406 = vector.broadcast %parallel_loop3A_405 : i32 to vector<16xi32>
          %parallel_loop3A_407 = arith.addi %parallel_loop3A_406, %iota3A : vector<16xi32>
          %parallel_loop3A_408 = arith.constant 15 : i32
          %parallel_loop3A_409 = vector.broadcast %parallel_loop3A_408 : i32 to vector<16xi32>
          %parallel_loop3A_410 = arith.andi %parallel_loop3A_407, %parallel_loop3A_409 : vector<16xi32>
          %parallel_loop3A_411 = arith.addi %parallel_loop3A_132, %parallel_loop3A_410 : vector<16xi32>
          %parallel_loop3A_412 = tpu.vector_load_idx %arg5[%parallel_loop3A_411] : memref<72240xi32, #tpu.memory_space<vmem>>[vector<16xi32>], vector<16xi32>,
          %parallel_loop3A_413 = vector.bitcast %parallel_loop3A_412 : vector<16xi32> to vector<32xbf16>
          %parallel_loop3A_414 = arith.addi %parallel_loop3A_136, %parallel_loop3A_410 : vector<16xi32>
          %parallel_loop3A_415 = tpu.vector_load_idx %arg5[%parallel_loop3A_414] : memref<72240xi32, #tpu.memory_space<vmem>>[vector<16xi32>], vector<16xi32>,
          %parallel_loop3A_416 = vector.bitcast %parallel_loop3A_415 : vector<16xi32> to vector<32xbf16>
          %parallel_loop3A_417 = arith.addi %parallel_loop3A_140, %parallel_loop3A_410 : vector<16xi32>
          %parallel_loop3A_418 = tpu.vector_load_idx %arg5[%parallel_loop3A_417] : memref<72240xi32, #tpu.memory_space<vmem>>[vector<16xi32>], vector<16xi32>,
          %parallel_loop3A_419 = vector.bitcast %parallel_loop3A_418 : vector<16xi32> to vector<32xbf16>
          %parallel_loop3A_420 = arith.addi %parallel_loop3A_144, %parallel_loop3A_410 : vector<16xi32>
          %parallel_loop3A_421 = tpu.vector_load_idx %arg5[%parallel_loop3A_420] : memref<72240xi32, #tpu.memory_space<vmem>>[vector<16xi32>], vector<16xi32>,
          %parallel_loop3A_422 = vector.bitcast %parallel_loop3A_421 : vector<16xi32> to vector<32xbf16>
          %parallel_loop3A_423 = arith.addi %parallel_loop3A_148, %parallel_loop3A_410 : vector<16xi32>
          %parallel_loop3A_424 = tpu.vector_load_idx %arg5[%parallel_loop3A_423] : memref<72240xi32, #tpu.memory_space<vmem>>[vector<16xi32>], vector<16xi32>,
          %parallel_loop3A_425 = vector.bitcast %parallel_loop3A_424 : vector<16xi32> to vector<32xbf16>
          %parallel_loop3A_426 = arith.addi %parallel_loop3A_152, %parallel_loop3A_410 : vector<16xi32>
          %parallel_loop3A_427 = tpu.vector_load_idx %arg5[%parallel_loop3A_426] : memref<72240xi32, #tpu.memory_space<vmem>>[vector<16xi32>], vector<16xi32>,
          %parallel_loop3A_428 = vector.bitcast %parallel_loop3A_427 : vector<16xi32> to vector<32xbf16>
          %parallel_loop3A_429 = arith.addi %parallel_loop3A_156, %parallel_loop3A_410 : vector<16xi32>
          %parallel_loop3A_430 = tpu.vector_load_idx %arg5[%parallel_loop3A_429] : memref<72240xi32, #tpu.memory_space<vmem>>[vector<16xi32>], vector<16xi32>,
          %parallel_loop3A_431 = vector.bitcast %parallel_loop3A_430 : vector<16xi32> to vector<32xbf16>
          %parallel_loop3A_432 = arith.addi %parallel_loop3A_160, %parallel_loop3A_410 : vector<16xi32>
          %parallel_loop3A_433 = tpu.vector_load_idx %arg5[%parallel_loop3A_432] : memref<72240xi32, #tpu.memory_space<vmem>>[vector<16xi32>], vector<16xi32>,
          %parallel_loop3A_434 = vector.bitcast %parallel_loop3A_433 : vector<16xi32> to vector<32xbf16>
          %parallel_loop3A_435 = arith.addi %parallel_loop3A_164, %parallel_loop3A_410 : vector<16xi32>
          %parallel_loop3A_436 = tpu.vector_load_idx %arg5[%parallel_loop3A_435] : memref<72240xi32, #tpu.memory_space<vmem>>[vector<16xi32>], vector<16xi32>,
          %parallel_loop3A_437 = vector.bitcast %parallel_loop3A_436 : vector<16xi32> to vector<32xbf16>
          %parallel_loop3A_438 = arith.addf %parallel_loop3A_413, %parallel_loop3A_416 : vector<32xbf16>
          %parallel_loop3A_439 = arith.addf %parallel_loop3A_438, %parallel_loop3A_419 : vector<32xbf16>
          %parallel_loop3A_440 = arith.addf %parallel_loop3A_439, %parallel_loop3A_422 : vector<32xbf16>
          %parallel_loop3A_441 = arith.addf %parallel_loop3A_425, %parallel_loop3A_428 : vector<32xbf16>
          %parallel_loop3A_442 = arith.addf %parallel_loop3A_441, %parallel_loop3A_431 : vector<32xbf16>
          %parallel_loop3A_443 = arith.addf %parallel_loop3A_442, %parallel_loop3A_434 : vector<32xbf16>
          %parallel_loop3A_444 = arith.addf %parallel_loop3A_443, %parallel_loop3A_437 : vector<32xbf16>
          %parallel_loop3A_445 = tpu.unpack_subelements %parallel_loop3A_440, 0 {pack_format = #tpu.pack_format<interleaved>} : vector<32xbf16> -> vector<16xf32>
          %parallel_loop3A_446 = tpu.unpack_subelements %parallel_loop3A_440, 1 {pack_format = #tpu.pack_format<interleaved>} : vector<32xbf16> -> vector<16xf32>
          %parallel_loop3A_447 = tpu.unpack_subelements %parallel_loop3A_444, 0 {pack_format = #tpu.pack_format<interleaved>} : vector<32xbf16> -> vector<16xf32>
          %parallel_loop3A_448 = tpu.unpack_subelements %parallel_loop3A_444, 1 {pack_format = #tpu.pack_format<interleaved>} : vector<32xbf16> -> vector<16xf32>
          %parallel_loop3A_449 = arith.constant 2 : i32
          %parallel_loop3A_450 = vector.broadcast %parallel_loop3A_449 : i32 to vector<16xi32>
          %parallel_loop3A_451 = arith.muli %parallel_loop3A_450, %parallel_loop3A_410 : vector<16xi32>
          %parallel_loop3A_452 = arith.constant 1 : i32
          %parallel_loop3A_453 = vector.broadcast %parallel_loop3A_452 : i32 to vector<16xi32>
          %parallel_loop3A_454 = arith.addi %parallel_loop3A_451, %parallel_loop3A_453 : vector<16xi32>
          %parallel_loop3A_455 = arith.addf %parallel_loop3A_445, %parallel_loop3A_447 : vector<16xf32>
          %parallel_loop3A_456 = arith.constant 0 : i32
          %parallel_loop3A_457 = arith.constant 0 : i32
          %parallel_loop3A_458 = tpu.memref_slice %arg8[%rem3A_92, %parallel_loop3A_456, %parallel_loop3A_457] : memref<2x256x33xf32, #tpu.memory_space<vmem>> -> memref<1x256x33xf32, #tpu.memory_space<vmem>>
          %parallel_loop3A_459 = tpu.memref_squeeze %parallel_loop3A_458 : memref<1x256x33xf32, #tpu.memory_space<vmem>> -> memref<256x33xf32, #tpu.memory_space<vmem>>
          tpu.vector_store_idx %parallel_loop3A_459[%parallel_loop3A_128, %parallel_loop3A_451], %parallel_loop3A_455 : memref<256x33xf32, #tpu.memory_space<vmem>>[vector<16xi32>, vector<16xi32>], vector<16xf32>,
          %parallel_loop3A_460 = arith.addf %parallel_loop3A_446, %parallel_loop3A_448 : vector<16xf32>
          %parallel_loop3A_461 = arith.constant 0 : i32
          %parallel_loop3A_462 = arith.constant 0 : i32
          %parallel_loop3A_463 = tpu.memref_slice %arg8[%rem3A_92, %parallel_loop3A_461, %parallel_loop3A_462] : memref<2x256x33xf32, #tpu.memory_space<vmem>> -> memref<1x256x33xf32, #tpu.memory_space<vmem>>
          %parallel_loop3A_464 = tpu.memref_squeeze %parallel_loop3A_463 : memref<1x256x33xf32, #tpu.memory_space<vmem>> -> memref<256x33xf32, #tpu.memory_space<vmem>>
          tpu.vector_store_idx %parallel_loop3A_464[%parallel_loop3A_128, %parallel_loop3A_454], %parallel_loop3A_460 : memref<256x33xf32, #tpu.memory_space<vmem>>[vector<16xi32>, vector<16xi32>], vector<16xf32>,
          %parallel_loop3A_465 = arith.constant 5 : i32
          %parallel_loop3A_466 = vector.broadcast %parallel_loop3A_465 : i32 to vector<16xi32>
          %parallel_loop3A_467 = arith.addi %parallel_loop3A_466, %iota3A : vector<16xi32>
          %parallel_loop3A_468 = arith.constant 15 : i32
          %parallel_loop3A_469 = vector.broadcast %parallel_loop3A_468 : i32 to vector<16xi32>
          %parallel_loop3A_470 = arith.andi %parallel_loop3A_467, %parallel_loop3A_469 : vector<16xi32>
          %parallel_loop3A_471 = arith.addi %parallel_loop3A_132, %parallel_loop3A_470 : vector<16xi32>
          %parallel_loop3A_472 = tpu.vector_load_idx %arg5[%parallel_loop3A_471] : memref<72240xi32, #tpu.memory_space<vmem>>[vector<16xi32>], vector<16xi32>,
          %parallel_loop3A_473 = vector.bitcast %parallel_loop3A_472 : vector<16xi32> to vector<32xbf16>
          %parallel_loop3A_474 = arith.addi %parallel_loop3A_136, %parallel_loop3A_470 : vector<16xi32>
          %parallel_loop3A_475 = tpu.vector_load_idx %arg5[%parallel_loop3A_474] : memref<72240xi32, #tpu.memory_space<vmem>>[vector<16xi32>], vector<16xi32>,
          %parallel_loop3A_476 = vector.bitcast %parallel_loop3A_475 : vector<16xi32> to vector<32xbf16>
          %parallel_loop3A_477 = arith.addi %parallel_loop3A_140, %parallel_loop3A_470 : vector<16xi32>
          %parallel_loop3A_478 = tpu.vector_load_idx %arg5[%parallel_loop3A_477] : memref<72240xi32, #tpu.memory_space<vmem>>[vector<16xi32>], vector<16xi32>,
          %parallel_loop3A_479 = vector.bitcast %parallel_loop3A_478 : vector<16xi32> to vector<32xbf16>
          %parallel_loop3A_480 = arith.addi %parallel_loop3A_144, %parallel_loop3A_470 : vector<16xi32>
          %parallel_loop3A_481 = tpu.vector_load_idx %arg5[%parallel_loop3A_480] : memref<72240xi32, #tpu.memory_space<vmem>>[vector<16xi32>], vector<16xi32>,
          %parallel_loop3A_482 = vector.bitcast %parallel_loop3A_481 : vector<16xi32> to vector<32xbf16>
          %parallel_loop3A_483 = arith.addi %parallel_loop3A_148, %parallel_loop3A_470 : vector<16xi32>
          %parallel_loop3A_484 = tpu.vector_load_idx %arg5[%parallel_loop3A_483] : memref<72240xi32, #tpu.memory_space<vmem>>[vector<16xi32>], vector<16xi32>,
          %parallel_loop3A_485 = vector.bitcast %parallel_loop3A_484 : vector<16xi32> to vector<32xbf16>
          %parallel_loop3A_486 = arith.addi %parallel_loop3A_152, %parallel_loop3A_470 : vector<16xi32>
          %parallel_loop3A_487 = tpu.vector_load_idx %arg5[%parallel_loop3A_486] : memref<72240xi32, #tpu.memory_space<vmem>>[vector<16xi32>], vector<16xi32>,
          %parallel_loop3A_488 = vector.bitcast %parallel_loop3A_487 : vector<16xi32> to vector<32xbf16>
          %parallel_loop3A_489 = arith.addi %parallel_loop3A_156, %parallel_loop3A_470 : vector<16xi32>
          %parallel_loop3A_490 = tpu.vector_load_idx %arg5[%parallel_loop3A_489] : memref<72240xi32, #tpu.memory_space<vmem>>[vector<16xi32>], vector<16xi32>,
          %parallel_loop3A_491 = vector.bitcast %parallel_loop3A_490 : vector<16xi32> to vector<32xbf16>
          %parallel_loop3A_492 = arith.addi %parallel_loop3A_160, %parallel_loop3A_470 : vector<16xi32>
          %parallel_loop3A_493 = tpu.vector_load_idx %arg5[%parallel_loop3A_492] : memref<72240xi32, #tpu.memory_space<vmem>>[vector<16xi32>], vector<16xi32>,
          %parallel_loop3A_494 = vector.bitcast %parallel_loop3A_493 : vector<16xi32> to vector<32xbf16>
          %parallel_loop3A_495 = arith.addi %parallel_loop3A_164, %parallel_loop3A_470 : vector<16xi32>
          %parallel_loop3A_496 = tpu.vector_load_idx %arg5[%parallel_loop3A_495] : memref<72240xi32, #tpu.memory_space<vmem>>[vector<16xi32>], vector<16xi32>,
          %parallel_loop3A_497 = vector.bitcast %parallel_loop3A_496 : vector<16xi32> to vector<32xbf16>
          %parallel_loop3A_498 = arith.addf %parallel_loop3A_473, %parallel_loop3A_476 : vector<32xbf16>
          %parallel_loop3A_499 = arith.addf %parallel_loop3A_498, %parallel_loop3A_479 : vector<32xbf16>
          %parallel_loop3A_500 = arith.addf %parallel_loop3A_499, %parallel_loop3A_482 : vector<32xbf16>
          %parallel_loop3A_501 = arith.addf %parallel_loop3A_485, %parallel_loop3A_488 : vector<32xbf16>
          %parallel_loop3A_502 = arith.addf %parallel_loop3A_501, %parallel_loop3A_491 : vector<32xbf16>
          %parallel_loop3A_503 = arith.addf %parallel_loop3A_502, %parallel_loop3A_494 : vector<32xbf16>
          %parallel_loop3A_504 = arith.addf %parallel_loop3A_503, %parallel_loop3A_497 : vector<32xbf16>
          %parallel_loop3A_505 = tpu.unpack_subelements %parallel_loop3A_500, 0 {pack_format = #tpu.pack_format<interleaved>} : vector<32xbf16> -> vector<16xf32>
          %parallel_loop3A_506 = tpu.unpack_subelements %parallel_loop3A_500, 1 {pack_format = #tpu.pack_format<interleaved>} : vector<32xbf16> -> vector<16xf32>
          %parallel_loop3A_507 = tpu.unpack_subelements %parallel_loop3A_504, 0 {pack_format = #tpu.pack_format<interleaved>} : vector<32xbf16> -> vector<16xf32>
          %parallel_loop3A_508 = tpu.unpack_subelements %parallel_loop3A_504, 1 {pack_format = #tpu.pack_format<interleaved>} : vector<32xbf16> -> vector<16xf32>
          %parallel_loop3A_509 = arith.constant 2 : i32
          %parallel_loop3A_510 = vector.broadcast %parallel_loop3A_509 : i32 to vector<16xi32>
          %parallel_loop3A_511 = arith.muli %parallel_loop3A_510, %parallel_loop3A_470 : vector<16xi32>
          %parallel_loop3A_512 = arith.constant 1 : i32
          %parallel_loop3A_513 = vector.broadcast %parallel_loop3A_512 : i32 to vector<16xi32>
          %parallel_loop3A_514 = arith.addi %parallel_loop3A_511, %parallel_loop3A_513 : vector<16xi32>
          %parallel_loop3A_515 = arith.addf %parallel_loop3A_505, %parallel_loop3A_507 : vector<16xf32>
          %parallel_loop3A_516 = arith.constant 0 : i32
          %parallel_loop3A_517 = arith.constant 0 : i32
          %parallel_loop3A_518 = tpu.memref_slice %arg8[%rem3A_92, %parallel_loop3A_516, %parallel_loop3A_517] : memref<2x256x33xf32, #tpu.memory_space<vmem>> -> memref<1x256x33xf32, #tpu.memory_space<vmem>>
          %parallel_loop3A_519 = tpu.memref_squeeze %parallel_loop3A_518 : memref<1x256x33xf32, #tpu.memory_space<vmem>> -> memref<256x33xf32, #tpu.memory_space<vmem>>
          tpu.vector_store_idx %parallel_loop3A_519[%parallel_loop3A_128, %parallel_loop3A_511], %parallel_loop3A_515 : memref<256x33xf32, #tpu.memory_space<vmem>>[vector<16xi32>, vector<16xi32>], vector<16xf32>,
          %parallel_loop3A_520 = arith.addf %parallel_loop3A_506, %parallel_loop3A_508 : vector<16xf32>
          %parallel_loop3A_521 = arith.constant 0 : i32
          %parallel_loop3A_522 = arith.constant 0 : i32
          %parallel_loop3A_523 = tpu.memref_slice %arg8[%rem3A_92, %parallel_loop3A_521, %parallel_loop3A_522] : memref<2x256x33xf32, #tpu.memory_space<vmem>> -> memref<1x256x33xf32, #tpu.memory_space<vmem>>
          %parallel_loop3A_524 = tpu.memref_squeeze %parallel_loop3A_523 : memref<1x256x33xf32, #tpu.memory_space<vmem>> -> memref<256x33xf32, #tpu.memory_space<vmem>>
          tpu.vector_store_idx %parallel_loop3A_524[%parallel_loop3A_128, %parallel_loop3A_514], %parallel_loop3A_520 : memref<256x33xf32, #tpu.memory_space<vmem>>[vector<16xi32>, vector<16xi32>], vector<16xf32>,
          %parallel_loop3A_525 = arith.constant 6 : i32
          %parallel_loop3A_526 = vector.broadcast %parallel_loop3A_525 : i32 to vector<16xi32>
          %parallel_loop3A_527 = arith.addi %parallel_loop3A_526, %iota3A : vector<16xi32>
          %parallel_loop3A_528 = arith.constant 15 : i32
          %parallel_loop3A_529 = vector.broadcast %parallel_loop3A_528 : i32 to vector<16xi32>
          %parallel_loop3A_530 = arith.andi %parallel_loop3A_527, %parallel_loop3A_529 : vector<16xi32>
          %parallel_loop3A_531 = arith.addi %parallel_loop3A_132, %parallel_loop3A_530 : vector<16xi32>
          %parallel_loop3A_532 = tpu.vector_load_idx %arg5[%parallel_loop3A_531] : memref<72240xi32, #tpu.memory_space<vmem>>[vector<16xi32>], vector<16xi32>,
          %parallel_loop3A_533 = vector.bitcast %parallel_loop3A_532 : vector<16xi32> to vector<32xbf16>
          %parallel_loop3A_534 = arith.addi %parallel_loop3A_136, %parallel_loop3A_530 : vector<16xi32>
          %parallel_loop3A_535 = tpu.vector_load_idx %arg5[%parallel_loop3A_534] : memref<72240xi32, #tpu.memory_space<vmem>>[vector<16xi32>], vector<16xi32>,
          %parallel_loop3A_536 = vector.bitcast %parallel_loop3A_535 : vector<16xi32> to vector<32xbf16>
          %parallel_loop3A_537 = arith.addi %parallel_loop3A_140, %parallel_loop3A_530 : vector<16xi32>
          %parallel_loop3A_538 = tpu.vector_load_idx %arg5[%parallel_loop3A_537] : memref<72240xi32, #tpu.memory_space<vmem>>[vector<16xi32>], vector<16xi32>,
          %parallel_loop3A_539 = vector.bitcast %parallel_loop3A_538 : vector<16xi32> to vector<32xbf16>
          %parallel_loop3A_540 = arith.addi %parallel_loop3A_144, %parallel_loop3A_530 : vector<16xi32>
          %parallel_loop3A_541 = tpu.vector_load_idx %arg5[%parallel_loop3A_540] : memref<72240xi32, #tpu.memory_space<vmem>>[vector<16xi32>], vector<16xi32>,
          %parallel_loop3A_542 = vector.bitcast %parallel_loop3A_541 : vector<16xi32> to vector<32xbf16>
          %parallel_loop3A_543 = arith.addi %parallel_loop3A_148, %parallel_loop3A_530 : vector<16xi32>
          %parallel_loop3A_544 = tpu.vector_load_idx %arg5[%parallel_loop3A_543] : memref<72240xi32, #tpu.memory_space<vmem>>[vector<16xi32>], vector<16xi32>,
          %parallel_loop3A_545 = vector.bitcast %parallel_loop3A_544 : vector<16xi32> to vector<32xbf16>
          %parallel_loop3A_546 = arith.addi %parallel_loop3A_152, %parallel_loop3A_530 : vector<16xi32>
          %parallel_loop3A_547 = tpu.vector_load_idx %arg5[%parallel_loop3A_546] : memref<72240xi32, #tpu.memory_space<vmem>>[vector<16xi32>], vector<16xi32>,
          %parallel_loop3A_548 = vector.bitcast %parallel_loop3A_547 : vector<16xi32> to vector<32xbf16>
          %parallel_loop3A_549 = arith.addi %parallel_loop3A_156, %parallel_loop3A_530 : vector<16xi32>
          %parallel_loop3A_550 = tpu.vector_load_idx %arg5[%parallel_loop3A_549] : memref<72240xi32, #tpu.memory_space<vmem>>[vector<16xi32>], vector<16xi32>,
          %parallel_loop3A_551 = vector.bitcast %parallel_loop3A_550 : vector<16xi32> to vector<32xbf16>
          %parallel_loop3A_552 = arith.addi %parallel_loop3A_160, %parallel_loop3A_530 : vector<16xi32>
          %parallel_loop3A_553 = tpu.vector_load_idx %arg5[%parallel_loop3A_552] : memref<72240xi32, #tpu.memory_space<vmem>>[vector<16xi32>], vector<16xi32>,
          %parallel_loop3A_554 = vector.bitcast %parallel_loop3A_553 : vector<16xi32> to vector<32xbf16>
          %parallel_loop3A_555 = arith.addi %parallel_loop3A_164, %parallel_loop3A_530 : vector<16xi32>
          %parallel_loop3A_556 = tpu.vector_load_idx %arg5[%parallel_loop3A_555] : memref<72240xi32, #tpu.memory_space<vmem>>[vector<16xi32>], vector<16xi32>,
          %parallel_loop3A_557 = vector.bitcast %parallel_loop3A_556 : vector<16xi32> to vector<32xbf16>
          %parallel_loop3A_558 = arith.addf %parallel_loop3A_533, %parallel_loop3A_536 : vector<32xbf16>
          %parallel_loop3A_559 = arith.addf %parallel_loop3A_558, %parallel_loop3A_539 : vector<32xbf16>
          %parallel_loop3A_560 = arith.addf %parallel_loop3A_559, %parallel_loop3A_542 : vector<32xbf16>
          %parallel_loop3A_561 = arith.addf %parallel_loop3A_545, %parallel_loop3A_548 : vector<32xbf16>
          %parallel_loop3A_562 = arith.addf %parallel_loop3A_561, %parallel_loop3A_551 : vector<32xbf16>
          %parallel_loop3A_563 = arith.addf %parallel_loop3A_562, %parallel_loop3A_554 : vector<32xbf16>
          %parallel_loop3A_564 = arith.addf %parallel_loop3A_563, %parallel_loop3A_557 : vector<32xbf16>
          %parallel_loop3A_565 = tpu.unpack_subelements %parallel_loop3A_560, 0 {pack_format = #tpu.pack_format<interleaved>} : vector<32xbf16> -> vector<16xf32>
          %parallel_loop3A_566 = tpu.unpack_subelements %parallel_loop3A_560, 1 {pack_format = #tpu.pack_format<interleaved>} : vector<32xbf16> -> vector<16xf32>
          %parallel_loop3A_567 = tpu.unpack_subelements %parallel_loop3A_564, 0 {pack_format = #tpu.pack_format<interleaved>} : vector<32xbf16> -> vector<16xf32>
          %parallel_loop3A_568 = tpu.unpack_subelements %parallel_loop3A_564, 1 {pack_format = #tpu.pack_format<interleaved>} : vector<32xbf16> -> vector<16xf32>
          %parallel_loop3A_569 = arith.constant 2 : i32
          %parallel_loop3A_570 = vector.broadcast %parallel_loop3A_569 : i32 to vector<16xi32>
          %parallel_loop3A_571 = arith.muli %parallel_loop3A_570, %parallel_loop3A_530 : vector<16xi32>
          %parallel_loop3A_572 = arith.constant 1 : i32
          %parallel_loop3A_573 = vector.broadcast %parallel_loop3A_572 : i32 to vector<16xi32>
          %parallel_loop3A_574 = arith.addi %parallel_loop3A_571, %parallel_loop3A_573 : vector<16xi32>
          %parallel_loop3A_575 = arith.addf %parallel_loop3A_565, %parallel_loop3A_567 : vector<16xf32>
          %parallel_loop3A_576 = arith.constant 0 : i32
          %parallel_loop3A_577 = arith.constant 0 : i32
          %parallel_loop3A_578 = tpu.memref_slice %arg8[%rem3A_92, %parallel_loop3A_576, %parallel_loop3A_577] : memref<2x256x33xf32, #tpu.memory_space<vmem>> -> memref<1x256x33xf32, #tpu.memory_space<vmem>>
          %parallel_loop3A_579 = tpu.memref_squeeze %parallel_loop3A_578 : memref<1x256x33xf32, #tpu.memory_space<vmem>> -> memref<256x33xf32, #tpu.memory_space<vmem>>
          tpu.vector_store_idx %parallel_loop3A_579[%parallel_loop3A_128, %parallel_loop3A_571], %parallel_loop3A_575 : memref<256x33xf32, #tpu.memory_space<vmem>>[vector<16xi32>, vector<16xi32>], vector<16xf32>,
          %parallel_loop3A_580 = arith.addf %parallel_loop3A_566, %parallel_loop3A_568 : vector<16xf32>
          %parallel_loop3A_581 = arith.constant 0 : i32
          %parallel_loop3A_582 = arith.constant 0 : i32
          %parallel_loop3A_583 = tpu.memref_slice %arg8[%rem3A_92, %parallel_loop3A_581, %parallel_loop3A_582] : memref<2x256x33xf32, #tpu.memory_space<vmem>> -> memref<1x256x33xf32, #tpu.memory_space<vmem>>
          %parallel_loop3A_584 = tpu.memref_squeeze %parallel_loop3A_583 : memref<1x256x33xf32, #tpu.memory_space<vmem>> -> memref<256x33xf32, #tpu.memory_space<vmem>>
          tpu.vector_store_idx %parallel_loop3A_584[%parallel_loop3A_128, %parallel_loop3A_574], %parallel_loop3A_580 : memref<256x33xf32, #tpu.memory_space<vmem>>[vector<16xi32>, vector<16xi32>], vector<16xf32>,
          %parallel_loop3A_585 = arith.constant 7 : i32
          %parallel_loop3A_586 = vector.broadcast %parallel_loop3A_585 : i32 to vector<16xi32>
          %parallel_loop3A_587 = arith.addi %parallel_loop3A_586, %iota3A : vector<16xi32>
          %parallel_loop3A_588 = arith.constant 15 : i32
          %parallel_loop3A_589 = vector.broadcast %parallel_loop3A_588 : i32 to vector<16xi32>
          %parallel_loop3A_590 = arith.andi %parallel_loop3A_587, %parallel_loop3A_589 : vector<16xi32>
          %parallel_loop3A_591 = arith.addi %parallel_loop3A_132, %parallel_loop3A_590 : vector<16xi32>
          %parallel_loop3A_592 = tpu.vector_load_idx %arg5[%parallel_loop3A_591] : memref<72240xi32, #tpu.memory_space<vmem>>[vector<16xi32>], vector<16xi32>,
          %parallel_loop3A_593 = vector.bitcast %parallel_loop3A_592 : vector<16xi32> to vector<32xbf16>
          %parallel_loop3A_594 = arith.addi %parallel_loop3A_136, %parallel_loop3A_590 : vector<16xi32>
          %parallel_loop3A_595 = tpu.vector_load_idx %arg5[%parallel_loop3A_594] : memref<72240xi32, #tpu.memory_space<vmem>>[vector<16xi32>], vector<16xi32>,
          %parallel_loop3A_596 = vector.bitcast %parallel_loop3A_595 : vector<16xi32> to vector<32xbf16>
          %parallel_loop3A_597 = arith.addi %parallel_loop3A_140, %parallel_loop3A_590 : vector<16xi32>
          %parallel_loop3A_598 = tpu.vector_load_idx %arg5[%parallel_loop3A_597] : memref<72240xi32, #tpu.memory_space<vmem>>[vector<16xi32>], vector<16xi32>,
          %parallel_loop3A_599 = vector.bitcast %parallel_loop3A_598 : vector<16xi32> to vector<32xbf16>
          %parallel_loop3A_600 = arith.addi %parallel_loop3A_144, %parallel_loop3A_590 : vector<16xi32>
          %parallel_loop3A_601 = tpu.vector_load_idx %arg5[%parallel_loop3A_600] : memref<72240xi32, #tpu.memory_space<vmem>>[vector<16xi32>], vector<16xi32>,
          %parallel_loop3A_602 = vector.bitcast %parallel_loop3A_601 : vector<16xi32> to vector<32xbf16>
          %parallel_loop3A_603 = arith.addi %parallel_loop3A_148, %parallel_loop3A_590 : vector<16xi32>
          %parallel_loop3A_604 = tpu.vector_load_idx %arg5[%parallel_loop3A_603] : memref<72240xi32, #tpu.memory_space<vmem>>[vector<16xi32>], vector<16xi32>,
          %parallel_loop3A_605 = vector.bitcast %parallel_loop3A_604 : vector<16xi32> to vector<32xbf16>
          %parallel_loop3A_606 = arith.addi %parallel_loop3A_152, %parallel_loop3A_590 : vector<16xi32>
          %parallel_loop3A_607 = tpu.vector_load_idx %arg5[%parallel_loop3A_606] : memref<72240xi32, #tpu.memory_space<vmem>>[vector<16xi32>], vector<16xi32>,
          %parallel_loop3A_608 = vector.bitcast %parallel_loop3A_607 : vector<16xi32> to vector<32xbf16>
          %parallel_loop3A_609 = arith.addi %parallel_loop3A_156, %parallel_loop3A_590 : vector<16xi32>
          %parallel_loop3A_610 = tpu.vector_load_idx %arg5[%parallel_loop3A_609] : memref<72240xi32, #tpu.memory_space<vmem>>[vector<16xi32>], vector<16xi32>,
          %parallel_loop3A_611 = vector.bitcast %parallel_loop3A_610 : vector<16xi32> to vector<32xbf16>
          %parallel_loop3A_612 = arith.addi %parallel_loop3A_160, %parallel_loop3A_590 : vector<16xi32>
          %parallel_loop3A_613 = tpu.vector_load_idx %arg5[%parallel_loop3A_612] : memref<72240xi32, #tpu.memory_space<vmem>>[vector<16xi32>], vector<16xi32>,
          %parallel_loop3A_614 = vector.bitcast %parallel_loop3A_613 : vector<16xi32> to vector<32xbf16>
          %parallel_loop3A_615 = arith.addi %parallel_loop3A_164, %parallel_loop3A_590 : vector<16xi32>
          %parallel_loop3A_616 = tpu.vector_load_idx %arg5[%parallel_loop3A_615] : memref<72240xi32, #tpu.memory_space<vmem>>[vector<16xi32>], vector<16xi32>,
          %parallel_loop3A_617 = vector.bitcast %parallel_loop3A_616 : vector<16xi32> to vector<32xbf16>
          %parallel_loop3A_618 = arith.addf %parallel_loop3A_593, %parallel_loop3A_596 : vector<32xbf16>
          %parallel_loop3A_619 = arith.addf %parallel_loop3A_618, %parallel_loop3A_599 : vector<32xbf16>
          %parallel_loop3A_620 = arith.addf %parallel_loop3A_619, %parallel_loop3A_602 : vector<32xbf16>
          %parallel_loop3A_621 = arith.addf %parallel_loop3A_605, %parallel_loop3A_608 : vector<32xbf16>
          %parallel_loop3A_622 = arith.addf %parallel_loop3A_621, %parallel_loop3A_611 : vector<32xbf16>
          %parallel_loop3A_623 = arith.addf %parallel_loop3A_622, %parallel_loop3A_614 : vector<32xbf16>
          %parallel_loop3A_624 = arith.addf %parallel_loop3A_623, %parallel_loop3A_617 : vector<32xbf16>
          %parallel_loop3A_625 = tpu.unpack_subelements %parallel_loop3A_620, 0 {pack_format = #tpu.pack_format<interleaved>} : vector<32xbf16> -> vector<16xf32>
          %parallel_loop3A_626 = tpu.unpack_subelements %parallel_loop3A_620, 1 {pack_format = #tpu.pack_format<interleaved>} : vector<32xbf16> -> vector<16xf32>
          %parallel_loop3A_627 = tpu.unpack_subelements %parallel_loop3A_624, 0 {pack_format = #tpu.pack_format<interleaved>} : vector<32xbf16> -> vector<16xf32>
          %parallel_loop3A_628 = tpu.unpack_subelements %parallel_loop3A_624, 1 {pack_format = #tpu.pack_format<interleaved>} : vector<32xbf16> -> vector<16xf32>
          %parallel_loop3A_629 = arith.constant 2 : i32
          %parallel_loop3A_630 = vector.broadcast %parallel_loop3A_629 : i32 to vector<16xi32>
          %parallel_loop3A_631 = arith.muli %parallel_loop3A_630, %parallel_loop3A_590 : vector<16xi32>
          %parallel_loop3A_632 = arith.constant 1 : i32
          %parallel_loop3A_633 = vector.broadcast %parallel_loop3A_632 : i32 to vector<16xi32>
          %parallel_loop3A_634 = arith.addi %parallel_loop3A_631, %parallel_loop3A_633 : vector<16xi32>
          %parallel_loop3A_635 = arith.addf %parallel_loop3A_625, %parallel_loop3A_627 : vector<16xf32>
          %parallel_loop3A_636 = arith.constant 0 : i32
          %parallel_loop3A_637 = arith.constant 0 : i32
          %parallel_loop3A_638 = tpu.memref_slice %arg8[%rem3A_92, %parallel_loop3A_636, %parallel_loop3A_637] : memref<2x256x33xf32, #tpu.memory_space<vmem>> -> memref<1x256x33xf32, #tpu.memory_space<vmem>>
          %parallel_loop3A_639 = tpu.memref_squeeze %parallel_loop3A_638 : memref<1x256x33xf32, #tpu.memory_space<vmem>> -> memref<256x33xf32, #tpu.memory_space<vmem>>
          tpu.vector_store_idx %parallel_loop3A_639[%parallel_loop3A_128, %parallel_loop3A_631], %parallel_loop3A_635 : memref<256x33xf32, #tpu.memory_space<vmem>>[vector<16xi32>, vector<16xi32>], vector<16xf32>,
          %parallel_loop3A_640 = arith.addf %parallel_loop3A_626, %parallel_loop3A_628 : vector<16xf32>
          %parallel_loop3A_641 = arith.constant 0 : i32
          %parallel_loop3A_642 = arith.constant 0 : i32
          %parallel_loop3A_643 = tpu.memref_slice %arg8[%rem3A_92, %parallel_loop3A_641, %parallel_loop3A_642] : memref<2x256x33xf32, #tpu.memory_space<vmem>> -> memref<1x256x33xf32, #tpu.memory_space<vmem>>
          %parallel_loop3A_644 = tpu.memref_squeeze %parallel_loop3A_643 : memref<1x256x33xf32, #tpu.memory_space<vmem>> -> memref<256x33xf32, #tpu.memory_space<vmem>>
          tpu.vector_store_idx %parallel_loop3A_644[%parallel_loop3A_128, %parallel_loop3A_634], %parallel_loop3A_640 : memref<256x33xf32, #tpu.memory_space<vmem>>[vector<16xi32>, vector<16xi32>], vector<16xf32>,
          %parallel_loop3A_645 = arith.constant 8 : i32
          %parallel_loop3A_646 = vector.broadcast %parallel_loop3A_645 : i32 to vector<16xi32>
          %parallel_loop3A_647 = arith.addi %parallel_loop3A_646, %iota3A : vector<16xi32>
          %parallel_loop3A_648 = arith.constant 15 : i32
          %parallel_loop3A_649 = vector.broadcast %parallel_loop3A_648 : i32 to vector<16xi32>
          %parallel_loop3A_650 = arith.andi %parallel_loop3A_647, %parallel_loop3A_649 : vector<16xi32>
          %parallel_loop3A_651 = arith.addi %parallel_loop3A_132, %parallel_loop3A_650 : vector<16xi32>
          %parallel_loop3A_652 = tpu.vector_load_idx %arg5[%parallel_loop3A_651] : memref<72240xi32, #tpu.memory_space<vmem>>[vector<16xi32>], vector<16xi32>,
          %parallel_loop3A_653 = vector.bitcast %parallel_loop3A_652 : vector<16xi32> to vector<32xbf16>
          %parallel_loop3A_654 = arith.addi %parallel_loop3A_136, %parallel_loop3A_650 : vector<16xi32>
          %parallel_loop3A_655 = tpu.vector_load_idx %arg5[%parallel_loop3A_654] : memref<72240xi32, #tpu.memory_space<vmem>>[vector<16xi32>], vector<16xi32>,
          %parallel_loop3A_656 = vector.bitcast %parallel_loop3A_655 : vector<16xi32> to vector<32xbf16>
          %parallel_loop3A_657 = arith.addi %parallel_loop3A_140, %parallel_loop3A_650 : vector<16xi32>
          %parallel_loop3A_658 = tpu.vector_load_idx %arg5[%parallel_loop3A_657] : memref<72240xi32, #tpu.memory_space<vmem>>[vector<16xi32>], vector<16xi32>,
          %parallel_loop3A_659 = vector.bitcast %parallel_loop3A_658 : vector<16xi32> to vector<32xbf16>
          %parallel_loop3A_660 = arith.addi %parallel_loop3A_144, %parallel_loop3A_650 : vector<16xi32>
          %parallel_loop3A_661 = tpu.vector_load_idx %arg5[%parallel_loop3A_660] : memref<72240xi32, #tpu.memory_space<vmem>>[vector<16xi32>], vector<16xi32>,
          %parallel_loop3A_662 = vector.bitcast %parallel_loop3A_661 : vector<16xi32> to vector<32xbf16>
          %parallel_loop3A_663 = arith.addi %parallel_loop3A_148, %parallel_loop3A_650 : vector<16xi32>
          %parallel_loop3A_664 = tpu.vector_load_idx %arg5[%parallel_loop3A_663] : memref<72240xi32, #tpu.memory_space<vmem>>[vector<16xi32>], vector<16xi32>,
          %parallel_loop3A_665 = vector.bitcast %parallel_loop3A_664 : vector<16xi32> to vector<32xbf16>
          %parallel_loop3A_666 = arith.addi %parallel_loop3A_152, %parallel_loop3A_650 : vector<16xi32>
          %parallel_loop3A_667 = tpu.vector_load_idx %arg5[%parallel_loop3A_666] : memref<72240xi32, #tpu.memory_space<vmem>>[vector<16xi32>], vector<16xi32>,
          %parallel_loop3A_668 = vector.bitcast %parallel_loop3A_667 : vector<16xi32> to vector<32xbf16>
          %parallel_loop3A_669 = arith.addi %parallel_loop3A_156, %parallel_loop3A_650 : vector<16xi32>
          %parallel_loop3A_670 = tpu.vector_load_idx %arg5[%parallel_loop3A_669] : memref<72240xi32, #tpu.memory_space<vmem>>[vector<16xi32>], vector<16xi32>,
          %parallel_loop3A_671 = vector.bitcast %parallel_loop3A_670 : vector<16xi32> to vector<32xbf16>
          %parallel_loop3A_672 = arith.addi %parallel_loop3A_160, %parallel_loop3A_650 : vector<16xi32>
          %parallel_loop3A_673 = tpu.vector_load_idx %arg5[%parallel_loop3A_672] : memref<72240xi32, #tpu.memory_space<vmem>>[vector<16xi32>], vector<16xi32>,
          %parallel_loop3A_674 = vector.bitcast %parallel_loop3A_673 : vector<16xi32> to vector<32xbf16>
          %parallel_loop3A_675 = arith.addi %parallel_loop3A_164, %parallel_loop3A_650 : vector<16xi32>
          %parallel_loop3A_676 = tpu.vector_load_idx %arg5[%parallel_loop3A_675] : memref<72240xi32, #tpu.memory_space<vmem>>[vector<16xi32>], vector<16xi32>,
          %parallel_loop3A_677 = vector.bitcast %parallel_loop3A_676 : vector<16xi32> to vector<32xbf16>
          %parallel_loop3A_678 = arith.addf %parallel_loop3A_653, %parallel_loop3A_656 : vector<32xbf16>
          %parallel_loop3A_679 = arith.addf %parallel_loop3A_678, %parallel_loop3A_659 : vector<32xbf16>
          %parallel_loop3A_680 = arith.addf %parallel_loop3A_679, %parallel_loop3A_662 : vector<32xbf16>
          %parallel_loop3A_681 = arith.addf %parallel_loop3A_665, %parallel_loop3A_668 : vector<32xbf16>
          %parallel_loop3A_682 = arith.addf %parallel_loop3A_681, %parallel_loop3A_671 : vector<32xbf16>
          %parallel_loop3A_683 = arith.addf %parallel_loop3A_682, %parallel_loop3A_674 : vector<32xbf16>
          %parallel_loop3A_684 = arith.addf %parallel_loop3A_683, %parallel_loop3A_677 : vector<32xbf16>
          %parallel_loop3A_685 = tpu.unpack_subelements %parallel_loop3A_680, 0 {pack_format = #tpu.pack_format<interleaved>} : vector<32xbf16> -> vector<16xf32>
          %parallel_loop3A_686 = tpu.unpack_subelements %parallel_loop3A_680, 1 {pack_format = #tpu.pack_format<interleaved>} : vector<32xbf16> -> vector<16xf32>
          %parallel_loop3A_687 = tpu.unpack_subelements %parallel_loop3A_684, 0 {pack_format = #tpu.pack_format<interleaved>} : vector<32xbf16> -> vector<16xf32>
          %parallel_loop3A_688 = tpu.unpack_subelements %parallel_loop3A_684, 1 {pack_format = #tpu.pack_format<interleaved>} : vector<32xbf16> -> vector<16xf32>
          %parallel_loop3A_689 = arith.constant 2 : i32
          %parallel_loop3A_690 = vector.broadcast %parallel_loop3A_689 : i32 to vector<16xi32>
          %parallel_loop3A_691 = arith.muli %parallel_loop3A_690, %parallel_loop3A_650 : vector<16xi32>
          %parallel_loop3A_692 = arith.constant 1 : i32
          %parallel_loop3A_693 = vector.broadcast %parallel_loop3A_692 : i32 to vector<16xi32>
          %parallel_loop3A_694 = arith.addi %parallel_loop3A_691, %parallel_loop3A_693 : vector<16xi32>
          %parallel_loop3A_695 = arith.addf %parallel_loop3A_685, %parallel_loop3A_687 : vector<16xf32>
          %parallel_loop3A_696 = arith.constant 0 : i32
          %parallel_loop3A_697 = arith.constant 0 : i32
          %parallel_loop3A_698 = tpu.memref_slice %arg8[%rem3A_92, %parallel_loop3A_696, %parallel_loop3A_697] : memref<2x256x33xf32, #tpu.memory_space<vmem>> -> memref<1x256x33xf32, #tpu.memory_space<vmem>>
          %parallel_loop3A_699 = tpu.memref_squeeze %parallel_loop3A_698 : memref<1x256x33xf32, #tpu.memory_space<vmem>> -> memref<256x33xf32, #tpu.memory_space<vmem>>
          tpu.vector_store_idx %parallel_loop3A_699[%parallel_loop3A_128, %parallel_loop3A_691], %parallel_loop3A_695 : memref<256x33xf32, #tpu.memory_space<vmem>>[vector<16xi32>, vector<16xi32>], vector<16xf32>,
          %parallel_loop3A_700 = arith.addf %parallel_loop3A_686, %parallel_loop3A_688 : vector<16xf32>
          %parallel_loop3A_701 = arith.constant 0 : i32
          %parallel_loop3A_702 = arith.constant 0 : i32
          %parallel_loop3A_703 = tpu.memref_slice %arg8[%rem3A_92, %parallel_loop3A_701, %parallel_loop3A_702] : memref<2x256x33xf32, #tpu.memory_space<vmem>> -> memref<1x256x33xf32, #tpu.memory_space<vmem>>
          %parallel_loop3A_704 = tpu.memref_squeeze %parallel_loop3A_703 : memref<1x256x33xf32, #tpu.memory_space<vmem>> -> memref<256x33xf32, #tpu.memory_space<vmem>>
          tpu.vector_store_idx %parallel_loop3A_704[%parallel_loop3A_128, %parallel_loop3A_694], %parallel_loop3A_700 : memref<256x33xf32, #tpu.memory_space<vmem>>[vector<16xi32>, vector<16xi32>], vector<16xf32>,
          %parallel_loop3A_705 = arith.constant 9 : i32
          %parallel_loop3A_706 = vector.broadcast %parallel_loop3A_705 : i32 to vector<16xi32>
          %parallel_loop3A_707 = arith.addi %parallel_loop3A_706, %iota3A : vector<16xi32>
          %parallel_loop3A_708 = arith.constant 15 : i32
          %parallel_loop3A_709 = vector.broadcast %parallel_loop3A_708 : i32 to vector<16xi32>
          %parallel_loop3A_710 = arith.andi %parallel_loop3A_707, %parallel_loop3A_709 : vector<16xi32>
          %parallel_loop3A_711 = arith.addi %parallel_loop3A_132, %parallel_loop3A_710 : vector<16xi32>
          %parallel_loop3A_712 = tpu.vector_load_idx %arg5[%parallel_loop3A_711] : memref<72240xi32, #tpu.memory_space<vmem>>[vector<16xi32>], vector<16xi32>,
          %parallel_loop3A_713 = vector.bitcast %parallel_loop3A_712 : vector<16xi32> to vector<32xbf16>
          %parallel_loop3A_714 = arith.addi %parallel_loop3A_136, %parallel_loop3A_710 : vector<16xi32>
          %parallel_loop3A_715 = tpu.vector_load_idx %arg5[%parallel_loop3A_714] : memref<72240xi32, #tpu.memory_space<vmem>>[vector<16xi32>], vector<16xi32>,
          %parallel_loop3A_716 = vector.bitcast %parallel_loop3A_715 : vector<16xi32> to vector<32xbf16>
          %parallel_loop3A_717 = arith.addi %parallel_loop3A_140, %parallel_loop3A_710 : vector<16xi32>
          %parallel_loop3A_718 = tpu.vector_load_idx %arg5[%parallel_loop3A_717] : memref<72240xi32, #tpu.memory_space<vmem>>[vector<16xi32>], vector<16xi32>,
          %parallel_loop3A_719 = vector.bitcast %parallel_loop3A_718 : vector<16xi32> to vector<32xbf16>
          %parallel_loop3A_720 = arith.addi %parallel_loop3A_144, %parallel_loop3A_710 : vector<16xi32>
          %parallel_loop3A_721 = tpu.vector_load_idx %arg5[%parallel_loop3A_720] : memref<72240xi32, #tpu.memory_space<vmem>>[vector<16xi32>], vector<16xi32>,
          %parallel_loop3A_722 = vector.bitcast %parallel_loop3A_721 : vector<16xi32> to vector<32xbf16>
          %parallel_loop3A_723 = arith.addi %parallel_loop3A_148, %parallel_loop3A_710 : vector<16xi32>
          %parallel_loop3A_724 = tpu.vector_load_idx %arg5[%parallel_loop3A_723] : memref<72240xi32, #tpu.memory_space<vmem>>[vector<16xi32>], vector<16xi32>,
          %parallel_loop3A_725 = vector.bitcast %parallel_loop3A_724 : vector<16xi32> to vector<32xbf16>
          %parallel_loop3A_726 = arith.addi %parallel_loop3A_152, %parallel_loop3A_710 : vector<16xi32>
          %parallel_loop3A_727 = tpu.vector_load_idx %arg5[%parallel_loop3A_726] : memref<72240xi32, #tpu.memory_space<vmem>>[vector<16xi32>], vector<16xi32>,
          %parallel_loop3A_728 = vector.bitcast %parallel_loop3A_727 : vector<16xi32> to vector<32xbf16>
          %parallel_loop3A_729 = arith.addi %parallel_loop3A_156, %parallel_loop3A_710 : vector<16xi32>
          %parallel_loop3A_730 = tpu.vector_load_idx %arg5[%parallel_loop3A_729] : memref<72240xi32, #tpu.memory_space<vmem>>[vector<16xi32>], vector<16xi32>,
          %parallel_loop3A_731 = vector.bitcast %parallel_loop3A_730 : vector<16xi32> to vector<32xbf16>
          %parallel_loop3A_732 = arith.addi %parallel_loop3A_160, %parallel_loop3A_710 : vector<16xi32>
          %parallel_loop3A_733 = tpu.vector_load_idx %arg5[%parallel_loop3A_732] : memref<72240xi32, #tpu.memory_space<vmem>>[vector<16xi32>], vector<16xi32>,
          %parallel_loop3A_734 = vector.bitcast %parallel_loop3A_733 : vector<16xi32> to vector<32xbf16>
          %parallel_loop3A_735 = arith.addi %parallel_loop3A_164, %parallel_loop3A_710 : vector<16xi32>
          %parallel_loop3A_736 = tpu.vector_load_idx %arg5[%parallel_loop3A_735] : memref<72240xi32, #tpu.memory_space<vmem>>[vector<16xi32>], vector<16xi32>,
          %parallel_loop3A_737 = vector.bitcast %parallel_loop3A_736 : vector<16xi32> to vector<32xbf16>
          %parallel_loop3A_738 = arith.addf %parallel_loop3A_713, %parallel_loop3A_716 : vector<32xbf16>
          %parallel_loop3A_739 = arith.addf %parallel_loop3A_738, %parallel_loop3A_719 : vector<32xbf16>
          %parallel_loop3A_740 = arith.addf %parallel_loop3A_739, %parallel_loop3A_722 : vector<32xbf16>
          %parallel_loop3A_741 = arith.addf %parallel_loop3A_725, %parallel_loop3A_728 : vector<32xbf16>
          %parallel_loop3A_742 = arith.addf %parallel_loop3A_741, %parallel_loop3A_731 : vector<32xbf16>
          %parallel_loop3A_743 = arith.addf %parallel_loop3A_742, %parallel_loop3A_734 : vector<32xbf16>
          %parallel_loop3A_744 = arith.addf %parallel_loop3A_743, %parallel_loop3A_737 : vector<32xbf16>
          %parallel_loop3A_745 = tpu.unpack_subelements %parallel_loop3A_740, 0 {pack_format = #tpu.pack_format<interleaved>} : vector<32xbf16> -> vector<16xf32>
          %parallel_loop3A_746 = tpu.unpack_subelements %parallel_loop3A_740, 1 {pack_format = #tpu.pack_format<interleaved>} : vector<32xbf16> -> vector<16xf32>
          %parallel_loop3A_747 = tpu.unpack_subelements %parallel_loop3A_744, 0 {pack_format = #tpu.pack_format<interleaved>} : vector<32xbf16> -> vector<16xf32>
          %parallel_loop3A_748 = tpu.unpack_subelements %parallel_loop3A_744, 1 {pack_format = #tpu.pack_format<interleaved>} : vector<32xbf16> -> vector<16xf32>
          %parallel_loop3A_749 = arith.constant 2 : i32
          %parallel_loop3A_750 = vector.broadcast %parallel_loop3A_749 : i32 to vector<16xi32>
          %parallel_loop3A_751 = arith.muli %parallel_loop3A_750, %parallel_loop3A_710 : vector<16xi32>
          %parallel_loop3A_752 = arith.constant 1 : i32
          %parallel_loop3A_753 = vector.broadcast %parallel_loop3A_752 : i32 to vector<16xi32>
          %parallel_loop3A_754 = arith.addi %parallel_loop3A_751, %parallel_loop3A_753 : vector<16xi32>
          %parallel_loop3A_755 = arith.addf %parallel_loop3A_745, %parallel_loop3A_747 : vector<16xf32>
          %parallel_loop3A_756 = arith.constant 0 : i32
          %parallel_loop3A_757 = arith.constant 0 : i32
          %parallel_loop3A_758 = tpu.memref_slice %arg8[%rem3A_92, %parallel_loop3A_756, %parallel_loop3A_757] : memref<2x256x33xf32, #tpu.memory_space<vmem>> -> memref<1x256x33xf32, #tpu.memory_space<vmem>>
          %parallel_loop3A_759 = tpu.memref_squeeze %parallel_loop3A_758 : memref<1x256x33xf32, #tpu.memory_space<vmem>> -> memref<256x33xf32, #tpu.memory_space<vmem>>
          tpu.vector_store_idx %parallel_loop3A_759[%parallel_loop3A_128, %parallel_loop3A_751], %parallel_loop3A_755 : memref<256x33xf32, #tpu.memory_space<vmem>>[vector<16xi32>, vector<16xi32>], vector<16xf32>,
          %parallel_loop3A_760 = arith.addf %parallel_loop3A_746, %parallel_loop3A_748 : vector<16xf32>
          %parallel_loop3A_761 = arith.constant 0 : i32
          %parallel_loop3A_762 = arith.constant 0 : i32
          %parallel_loop3A_763 = tpu.memref_slice %arg8[%rem3A_92, %parallel_loop3A_761, %parallel_loop3A_762] : memref<2x256x33xf32, #tpu.memory_space<vmem>> -> memref<1x256x33xf32, #tpu.memory_space<vmem>>
          %parallel_loop3A_764 = tpu.memref_squeeze %parallel_loop3A_763 : memref<1x256x33xf32, #tpu.memory_space<vmem>> -> memref<256x33xf32, #tpu.memory_space<vmem>>
          tpu.vector_store_idx %parallel_loop3A_764[%parallel_loop3A_128, %parallel_loop3A_754], %parallel_loop3A_760 : memref<256x33xf32, #tpu.memory_space<vmem>>[vector<16xi32>, vector<16xi32>], vector<16xf32>,
          %parallel_loop3A_765 = arith.constant 10 : i32
          %parallel_loop3A_766 = vector.broadcast %parallel_loop3A_765 : i32 to vector<16xi32>
          %parallel_loop3A_767 = arith.addi %parallel_loop3A_766, %iota3A : vector<16xi32>
          %parallel_loop3A_768 = arith.constant 15 : i32
          %parallel_loop3A_769 = vector.broadcast %parallel_loop3A_768 : i32 to vector<16xi32>
          %parallel_loop3A_770 = arith.andi %parallel_loop3A_767, %parallel_loop3A_769 : vector<16xi32>
          %parallel_loop3A_771 = arith.addi %parallel_loop3A_132, %parallel_loop3A_770 : vector<16xi32>
          %parallel_loop3A_772 = tpu.vector_load_idx %arg5[%parallel_loop3A_771] : memref<72240xi32, #tpu.memory_space<vmem>>[vector<16xi32>], vector<16xi32>,
          %parallel_loop3A_773 = vector.bitcast %parallel_loop3A_772 : vector<16xi32> to vector<32xbf16>
          %parallel_loop3A_774 = arith.addi %parallel_loop3A_136, %parallel_loop3A_770 : vector<16xi32>
          %parallel_loop3A_775 = tpu.vector_load_idx %arg5[%parallel_loop3A_774] : memref<72240xi32, #tpu.memory_space<vmem>>[vector<16xi32>], vector<16xi32>,
          %parallel_loop3A_776 = vector.bitcast %parallel_loop3A_775 : vector<16xi32> to vector<32xbf16>
          %parallel_loop3A_777 = arith.addi %parallel_loop3A_140, %parallel_loop3A_770 : vector<16xi32>
          %parallel_loop3A_778 = tpu.vector_load_idx %arg5[%parallel_loop3A_777] : memref<72240xi32, #tpu.memory_space<vmem>>[vector<16xi32>], vector<16xi32>,
          %parallel_loop3A_779 = vector.bitcast %parallel_loop3A_778 : vector<16xi32> to vector<32xbf16>
          %parallel_loop3A_780 = arith.addi %parallel_loop3A_144, %parallel_loop3A_770 : vector<16xi32>
          %parallel_loop3A_781 = tpu.vector_load_idx %arg5[%parallel_loop3A_780] : memref<72240xi32, #tpu.memory_space<vmem>>[vector<16xi32>], vector<16xi32>,
          %parallel_loop3A_782 = vector.bitcast %parallel_loop3A_781 : vector<16xi32> to vector<32xbf16>
          %parallel_loop3A_783 = arith.addi %parallel_loop3A_148, %parallel_loop3A_770 : vector<16xi32>
          %parallel_loop3A_784 = tpu.vector_load_idx %arg5[%parallel_loop3A_783] : memref<72240xi32, #tpu.memory_space<vmem>>[vector<16xi32>], vector<16xi32>,
          %parallel_loop3A_785 = vector.bitcast %parallel_loop3A_784 : vector<16xi32> to vector<32xbf16>
          %parallel_loop3A_786 = arith.addi %parallel_loop3A_152, %parallel_loop3A_770 : vector<16xi32>
          %parallel_loop3A_787 = tpu.vector_load_idx %arg5[%parallel_loop3A_786] : memref<72240xi32, #tpu.memory_space<vmem>>[vector<16xi32>], vector<16xi32>,
          %parallel_loop3A_788 = vector.bitcast %parallel_loop3A_787 : vector<16xi32> to vector<32xbf16>
          %parallel_loop3A_789 = arith.addi %parallel_loop3A_156, %parallel_loop3A_770 : vector<16xi32>
          %parallel_loop3A_790 = tpu.vector_load_idx %arg5[%parallel_loop3A_789] : memref<72240xi32, #tpu.memory_space<vmem>>[vector<16xi32>], vector<16xi32>,
          %parallel_loop3A_791 = vector.bitcast %parallel_loop3A_790 : vector<16xi32> to vector<32xbf16>
          %parallel_loop3A_792 = arith.addi %parallel_loop3A_160, %parallel_loop3A_770 : vector<16xi32>
          %parallel_loop3A_793 = tpu.vector_load_idx %arg5[%parallel_loop3A_792] : memref<72240xi32, #tpu.memory_space<vmem>>[vector<16xi32>], vector<16xi32>,
          %parallel_loop3A_794 = vector.bitcast %parallel_loop3A_793 : vector<16xi32> to vector<32xbf16>
          %parallel_loop3A_795 = arith.addi %parallel_loop3A_164, %parallel_loop3A_770 : vector<16xi32>
          %parallel_loop3A_796 = tpu.vector_load_idx %arg5[%parallel_loop3A_795] : memref<72240xi32, #tpu.memory_space<vmem>>[vector<16xi32>], vector<16xi32>,
          %parallel_loop3A_797 = vector.bitcast %parallel_loop3A_796 : vector<16xi32> to vector<32xbf16>
          %parallel_loop3A_798 = arith.addf %parallel_loop3A_773, %parallel_loop3A_776 : vector<32xbf16>
          %parallel_loop3A_799 = arith.addf %parallel_loop3A_798, %parallel_loop3A_779 : vector<32xbf16>
          %parallel_loop3A_800 = arith.addf %parallel_loop3A_799, %parallel_loop3A_782 : vector<32xbf16>
          %parallel_loop3A_801 = arith.addf %parallel_loop3A_785, %parallel_loop3A_788 : vector<32xbf16>
          %parallel_loop3A_802 = arith.addf %parallel_loop3A_801, %parallel_loop3A_791 : vector<32xbf16>
          %parallel_loop3A_803 = arith.addf %parallel_loop3A_802, %parallel_loop3A_794 : vector<32xbf16>
          %parallel_loop3A_804 = arith.addf %parallel_loop3A_803, %parallel_loop3A_797 : vector<32xbf16>
          %parallel_loop3A_805 = tpu.unpack_subelements %parallel_loop3A_800, 0 {pack_format = #tpu.pack_format<interleaved>} : vector<32xbf16> -> vector<16xf32>
          %parallel_loop3A_806 = tpu.unpack_subelements %parallel_loop3A_800, 1 {pack_format = #tpu.pack_format<interleaved>} : vector<32xbf16> -> vector<16xf32>
          %parallel_loop3A_807 = tpu.unpack_subelements %parallel_loop3A_804, 0 {pack_format = #tpu.pack_format<interleaved>} : vector<32xbf16> -> vector<16xf32>
          %parallel_loop3A_808 = tpu.unpack_subelements %parallel_loop3A_804, 1 {pack_format = #tpu.pack_format<interleaved>} : vector<32xbf16> -> vector<16xf32>
          %parallel_loop3A_809 = arith.constant 2 : i32
          %parallel_loop3A_810 = vector.broadcast %parallel_loop3A_809 : i32 to vector<16xi32>
          %parallel_loop3A_811 = arith.muli %parallel_loop3A_810, %parallel_loop3A_770 : vector<16xi32>
          %parallel_loop3A_812 = arith.constant 1 : i32
          %parallel_loop3A_813 = vector.broadcast %parallel_loop3A_812 : i32 to vector<16xi32>
          %parallel_loop3A_814 = arith.addi %parallel_loop3A_811, %parallel_loop3A_813 : vector<16xi32>
          %parallel_loop3A_815 = arith.addf %parallel_loop3A_805, %parallel_loop3A_807 : vector<16xf32>
          %parallel_loop3A_816 = arith.constant 0 : i32
          %parallel_loop3A_817 = arith.constant 0 : i32
          %parallel_loop3A_818 = tpu.memref_slice %arg8[%rem3A_92, %parallel_loop3A_816, %parallel_loop3A_817] : memref<2x256x33xf32, #tpu.memory_space<vmem>> -> memref<1x256x33xf32, #tpu.memory_space<vmem>>
          %parallel_loop3A_819 = tpu.memref_squeeze %parallel_loop3A_818 : memref<1x256x33xf32, #tpu.memory_space<vmem>> -> memref<256x33xf32, #tpu.memory_space<vmem>>
          tpu.vector_store_idx %parallel_loop3A_819[%parallel_loop3A_128, %parallel_loop3A_811], %parallel_loop3A_815 : memref<256x33xf32, #tpu.memory_space<vmem>>[vector<16xi32>, vector<16xi32>], vector<16xf32>,
          %parallel_loop3A_820 = arith.addf %parallel_loop3A_806, %parallel_loop3A_808 : vector<16xf32>
          %parallel_loop3A_821 = arith.constant 0 : i32
          %parallel_loop3A_822 = arith.constant 0 : i32
          %parallel_loop3A_823 = tpu.memref_slice %arg8[%rem3A_92, %parallel_loop3A_821, %parallel_loop3A_822] : memref<2x256x33xf32, #tpu.memory_space<vmem>> -> memref<1x256x33xf32, #tpu.memory_space<vmem>>
          %parallel_loop3A_824 = tpu.memref_squeeze %parallel_loop3A_823 : memref<1x256x33xf32, #tpu.memory_space<vmem>> -> memref<256x33xf32, #tpu.memory_space<vmem>>
          tpu.vector_store_idx %parallel_loop3A_824[%parallel_loop3A_128, %parallel_loop3A_814], %parallel_loop3A_820 : memref<256x33xf32, #tpu.memory_space<vmem>>[vector<16xi32>, vector<16xi32>], vector<16xf32>,
          %parallel_loop3A_825 = arith.constant 11 : i32
          %parallel_loop3A_826 = vector.broadcast %parallel_loop3A_825 : i32 to vector<16xi32>
          %parallel_loop3A_827 = arith.addi %parallel_loop3A_826, %iota3A : vector<16xi32>
          %parallel_loop3A_828 = arith.constant 15 : i32
          %parallel_loop3A_829 = vector.broadcast %parallel_loop3A_828 : i32 to vector<16xi32>
          %parallel_loop3A_830 = arith.andi %parallel_loop3A_827, %parallel_loop3A_829 : vector<16xi32>
          %parallel_loop3A_831 = arith.addi %parallel_loop3A_132, %parallel_loop3A_830 : vector<16xi32>
          %parallel_loop3A_832 = tpu.vector_load_idx %arg5[%parallel_loop3A_831] : memref<72240xi32, #tpu.memory_space<vmem>>[vector<16xi32>], vector<16xi32>,
          %parallel_loop3A_833 = vector.bitcast %parallel_loop3A_832 : vector<16xi32> to vector<32xbf16>
          %parallel_loop3A_834 = arith.addi %parallel_loop3A_136, %parallel_loop3A_830 : vector<16xi32>
          %parallel_loop3A_835 = tpu.vector_load_idx %arg5[%parallel_loop3A_834] : memref<72240xi32, #tpu.memory_space<vmem>>[vector<16xi32>], vector<16xi32>,
          %parallel_loop3A_836 = vector.bitcast %parallel_loop3A_835 : vector<16xi32> to vector<32xbf16>
          %parallel_loop3A_837 = arith.addi %parallel_loop3A_140, %parallel_loop3A_830 : vector<16xi32>
          %parallel_loop3A_838 = tpu.vector_load_idx %arg5[%parallel_loop3A_837] : memref<72240xi32, #tpu.memory_space<vmem>>[vector<16xi32>], vector<16xi32>,
          %parallel_loop3A_839 = vector.bitcast %parallel_loop3A_838 : vector<16xi32> to vector<32xbf16>
          %parallel_loop3A_840 = arith.addi %parallel_loop3A_144, %parallel_loop3A_830 : vector<16xi32>
          %parallel_loop3A_841 = tpu.vector_load_idx %arg5[%parallel_loop3A_840] : memref<72240xi32, #tpu.memory_space<vmem>>[vector<16xi32>], vector<16xi32>,
          %parallel_loop3A_842 = vector.bitcast %parallel_loop3A_841 : vector<16xi32> to vector<32xbf16>
          %parallel_loop3A_843 = arith.addi %parallel_loop3A_148, %parallel_loop3A_830 : vector<16xi32>
          %parallel_loop3A_844 = tpu.vector_load_idx %arg5[%parallel_loop3A_843] : memref<72240xi32, #tpu.memory_space<vmem>>[vector<16xi32>], vector<16xi32>,
          %parallel_loop3A_845 = vector.bitcast %parallel_loop3A_844 : vector<16xi32> to vector<32xbf16>
          %parallel_loop3A_846 = arith.addi %parallel_loop3A_152, %parallel_loop3A_830 : vector<16xi32>
          %parallel_loop3A_847 = tpu.vector_load_idx %arg5[%parallel_loop3A_846] : memref<72240xi32, #tpu.memory_space<vmem>>[vector<16xi32>], vector<16xi32>,
          %parallel_loop3A_848 = vector.bitcast %parallel_loop3A_847 : vector<16xi32> to vector<32xbf16>
          %parallel_loop3A_849 = arith.addi %parallel_loop3A_156, %parallel_loop3A_830 : vector<16xi32>
          %parallel_loop3A_850 = tpu.vector_load_idx %arg5[%parallel_loop3A_849] : memref<72240xi32, #tpu.memory_space<vmem>>[vector<16xi32>], vector<16xi32>,
          %parallel_loop3A_851 = vector.bitcast %parallel_loop3A_850 : vector<16xi32> to vector<32xbf16>
          %parallel_loop3A_852 = arith.addi %parallel_loop3A_160, %parallel_loop3A_830 : vector<16xi32>
          %parallel_loop3A_853 = tpu.vector_load_idx %arg5[%parallel_loop3A_852] : memref<72240xi32, #tpu.memory_space<vmem>>[vector<16xi32>], vector<16xi32>,
          %parallel_loop3A_854 = vector.bitcast %parallel_loop3A_853 : vector<16xi32> to vector<32xbf16>
          %parallel_loop3A_855 = arith.addi %parallel_loop3A_164, %parallel_loop3A_830 : vector<16xi32>
          %parallel_loop3A_856 = tpu.vector_load_idx %arg5[%parallel_loop3A_855] : memref<72240xi32, #tpu.memory_space<vmem>>[vector<16xi32>], vector<16xi32>,
          %parallel_loop3A_857 = vector.bitcast %parallel_loop3A_856 : vector<16xi32> to vector<32xbf16>
          %parallel_loop3A_858 = arith.addf %parallel_loop3A_833, %parallel_loop3A_836 : vector<32xbf16>
          %parallel_loop3A_859 = arith.addf %parallel_loop3A_858, %parallel_loop3A_839 : vector<32xbf16>
          %parallel_loop3A_860 = arith.addf %parallel_loop3A_859, %parallel_loop3A_842 : vector<32xbf16>
          %parallel_loop3A_861 = arith.addf %parallel_loop3A_845, %parallel_loop3A_848 : vector<32xbf16>
          %parallel_loop3A_862 = arith.addf %parallel_loop3A_861, %parallel_loop3A_851 : vector<32xbf16>
          %parallel_loop3A_863 = arith.addf %parallel_loop3A_862, %parallel_loop3A_854 : vector<32xbf16>
          %parallel_loop3A_864 = arith.addf %parallel_loop3A_863, %parallel_loop3A_857 : vector<32xbf16>
          %parallel_loop3A_865 = tpu.unpack_subelements %parallel_loop3A_860, 0 {pack_format = #tpu.pack_format<interleaved>} : vector<32xbf16> -> vector<16xf32>
          %parallel_loop3A_866 = tpu.unpack_subelements %parallel_loop3A_860, 1 {pack_format = #tpu.pack_format<interleaved>} : vector<32xbf16> -> vector<16xf32>
          %parallel_loop3A_867 = tpu.unpack_subelements %parallel_loop3A_864, 0 {pack_format = #tpu.pack_format<interleaved>} : vector<32xbf16> -> vector<16xf32>
          %parallel_loop3A_868 = tpu.unpack_subelements %parallel_loop3A_864, 1 {pack_format = #tpu.pack_format<interleaved>} : vector<32xbf16> -> vector<16xf32>
          %parallel_loop3A_869 = arith.constant 2 : i32
          %parallel_loop3A_870 = vector.broadcast %parallel_loop3A_869 : i32 to vector<16xi32>
          %parallel_loop3A_871 = arith.muli %parallel_loop3A_870, %parallel_loop3A_830 : vector<16xi32>
          %parallel_loop3A_872 = arith.constant 1 : i32
          %parallel_loop3A_873 = vector.broadcast %parallel_loop3A_872 : i32 to vector<16xi32>
          %parallel_loop3A_874 = arith.addi %parallel_loop3A_871, %parallel_loop3A_873 : vector<16xi32>
          %parallel_loop3A_875 = arith.addf %parallel_loop3A_865, %parallel_loop3A_867 : vector<16xf32>
          %parallel_loop3A_876 = arith.constant 0 : i32
          %parallel_loop3A_877 = arith.constant 0 : i32
          %parallel_loop3A_878 = tpu.memref_slice %arg8[%rem3A_92, %parallel_loop3A_876, %parallel_loop3A_877] : memref<2x256x33xf32, #tpu.memory_space<vmem>> -> memref<1x256x33xf32, #tpu.memory_space<vmem>>
          %parallel_loop3A_879 = tpu.memref_squeeze %parallel_loop3A_878 : memref<1x256x33xf32, #tpu.memory_space<vmem>> -> memref<256x33xf32, #tpu.memory_space<vmem>>
          tpu.vector_store_idx %parallel_loop3A_879[%parallel_loop3A_128, %parallel_loop3A_871], %parallel_loop3A_875 : memref<256x33xf32, #tpu.memory_space<vmem>>[vector<16xi32>, vector<16xi32>], vector<16xf32>,
          %parallel_loop3A_880 = arith.addf %parallel_loop3A_866, %parallel_loop3A_868 : vector<16xf32>
          %parallel_loop3A_881 = arith.constant 0 : i32
          %parallel_loop3A_882 = arith.constant 0 : i32
          %parallel_loop3A_883 = tpu.memref_slice %arg8[%rem3A_92, %parallel_loop3A_881, %parallel_loop3A_882] : memref<2x256x33xf32, #tpu.memory_space<vmem>> -> memref<1x256x33xf32, #tpu.memory_space<vmem>>
          %parallel_loop3A_884 = tpu.memref_squeeze %parallel_loop3A_883 : memref<1x256x33xf32, #tpu.memory_space<vmem>> -> memref<256x33xf32, #tpu.memory_space<vmem>>
          tpu.vector_store_idx %parallel_loop3A_884[%parallel_loop3A_128, %parallel_loop3A_874], %parallel_loop3A_880 : memref<256x33xf32, #tpu.memory_space<vmem>>[vector<16xi32>, vector<16xi32>], vector<16xf32>,
          %parallel_loop3A_885 = arith.constant 12 : i32
          %parallel_loop3A_886 = vector.broadcast %parallel_loop3A_885 : i32 to vector<16xi32>
          %parallel_loop3A_887 = arith.addi %parallel_loop3A_886, %iota3A : vector<16xi32>
          %parallel_loop3A_888 = arith.constant 15 : i32
          %parallel_loop3A_889 = vector.broadcast %parallel_loop3A_888 : i32 to vector<16xi32>
          %parallel_loop3A_890 = arith.andi %parallel_loop3A_887, %parallel_loop3A_889 : vector<16xi32>
          %parallel_loop3A_891 = arith.addi %parallel_loop3A_132, %parallel_loop3A_890 : vector<16xi32>
          %parallel_loop3A_892 = tpu.vector_load_idx %arg5[%parallel_loop3A_891] : memref<72240xi32, #tpu.memory_space<vmem>>[vector<16xi32>], vector<16xi32>,
          %parallel_loop3A_893 = vector.bitcast %parallel_loop3A_892 : vector<16xi32> to vector<32xbf16>
          %parallel_loop3A_894 = arith.addi %parallel_loop3A_136, %parallel_loop3A_890 : vector<16xi32>
          %parallel_loop3A_895 = tpu.vector_load_idx %arg5[%parallel_loop3A_894] : memref<72240xi32, #tpu.memory_space<vmem>>[vector<16xi32>], vector<16xi32>,
          %parallel_loop3A_896 = vector.bitcast %parallel_loop3A_895 : vector<16xi32> to vector<32xbf16>
          %parallel_loop3A_897 = arith.addi %parallel_loop3A_140, %parallel_loop3A_890 : vector<16xi32>
          %parallel_loop3A_898 = tpu.vector_load_idx %arg5[%parallel_loop3A_897] : memref<72240xi32, #tpu.memory_space<vmem>>[vector<16xi32>], vector<16xi32>,
          %parallel_loop3A_899 = vector.bitcast %parallel_loop3A_898 : vector<16xi32> to vector<32xbf16>
          %parallel_loop3A_900 = arith.addi %parallel_loop3A_144, %parallel_loop3A_890 : vector<16xi32>
          %parallel_loop3A_901 = tpu.vector_load_idx %arg5[%parallel_loop3A_900] : memref<72240xi32, #tpu.memory_space<vmem>>[vector<16xi32>], vector<16xi32>,
          %parallel_loop3A_902 = vector.bitcast %parallel_loop3A_901 : vector<16xi32> to vector<32xbf16>
          %parallel_loop3A_903 = arith.addi %parallel_loop3A_148, %parallel_loop3A_890 : vector<16xi32>
          %parallel_loop3A_904 = tpu.vector_load_idx %arg5[%parallel_loop3A_903] : memref<72240xi32, #tpu.memory_space<vmem>>[vector<16xi32>], vector<16xi32>,
          %parallel_loop3A_905 = vector.bitcast %parallel_loop3A_904 : vector<16xi32> to vector<32xbf16>
          %parallel_loop3A_906 = arith.addi %parallel_loop3A_152, %parallel_loop3A_890 : vector<16xi32>
          %parallel_loop3A_907 = tpu.vector_load_idx %arg5[%parallel_loop3A_906] : memref<72240xi32, #tpu.memory_space<vmem>>[vector<16xi32>], vector<16xi32>,
          %parallel_loop3A_908 = vector.bitcast %parallel_loop3A_907 : vector<16xi32> to vector<32xbf16>
          %parallel_loop3A_909 = arith.addi %parallel_loop3A_156, %parallel_loop3A_890 : vector<16xi32>
          %parallel_loop3A_910 = tpu.vector_load_idx %arg5[%parallel_loop3A_909] : memref<72240xi32, #tpu.memory_space<vmem>>[vector<16xi32>], vector<16xi32>,
          %parallel_loop3A_911 = vector.bitcast %parallel_loop3A_910 : vector<16xi32> to vector<32xbf16>
          %parallel_loop3A_912 = arith.addi %parallel_loop3A_160, %parallel_loop3A_890 : vector<16xi32>
          %parallel_loop3A_913 = tpu.vector_load_idx %arg5[%parallel_loop3A_912] : memref<72240xi32, #tpu.memory_space<vmem>>[vector<16xi32>], vector<16xi32>,
          %parallel_loop3A_914 = vector.bitcast %parallel_loop3A_913 : vector<16xi32> to vector<32xbf16>
          %parallel_loop3A_915 = arith.addi %parallel_loop3A_164, %parallel_loop3A_890 : vector<16xi32>
          %parallel_loop3A_916 = tpu.vector_load_idx %arg5[%parallel_loop3A_915] : memref<72240xi32, #tpu.memory_space<vmem>>[vector<16xi32>], vector<16xi32>,
          %parallel_loop3A_917 = vector.bitcast %parallel_loop3A_916 : vector<16xi32> to vector<32xbf16>
          %parallel_loop3A_918 = arith.addf %parallel_loop3A_893, %parallel_loop3A_896 : vector<32xbf16>
          %parallel_loop3A_919 = arith.addf %parallel_loop3A_918, %parallel_loop3A_899 : vector<32xbf16>
          %parallel_loop3A_920 = arith.addf %parallel_loop3A_919, %parallel_loop3A_902 : vector<32xbf16>
          %parallel_loop3A_921 = arith.addf %parallel_loop3A_905, %parallel_loop3A_908 : vector<32xbf16>
          %parallel_loop3A_922 = arith.addf %parallel_loop3A_921, %parallel_loop3A_911 : vector<32xbf16>
          %parallel_loop3A_923 = arith.addf %parallel_loop3A_922, %parallel_loop3A_914 : vector<32xbf16>
          %parallel_loop3A_924 = arith.addf %parallel_loop3A_923, %parallel_loop3A_917 : vector<32xbf16>
          %parallel_loop3A_925 = tpu.unpack_subelements %parallel_loop3A_920, 0 {pack_format = #tpu.pack_format<interleaved>} : vector<32xbf16> -> vector<16xf32>
          %parallel_loop3A_926 = tpu.unpack_subelements %parallel_loop3A_920, 1 {pack_format = #tpu.pack_format<interleaved>} : vector<32xbf16> -> vector<16xf32>
          %parallel_loop3A_927 = tpu.unpack_subelements %parallel_loop3A_924, 0 {pack_format = #tpu.pack_format<interleaved>} : vector<32xbf16> -> vector<16xf32>
          %parallel_loop3A_928 = tpu.unpack_subelements %parallel_loop3A_924, 1 {pack_format = #tpu.pack_format<interleaved>} : vector<32xbf16> -> vector<16xf32>
          %parallel_loop3A_929 = arith.constant 2 : i32
          %parallel_loop3A_930 = vector.broadcast %parallel_loop3A_929 : i32 to vector<16xi32>
          %parallel_loop3A_931 = arith.muli %parallel_loop3A_930, %parallel_loop3A_890 : vector<16xi32>
          %parallel_loop3A_932 = arith.constant 1 : i32
          %parallel_loop3A_933 = vector.broadcast %parallel_loop3A_932 : i32 to vector<16xi32>
          %parallel_loop3A_934 = arith.addi %parallel_loop3A_931, %parallel_loop3A_933 : vector<16xi32>
          %parallel_loop3A_935 = arith.addf %parallel_loop3A_925, %parallel_loop3A_927 : vector<16xf32>
          %parallel_loop3A_936 = arith.constant 0 : i32
          %parallel_loop3A_937 = arith.constant 0 : i32
          %parallel_loop3A_938 = tpu.memref_slice %arg8[%rem3A_92, %parallel_loop3A_936, %parallel_loop3A_937] : memref<2x256x33xf32, #tpu.memory_space<vmem>> -> memref<1x256x33xf32, #tpu.memory_space<vmem>>
          %parallel_loop3A_939 = tpu.memref_squeeze %parallel_loop3A_938 : memref<1x256x33xf32, #tpu.memory_space<vmem>> -> memref<256x33xf32, #tpu.memory_space<vmem>>
          tpu.vector_store_idx %parallel_loop3A_939[%parallel_loop3A_128, %parallel_loop3A_931], %parallel_loop3A_935 : memref<256x33xf32, #tpu.memory_space<vmem>>[vector<16xi32>, vector<16xi32>], vector<16xf32>,
          %parallel_loop3A_940 = arith.addf %parallel_loop3A_926, %parallel_loop3A_928 : vector<16xf32>
          %parallel_loop3A_941 = arith.constant 0 : i32
          %parallel_loop3A_942 = arith.constant 0 : i32
          %parallel_loop3A_943 = tpu.memref_slice %arg8[%rem3A_92, %parallel_loop3A_941, %parallel_loop3A_942] : memref<2x256x33xf32, #tpu.memory_space<vmem>> -> memref<1x256x33xf32, #tpu.memory_space<vmem>>
          %parallel_loop3A_944 = tpu.memref_squeeze %parallel_loop3A_943 : memref<1x256x33xf32, #tpu.memory_space<vmem>> -> memref<256x33xf32, #tpu.memory_space<vmem>>
          tpu.vector_store_idx %parallel_loop3A_944[%parallel_loop3A_128, %parallel_loop3A_934], %parallel_loop3A_940 : memref<256x33xf32, #tpu.memory_space<vmem>>[vector<16xi32>, vector<16xi32>], vector<16xf32>,
          %parallel_loop3A_945 = arith.constant 13 : i32
          %parallel_loop3A_946 = vector.broadcast %parallel_loop3A_945 : i32 to vector<16xi32>
          %parallel_loop3A_947 = arith.addi %parallel_loop3A_946, %iota3A : vector<16xi32>
          %parallel_loop3A_948 = arith.constant 15 : i32
          %parallel_loop3A_949 = vector.broadcast %parallel_loop3A_948 : i32 to vector<16xi32>
          %parallel_loop3A_950 = arith.andi %parallel_loop3A_947, %parallel_loop3A_949 : vector<16xi32>
          %parallel_loop3A_951 = arith.addi %parallel_loop3A_132, %parallel_loop3A_950 : vector<16xi32>
          %parallel_loop3A_952 = tpu.vector_load_idx %arg5[%parallel_loop3A_951] : memref<72240xi32, #tpu.memory_space<vmem>>[vector<16xi32>], vector<16xi32>,
          %parallel_loop3A_953 = vector.bitcast %parallel_loop3A_952 : vector<16xi32> to vector<32xbf16>
          %parallel_loop3A_954 = arith.addi %parallel_loop3A_136, %parallel_loop3A_950 : vector<16xi32>
          %parallel_loop3A_955 = tpu.vector_load_idx %arg5[%parallel_loop3A_954] : memref<72240xi32, #tpu.memory_space<vmem>>[vector<16xi32>], vector<16xi32>,
          %parallel_loop3A_956 = vector.bitcast %parallel_loop3A_955 : vector<16xi32> to vector<32xbf16>
          %parallel_loop3A_957 = arith.addi %parallel_loop3A_140, %parallel_loop3A_950 : vector<16xi32>
          %parallel_loop3A_958 = tpu.vector_load_idx %arg5[%parallel_loop3A_957] : memref<72240xi32, #tpu.memory_space<vmem>>[vector<16xi32>], vector<16xi32>,
          %parallel_loop3A_959 = vector.bitcast %parallel_loop3A_958 : vector<16xi32> to vector<32xbf16>
          %parallel_loop3A_960 = arith.addi %parallel_loop3A_144, %parallel_loop3A_950 : vector<16xi32>
          %parallel_loop3A_961 = tpu.vector_load_idx %arg5[%parallel_loop3A_960] : memref<72240xi32, #tpu.memory_space<vmem>>[vector<16xi32>], vector<16xi32>,
          %parallel_loop3A_962 = vector.bitcast %parallel_loop3A_961 : vector<16xi32> to vector<32xbf16>
          %parallel_loop3A_963 = arith.addi %parallel_loop3A_148, %parallel_loop3A_950 : vector<16xi32>
          %parallel_loop3A_964 = tpu.vector_load_idx %arg5[%parallel_loop3A_963] : memref<72240xi32, #tpu.memory_space<vmem>>[vector<16xi32>], vector<16xi32>,
          %parallel_loop3A_965 = vector.bitcast %parallel_loop3A_964 : vector<16xi32> to vector<32xbf16>
          %parallel_loop3A_966 = arith.addi %parallel_loop3A_152, %parallel_loop3A_950 : vector<16xi32>
          %parallel_loop3A_967 = tpu.vector_load_idx %arg5[%parallel_loop3A_966] : memref<72240xi32, #tpu.memory_space<vmem>>[vector<16xi32>], vector<16xi32>,
          %parallel_loop3A_968 = vector.bitcast %parallel_loop3A_967 : vector<16xi32> to vector<32xbf16>
          %parallel_loop3A_969 = arith.addi %parallel_loop3A_156, %parallel_loop3A_950 : vector<16xi32>
          %parallel_loop3A_970 = tpu.vector_load_idx %arg5[%parallel_loop3A_969] : memref<72240xi32, #tpu.memory_space<vmem>>[vector<16xi32>], vector<16xi32>,
          %parallel_loop3A_971 = vector.bitcast %parallel_loop3A_970 : vector<16xi32> to vector<32xbf16>
          %parallel_loop3A_972 = arith.addi %parallel_loop3A_160, %parallel_loop3A_950 : vector<16xi32>
          %parallel_loop3A_973 = tpu.vector_load_idx %arg5[%parallel_loop3A_972] : memref<72240xi32, #tpu.memory_space<vmem>>[vector<16xi32>], vector<16xi32>,
          %parallel_loop3A_974 = vector.bitcast %parallel_loop3A_973 : vector<16xi32> to vector<32xbf16>
          %parallel_loop3A_975 = arith.addi %parallel_loop3A_164, %parallel_loop3A_950 : vector<16xi32>
          %parallel_loop3A_976 = tpu.vector_load_idx %arg5[%parallel_loop3A_975] : memref<72240xi32, #tpu.memory_space<vmem>>[vector<16xi32>], vector<16xi32>,
          %parallel_loop3A_977 = vector.bitcast %parallel_loop3A_976 : vector<16xi32> to vector<32xbf16>
          %parallel_loop3A_978 = arith.addf %parallel_loop3A_953, %parallel_loop3A_956 : vector<32xbf16>
          %parallel_loop3A_979 = arith.addf %parallel_loop3A_978, %parallel_loop3A_959 : vector<32xbf16>
          %parallel_loop3A_980 = arith.addf %parallel_loop3A_979, %parallel_loop3A_962 : vector<32xbf16>
          %parallel_loop3A_981 = arith.addf %parallel_loop3A_965, %parallel_loop3A_968 : vector<32xbf16>
          %parallel_loop3A_982 = arith.addf %parallel_loop3A_981, %parallel_loop3A_971 : vector<32xbf16>
          %parallel_loop3A_983 = arith.addf %parallel_loop3A_982, %parallel_loop3A_974 : vector<32xbf16>
          %parallel_loop3A_984 = arith.addf %parallel_loop3A_983, %parallel_loop3A_977 : vector<32xbf16>
          %parallel_loop3A_985 = tpu.unpack_subelements %parallel_loop3A_980, 0 {pack_format = #tpu.pack_format<interleaved>} : vector<32xbf16> -> vector<16xf32>
          %parallel_loop3A_986 = tpu.unpack_subelements %parallel_loop3A_980, 1 {pack_format = #tpu.pack_format<interleaved>} : vector<32xbf16> -> vector<16xf32>
          %parallel_loop3A_987 = tpu.unpack_subelements %parallel_loop3A_984, 0 {pack_format = #tpu.pack_format<interleaved>} : vector<32xbf16> -> vector<16xf32>
          %parallel_loop3A_988 = tpu.unpack_subelements %parallel_loop3A_984, 1 {pack_format = #tpu.pack_format<interleaved>} : vector<32xbf16> -> vector<16xf32>
          %parallel_loop3A_989 = arith.constant 2 : i32
          %parallel_loop3A_990 = vector.broadcast %parallel_loop3A_989 : i32 to vector<16xi32>
          %parallel_loop3A_991 = arith.muli %parallel_loop3A_990, %parallel_loop3A_950 : vector<16xi32>
          %parallel_loop3A_992 = arith.constant 1 : i32
          %parallel_loop3A_993 = vector.broadcast %parallel_loop3A_992 : i32 to vector<16xi32>
          %parallel_loop3A_994 = arith.addi %parallel_loop3A_991, %parallel_loop3A_993 : vector<16xi32>
          %parallel_loop3A_995 = arith.addf %parallel_loop3A_985, %parallel_loop3A_987 : vector<16xf32>
          %parallel_loop3A_996 = arith.constant 0 : i32
          %parallel_loop3A_997 = arith.constant 0 : i32
          %parallel_loop3A_998 = tpu.memref_slice %arg8[%rem3A_92, %parallel_loop3A_996, %parallel_loop3A_997] : memref<2x256x33xf32, #tpu.memory_space<vmem>> -> memref<1x256x33xf32, #tpu.memory_space<vmem>>
          %parallel_loop3A_999 = tpu.memref_squeeze %parallel_loop3A_998 : memref<1x256x33xf32, #tpu.memory_space<vmem>> -> memref<256x33xf32, #tpu.memory_space<vmem>>
          tpu.vector_store_idx %parallel_loop3A_999[%parallel_loop3A_128, %parallel_loop3A_991], %parallel_loop3A_995 : memref<256x33xf32, #tpu.memory_space<vmem>>[vector<16xi32>, vector<16xi32>], vector<16xf32>,
          %parallel_loop3A_1000 = arith.addf %parallel_loop3A_986, %parallel_loop3A_988 : vector<16xf32>
          %parallel_loop3A_1001 = arith.constant 0 : i32
          %parallel_loop3A_1002 = arith.constant 0 : i32
          %parallel_loop3A_1003 = tpu.memref_slice %arg8[%rem3A_92, %parallel_loop3A_1001, %parallel_loop3A_1002] : memref<2x256x33xf32, #tpu.memory_space<vmem>> -> memref<1x256x33xf32, #tpu.memory_space<vmem>>
          %parallel_loop3A_1004 = tpu.memref_squeeze %parallel_loop3A_1003 : memref<1x256x33xf32, #tpu.memory_space<vmem>> -> memref<256x33xf32, #tpu.memory_space<vmem>>
          tpu.vector_store_idx %parallel_loop3A_1004[%parallel_loop3A_128, %parallel_loop3A_994], %parallel_loop3A_1000 : memref<256x33xf32, #tpu.memory_space<vmem>>[vector<16xi32>, vector<16xi32>], vector<16xf32>,
          %parallel_loop3A_1005 = arith.constant 14 : i32
          %parallel_loop3A_1006 = vector.broadcast %parallel_loop3A_1005 : i32 to vector<16xi32>
          %parallel_loop3A_1007 = arith.addi %parallel_loop3A_1006, %iota3A : vector<16xi32>
          %parallel_loop3A_1008 = arith.constant 15 : i32
          %parallel_loop3A_1009 = vector.broadcast %parallel_loop3A_1008 : i32 to vector<16xi32>
          %parallel_loop3A_1010 = arith.andi %parallel_loop3A_1007, %parallel_loop3A_1009 : vector<16xi32>
          %parallel_loop3A_1011 = arith.addi %parallel_loop3A_132, %parallel_loop3A_1010 : vector<16xi32>
          %parallel_loop3A_1012 = tpu.vector_load_idx %arg5[%parallel_loop3A_1011] : memref<72240xi32, #tpu.memory_space<vmem>>[vector<16xi32>], vector<16xi32>,
          %parallel_loop3A_1013 = vector.bitcast %parallel_loop3A_1012 : vector<16xi32> to vector<32xbf16>
          %parallel_loop3A_1014 = arith.addi %parallel_loop3A_136, %parallel_loop3A_1010 : vector<16xi32>
          %parallel_loop3A_1015 = tpu.vector_load_idx %arg5[%parallel_loop3A_1014] : memref<72240xi32, #tpu.memory_space<vmem>>[vector<16xi32>], vector<16xi32>,
          %parallel_loop3A_1016 = vector.bitcast %parallel_loop3A_1015 : vector<16xi32> to vector<32xbf16>
          %parallel_loop3A_1017 = arith.addi %parallel_loop3A_140, %parallel_loop3A_1010 : vector<16xi32>
          %parallel_loop3A_1018 = tpu.vector_load_idx %arg5[%parallel_loop3A_1017] : memref<72240xi32, #tpu.memory_space<vmem>>[vector<16xi32>], vector<16xi32>,
          %parallel_loop3A_1019 = vector.bitcast %parallel_loop3A_1018 : vector<16xi32> to vector<32xbf16>
          %parallel_loop3A_1020 = arith.addi %parallel_loop3A_144, %parallel_loop3A_1010 : vector<16xi32>
          %parallel_loop3A_1021 = tpu.vector_load_idx %arg5[%parallel_loop3A_1020] : memref<72240xi32, #tpu.memory_space<vmem>>[vector<16xi32>], vector<16xi32>,
          %parallel_loop3A_1022 = vector.bitcast %parallel_loop3A_1021 : vector<16xi32> to vector<32xbf16>
          %parallel_loop3A_1023 = arith.addi %parallel_loop3A_148, %parallel_loop3A_1010 : vector<16xi32>
          %parallel_loop3A_1024 = tpu.vector_load_idx %arg5[%parallel_loop3A_1023] : memref<72240xi32, #tpu.memory_space<vmem>>[vector<16xi32>], vector<16xi32>,
          %parallel_loop3A_1025 = vector.bitcast %parallel_loop3A_1024 : vector<16xi32> to vector<32xbf16>
          %parallel_loop3A_1026 = arith.addi %parallel_loop3A_152, %parallel_loop3A_1010 : vector<16xi32>
          %parallel_loop3A_1027 = tpu.vector_load_idx %arg5[%parallel_loop3A_1026] : memref<72240xi32, #tpu.memory_space<vmem>>[vector<16xi32>], vector<16xi32>,
          %parallel_loop3A_1028 = vector.bitcast %parallel_loop3A_1027 : vector<16xi32> to vector<32xbf16>
          %parallel_loop3A_1029 = arith.addi %parallel_loop3A_156, %parallel_loop3A_1010 : vector<16xi32>
          %parallel_loop3A_1030 = tpu.vector_load_idx %arg5[%parallel_loop3A_1029] : memref<72240xi32, #tpu.memory_space<vmem>>[vector<16xi32>], vector<16xi32>,
          %parallel_loop3A_1031 = vector.bitcast %parallel_loop3A_1030 : vector<16xi32> to vector<32xbf16>
          %parallel_loop3A_1032 = arith.addi %parallel_loop3A_160, %parallel_loop3A_1010 : vector<16xi32>
          %parallel_loop3A_1033 = tpu.vector_load_idx %arg5[%parallel_loop3A_1032] : memref<72240xi32, #tpu.memory_space<vmem>>[vector<16xi32>], vector<16xi32>,
          %parallel_loop3A_1034 = vector.bitcast %parallel_loop3A_1033 : vector<16xi32> to vector<32xbf16>
          %parallel_loop3A_1035 = arith.addi %parallel_loop3A_164, %parallel_loop3A_1010 : vector<16xi32>
          %parallel_loop3A_1036 = tpu.vector_load_idx %arg5[%parallel_loop3A_1035] : memref<72240xi32, #tpu.memory_space<vmem>>[vector<16xi32>], vector<16xi32>,
          %parallel_loop3A_1037 = vector.bitcast %parallel_loop3A_1036 : vector<16xi32> to vector<32xbf16>
          %parallel_loop3A_1038 = arith.addf %parallel_loop3A_1013, %parallel_loop3A_1016 : vector<32xbf16>
          %parallel_loop3A_1039 = arith.addf %parallel_loop3A_1038, %parallel_loop3A_1019 : vector<32xbf16>
          %parallel_loop3A_1040 = arith.addf %parallel_loop3A_1039, %parallel_loop3A_1022 : vector<32xbf16>
          %parallel_loop3A_1041 = arith.addf %parallel_loop3A_1025, %parallel_loop3A_1028 : vector<32xbf16>
          %parallel_loop3A_1042 = arith.addf %parallel_loop3A_1041, %parallel_loop3A_1031 : vector<32xbf16>
          %parallel_loop3A_1043 = arith.addf %parallel_loop3A_1042, %parallel_loop3A_1034 : vector<32xbf16>
          %parallel_loop3A_1044 = arith.addf %parallel_loop3A_1043, %parallel_loop3A_1037 : vector<32xbf16>
          %parallel_loop3A_1045 = tpu.unpack_subelements %parallel_loop3A_1040, 0 {pack_format = #tpu.pack_format<interleaved>} : vector<32xbf16> -> vector<16xf32>
          %parallel_loop3A_1046 = tpu.unpack_subelements %parallel_loop3A_1040, 1 {pack_format = #tpu.pack_format<interleaved>} : vector<32xbf16> -> vector<16xf32>
          %parallel_loop3A_1047 = tpu.unpack_subelements %parallel_loop3A_1044, 0 {pack_format = #tpu.pack_format<interleaved>} : vector<32xbf16> -> vector<16xf32>
          %parallel_loop3A_1048 = tpu.unpack_subelements %parallel_loop3A_1044, 1 {pack_format = #tpu.pack_format<interleaved>} : vector<32xbf16> -> vector<16xf32>
          %parallel_loop3A_1049 = arith.constant 2 : i32
          %parallel_loop3A_1050 = vector.broadcast %parallel_loop3A_1049 : i32 to vector<16xi32>
          %parallel_loop3A_1051 = arith.muli %parallel_loop3A_1050, %parallel_loop3A_1010 : vector<16xi32>
          %parallel_loop3A_1052 = arith.constant 1 : i32
          %parallel_loop3A_1053 = vector.broadcast %parallel_loop3A_1052 : i32 to vector<16xi32>
          %parallel_loop3A_1054 = arith.addi %parallel_loop3A_1051, %parallel_loop3A_1053 : vector<16xi32>
          %parallel_loop3A_1055 = arith.addf %parallel_loop3A_1045, %parallel_loop3A_1047 : vector<16xf32>
          %parallel_loop3A_1056 = arith.constant 0 : i32
          %parallel_loop3A_1057 = arith.constant 0 : i32
          %parallel_loop3A_1058 = tpu.memref_slice %arg8[%rem3A_92, %parallel_loop3A_1056, %parallel_loop3A_1057] : memref<2x256x33xf32, #tpu.memory_space<vmem>> -> memref<1x256x33xf32, #tpu.memory_space<vmem>>
          %parallel_loop3A_1059 = tpu.memref_squeeze %parallel_loop3A_1058 : memref<1x256x33xf32, #tpu.memory_space<vmem>> -> memref<256x33xf32, #tpu.memory_space<vmem>>
          tpu.vector_store_idx %parallel_loop3A_1059[%parallel_loop3A_128, %parallel_loop3A_1051], %parallel_loop3A_1055 : memref<256x33xf32, #tpu.memory_space<vmem>>[vector<16xi32>, vector<16xi32>], vector<16xf32>,
          %parallel_loop3A_1060 = arith.addf %parallel_loop3A_1046, %parallel_loop3A_1048 : vector<16xf32>
          %parallel_loop3A_1061 = arith.constant 0 : i32
          %parallel_loop3A_1062 = arith.constant 0 : i32
          %parallel_loop3A_1063 = tpu.memref_slice %arg8[%rem3A_92, %parallel_loop3A_1061, %parallel_loop3A_1062] : memref<2x256x33xf32, #tpu.memory_space<vmem>> -> memref<1x256x33xf32, #tpu.memory_space<vmem>>
          %parallel_loop3A_1064 = tpu.memref_squeeze %parallel_loop3A_1063 : memref<1x256x33xf32, #tpu.memory_space<vmem>> -> memref<256x33xf32, #tpu.memory_space<vmem>>
          tpu.vector_store_idx %parallel_loop3A_1064[%parallel_loop3A_128, %parallel_loop3A_1054], %parallel_loop3A_1060 : memref<256x33xf32, #tpu.memory_space<vmem>>[vector<16xi32>, vector<16xi32>], vector<16xf32>,
          %parallel_loop3A_1065 = arith.constant 15 : i32
          %parallel_loop3A_1066 = vector.broadcast %parallel_loop3A_1065 : i32 to vector<16xi32>
          %parallel_loop3A_1067 = arith.addi %parallel_loop3A_1066, %iota3A : vector<16xi32>
          %parallel_loop3A_1068 = arith.constant 15 : i32
          %parallel_loop3A_1069 = vector.broadcast %parallel_loop3A_1068 : i32 to vector<16xi32>
          %parallel_loop3A_1070 = arith.andi %parallel_loop3A_1067, %parallel_loop3A_1069 : vector<16xi32>
          %parallel_loop3A_1071 = arith.addi %parallel_loop3A_132, %parallel_loop3A_1070 : vector<16xi32>
          %parallel_loop3A_1072 = tpu.vector_load_idx %arg5[%parallel_loop3A_1071] : memref<72240xi32, #tpu.memory_space<vmem>>[vector<16xi32>], vector<16xi32>,
          %parallel_loop3A_1073 = vector.bitcast %parallel_loop3A_1072 : vector<16xi32> to vector<32xbf16>
          %parallel_loop3A_1074 = arith.addi %parallel_loop3A_136, %parallel_loop3A_1070 : vector<16xi32>
          %parallel_loop3A_1075 = tpu.vector_load_idx %arg5[%parallel_loop3A_1074] : memref<72240xi32, #tpu.memory_space<vmem>>[vector<16xi32>], vector<16xi32>,
          %parallel_loop3A_1076 = vector.bitcast %parallel_loop3A_1075 : vector<16xi32> to vector<32xbf16>
          %parallel_loop3A_1077 = arith.addi %parallel_loop3A_140, %parallel_loop3A_1070 : vector<16xi32>
          %parallel_loop3A_1078 = tpu.vector_load_idx %arg5[%parallel_loop3A_1077] : memref<72240xi32, #tpu.memory_space<vmem>>[vector<16xi32>], vector<16xi32>,
          %parallel_loop3A_1079 = vector.bitcast %parallel_loop3A_1078 : vector<16xi32> to vector<32xbf16>
          %parallel_loop3A_1080 = arith.addi %parallel_loop3A_144, %parallel_loop3A_1070 : vector<16xi32>
          %parallel_loop3A_1081 = tpu.vector_load_idx %arg5[%parallel_loop3A_1080] : memref<72240xi32, #tpu.memory_space<vmem>>[vector<16xi32>], vector<16xi32>,
          %parallel_loop3A_1082 = vector.bitcast %parallel_loop3A_1081 : vector<16xi32> to vector<32xbf16>
          %parallel_loop3A_1083 = arith.addi %parallel_loop3A_148, %parallel_loop3A_1070 : vector<16xi32>
          %parallel_loop3A_1084 = tpu.vector_load_idx %arg5[%parallel_loop3A_1083] : memref<72240xi32, #tpu.memory_space<vmem>>[vector<16xi32>], vector<16xi32>,
          %parallel_loop3A_1085 = vector.bitcast %parallel_loop3A_1084 : vector<16xi32> to vector<32xbf16>
          %parallel_loop3A_1086 = arith.addi %parallel_loop3A_152, %parallel_loop3A_1070 : vector<16xi32>
          %parallel_loop3A_1087 = tpu.vector_load_idx %arg5[%parallel_loop3A_1086] : memref<72240xi32, #tpu.memory_space<vmem>>[vector<16xi32>], vector<16xi32>,
          %parallel_loop3A_1088 = vector.bitcast %parallel_loop3A_1087 : vector<16xi32> to vector<32xbf16>
          %parallel_loop3A_1089 = arith.addi %parallel_loop3A_156, %parallel_loop3A_1070 : vector<16xi32>
          %parallel_loop3A_1090 = tpu.vector_load_idx %arg5[%parallel_loop3A_1089] : memref<72240xi32, #tpu.memory_space<vmem>>[vector<16xi32>], vector<16xi32>,
          %parallel_loop3A_1091 = vector.bitcast %parallel_loop3A_1090 : vector<16xi32> to vector<32xbf16>
          %parallel_loop3A_1092 = arith.addi %parallel_loop3A_160, %parallel_loop3A_1070 : vector<16xi32>
          %parallel_loop3A_1093 = tpu.vector_load_idx %arg5[%parallel_loop3A_1092] : memref<72240xi32, #tpu.memory_space<vmem>>[vector<16xi32>], vector<16xi32>,
          %parallel_loop3A_1094 = vector.bitcast %parallel_loop3A_1093 : vector<16xi32> to vector<32xbf16>
          %parallel_loop3A_1095 = arith.addi %parallel_loop3A_164, %parallel_loop3A_1070 : vector<16xi32>
          %parallel_loop3A_1096 = tpu.vector_load_idx %arg5[%parallel_loop3A_1095] : memref<72240xi32, #tpu.memory_space<vmem>>[vector<16xi32>], vector<16xi32>,
          %parallel_loop3A_1097 = vector.bitcast %parallel_loop3A_1096 : vector<16xi32> to vector<32xbf16>
          %parallel_loop3A_1098 = arith.addf %parallel_loop3A_1073, %parallel_loop3A_1076 : vector<32xbf16>
          %parallel_loop3A_1099 = arith.addf %parallel_loop3A_1098, %parallel_loop3A_1079 : vector<32xbf16>
          %parallel_loop3A_1100 = arith.addf %parallel_loop3A_1099, %parallel_loop3A_1082 : vector<32xbf16>
          %parallel_loop3A_1101 = arith.addf %parallel_loop3A_1085, %parallel_loop3A_1088 : vector<32xbf16>
          %parallel_loop3A_1102 = arith.addf %parallel_loop3A_1101, %parallel_loop3A_1091 : vector<32xbf16>
          %parallel_loop3A_1103 = arith.addf %parallel_loop3A_1102, %parallel_loop3A_1094 : vector<32xbf16>
          %parallel_loop3A_1104 = arith.addf %parallel_loop3A_1103, %parallel_loop3A_1097 : vector<32xbf16>
          %parallel_loop3A_1105 = tpu.unpack_subelements %parallel_loop3A_1100, 0 {pack_format = #tpu.pack_format<interleaved>} : vector<32xbf16> -> vector<16xf32>
          %parallel_loop3A_1106 = tpu.unpack_subelements %parallel_loop3A_1100, 1 {pack_format = #tpu.pack_format<interleaved>} : vector<32xbf16> -> vector<16xf32>
          %parallel_loop3A_1107 = tpu.unpack_subelements %parallel_loop3A_1104, 0 {pack_format = #tpu.pack_format<interleaved>} : vector<32xbf16> -> vector<16xf32>
          %parallel_loop3A_1108 = tpu.unpack_subelements %parallel_loop3A_1104, 1 {pack_format = #tpu.pack_format<interleaved>} : vector<32xbf16> -> vector<16xf32>
          %parallel_loop3A_1109 = arith.constant 2 : i32
          %parallel_loop3A_1110 = vector.broadcast %parallel_loop3A_1109 : i32 to vector<16xi32>
          %parallel_loop3A_1111 = arith.muli %parallel_loop3A_1110, %parallel_loop3A_1070 : vector<16xi32>
          %parallel_loop3A_1112 = arith.constant 1 : i32
          %parallel_loop3A_1113 = vector.broadcast %parallel_loop3A_1112 : i32 to vector<16xi32>
          %parallel_loop3A_1114 = arith.addi %parallel_loop3A_1111, %parallel_loop3A_1113 : vector<16xi32>
          %parallel_loop3A_1115 = arith.addf %parallel_loop3A_1105, %parallel_loop3A_1107 : vector<16xf32>
          %parallel_loop3A_1116 = arith.constant 0 : i32
          %parallel_loop3A_1117 = arith.constant 0 : i32
          %parallel_loop3A_1118 = tpu.memref_slice %arg8[%rem3A_92, %parallel_loop3A_1116, %parallel_loop3A_1117] : memref<2x256x33xf32, #tpu.memory_space<vmem>> -> memref<1x256x33xf32, #tpu.memory_space<vmem>>
          %parallel_loop3A_1119 = tpu.memref_squeeze %parallel_loop3A_1118 : memref<1x256x33xf32, #tpu.memory_space<vmem>> -> memref<256x33xf32, #tpu.memory_space<vmem>>
          tpu.vector_store_idx %parallel_loop3A_1119[%parallel_loop3A_128, %parallel_loop3A_1111], %parallel_loop3A_1115 : memref<256x33xf32, #tpu.memory_space<vmem>>[vector<16xi32>, vector<16xi32>], vector<16xf32>,
          %parallel_loop3A_1120 = arith.addf %parallel_loop3A_1106, %parallel_loop3A_1108 : vector<16xf32>
          %parallel_loop3A_1121 = arith.constant 0 : i32
          %parallel_loop3A_1122 = arith.constant 0 : i32
          %parallel_loop3A_1123 = tpu.memref_slice %arg8[%rem3A_92, %parallel_loop3A_1121, %parallel_loop3A_1122] : memref<2x256x33xf32, #tpu.memory_space<vmem>> -> memref<1x256x33xf32, #tpu.memory_space<vmem>>
          %parallel_loop3A_1124 = tpu.memref_squeeze %parallel_loop3A_1123 : memref<1x256x33xf32, #tpu.memory_space<vmem>> -> memref<256x33xf32, #tpu.memory_space<vmem>>
          tpu.vector_store_idx %parallel_loop3A_1124[%parallel_loop3A_128, %parallel_loop3A_1114], %parallel_loop3A_1120 : memref<256x33xf32, #tpu.memory_space<vmem>>[vector<16xi32>, vector<16xi32>], vector<16xf32>,
        } {sc.loop_unroll_factor = 2 : i64, sc.parallel_access}
        %mul3A_99 = arith.constant 256 : i32
        %mul3A_100 = arith.muli %scan3A_87, %mul3A_99 : i32
        %add3A_101 = arith.addi %add3A_67, %mul3A_100 : i32
        %mul3A_102 = arith.constant 32 : i32
        %mul3A_103 = arith.muli %rem3A_0, %mul3A_102 : i32
        %dma_start3A = arith.constant 0 : i32
        %dma_start3A_104 = arith.constant 0 : i32
        %dma_start3A_105 = tpu.memref_slice %arg8[%rem3A_92, %dma_start3A, %dma_start3A_104] : memref<2x256x33xf32, #tpu.memory_space<vmem>> -> memref<1x256x33xf32, #tpu.memory_space<vmem>>
        %dma_start3A_106 = tpu.memref_squeeze %dma_start3A_105 : memref<1x256x33xf32, #tpu.memory_space<vmem>> -> memref<256x33xf32, #tpu.memory_space<vmem>>
        %dma_start3A_107 = arith.constant 0 : i32
        %dma_start3A_108 = arith.constant 0 : i32
        %dma_start3A_109 = tpu.memref_slice %dma_start3A_106[%dma_start3A_107, %dma_start3A_108] : memref<256x33xf32, #tpu.memory_space<vmem>> -> memref<256x32xf32, #tpu.memory_space<vmem>>
        %dma_start3A_110 = tpu.memref_slice %arg4[%add3A_101, %mul3A_103] : memref<49152x128xf32, #tpu.memory_space<hbm>> -> memref<256x32xf32, #tpu.memory_space<hbm>>
        %dma_start3A_111 = tpu.memref_slice %arg4[%add3A_101, %mul3A_103] : memref<49152x128xf32, #tpu.memory_space<hbm>> -> memref<256x32xf32, #tpu.memory_space<hbm>>
        %dma_start3A_112 = arith.constant 0 : i32
        %dma_start3A_113 = arith.constant 0 : i32
        %dma_start3A_114 = tpu.memref_slice %arg8[%rem3A_92, %dma_start3A_112, %dma_start3A_113] : memref<2x256x33xf32, #tpu.memory_space<vmem>> -> memref<1x256x33xf32, #tpu.memory_space<vmem>>
        %dma_start3A_115 = tpu.memref_squeeze %dma_start3A_114 : memref<1x256x33xf32, #tpu.memory_space<vmem>> -> memref<256x33xf32, #tpu.memory_space<vmem>>
        %dma_start3A_116 = arith.constant 0 : i32
        %dma_start3A_117 = arith.constant 0 : i32
        %dma_start3A_118 = tpu.memref_slice %dma_start3A_115[%dma_start3A_116, %dma_start3A_117] : memref<256x33xf32, #tpu.memory_space<vmem>> -> memref<256x32xf32, #tpu.memory_space<vmem>>
        tpu.enqueue_dma source(%dma_start3A_118 : memref<256x32xf32, #tpu.memory_space<vmem>>) target(%dma_start3A_111 : memref<256x32xf32, #tpu.memory_space<hbm>>) target_semaphore(%arg10 : memref<!tpu.dma_semaphore, #tpu.memory_space<semaphore_mem>>)
      }
      %scan3A_81 = arith.constant 3 : i32
      %lt3A_82 = arith.constant 7 : i32
      %lt3A_83 = arith.cmpi slt, %scan3A_64, %lt3A_82 : i32
      %convert_element_type3A_84 = arith.extui %lt3A_83 : i1 to i32
      %cond3A_85 = arith.constant 0 : i32
      %cond3A_86 = arith.cmpi ne, %convert_element_type3A_84, %cond3A_85 : i32
      scf.if %cond3A_86 {
        %add3A_87 = arith.constant 768 : i32
        %add3A_88 = arith.addi %add3A_67, %add3A_87 : i32
        %dma_wait3A_89 = arith.constant 0 : i32
        %dma_wait3A_90 = arith.constant 0 : i32
        %dma_wait3A_91 = arith.constant 0 : i32
        %dma_wait3A_92 = tpu.memref_slice %arg6[%dma_wait3A_90, %dma_wait3A_91] : memref<9x768xi32, #tpu.memory_space<vmem>> -> memref<1x768xi32, #tpu.memory_space<vmem>>
        %dma_wait3A_93 = tpu.memref_squeeze %dma_wait3A_92 : memref<1x768xi32, #tpu.memory_space<vmem>> -> memref<768xi32, #tpu.memory_space<vmem>>
        %dma_wait3A_94 = tpu.memref_slice %arg2[%dma_wait3A_89, %add3A_88] : memref<9x49152xi32, #tpu.memory_space<hbm>> -> memref<1x768xi32, #tpu.memory_space<hbm>>
        %dma_wait3A_95 = tpu.memref_squeeze %dma_wait3A_94 : memref<1x768xi32, #tpu.memory_space<hbm>> -> memref<768xi32, #tpu.memory_space<hbm>>
        %dma_wait3A_96 = arith.constant 0 : i32
        %dma_wait3A_97 = tpu.memref_slice %arg6[%dma_wait3A_90, %dma_wait3A_96] : memref<9x768xi32, #tpu.memory_space<vmem>> -> memref<1x768xi32, #tpu.memory_space<vmem>>
        %dma_wait3A_98 = tpu.memref_squeeze %dma_wait3A_97 : memref<1x768xi32, #tpu.memory_space<vmem>> -> memref<768xi32, #tpu.memory_space<vmem>>
        %dma_wait3A_99 = tpu.memref_slice %arg2[%dma_wait3A_89, %add3A_88] : memref<9x49152xi32, #tpu.memory_space<hbm>> -> memref<1x768xi32, #tpu.memory_space<hbm>>
        %dma_wait3A_100 = tpu.memref_squeeze %dma_wait3A_99 : memref<1x768xi32, #tpu.memory_space<hbm>> -> memref<768xi32, #tpu.memory_space<hbm>>
        tpu.wait_dma2 semaphore(%arg9 : memref<!tpu.dma_semaphore, #tpu.memory_space<semaphore_mem>>) src(%dma_wait3A_100 : memref<768xi32, #tpu.memory_space<hbm>>) dst(%dma_wait3A_98 : memref<768xi32, #tpu.memory_space<vmem>>)
        %add3A_101 = arith.constant 768 : i32
        %add3A_102 = arith.addi %add3A_67, %add3A_101 : i32
        %dma_wait3A_103 = arith.constant 1 : i32
        %dma_wait3A_104 = arith.constant 1 : i32
        %dma_wait3A_105 = arith.constant 0 : i32
        %dma_wait3A_106 = tpu.memref_slice %arg6[%dma_wait3A_104, %dma_wait3A_105] : memref<9x768xi32, #tpu.memory_space<vmem>> -> memref<1x768xi32, #tpu.memory_space<vmem>>
        %dma_wait3A_107 = tpu.memref_squeeze %dma_wait3A_106 : memref<1x768xi32, #tpu.memory_space<vmem>> -> memref<768xi32, #tpu.memory_space<vmem>>
        %dma_wait3A_108 = tpu.memref_slice %arg2[%dma_wait3A_103, %add3A_102] : memref<9x49152xi32, #tpu.memory_space<hbm>> -> memref<1x768xi32, #tpu.memory_space<hbm>>
        %dma_wait3A_109 = tpu.memref_squeeze %dma_wait3A_108 : memref<1x768xi32, #tpu.memory_space<hbm>> -> memref<768xi32, #tpu.memory_space<hbm>>
        %dma_wait3A_110 = arith.constant 0 : i32
        %dma_wait3A_111 = tpu.memref_slice %arg6[%dma_wait3A_104, %dma_wait3A_110] : memref<9x768xi32, #tpu.memory_space<vmem>> -> memref<1x768xi32, #tpu.memory_space<vmem>>
        %dma_wait3A_112 = tpu.memref_squeeze %dma_wait3A_111 : memref<1x768xi32, #tpu.memory_space<vmem>> -> memref<768xi32, #tpu.memory_space<vmem>>
        %dma_wait3A_113 = tpu.memref_slice %arg2[%dma_wait3A_103, %add3A_102] : memref<9x49152xi32, #tpu.memory_space<hbm>> -> memref<1x768xi32, #tpu.memory_space<hbm>>
        %dma_wait3A_114 = tpu.memref_squeeze %dma_wait3A_113 : memref<1x768xi32, #tpu.memory_space<hbm>> -> memref<768xi32, #tpu.memory_space<hbm>>
        tpu.wait_dma2 semaphore(%arg9 : memref<!tpu.dma_semaphore, #tpu.memory_space<semaphore_mem>>) src(%dma_wait3A_114 : memref<768xi32, #tpu.memory_space<hbm>>) dst(%dma_wait3A_112 : memref<768xi32, #tpu.memory_space<vmem>>)
        %add3A_115 = arith.constant 768 : i32
        %add3A_116 = arith.addi %add3A_67, %add3A_115 : i32
        %dma_wait3A_117 = arith.constant 2 : i32
        %dma_wait3A_118 = arith.constant 2 : i32
        %dma_wait3A_119 = arith.constant 0 : i32
        %dma_wait3A_120 = tpu.memref_slice %arg6[%dma_wait3A_118, %dma_wait3A_119] : memref<9x768xi32, #tpu.memory_space<vmem>> -> memref<1x768xi32, #tpu.memory_space<vmem>>
        %dma_wait3A_121 = tpu.memref_squeeze %dma_wait3A_120 : memref<1x768xi32, #tpu.memory_space<vmem>> -> memref<768xi32, #tpu.memory_space<vmem>>
        %dma_wait3A_122 = tpu.memref_slice %arg2[%dma_wait3A_117, %add3A_116] : memref<9x49152xi32, #tpu.memory_space<hbm>> -> memref<1x768xi32, #tpu.memory_space<hbm>>
        %dma_wait3A_123 = tpu.memref_squeeze %dma_wait3A_122 : memref<1x768xi32, #tpu.memory_space<hbm>> -> memref<768xi32, #tpu.memory_space<hbm>>
        %dma_wait3A_124 = arith.constant 0 : i32
        %dma_wait3A_125 = tpu.memref_slice %arg6[%dma_wait3A_118, %dma_wait3A_124] : memref<9x768xi32, #tpu.memory_space<vmem>> -> memref<1x768xi32, #tpu.memory_space<vmem>>
        %dma_wait3A_126 = tpu.memref_squeeze %dma_wait3A_125 : memref<1x768xi32, #tpu.memory_space<vmem>> -> memref<768xi32, #tpu.memory_space<vmem>>
        %dma_wait3A_127 = tpu.memref_slice %arg2[%dma_wait3A_117, %add3A_116] : memref<9x49152xi32, #tpu.memory_space<hbm>> -> memref<1x768xi32, #tpu.memory_space<hbm>>
        %dma_wait3A_128 = tpu.memref_squeeze %dma_wait3A_127 : memref<1x768xi32, #tpu.memory_space<hbm>> -> memref<768xi32, #tpu.memory_space<hbm>>
        tpu.wait_dma2 semaphore(%arg9 : memref<!tpu.dma_semaphore, #tpu.memory_space<semaphore_mem>>) src(%dma_wait3A_128 : memref<768xi32, #tpu.memory_space<hbm>>) dst(%dma_wait3A_126 : memref<768xi32, #tpu.memory_space<vmem>>)
        %add3A_129 = arith.constant 768 : i32
        %add3A_130 = arith.addi %add3A_67, %add3A_129 : i32
        %dma_wait3A_131 = arith.constant 3 : i32
        %dma_wait3A_132 = arith.constant 3 : i32
        %dma_wait3A_133 = arith.constant 0 : i32
        %dma_wait3A_134 = tpu.memref_slice %arg6[%dma_wait3A_132, %dma_wait3A_133] : memref<9x768xi32, #tpu.memory_space<vmem>> -> memref<1x768xi32, #tpu.memory_space<vmem>>
        %dma_wait3A_135 = tpu.memref_squeeze %dma_wait3A_134 : memref<1x768xi32, #tpu.memory_space<vmem>> -> memref<768xi32, #tpu.memory_space<vmem>>
        %dma_wait3A_136 = tpu.memref_slice %arg2[%dma_wait3A_131, %add3A_130] : memref<9x49152xi32, #tpu.memory_space<hbm>> -> memref<1x768xi32, #tpu.memory_space<hbm>>
        %dma_wait3A_137 = tpu.memref_squeeze %dma_wait3A_136 : memref<1x768xi32, #tpu.memory_space<hbm>> -> memref<768xi32, #tpu.memory_space<hbm>>
        %dma_wait3A_138 = arith.constant 0 : i32
        %dma_wait3A_139 = tpu.memref_slice %arg6[%dma_wait3A_132, %dma_wait3A_138] : memref<9x768xi32, #tpu.memory_space<vmem>> -> memref<1x768xi32, #tpu.memory_space<vmem>>
        %dma_wait3A_140 = tpu.memref_squeeze %dma_wait3A_139 : memref<1x768xi32, #tpu.memory_space<vmem>> -> memref<768xi32, #tpu.memory_space<vmem>>
        %dma_wait3A_141 = tpu.memref_slice %arg2[%dma_wait3A_131, %add3A_130] : memref<9x49152xi32, #tpu.memory_space<hbm>> -> memref<1x768xi32, #tpu.memory_space<hbm>>
        %dma_wait3A_142 = tpu.memref_squeeze %dma_wait3A_141 : memref<1x768xi32, #tpu.memory_space<hbm>> -> memref<768xi32, #tpu.memory_space<hbm>>
        tpu.wait_dma2 semaphore(%arg9 : memref<!tpu.dma_semaphore, #tpu.memory_space<semaphore_mem>>) src(%dma_wait3A_142 : memref<768xi32, #tpu.memory_space<hbm>>) dst(%dma_wait3A_140 : memref<768xi32, #tpu.memory_space<vmem>>)
        %add3A_143 = arith.constant 768 : i32
        %add3A_144 = arith.addi %add3A_67, %add3A_143 : i32
        %dma_wait3A_145 = arith.constant 4 : i32
        %dma_wait3A_146 = arith.constant 4 : i32
        %dma_wait3A_147 = arith.constant 0 : i32
        %dma_wait3A_148 = tpu.memref_slice %arg6[%dma_wait3A_146, %dma_wait3A_147] : memref<9x768xi32, #tpu.memory_space<vmem>> -> memref<1x768xi32, #tpu.memory_space<vmem>>
        %dma_wait3A_149 = tpu.memref_squeeze %dma_wait3A_148 : memref<1x768xi32, #tpu.memory_space<vmem>> -> memref<768xi32, #tpu.memory_space<vmem>>
        %dma_wait3A_150 = tpu.memref_slice %arg2[%dma_wait3A_145, %add3A_144] : memref<9x49152xi32, #tpu.memory_space<hbm>> -> memref<1x768xi32, #tpu.memory_space<hbm>>
        %dma_wait3A_151 = tpu.memref_squeeze %dma_wait3A_150 : memref<1x768xi32, #tpu.memory_space<hbm>> -> memref<768xi32, #tpu.memory_space<hbm>>
        %dma_wait3A_152 = arith.constant 0 : i32
        %dma_wait3A_153 = tpu.memref_slice %arg6[%dma_wait3A_146, %dma_wait3A_152] : memref<9x768xi32, #tpu.memory_space<vmem>> -> memref<1x768xi32, #tpu.memory_space<vmem>>
        %dma_wait3A_154 = tpu.memref_squeeze %dma_wait3A_153 : memref<1x768xi32, #tpu.memory_space<vmem>> -> memref<768xi32, #tpu.memory_space<vmem>>
        %dma_wait3A_155 = tpu.memref_slice %arg2[%dma_wait3A_145, %add3A_144] : memref<9x49152xi32, #tpu.memory_space<hbm>> -> memref<1x768xi32, #tpu.memory_space<hbm>>
        %dma_wait3A_156 = tpu.memref_squeeze %dma_wait3A_155 : memref<1x768xi32, #tpu.memory_space<hbm>> -> memref<768xi32, #tpu.memory_space<hbm>>
        tpu.wait_dma2 semaphore(%arg9 : memref<!tpu.dma_semaphore, #tpu.memory_space<semaphore_mem>>) src(%dma_wait3A_156 : memref<768xi32, #tpu.memory_space<hbm>>) dst(%dma_wait3A_154 : memref<768xi32, #tpu.memory_space<vmem>>)
        %add3A_157 = arith.constant 768 : i32
        %add3A_158 = arith.addi %add3A_67, %add3A_157 : i32
        %dma_wait3A_159 = arith.constant 5 : i32
        %dma_wait3A_160 = arith.constant 5 : i32
        %dma_wait3A_161 = arith.constant 0 : i32
        %dma_wait3A_162 = tpu.memref_slice %arg6[%dma_wait3A_160, %dma_wait3A_161] : memref<9x768xi32, #tpu.memory_space<vmem>> -> memref<1x768xi32, #tpu.memory_space<vmem>>
        %dma_wait3A_163 = tpu.memref_squeeze %dma_wait3A_162 : memref<1x768xi32, #tpu.memory_space<vmem>> -> memref<768xi32, #tpu.memory_space<vmem>>
        %dma_wait3A_164 = tpu.memref_slice %arg2[%dma_wait3A_159, %add3A_158] : memref<9x49152xi32, #tpu.memory_space<hbm>> -> memref<1x768xi32, #tpu.memory_space<hbm>>
        %dma_wait3A_165 = tpu.memref_squeeze %dma_wait3A_164 : memref<1x768xi32, #tpu.memory_space<hbm>> -> memref<768xi32, #tpu.memory_space<hbm>>
        %dma_wait3A_166 = arith.constant 0 : i32
        %dma_wait3A_167 = tpu.memref_slice %arg6[%dma_wait3A_160, %dma_wait3A_166] : memref<9x768xi32, #tpu.memory_space<vmem>> -> memref<1x768xi32, #tpu.memory_space<vmem>>
        %dma_wait3A_168 = tpu.memref_squeeze %dma_wait3A_167 : memref<1x768xi32, #tpu.memory_space<vmem>> -> memref<768xi32, #tpu.memory_space<vmem>>
        %dma_wait3A_169 = tpu.memref_slice %arg2[%dma_wait3A_159, %add3A_158] : memref<9x49152xi32, #tpu.memory_space<hbm>> -> memref<1x768xi32, #tpu.memory_space<hbm>>
        %dma_wait3A_170 = tpu.memref_squeeze %dma_wait3A_169 : memref<1x768xi32, #tpu.memory_space<hbm>> -> memref<768xi32, #tpu.memory_space<hbm>>
        tpu.wait_dma2 semaphore(%arg9 : memref<!tpu.dma_semaphore, #tpu.memory_space<semaphore_mem>>) src(%dma_wait3A_170 : memref<768xi32, #tpu.memory_space<hbm>>) dst(%dma_wait3A_168 : memref<768xi32, #tpu.memory_space<vmem>>)
        %add3A_171 = arith.constant 768 : i32
        %add3A_172 = arith.addi %add3A_67, %add3A_171 : i32
        %dma_wait3A_173 = arith.constant 6 : i32
        %dma_wait3A_174 = arith.constant 6 : i32
        %dma_wait3A_175 = arith.constant 0 : i32
        %dma_wait3A_176 = tpu.memref_slice %arg6[%dma_wait3A_174, %dma_wait3A_175] : memref<9x768xi32, #tpu.memory_space<vmem>> -> memref<1x768xi32, #tpu.memory_space<vmem>>
        %dma_wait3A_177 = tpu.memref_squeeze %dma_wait3A_176 : memref<1x768xi32, #tpu.memory_space<vmem>> -> memref<768xi32, #tpu.memory_space<vmem>>
        %dma_wait3A_178 = tpu.memref_slice %arg2[%dma_wait3A_173, %add3A_172] : memref<9x49152xi32, #tpu.memory_space<hbm>> -> memref<1x768xi32, #tpu.memory_space<hbm>>
        %dma_wait3A_179 = tpu.memref_squeeze %dma_wait3A_178 : memref<1x768xi32, #tpu.memory_space<hbm>> -> memref<768xi32, #tpu.memory_space<hbm>>
        %dma_wait3A_180 = arith.constant 0 : i32
        %dma_wait3A_181 = tpu.memref_slice %arg6[%dma_wait3A_174, %dma_wait3A_180] : memref<9x768xi32, #tpu.memory_space<vmem>> -> memref<1x768xi32, #tpu.memory_space<vmem>>
        %dma_wait3A_182 = tpu.memref_squeeze %dma_wait3A_181 : memref<1x768xi32, #tpu.memory_space<vmem>> -> memref<768xi32, #tpu.memory_space<vmem>>
        %dma_wait3A_183 = tpu.memref_slice %arg2[%dma_wait3A_173, %add3A_172] : memref<9x49152xi32, #tpu.memory_space<hbm>> -> memref<1x768xi32, #tpu.memory_space<hbm>>
        %dma_wait3A_184 = tpu.memref_squeeze %dma_wait3A_183 : memref<1x768xi32, #tpu.memory_space<hbm>> -> memref<768xi32, #tpu.memory_space<hbm>>
        tpu.wait_dma2 semaphore(%arg9 : memref<!tpu.dma_semaphore, #tpu.memory_space<semaphore_mem>>) src(%dma_wait3A_184 : memref<768xi32, #tpu.memory_space<hbm>>) dst(%dma_wait3A_182 : memref<768xi32, #tpu.memory_space<vmem>>)
        %add3A_185 = arith.constant 768 : i32
        %add3A_186 = arith.addi %add3A_67, %add3A_185 : i32
        %dma_wait3A_187 = arith.constant 7 : i32
        %dma_wait3A_188 = arith.constant 7 : i32
        %dma_wait3A_189 = arith.constant 0 : i32
        %dma_wait3A_190 = tpu.memref_slice %arg6[%dma_wait3A_188, %dma_wait3A_189] : memref<9x768xi32, #tpu.memory_space<vmem>> -> memref<1x768xi32, #tpu.memory_space<vmem>>
        %dma_wait3A_191 = tpu.memref_squeeze %dma_wait3A_190 : memref<1x768xi32, #tpu.memory_space<vmem>> -> memref<768xi32, #tpu.memory_space<vmem>>
        %dma_wait3A_192 = tpu.memref_slice %arg2[%dma_wait3A_187, %add3A_186] : memref<9x49152xi32, #tpu.memory_space<hbm>> -> memref<1x768xi32, #tpu.memory_space<hbm>>
        %dma_wait3A_193 = tpu.memref_squeeze %dma_wait3A_192 : memref<1x768xi32, #tpu.memory_space<hbm>> -> memref<768xi32, #tpu.memory_space<hbm>>
        %dma_wait3A_194 = arith.constant 0 : i32
        %dma_wait3A_195 = tpu.memref_slice %arg6[%dma_wait3A_188, %dma_wait3A_194] : memref<9x768xi32, #tpu.memory_space<vmem>> -> memref<1x768xi32, #tpu.memory_space<vmem>>
        %dma_wait3A_196 = tpu.memref_squeeze %dma_wait3A_195 : memref<1x768xi32, #tpu.memory_space<vmem>> -> memref<768xi32, #tpu.memory_space<vmem>>
        %dma_wait3A_197 = tpu.memref_slice %arg2[%dma_wait3A_187, %add3A_186] : memref<9x49152xi32, #tpu.memory_space<hbm>> -> memref<1x768xi32, #tpu.memory_space<hbm>>
        %dma_wait3A_198 = tpu.memref_squeeze %dma_wait3A_197 : memref<1x768xi32, #tpu.memory_space<hbm>> -> memref<768xi32, #tpu.memory_space<hbm>>
        tpu.wait_dma2 semaphore(%arg9 : memref<!tpu.dma_semaphore, #tpu.memory_space<semaphore_mem>>) src(%dma_wait3A_198 : memref<768xi32, #tpu.memory_space<hbm>>) dst(%dma_wait3A_196 : memref<768xi32, #tpu.memory_space<vmem>>)
        %add3A_199 = arith.constant 768 : i32
        %add3A_200 = arith.addi %add3A_67, %add3A_199 : i32
        %dma_wait3A_201 = arith.constant 8 : i32
        %dma_wait3A_202 = arith.constant 8 : i32
        %dma_wait3A_203 = arith.constant 0 : i32
        %dma_wait3A_204 = tpu.memref_slice %arg6[%dma_wait3A_202, %dma_wait3A_203] : memref<9x768xi32, #tpu.memory_space<vmem>> -> memref<1x768xi32, #tpu.memory_space<vmem>>
        %dma_wait3A_205 = tpu.memref_squeeze %dma_wait3A_204 : memref<1x768xi32, #tpu.memory_space<vmem>> -> memref<768xi32, #tpu.memory_space<vmem>>
        %dma_wait3A_206 = tpu.memref_slice %arg2[%dma_wait3A_201, %add3A_200] : memref<9x49152xi32, #tpu.memory_space<hbm>> -> memref<1x768xi32, #tpu.memory_space<hbm>>
        %dma_wait3A_207 = tpu.memref_squeeze %dma_wait3A_206 : memref<1x768xi32, #tpu.memory_space<hbm>> -> memref<768xi32, #tpu.memory_space<hbm>>
        %dma_wait3A_208 = arith.constant 0 : i32
        %dma_wait3A_209 = tpu.memref_slice %arg6[%dma_wait3A_202, %dma_wait3A_208] : memref<9x768xi32, #tpu.memory_space<vmem>> -> memref<1x768xi32, #tpu.memory_space<vmem>>
        %dma_wait3A_210 = tpu.memref_squeeze %dma_wait3A_209 : memref<1x768xi32, #tpu.memory_space<vmem>> -> memref<768xi32, #tpu.memory_space<vmem>>
        %dma_wait3A_211 = tpu.memref_slice %arg2[%dma_wait3A_201, %add3A_200] : memref<9x49152xi32, #tpu.memory_space<hbm>> -> memref<1x768xi32, #tpu.memory_space<hbm>>
        %dma_wait3A_212 = tpu.memref_squeeze %dma_wait3A_211 : memref<1x768xi32, #tpu.memory_space<hbm>> -> memref<768xi32, #tpu.memory_space<hbm>>
        tpu.wait_dma2 semaphore(%arg9 : memref<!tpu.dma_semaphore, #tpu.memory_space<semaphore_mem>>) src(%dma_wait3A_212 : memref<768xi32, #tpu.memory_space<hbm>>) dst(%dma_wait3A_210 : memref<768xi32, #tpu.memory_space<vmem>>)
      } else {
      }
    }
    %scan3A_26 = arith.constant 8 : i32
    %mul3A_27 = arith.constant 32 : i32
    %mul3A_28 = arith.muli %rem3A_0, %mul3A_27 : i32
    %dma_wait3A = arith.constant 0 : i32
    %dma_wait3A_29 = arith.constant 0 : i32
    %dma_wait3A_30 = arith.constant 0 : i32
    %dma_wait3A_31 = tpu.memref_slice %arg8[%dma_wait3A, %dma_wait3A_29, %dma_wait3A_30] : memref<2x256x33xf32, #tpu.memory_space<vmem>> -> memref<1x256x33xf32, #tpu.memory_space<vmem>>
    %dma_wait3A_32 = tpu.memref_squeeze %dma_wait3A_31 : memref<1x256x33xf32, #tpu.memory_space<vmem>> -> memref<256x33xf32, #tpu.memory_space<vmem>>
    %dma_wait3A_33 = arith.constant 0 : i32
    %dma_wait3A_34 = arith.constant 0 : i32
    %dma_wait3A_35 = tpu.memref_slice %dma_wait3A_32[%dma_wait3A_33, %dma_wait3A_34] : memref<256x33xf32, #tpu.memory_space<vmem>> -> memref<256x32xf32, #tpu.memory_space<vmem>>
    %dma_wait3A_36 = tpu.memref_slice %arg4[%add3A, %mul3A_28] : memref<49152x128xf32, #tpu.memory_space<hbm>> -> memref<256x32xf32, #tpu.memory_space<hbm>>
    %dma_wait3A_37 = tpu.memref_slice %arg4[%add3A, %mul3A_28] : memref<49152x128xf32, #tpu.memory_space<hbm>> -> memref<256x32xf32, #tpu.memory_space<hbm>>
    %dma_wait3A_38 = arith.constant 0 : i32
    %dma_wait3A_39 = arith.constant 0 : i32
    %dma_wait3A_40 = tpu.memref_slice %arg8[%dma_wait3A, %dma_wait3A_38, %dma_wait3A_39] : memref<2x256x33xf32, #tpu.memory_space<vmem>> -> memref<1x256x33xf32, #tpu.memory_space<vmem>>
    %dma_wait3A_41 = tpu.memref_squeeze %dma_wait3A_40 : memref<1x256x33xf32, #tpu.memory_space<vmem>> -> memref<256x33xf32, #tpu.memory_space<vmem>>
    %dma_wait3A_42 = arith.constant 0 : i32
    %dma_wait3A_43 = arith.constant 0 : i32
    %dma_wait3A_44 = tpu.memref_slice %dma_wait3A_41[%dma_wait3A_42, %dma_wait3A_43] : memref<256x33xf32, #tpu.memory_space<vmem>> -> memref<256x32xf32, #tpu.memory_space<vmem>>
    tpu.wait_dma2 semaphore(%arg10 : memref<!tpu.dma_semaphore, #tpu.memory_space<semaphore_mem>>) src(%dma_wait3A_44 : memref<256x32xf32, #tpu.memory_space<vmem>>) dst(%dma_wait3A_37 : memref<256x32xf32, #tpu.memory_space<hbm>>)
    %mul3A_45 = arith.constant 32 : i32
    %mul3A_46 = arith.muli %rem3A_0, %mul3A_45 : i32
    %dma_wait3A_47 = arith.constant 0 : i32
    %dma_wait3A_48 = arith.constant 0 : i32
    %dma_wait3A_49 = arith.constant 0 : i32
    %dma_wait3A_50 = tpu.memref_slice %arg8[%dma_wait3A_47, %dma_wait3A_48, %dma_wait3A_49] : memref<2x256x33xf32, #tpu.memory_space<vmem>> -> memref<1x256x33xf32, #tpu.memory_space<vmem>>
    %dma_wait3A_51 = tpu.memref_squeeze %dma_wait3A_50 : memref<1x256x33xf32, #tpu.memory_space<vmem>> -> memref<256x33xf32, #tpu.memory_space<vmem>>
    %dma_wait3A_52 = arith.constant 0 : i32
    %dma_wait3A_53 = arith.constant 0 : i32
    %dma_wait3A_54 = tpu.memref_slice %dma_wait3A_51[%dma_wait3A_52, %dma_wait3A_53] : memref<256x33xf32, #tpu.memory_space<vmem>> -> memref<256x32xf32, #tpu.memory_space<vmem>>
    %dma_wait3A_55 = tpu.memref_slice %arg4[%add3A, %mul3A_46] : memref<49152x128xf32, #tpu.memory_space<hbm>> -> memref<256x32xf32, #tpu.memory_space<hbm>>
    %dma_wait3A_56 = tpu.memref_slice %arg4[%add3A, %mul3A_46] : memref<49152x128xf32, #tpu.memory_space<hbm>> -> memref<256x32xf32, #tpu.memory_space<hbm>>
    %dma_wait3A_57 = arith.constant 0 : i32
    %dma_wait3A_58 = arith.constant 0 : i32
    %dma_wait3A_59 = tpu.memref_slice %arg8[%dma_wait3A_47, %dma_wait3A_57, %dma_wait3A_58] : memref<2x256x33xf32, #tpu.memory_space<vmem>> -> memref<1x256x33xf32, #tpu.memory_space<vmem>>
    %dma_wait3A_60 = tpu.memref_squeeze %dma_wait3A_59 : memref<1x256x33xf32, #tpu.memory_space<vmem>> -> memref<256x33xf32, #tpu.memory_space<vmem>>
    %dma_wait3A_61 = arith.constant 0 : i32
    %dma_wait3A_62 = arith.constant 0 : i32
    %dma_wait3A_63 = tpu.memref_slice %dma_wait3A_60[%dma_wait3A_61, %dma_wait3A_62] : memref<256x33xf32, #tpu.memory_space<vmem>> -> memref<256x32xf32, #tpu.memory_space<vmem>>
    tpu.wait_dma2 semaphore(%arg10 : memref<!tpu.dma_semaphore, #tpu.memory_space<semaphore_mem>>) src(%dma_wait3A_63 : memref<256x32xf32, #tpu.memory_space<vmem>>) dst(%dma_wait3A_56 : memref<256x32xf32, #tpu.memory_space<hbm>>)
    return
  }
}

</mosaic_0001>

<sc_bundles>
// kernel: _encoder_sc.3.cloned.1.call-start
scs
__scs_entry_jumppad:
0x0: {  	(pc) =	sbr.rel $0x88, $3  }
0x1: {  	(tag) =	ssettag $0x0;
	lr =	simm.s32 $0x1  }
0x2: {  	[smem:$0x3F9F] =	sst lr;
	_ =	strace $0xD0000000  }
0x3: {  	_ = 	snop  }
0x4: {  	_ = 	snop  }
0x5: {  	_ = 	snop  }
0x6: {  	_ = 	snop  }
0x7: {  	_ = 	snop  }
__scs_overlays_trampoline_lowered:
0x8: {  	[smem:$0x3FAE] =	sst s0  }
0x9: {  	[smem:$0x3FAF] =	sst s1  }
0xa: {  	[smem:$0x3FB0] =	sst s2  }
0xb: {  	[smem:$0x3FB1] =	sst s3  }
0xc: {  	[smem:$0x3FB2] =	sst s4  }
0xd: {  	[smem:$0x3FB3] =	sst s5  }
0xe: {  	[smem:$0x3FB4] =	sst s6  }
0xf: {  	[smem:$0x3FB5] =	sst s7  }
0x10: {  	[smem:$0x3FB6] =	sst s8  }
0x11: {  	[smem:$0x3FB7] =	sst s9;
	s0 =	simm.s32 @!p0 $0x0  }
0x12: {  	s1 =	sld [smem:$0x3F9D];
	s0 =	simm.s32 @p0 $0x1  }
0x13: {  	[smem:$0x3FB8] =	sst s0;
	s0 =	simm.s32 @!p1 $0x0  }
0x14: {  	s2 =	sld [smem:$0x3F9C];
	s0 =	simm.s32 @p1 $0x1  }
0x15: {  	[smem:$0x3FB9] =	sst s0;
	s0 =	simm.s32 @!p2 $0x0  }
0x16: {  	s3 =	sld [smem:$0x3FDB];
	s0 =	simm.s32 @p2 $0x1  }
0x17: {  	s4 =	simm.s32 $0x1BF5;
	[smem:$0x3FBB] =	sst s0  }
0x18: {  	s0 =	sld [smem:$0x3F9E];
	_ =	swait.ge [sflag:s4], $0x0  }
0x19: {  	s7 =	sld [smem:$0x3F9F]  }
0x1a: {  	s8 =	sadd.s32 $0xFFFFE003, lr  }
0x1b: {  	s9 =	sadd.s32 $0xFFFFFEF7, lr;
	s5 =	simm.s32 $0xFFFFFFFF;
	p2 =	slt.u32 s8, $0xFFFFF086  }
0x1c: {  	p1 =	slt.u32 s9, $0xF7A;
	s5 =	simm.s32 @!p2 $0x0  }
0x1d: {  	s5 =	simm.s32 @p1 $0x1;
	p0 =	seq.s32 s7, s2  }
0x1e: {  	s7 =	smul.u32 @!p0 $0xF7A, s2;
	p2 =	seq.s32 @!p0 s5, $0x0  }
0x1f: {  	s9 =	smul.u32 $0xF7A, s1;
	s8 =	simm.s32 @!p0 $0x1BF5;
	p2 =	por !p2, p0  }
0x20: {  	[sflag:s8] =	ssyncset.s32 @!p0 $0xFFFFF086;
	s6 =	sadd.s32 @!p0 s3, s7;
	s7 =	simm.s32 @!p0 $0x108  }
0x21: {  	s3 =	sadd.s32 s3, s9;
	s6 =	sadd.s32 @!p0 $0x88, s6;
	s7 =	simm.s32 @p2 $0x1082  }
0x22: {  	[simem:s7], [sflag:s8] =	dma.local @!p0 [hbm:s6], $0xF7A  }
0x23: {  	s9 =	sor.u32 $0xD0000000, s2;
	s6 =	simm.s32 $0x108;
	_ =	swait.ge @!p0 [sflag:s8], $0x0  }
0x24: {  	s3 =	sadd.s32 $0x88, s3;
	s6 =	simm.s32 @!p1 $0x1082;
	[sflag:s4] =	ssyncset.s32 $0xFFFFF086  }
0x25: {  	[simem:s6], [sflag:s4] =	dma.local [hbm:s3], $0xF7A  }
0x26: {  	[smem:$0x3F9F] =	sst s1;
	(tag) =	ssettag s2;
	_ =	strace s9  }
0x27: {  	s1 =	sld [smem:$0x3FAF]  }
0x28: {  	s2 =	sld [smem:$0x3FB0]  }
0x29: {  	s4 =	sld [smem:$0x3FB2]  }
0x2a: {  	p0 =	seq.s32 s5, $0x0;
	s5 =	sld [smem:$0x3FB3]  }
0x2b: {  	s6 =	sld [smem:$0x3FB4]  }
0x2c: {  	s7 =	sld [smem:$0x3FB5]  }
0x2d: {  	s3 =	simm.s32 $0x108;
	s8 =	sld [smem:$0x3FB6]  }
0x2e: {  	s3 =	simm.s32 @!p0 $0x1082;
	s9 =	sld [smem:$0x3FB7]  }
0x2f: {  	lr =	sadd.s32 s0, s3;
	s0 =	sld [smem:$0x3FAE]  }
0x30: {  	s3 =	sld [smem:$0x3FB1]  }
0x31: {  	[smem:$0x3FBA] =	sst s10  }
0x32: {  	s10 =	sld [smem:$0x3FB8];
	_ =	sdelay $0x3  }
0x33: {  	p0 =	seq.s32 s10, $0x1;
	s10 =	sld [smem:$0x3FBA];
	_ =	sdelay $0x3  }
0x34: {  	[smem:$0x3FBA] =	sst s10  }
0x35: {  	s10 =	sld [smem:$0x3FB9];
	_ =	sdelay $0x3  }
0x36: {  	p1 =	seq.s32 s10, $0x1;
	s10 =	sld [smem:$0x3FBA];
	_ =	sdelay $0x3  }
0x37: {  	[smem:$0x3FBA] =	sst s10  }
0x38: {  	s10 =	sld [smem:$0x3FBB]  }
0x39: {  	_ = 	snop;
	(pc) =	sbr.ind lr, $3  }
0x3a: {  	_ = 	snop  }
0x3b: {  	_ = 	snop  }
0x3c: {  	p2 =	seq.s32 s10, $0x1;
	s10 =	sld [smem:$0x3FBA]  }
0x3d: {  	_ =	shalt  }
0x3e: {  	_ =	shalt  }
0x3f: {  	_ =	shalt  }
0x40: {  	_ =	shalt  }
0x41: {  	_ =	shalt  }
0x42: {  	_ =	shalt  }
0x43: {  	_ =	shalt  }
0x44: {  	_ =	shalt  }
0x45: {  	_ =	shalt  }
0x46: {  	_ =	shalt  }
0x47: {  	_ =	shalt  }
0x48: {  	_ =	shalt  }
0x49: {  	_ =	shalt  }
0x4a: {  	_ =	shalt  }
0x4b: {  	_ =	shalt  }
0x4c: {  	_ =	shalt  }
0x4d: {  	_ =	shalt  }
0x4e: {  	_ =	shalt  }
0x4f: {  	_ =	shalt  }
0x50: {  	_ =	shalt  }
0x51: {  	_ =	shalt  }
0x52: {  	_ =	shalt  }
0x53: {  	_ =	shalt  }
0x54: {  	_ =	shalt  }
0x55: {  	_ =	shalt  }
0x56: {  	_ =	shalt  }
0x57: {  	_ =	shalt  }
0x58: {  	_ =	shalt  }
0x59: {  	_ =	shalt  }
0x5a: {  	_ =	shalt  }
0x5b: {  	_ =	shalt  }
0x5c: {  	_ =	shalt  }
0x5d: {  	_ =	shalt  }
0x5e: {  	_ =	shalt  }
0x5f: {  	_ =	shalt  }
0x60: {  	_ =	shalt  }
0x61: {  	_ =	shalt  }
0x62: {  	_ =	shalt  }
0x63: {  	_ =	shalt  }
0x64: {  	_ =	shalt  }
0x65: {  	_ =	shalt  }
0x66: {  	_ =	shalt  }
0x67: {  	_ =	shalt  }
0x68: {  	_ =	shalt  }
0x69: {  	_ =	shalt  }
0x6a: {  	_ =	shalt  }
0x6b: {  	_ =	shalt  }
0x6c: {  	_ =	shalt  }
0x6d: {  	_ =	shalt  }
0x6e: {  	_ =	shalt  }
0x6f: {  	_ =	shalt  }
0x70: {  	_ =	shalt  }
0x71: {  	_ =	shalt  }
0x72: {  	_ =	shalt  }
0x73: {  	_ =	shalt  }
0x74: {  	_ =	shalt  }
0x75: {  	_ =	shalt  }
0x76: {  	_ =	shalt  }
0x77: {  	_ =	shalt  }
0x78: {  	_ =	shalt  }
0x79: {  	_ =	shalt  }
0x7a: {  	_ =	shalt  }
0x7b: {  	_ =	shalt  }
0x7c: {  	_ =	shalt  }
0x7d: {  	_ =	shalt  }
0x7e: {  	_ =	shalt  }
0x7f: {  	_ =	shalt  }
0x80: {  	_ =	shalt  }
0x81: {  	_ =	shalt  }
0x82: {  	_ =	shalt  }
0x83: {  	_ =	shalt  }
0x84: {  	_ =	shalt  }
0x85: {  	_ =	shalt  }
0x86: {  	_ =	shalt  }
0x87: {  	_ =	shalt  }
.Lfunc_end0:
.L_simem_size_0:
called_computation_lowered:
.L_overlay_start_0:
0x88: {  	s2 =	sld [smem:$0x3FD9]  }
0x89: {  	s3 =	sld [smem:$0x3FFE];
	_ =	sdelay $0x1  }
0x8a: {  	s1 =	srdreg.scid  }
0x8b: {  	s0 =	sand.u32 $0x1, s1  }
0x8c: {  	s17 =	sshll.u32 s0, $0xA;
	s2 =	sadd.s32 s3, s2  }
0x8d: {  	s2 =	sadd.s32 s2, s17  }
0x8e: {  	[smem:$0x3FC6] =	sst s2  }
0x8f: {  	_ = 	snop  }
0x90: {  	s2 =	sld [smem:$0x3FD0];
	(tm) =	ssettm $0x1  }
0x91: {  	s18 =	sld [smem:$0x3FFB];
	_ =	sdelay $0x3  }
0x92: {  	_ =	strace s18  }
0x93: {  	s3 =	sld [smem:$0x3FFC];
	_ =	sdelay $0x3  }
0x94: {  	_ =	strace s3  }
0x95: {  	s3 =	sld [smem:$0x3FFD];
	_ =	sdelay $0x3  }
0x96: {  	_ =	strace s3  }
0x97: {  	_ =	strace $0x8FFFFFFF  }
0x98: {  	s19 =	sld [smem:$0x3FDB];
	_ =	sdelay $0x1  }
0x99: {  	s4 =	simm.s32 $_scs_section_size  }
0x9a: {  	s5 =	simm.s32 $_size__tile_overlayer_lowered;
	s6 =	simm.s32 $_tile_overlayer_lowered  }
0x9b: {  	s22 =	simm.s32 $0x1BFF;
	s21 =	sshll.u32 s6, $0x1;
	s3 =	sadd.s32 s4, s19  }
0x9c: {  	s7 =	simm.s32 $0x0;
	s20 =	sshll.u32 s5, $0x1;
	s5 =	sadd.s32 s21, s3  }
0x9d: {  	[timem:s7], [sflag:s22] =	dma.local [hbm:s5], s20  }
0x9e: {  	_ =	swait.ge [sflag:s22], s20  }
0x9f: {  	s4 =	ssub.s32 $0x0, s20;
	[sflag:s22] =	ssyncset.done $0x0  }
0xa0: {  	[sflag:s22] =	ssyncadd.s32 s4;
	_ =	sdelay $0x1  }
0xa1: {  	s23 =	simm.s32 $0x1B8B  }
0xa2: {  	_ =	swait.ge [sflag:s23], $0x1  }
0xa3: {  	[sflag:s23] =	ssyncset.done $0x0  }
0xa4: {  	s25 =	simm.s32 $0x1B8E;
	s24 =	sld [smem:$0x3FFE];
	[sflag:s23] =	ssyncadd.s32 $0xFFFFFFFF  }
0xa5: {  	s26 =	simm.s32 $execute0_lowered;
	[smem:$0x3FD2] =	sst s25  }
0xa6: {  	s5 =	sshll.u32 s26, $0x1;
	_ =	strace $0x80000046;
	[dreg:$0x1] =	wrdreg $0xFFFFFFFF  }
0xa7: {  	s28 =	simm.s32 $_size_execute0_lowered;
	s3 =	sadd.s32 s3, s5;
	[dreg:$0x0] =	wrdreg $0x0  }
0xa8: {  	s5 =	sshll.u32 s28, $0x1;
	[dreg:$0x2] =	wrdreg s3  }
0xa9: {  	[dreg:$0x3] =	wrdreg s5  }
0xaa: {  	[dreg:$0x4] =	wrdreg $0xC0  }
0xab: {  	_ =	task [dreg:s7], $0x5FFFF  }
0xac: {  	[dreg:$0x1] =	wrdreg $0xFFFFFFFF  }
0xad: {  	[dreg:$0x0] =	wrdreg $0x60  }
0xae: {  	[dreg:$0x2] =	wrdreg s24  }
0xaf: {  	[dreg:$0x3] =	wrdreg s2  }
0xb0: {  	[dreg:$0x4] =	wrdreg $0x9  }
0xb1: {  	_ =	task.clear_ibuf [dreg:s7], $0x5FFFF;
	_ =	strace $0x90000046  }
0xb2: {  	s29 =	simm.s32 $0x9;
	_ =	strace $0x80000048  }
0xb3: {  	_ =	swait.ge [sflag:s29], $0x1  }
0xb4: {  	[sflag:s29] =	ssyncadd.s32 $0xFFFFFFFF  }
0xb5: {  	_ =	strace $0x90000048  }
0xb6: {  	_ =	sfence  }
0xb7: {  	s30 =	sld [smem:$0x0];
	_ =	sdelay $0x2  }
0xb8: {  	s31 =	sshll.u32 s1, $0xD;
	s1 =	sshrl.u32 s1, $0x2  }
0xb9: {  	s3 =	sand.u32 $0x4000, s31;
	s1 =	sadd.s32 s1, s30  }
0xba: {  	s0 =	sor.u32 s3, s0;
	s1 =	sshll.u32 s1, $0x11  }
0xbb: {  	s0 =	sor.u32 s1, s0  }
0xbc: {  	s0 =	sadd.s32 $0x8F2B, s0  }
0xbd: {  	[sflag:s0] =	ssyncadd.remote.s32 $0x1  }
0xbe: {  	_ =	sfence.sel $0xFFFF  }
0xbf: {  	[dreg:$0x0] =	wrdreg $0xFFFFFFFF;
	(pc) =	sbr.abs _section_cstart, $3  }
0xc0: {  	[dreg:$0x1] =	wrdreg $0xFFFFFFFF  }
0xc1: {  	_ =	task.clear_ibuf [dreg:s7], $0x2FFFF;
	_ =	strace $0x9FFFFFFF  }
0xc2: {  	(tm) =	ssettm $0x7FFFFFFF  }
0xc3: {  	_ =	shalt  }
tec
execute0_lowered:
.L_overlay_start_1:
0x0: {  	(tag) =	ssettag $0x1  }
0x1: {  	v0 =	vimm.s32 $0xFEDCBA9;
	v2 =	vimm.s32 $0x87654321  }
0x2: {  	v3 =	vimm.s32 $0x80562C02;
	v4 =	vimm.s32 $0xFED4AA;
	vm9 =	vcmask $0xF00  }
0x3: {  	v6 =	vimm.s32 $0x81572D03;
	vm8 =	vcmask $0x1B10;
	v7 =	vimm.s32 $0xFFD5AB  }
0x4: {  	vm7 =	vcmask $0x1F1C;
	vm6 =	vcmask $0x2320;
	vm5 =	vcmask $0x2724  }
0x5: {  	vm4 =	vcmask $0x2B28;
	vm3 =	vcmask $0x2F2C;
	vm2 =	vcmask $0x3330  }
0x6: {  	vm0 =	vcmask $0x3734;
	vm1 =	vcmask $0x3B38;
	vm10 =	vcmask $0x1310  }
0x7: {  	v8 =	vimm.s32 $0x98765432;
	vm12 =	vcmask $0x1714;
	vm11 =	vcmask $0x1B18  }
0x8: {  	v9 =	vimm.s32 $0x845A3006;
	v11 =	vimm.s32 $0x210FEDCB;
	v12 =	vimm.s32 $0xA9876543  }
0x9: {  	v15 =	vimm.s32 $0xBA987654;
	v18 =	vimm.s32 $0xCBA98765;
	v22 =	vimm.s32 $0x543210FE  }
0xa: {  	v23 =	vimm.s32 $0xDCBA9876;
	v24 =	vimm.s32 $0x8D63390F;
	v26 =	vimm.s32 $0xEDCBA987  }
0xb: {  	v28 =	vimm.s32 $0xFEDCBA98;
	v29 =	vimm.s32 $0x8F653B11;
	v30 =	vimm.s32 $0x90663C12  }
0xc: {  	v32 =	vimm.s32 $0x93693F15;
	v33 =	vimm.s32 $0xF1E7BD;
	v62 =	vimm.s32 $0x7A50461C  }
0xd: {  	v63 =	vimm.s32 $0xF8CEA4;
	v45 =	vimm.s32 $0x7B51471D;
	v46 =	vimm.s32 $0xF9CFA5  }
0xe: {  	v54 =	vimm.s32 $0x7C52281E;
	v55 =	vimm.s32 $0xFAD0A6;
	v57 =	vimm.s32 $0xFBD1A7  }
0xf: {  	v1 =	vunpack.c.l.s4.s8 v0;
	v0 =	vlaneseq.u32;
	v2 =	vunpack.c.l.s4.s8 v2  }
0x10: {  	v3 =	vunpack.c.0.s8.s32 v3;
	v4 =	vunpack.c.0.s8.s32 v4;
	v6 =	vunpack.c.0.s8.s32 v6  }
0x11: {  	v7 =	vunpack.c.0.s8.s32 v7;
	v8 =	vunpack.c.l.s4.s8 v8;
	v9 =	vunpack.c.0.s8.s32 v9  }
0x12: {  	v11 =	vunpack.c.l.s4.s8 v11;
	v12 =	vunpack.c.l.s4.s8 v12;
	v15 =	vunpack.c.l.s4.s8 v15  }
0x13: {  	v18 =	vunpack.c.l.s4.s8 v18;
	v22 =	vunpack.c.l.s4.s8 v22;
	v23 =	vunpack.c.l.s4.s8 v23  }
0x14: {  	v24 =	vunpack.c.0.s8.s32 v24;
	v26 =	vunpack.c.l.s4.s8 v26;
	v28 =	vunpack.c.l.s4.s8 v28  }
0x15: {  	v29 =	vunpack.c.0.s8.s32 v29;
	v30 =	vunpack.c.0.s8.s32 v30;
	v32 =	vunpack.c.0.s8.s32 v32  }
0x16: {  	v49 =	vmul.u32 $0x2A, v0;
	v1 =	vunpack.c.0.s8.s32 v1;
	v2 =	vunpack.c.0.s8.s32 v2  }
0x17: {  	v3 =	vand.u32 $0xFF, v3;
	v4 =	vand.u32 $0xFF, v4;
	v20 =	vunpack.c.0.s8.s32 v8  }
0x18: {  	v9 =	vand.u32 $0xFF, v9;
	v21 =	vunpack.c.0.s8.s32 v11;
	v34 =	vunpack.c.0.s8.s32 v12  }
0x19: {  	v12 =	vimm.s32 $0x865C3208;
	v39 =	vunpack.c.0.s8.s32 v15;
	v15 =	vimm.s32 $0x885E340A  }
0x1a: {  	v41 =	vunpack.c.0.s8.s32 v18;
	v42 =	vunpack.c.0.s8.s32 v22;
	v43 =	vunpack.c.0.s8.s32 v23  }
0x1b: {  	v24 =	vand.u32 $0xFF, v24;
	v37 =	vunpack.c.0.s8.s32 v26;
	v26 =	vimm.s32 $0x8E643A10  }
0x1c: {  	v28 =	vunpack.c.0.s8.s32 v28;
	v29 =	vand.u32 $0xFF, v29;
	v32 =	vand.u32 $0xFF, v32  }
0x1d: {  	v50 =	vor.u32 $0x1, v49;
	v3 =	vnsel vm9, $0x258, v3;
	v9 =	vnsel vm9, $0x25C, v9  }
0x1e: {  	v12 =	vunpack.c.0.s8.s32 v12;
	v15 =	vunpack.c.0.s8.s32 v15;
	v24 =	vnsel vm9, $0x265, v24  }
0x1f: {  	v26 =	vunpack.c.0.s8.s32 v26;
	v29 =	vnsel vm9, $0x267, v29;
	v5 =	vcombine.low v2, v1  }
0x20: {  	v32 =	vnsel vm9, $0x26B, v32;
	v4 =	vsel vm8, v4, v3;
	v9 =	vsel vm10, $0xAE, v9  }
0x21: {  	v11 =	vcombine.low v34, v21;
	v3 =	vand.u32 $0xF, v5;
	v5 =	vand.u32 $0xFF, v6  }
0x22: {  	v22 =	vcombine.low v43, v42;
	v6 =	vand.u32 $0xFF, v7;
	v5 =	vnsel vm9, $0x259, v5  }
0x23: {  	v4 =	vsel vm7, $0x128, v4;
	v5 =	vsel vm8, v6, v5;
	v6 =	vimm.s32 $0x82582E04  }
0x24: {  	v24 =	vsel vm10, $0xB7, v24;
	v4 =	vsel vm6, $0x152, v4;
	v6 =	vunpack.c.0.s8.s32 v6  }
0x25: {  	v28 =	vand.u32 $0xF, v28;
	v7 =	vimm.s32 $0x83592F05;
	v4 =	vsel vm5, $0x17C, v4  }
0x26: {  	v7 =	vunpack.c.0.s8.s32 v7;
	v4 =	vsel vm4, $0x1A6, v4;
	v6 =	vand.u32 $0xFF, v6  }
0x27: {  	v29 =	vsel vm10, $0xB9, v29;
	v4 =	vsel vm3, $0x1D0, v4;
	v6 =	vnsel vm9, $0x25A, v6  }
0x28: {  	v7 =	vand.u32 $0xFF, v7;
	v4 =	vsel vm2, $0x1FA, v4;
	v6 =	vsel vm10, $0xAC, v6  }
0x29: {  	v7 =	vnsel vm9, $0x25B, v7;
	v4 =	vsel vm0, $0x224, v4;
	v6 =	vsel vm12, $0xD6, v6  }
0x2a: {  	v51 =	vsel vm1, $0x24E, v4;
	v4 =	vimm.s32 $0x10FEDCBA;
	v6 =	vsel vm11, $0x100, v6  }
0x2b: {  	v7 =	vsel vm10, $0xAD, v7;
	v4 =	vunpack.c.l.s4.s8 v4;
	v6 =	vsel vm7, $0x12A, v6  }
0x2c: {  	v1 =	vcombine.low v1, v2;
	v7 =	vsel vm12, $0xD7, v7;
	v6 =	vsel vm6, $0x154, v6  }
0x2d: {  	v7 =	vsel vm11, $0x101, v7;
	v4 =	vunpack.c.0.s8.s32 v4;
	v6 =	vsel vm5, $0x17E, v6  }
0x2e: {  	v21 =	vcombine.low v21, v34;
	v7 =	vsel vm7, $0x12B, v7;
	v6 =	vsel vm4, $0x1A8, v6  }
0x2f: {  	v7 =	vsel vm6, $0x155, v7;
	v8 =	vcombine.low v20, v4;
	v6 =	vsel vm3, $0x1D2, v6  }
0x30: {  	v44 =	vcombine.low v42, v43;
	v7 =	vsel vm5, $0x17F, v7;
	v10 =	vsel vm2, $0x1FC, v6  }
0x31: {  	v6 =	vand.u32 $0xF, v8;
	v8 =	vsel vm0, $0x226, v10;
	v10 =	vsel vm4, $0x1A9, v7  }
0x32: {  	v7 =	vsel vm1, $0x230, v8;
	v8 =	vsel vm3, $0x1D3, v10;
	v10 =	vimm.s32 $0x855B3107  }
0x33: {  	v42 =	vunpack.c.0.s8.s32 v46;
	v9 =	vsel vm12, $0xD8, v9;
	v10 =	vunpack.c.0.s8.s32 v10  }
0x34: {  	v12 =	vand.u32 $0xFF, v12;
	v15 =	vand.u32 $0xFF, v15;
	v9 =	vsel vm11, $0x102, v9  }
0x35: {  	v24 =	vsel vm12, $0xE1, v24;
	v9 =	vsel vm7, $0x12C, v9;
	v10 =	vand.u32 $0xFF, v10  }
0x36: {  	v26 =	vand.u32 $0xFF, v26;
	v9 =	vsel vm6, $0x156, v9;
	v10 =	vnsel vm9, $0x25D, v10  }
0x37: {  	v29 =	vsel vm12, $0xE3, v29;
	v9 =	vsel vm5, $0x180, v9;
	v10 =	vsel vm10, $0xAF, v10  }
0x38: {  	v12 =	vnsel vm9, $0x25E, v12;
	v9 =	vsel vm4, $0x1AA, v9;
	v10 =	vsel vm12, $0xD9, v10  }
0x39: {  	v15 =	vnsel vm9, $0x260, v15;
	v9 =	vsel vm3, $0x1D4, v9;
	v10 =	vsel vm11, $0x103, v10  }
0x3a: {  	v24 =	vsel vm11, $0x10B, v24;
	v9 =	vsel vm2, $0x1FE, v9;
	v10 =	vsel vm7, $0x12D, v10  }
0x3b: {  	v12 =	vsel vm10, $0xB0, v12;
	v13 =	vsel vm0, $0x208, v9;
	v10 =	vsel vm6, $0x157, v10  }
0x3c: {  	v14 =	vsel vm5, $0x181, v10;
	v10 =	vsel vm1, $0x232, v13;
	v13 =	vimm.s32 $0x875D3309  }
0x3d: {  	v26 =	vnsel vm9, $0x266, v26;
	v12 =	vsel vm12, $0xDA, v12;
	v13 =	vunpack.c.0.s8.s32 v13  }
0x3e: {  	v35 =	vand.u32 $0xF, v21;
	v53 =	vand.u32 $0xFF, v42;
	v12 =	vsel vm11, $0x104, v12  }
0x3f: {  	v42 =	vunpack.c.0.s8.s32 v54;
	v12 =	vsel vm7, $0x12E, v12;
	v13 =	vand.u32 $0xFF, v13  }
0x40: {  	v12 =	vsel vm6, $0x158, v12;
	v9 =	vand.u32 $0xF, v11;
	v13 =	vnsel vm9, $0x25F, v13  }
0x41: {  	v11 =	vsel vm4, $0x1AB, v14;
	v14 =	vimm.s32 $0x3210FEDC;
	v13 =	vsel vm10, $0xB1, v13  }
0x42: {  	v12 =	vsel vm5, $0x182, v12;
	v14 =	vunpack.c.l.s4.s8 v14;
	v13 =	vsel vm12, $0xDB, v13  }
0x43: {  	v44 =	vand.u32 $0xF, v44;
	v12 =	vsel vm4, $0x1AC, v12;
	v13 =	vsel vm11, $0x105, v13  }
0x44: {  	v12 =	vsel vm3, $0x1D6, v12;
	v38 =	vunpack.c.0.s8.s32 v14;
	v13 =	vsel vm7, $0x12F, v13  }
0x45: {  	v15 =	vsel vm10, $0xB2, v15;
	v12 =	vsel vm2, $0x1E0, v12;
	v13 =	vsel vm6, $0x159, v13  }
0x46: {  	v16 =	vsel vm0, $0x20A, v12;
	v14 =	vcombine.low v39, v38;
	v13 =	vsel vm5, $0x183, v13  }
0x47: {  	v17 =	vsel vm4, $0x1AD, v13;
	v13 =	vsel vm1, $0x234, v16;
	v16 =	vimm.s32 $0x895F350B  }
0x48: {  	v24 =	vsel vm7, $0x135, v24;
	v26 =	vsel vm10, $0xB8, v26;
	v16 =	vunpack.c.0.s8.s32 v16  }
0x49: {  	v12 =	vand.u32 $0xF, v14;
	v14 =	vsel vm3, $0x1D7, v17;
	v17 =	vimm.s32 $0x43210FED  }
0x4a: {  	v15 =	vsel vm12, $0xDC, v15;
	v17 =	vunpack.c.l.s4.s8 v17;
	v16 =	vand.u32 $0xFF, v16  }
0x4b: {  	v24 =	vsel vm6, $0x15F, v24;
	v15 =	vsel vm11, $0x106, v15;
	v16 =	vnsel vm9, $0x261, v16  }
0x4c: {  	v15 =	vsel vm7, $0x130, v15;
	v40 =	vunpack.c.0.s8.s32 v17;
	v16 =	vsel vm10, $0xB3, v16  }
0x4d: {  	v26 =	vsel vm12, $0xE2, v26;
	v15 =	vsel vm6, $0x15A, v15;
	v16 =	vsel vm12, $0xDD, v16  }
0x4e: {  	v15 =	vsel vm5, $0x184, v15;
	v17 =	vcombine.low v41, v40;
	v16 =	vsel vm11, $0x107, v16  }
0x4f: {  	v5 =	vsel vm7, $0x129, v5;
	v18 =	vsel vm4, $0x1AE, v15;
	v16 =	vsel vm7, $0x131, v16  }
0x50: {  	v15 =	vand.u32 $0xF, v17;
	v17 =	vsel vm3, $0x1B8, v18;
	v18 =	vimm.s32 $0x8A60360C  }
0x51: {  	v16 =	vsel vm6, $0x15B, v16;
	v17 =	vsel vm2, $0x1E2, v17;
	v18 =	vunpack.c.0.s8.s32 v18  }
0x52: {  	v24 =	vsel vm5, $0x169, v24;
	v16 =	vsel vm5, $0x185, v16;
	v17 =	vsel vm0, $0x20C, v17  }
0x53: {  	v19 =	vsel vm4, $0x1AF, v16;
	v16 =	vsel vm1, $0x236, v17;
	v18 =	vand.u32 $0xFF, v18  }
0x54: {  	v17 =	vsel vm3, $0x1B9, v19;
	v19 =	vimm.s32 $0x8B61370D;
	v18 =	vnsel vm9, $0x262, v18  }
0x55: {  	v26 =	vsel vm11, $0x10C, v26;
	v19 =	vunpack.c.0.s8.s32 v19;
	v18 =	vsel vm10, $0xB4, v18  }
0x56: {  	v5 =	vsel vm6, $0x153, v5;
	v24 =	vsel vm4, $0x193, v24;
	v18 =	vsel vm12, $0xDE, v18  }
0x57: {  	v26 =	vsel vm7, $0x136, v26;
	v19 =	vand.u32 $0xFF, v19;
	v18 =	vsel vm11, $0x108, v18  }
0x58: {  	v5 =	vsel vm5, $0x17D, v5;
	v19 =	vnsel vm9, $0x263, v19;
	v18 =	vsel vm7, $0x132, v18  }
0x59: {  	v24 =	vsel vm3, $0x1BD, v24;
	v19 =	vsel vm10, $0xB5, v19;
	v18 =	vsel vm6, $0x15C, v18  }
0x5a: {  	v26 =	vsel vm6, $0x140, v26;
	v19 =	vsel vm12, $0xDF, v19;
	v18 =	vsel vm5, $0x186, v18  }
0x5b: {  	v5 =	vsel vm4, $0x1A7, v5;
	v19 =	vsel vm11, $0x109, v19;
	v23 =	vsel vm4, $0x190, v18  }
0x5c: {  	v18 =	vand.u32 $0xF, v22;
	v22 =	vsel vm3, $0x1BA, v23;
	v23 =	vimm.s32 $0x8C62380E  }
0x5d: {  	v26 =	vsel vm5, $0x16A, v26;
	v19 =	vsel vm7, $0x133, v19;
	v23 =	vunpack.c.0.s8.s32 v23  }
0x5e: {  	v5 =	vsel vm3, $0x1D1, v5;
	v31 =	vsel vm4, $0x194, v26;
	v19 =	vsel vm6, $0x15D, v19  }
0x5f: {  	v5 =	vsel vm2, $0x1FB, v5;
	v19 =	vsel vm5, $0x187, v19;
	v23 =	vand.u32 $0xFF, v23  }
0x60: {  	v22 =	vsel vm2, $0x1E4, v22;
	v19 =	vsel vm4, $0x191, v19;
	v23 =	vnsel vm9, $0x264, v23  }
0x61: {  	v22 =	vsel vm0, $0x20E, v22;
	v19 =	vsel vm3, $0x1BB, v19;
	v23 =	vsel vm10, $0xB6, v23  }
0x62: {  	v25 =	vsel vm2, $0x1E5, v19;
	v19 =	vsel vm1, $0x238, v22;
	v23 =	vsel vm12, $0xE0, v23  }
0x63: {  	v22 =	vsel vm0, $0x20F, v25;
	v25 =	vimm.s32 $0x6543210F;
	v23 =	vsel vm11, $0x10A, v23  }
0x64: {  	v5 =	vsel vm0, $0x225, v5;
	v25 =	vunpack.c.l.s4.s8 v25;
	v23 =	vsel vm7, $0x134, v23  }
0x65: {  	v5 =	vsel vm1, $0x24F, v5;
	v8 =	vsel vm2, $0x1FD, v8;
	v23 =	vsel vm6, $0x15E, v23  }
0x66: {  	v8 =	vsel vm0, $0x227, v8;
	v36 =	vunpack.c.0.s8.s32 v25;
	v23 =	vsel vm5, $0x168, v23  }
0x67: {  	v4 =	vcombine.low v4, v20;
	v8 =	vsel vm1, $0x231, v8;
	v23 =	vsel vm4, $0x192, v23  }
0x68: {  	v11 =	vsel vm3, $0x1D5, v11;
	v25 =	vcombine.low v37, v36;
	v23 =	vsel vm3, $0x1BC, v23  }
0x69: {  	v11 =	vsel vm2, $0x1FF, v11;
	v14 =	vsel vm2, $0x1E1, v14;
	v27 =	vsel vm2, $0x1E6, v23  }
0x6a: {  	v23 =	vand.u32 $0xF, v25;
	v25 =	vsel vm0, $0x210, v27;
	v27 =	vsel vm2, $0x1E7, v24  }
0x6b: {  	v24 =	vsel vm1, $0x23A, v25;
	v25 =	vsel vm0, $0x211, v27;
	v27 =	vimm.s32 $0x76543210  }
0x6c: {  	v11 =	vsel vm0, $0x209, v11;
	v14 =	vsel vm0, $0x20B, v14;
	v27 =	vunpack.c.l.s4.s8 v27  }
0x6d: {  	v21 =	vcombine.low v40, v41;
	v40 =	vunpack.c.0.s8.s32 v63;
	v41 =	vunpack.c.0.s8.s32 v45  }
0x6e: {  	v11 =	vsel vm1, $0x233, v11;
	v14 =	vsel vm1, $0x235, v14;
	v27 =	vunpack.c.0.s8.s32 v27  }
0x6f: {  	v45 =	vunpack.c.0.s8.s32 v57;
	v40 =	vand.u32 $0xFF, v40;
	v52 =	vand.u32 $0xFF, v41  }
0x70: {  	v26 =	vcombine.low v28, v27;
	v28 =	vsel vm11, $0x10D, v29;
	v29 =	vand.u32 $0xFF, v30  }
0x71: {  	v41 =	vand.u32 $0xF, v21;
	v21 =	vand.u32 $0xFF, v42;
	v29 =	vnsel vm9, $0x268, v29  }
0x72: {  	v17 =	vsel vm2, $0x1E3, v17;
	v30 =	vimm.s32 $0x91673D13;
	v29 =	vsel vm10, $0xBA, v29  }
0x73: {  	v17 =	vsel vm0, $0x20D, v17;
	v30 =	vunpack.c.0.s8.s32 v30;
	v29 =	vsel vm12, $0xE4, v29  }
0x74: {  	v21 =	vnsel vm9, $0x274, v21;
	v17 =	vsel vm1, $0x237, v17;
	v29 =	vsel vm11, $0x10E, v29  }
0x75: {  	v22 =	vsel vm1, $0x239, v22;
	v30 =	vand.u32 $0xFF, v30;
	v29 =	vsel vm7, $0x118, v29  }
0x76: {  	v25 =	vsel vm1, $0x23B, v25;
	v30 =	vnsel vm9, $0x269, v30;
	v29 =	vsel vm6, $0x142, v29  }
0x77: {  	v27 =	vsel vm3, $0x1BE, v31;
	v2 =	vsel vm5, $0x16C, v29;
	v29 =	vsel vm10, $0xBB, v30  }
0x78: {  	v28 =	vsel vm7, $0x137, v28;
	v2 =	vsel vm4, $0x196, v2;
	v30 =	vsel vm12, $0xE5, v29  }
0x79: {  	v29 =	vand.u32 $0xF, v1;
	v1 =	vsel vm3, $0x1C0, v2;
	v2 =	vsel vm11, $0x10F, v30  }
0x7a: {  	v30 =	vimm.s32 $0x92683E14;
	v1 =	vsel vm2, $0x1EA, v1;
	v2 =	vsel vm7, $0x119, v2  }
0x7b: {  	v31 =	vunpack.c.0.s8.s32 v30;
	v1 =	vsel vm0, $0x214, v1;
	v2 =	vsel vm6, $0x143, v2  }
0x7c: {  	v30 =	vsel vm1, $0x23E, v1;
	v1 =	vsel vm5, $0x16D, v2;
	v2 =	vimm.s32 $0xF0E6BC  }
0x7d: {  	v27 =	vsel vm2, $0x1E8, v27;
	v28 =	vsel vm6, $0x141, v28;
	v2 =	vunpack.c.0.s8.s32 v2  }
0x7e: {  	v27 =	vsel vm0, $0x212, v27;
	v28 =	vsel vm5, $0x16B, v28;
	v31 =	vand.u32 $0xFF, v31  }
0x7f: {  	v27 =	vsel vm1, $0x23C, v27;
	v31 =	vnsel vm9, $0x26A, v31;
	v2 =	vand.u32 $0xFF, v2  }
0x80: {  	v1 =	vsel vm4, $0x197, v1;
	v2 =	vsel vm8, v2, v31;
	v31 =	vunpack.c.0.s8.s32 v33  }
0x81: {  	v28 =	vsel vm4, $0x195, v28;
	v1 =	vsel vm3, $0x1C1, v1;
	v2 =	vsel vm7, $0x11A, v2  }
0x82: {  	v1 =	vsel vm2, $0x1EB, v1;
	v2 =	vsel vm6, $0x144, v2;
	v31 =	vand.u32 $0xFF, v31  }
0x83: {  	v1 =	vsel vm0, $0x215, v1;
	v2 =	vsel vm5, $0x16E, v2;
	v20 =	vsel vm8, v31, v32  }
0x84: {  	v31 =	vsel vm1, $0x23F, v1;
	v1 =	vsel vm4, $0x198, v2;
	v2 =	vsel vm7, $0x11B, v20  }
0x85: {  	v32 =	vand.u32 $0xF, v4;
	v4 =	vimm.s32 $0x946A4016;
	v2 =	vsel vm6, $0x145, v2  }
0x86: {  	v4 =	vunpack.c.0.s8.s32 v4;
	v1 =	vsel vm3, $0x1C2, v1;
	v2 =	vsel vm5, $0x16F, v2  }
0x87: {  	v20 =	vimm.s32 $0xF2C8BE;
	v1 =	vsel vm2, $0x1EC, v1;
	v2 =	vsel vm4, $0x199, v2  }
0x88: {  	v20 =	vunpack.c.0.s8.s32 v20;
	v1 =	vsel vm0, $0x216, v1;
	v2 =	vsel vm3, $0x1C3, v2  }
0x89: {  	v33 =	vsel vm1, $0x240, v1;
	v1 =	vsel vm2, $0x1ED, v2;
	v2 =	vand.u32 $0xFF, v4  }
0x8a: {  	v4 =	vand.u32 $0xFF, v20;
	v20 =	vimm.s32 $0x956B4117;
	v2 =	vnsel vm9, $0x26C, v2  }
0x8b: {  	v2 =	vsel vm8, v4, v2;
	v4 =	vunpack.c.0.s8.s32 v20;
	v20 =	vimm.s32 $0xF3C9BF  }
0x8c: {  	v28 =	vsel vm3, $0x1BF, v28;
	v2 =	vsel vm7, $0x11C, v2;
	v20 =	vunpack.c.0.s8.s32 v20  }
0x8d: {  	v1 =	vsel vm0, $0x217, v1;
	v2 =	vsel vm6, $0x146, v2;
	v4 =	vand.u32 $0xFF, v4  }
0x8e: {  	v2 =	vsel vm5, $0x170, v2;
	v4 =	vnsel vm9, $0x26D, v4;
	v20 =	vand.u32 $0xFF, v20  }
0x8f: {  	v34 =	vsel vm1, $0x241, v1;
	v1 =	vsel vm4, $0x19A, v2;
	v2 =	vsel vm8, v20, v4  }
0x90: {  	v28 =	vsel vm2, $0x1E9, v28;
	v4 =	vimm.s32 $0x966C4218;
	v2 =	vsel vm7, $0x11D, v2  }
0x91: {  	v20 =	vimm.s32 $0xF4CAA0;
	v1 =	vsel vm3, $0x1C4, v1;
	v2 =	vsel vm6, $0x147, v2  }
0x92: {  	v4 =	vunpack.c.0.s8.s32 v4;
	v1 =	vsel vm2, $0x1EE, v1;
	v2 =	vsel vm5, $0x171, v2  }
0x93: {  	v20 =	vunpack.c.0.s8.s32 v20;
	v1 =	vsel vm0, $0x218, v1;
	v2 =	vsel vm4, $0x19B, v2  }
0x94: {  	v47 =	vsel vm1, $0x242, v1;
	v1 =	vsel vm3, $0x1C5, v2;
	v2 =	vand.u32 $0xFF, v4  }
0x95: {  	v4 =	vand.u32 $0xFF, v20;
	v20 =	vimm.s32 $0xF5CBA1;
	v2 =	vnsel vm9, $0x26E, v2  }
0x96: {  	v1 =	vsel vm2, $0x1EF, v1;
	v2 =	vsel vm8, v4, v2;
	v4 =	vimm.s32 $0x976D4319  }
0x97: {  	v1 =	vsel vm0, $0x219, v1;
	v2 =	vsel vm7, $0x11E, v2;
	v4 =	vunpack.c.0.s8.s32 v4  }
0x98: {  	s2 =	srdreg.scid;
	v48 =	vsel vm1, $0x243, v1;
	v1 =	vsel vm6, $0x148, v2;
	v2 =	vunpack.c.0.s8.s32 v20  }
0x99: {  	s1 =	rddreg [dreg:$0x0];
	s4 =	sand.u32 $0x1, s2;
	s2 =	simm.s32 $0x0;
	v20 =	vcombine.low v38, v39;
	v1 =	vsel vm5, $0x172, v1;
	v4 =	vand.u32 $0xFF, v4  }
0x9a: {  	[smem:$0x7FF] =	sst s2;
	v1 =	vsel vm4, $0x19C, v1;
	v4 =	vnsel vm9, $0x26F, v4;
	v2 =	vand.u32 $0xFF, v2  }
0x9b: {  	s0 =	rddreg [dreg:$0x1];
	_ =	strace $0x80000047;
	[tilespmem:$0x1FE00] =	vst v49;
	v38 =	vand.u32 $0xF, v20;
	v20 =	vimm.s32 $0xF6CCA2;
	v2 =	vsel vm8, v2, v4  }
0x9c: {  	[tilespmem:$0x1FE10] =	vst v50;
	v1 =	vsel vm3, $0x1C6, v1;
	v4 =	vimm.s32 $0x786E441A;
	v2 =	vsel vm7, $0x11F, v2  }
0x9d: {  	[tilespmem:$0x1FEE0] =	vst v37;
	v1 =	vsel vm2, $0x1F0, v1;
	v4 =	vunpack.c.0.s8.s32 v4;
	v2 =	vsel vm6, $0x149, v2  }
0x9e: {  	[tilespmem:$0x1FE20] =	vst v51;
	v20 =	vunpack.c.0.s8.s32 v20;
	v1 =	vsel vm0, $0x21A, v1;
	v2 =	vsel vm5, $0x173, v2  }
0x9f: {  	[tilespmem:$0x1FE30] =	vst v5;
	v39 =	vsel vm1, $0x244, v1;
	v1 =	vsel vm4, $0x19D, v2;
	v2 =	vand.u32 $0xFF, v4  }
0xa0: {  	[tilespmem:$0x1FE40] =	vst v7;
	v28 =	vsel vm0, $0x213, v28;
	v4 =	vand.u32 $0xFF, v20;
	v2 =	vnsel vm9, $0x270, v2  }
0xa1: {  	[tilespmem:$0x1FE50] =	vst v8;
	v28 =	vsel vm1, $0x23D, v28;
	v2 =	vsel vm8, v4, v2;
	v4 =	vimm.s32 $0x796F451B  }
0xa2: {  	[tilespmem:$0x1FE60] =	vst v10;
	v20 =	vimm.s32 $0xF7CDA3;
	v1 =	vsel vm3, $0x1C7, v1;
	v4 =	vunpack.c.0.s8.s32 v4  }
0xa3: {  	[tilespmem:$0x1FE70] =	vst v11;
	v20 =	vunpack.c.0.s8.s32 v20;
	v1 =	vsel vm2, $0x1F1, v1;
	v2 =	vsel vm7, $0x120, v2  }
0xa4: {  	[tilespmem:$0x1FE80] =	vst v13;
	v1 =	vsel vm0, $0x21B, v1;
	v2 =	vsel vm6, $0x14A, v2;
	v4 =	vand.u32 $0xFF, v4  }
0xa5: {  	[tilespmem:$0x1FE90] =	vst v14;
	v20 =	vand.u32 $0xFF, v20;
	v2 =	vsel vm5, $0x174, v2;
	v4 =	vnsel vm9, $0x271, v4  }
0xa6: {  	[tilespmem:$0x1FEA0] =	vst v16;
	v2 =	vsel vm4, $0x19E, v2;
	v4 =	vsel vm8, v20, v4;
	v20 =	vunpack.c.0.s8.s32 v62  }
0xa7: {  	[tilespmem:$0x1FEB0] =	vst v17;
	v56 =	vsel vm1, $0x245, v1;
	v1 =	vsel vm3, $0x1C8, v2;
	v2 =	vunpack.c.0.s8.s32 v55  }
0xa8: {  	[tilespmem:$0x1FEC0] =	vst v19;
	v1 =	vsel vm2, $0x1F2, v1;
	v4 =	vsel vm7, $0x121, v4;
	v20 =	vand.u32 $0xFF, v20  }
0xa9: {  	[tilespmem:$0x1FEF0] =	vst v22;
	v2 =	vand.u32 $0xFF, v2;
	v4 =	vsel vm6, $0x14B, v4;
	v20 =	vnsel vm9, $0x272, v20  }
0xaa: {  	[tilespmem:$0x1FED0] =	vst v36;
	v1 =	vsel vm0, $0x21C, v1;
	v2 =	vsel vm8, v2, v21;
	v20 =	vsel vm8, v40, v20  }
0xab: {  	[tilespmem:$0x1FF00] =	vst v24;
	v21 =	vimm.s32 $0x7D53291F;
	v4 =	vsel vm5, $0x175, v4;
	v20 =	vsel vm7, $0x122, v20  }
0xac: {  	[tilespmem:$0x1FF10] =	vst v25;
	v58 =	vsel vm1, $0x246, v1;
	v40 =	vnsel vm9, $0x273, v52;
	v20 =	vsel vm6, $0x14C, v20  }
0xad: {  	[tilespmem:$0x1FF20] =	vst v27;
	v21 =	vunpack.c.0.s8.s32 v21;
	v4 =	vsel vm4, $0x19F, v4;
	v20 =	vsel vm5, $0x176, v20  }
0xae: {  	[tilespmem:$0x1FF30] =	vst v28;
	v46 =	vsel vm8, v53, v40;
	v4 =	vsel vm3, $0x1C9, v4;
	v20 =	vsel vm4, $0x1A0, v20  }
0xaf: {  	s6 =	stileid.u32;
	[tilespmem:$0x1FF40] =	vst v30;
	v21 =	vand.u32 $0xFF, v21;
	v4 =	vsel vm2, $0x1F3, v4;
	v20 =	vsel vm3, $0x1CA, v20  }
0xb0: {  	s3 =	sshrl.u32 s6, $0x2;
	s5 =	smul.u32 $0x6000, s4;
	[tilespmem:$0x1FF50] =	vst v31;
	v21 =	vnsel vm9, $0x275, v21;
	v1 =	vsel vm0, $0x21D, v4;
	v4 =	vsel vm2, $0x1F4, v20  }
0xb1: {  	s17 =	simm.s32 $0x3;
	s15 =	sand.u32 $0x3, s6;
	s25 =	smul.u32 $0x1800, s3;
	[tilespmem:$0x1FF60] =	vst v33;
	v20 =	vsel vm1, $0x247, v1;
	v1 =	vsel vm0, $0x21E, v4;
	v4 =	vand.u32 $0xFF, v45  }
0xb2: {  	s28 =	simm.s32 $0x2;
	s29 =	simm.s32 $0x1;
	s7 =	smul.u32 $0x2346, s15;
	[tilespmem:$0x1FF70] =	vst v34;
	v59 =	vsel vm1, $0x248, v1;
	v1 =	vsel vm8, v4, v21;
	v4 =	vsel vm7, $0x123, v46  }
0xb3: {  	s30 =	simm.s32 $0x0;
	s3 =	sadd.s32 $0x9200, s1;
	s8 =	ssub.s32 $0x2, s4;
	[tilespmem:$0x1FF80] =	vst v47;
	v2 =	vsel vm7, $0x124, v2;
	v1 =	vsel vm7, $0x125, v1;
	v4 =	vsel vm6, $0x14D, v4  }
0xb4: {  	s26 =	sshrl.u32 s8, $0x1;
	s4 =	sadd.s32 s5, s25;
	s1 =	sadd.s32 s7, s1;
	[tilespmem:$0x1FF90] =	vst v48;
	v2 =	vsel vm6, $0x14E, v2;
	v1 =	vsel vm6, $0x14F, v1;
	v4 =	vsel vm5, $0x177, v4  }
0xb5: {  	s16 =	ssub.s32 s8, s26;
	s25 =	simm.s32 $0x12F30;
	s6 =	sshrl.u32 s4, $0x3;
	[tilespmem:$0x1FFA0] =	vst v39;
	v2 =	vsel vm5, $0x178, v2;
	v1 =	vsel vm5, $0x179, v1;
	v4 =	vsel vm4, $0x1A1, v4  }
.Ltmp0:
0xb6: {  	s26 =	simm.s32 $0x13230;
	s6 =	sadd.s32 s3, s6;
	[tilespmem:$0x1FFB0] =	vst v56;
	v2 =	vsel vm4, $0x1A2, v2;
	v1 =	vsel vm4, $0x1A3, v1;
	v4 =	vsel vm3, $0x1CB, v4;
	(pc) =	sbr.rel .LBB2_1-.Ltmp0, $4  }
0xb7: {  	s31 =	sshll.u32 s15, $0x2;
	s5 =	sadd.s32 $0x400, s1;
	s7 =	sadd.s32 $0x1800, s6;
	[tilespmem:$0x1FFC0] =	vst v58;
	v2 =	vsel vm3, $0x1CC, v2;
	v1 =	vsel vm3, $0x1CD, v1;
	v4 =	vsel vm2, $0x1F5, v4  }
0xb8: {  	s15 =	sadd.s32 s0, s31;
	s8 =	sadd.s32 $0x3000, s6;
	s9 =	sadd.s32 $0x4800, s6;
	v2 =	vsel vm2, $0x1F6, v2;
	[tilespmem:$0x1FFD0] =	vst v20;
	v1 =	vsel vm2, $0x1F7, v1;
	v4 =	vsel vm0, $0x21F, v4  }
0xb9: {  	s16 =	smax.u32 s16, $0x1;
	s10 =	sadd.s32 $0x6000, s6;
	s11 =	sadd.s32 $0x7800, s6;
	v2 =	vsel vm0, $0x220, v2;
	[tilespmem:$0x1FFE0] =	vst v59;
	v1 =	vsel vm0, $0x221, v1;
	v4 =	vsel vm1, $0x249, v4  }
0xba: {  	s12 =	sadd.s32 $0x9000, s6;
	s13 =	sadd.s32 $0xA800, s6;
	s14 =	sadd.s32 $0xC000, s6;
	v60 =	vsel vm1, $0x24A, v2;
	v61 =	vsel vm1, $0x24B, v1;
	[tilespmem:$0x1FFF0] =	vst v4  }
.LBB2_12:
0xbb: {  	s30 =	sadd.s32 $0x1, s30  }
0xbc: {  	_ =	swait.ge [sflag:s28], $0x2000;
	p0 =	sne.s32 s30, s16  }
.Ltmp1:
0xbd: {  	[sflag:s28] =	ssyncset.done $0x0;
	(pc) =	sbr.rel @!p0 .LBB2_13-.Ltmp1, $4  }
0xbe: {  	[sflag:s28] =	ssyncadd.s32 $0xFFFFE000  }
0xbf: {  	_ =	swait.ge [sflag:s28], $0x2000  }
0xc0: {  	[sflag:s28] =	ssyncset.done $0x0  }
0xc1: {  	[sflag:s28] =	ssyncadd.s32 $0xFFFFE000  }
.LBB2_1:
0xc2: {  	[tilespmem:s2], [sflag:$0x3] =	stream.linear.gather [hbm4b:s5+s2], $0x11A30, $0x38;
	[tilespmem:$0x1A030] =	vst v63  }
0xc3: {  	_ =	swait.ge [sflag:s17], $0x11A30  }
0xc4: {  	[sflag:s17] =	ssyncset.done $0x0  }
0xc5: {  	s0 =	simm.s32 $0x11A30;
	[sflag:s17] =	ssyncadd.s32 $0xFFFEE5D0  }
0xc6: {  	[tilespmem:s0], [sflag:$0x3] =	stream.linear.gather [hbm4b:s6+s2], $0x300, $0x38;
	[tilespmem:$0x1A030] =	vst v63  }
0xc7: {  	_ =	swait.ge [sflag:s17], $0x300  }
0xc8: {  	[sflag:s17] =	ssyncset.done $0x0  }
0xc9: {  	s19 =	simm.s32 $0x11D30;
	[sflag:s17] =	ssyncadd.s32 $0xFFFFFD00  }
0xca: {  	[tilespmem:s19], [sflag:$0x3] =	stream.linear.gather [hbm4b:s7+s2], $0x300, $0x38;
	[tilespmem:$0x1A030] =	vst v63  }
0xcb: {  	_ =	swait.ge [sflag:s17], $0x300  }
0xcc: {  	[sflag:s17] =	ssyncset.done $0x0  }
0xcd: {  	s20 =	simm.s32 $0x12030;
	[sflag:s17] =	ssyncadd.s32 $0xFFFFFD00  }
0xce: {  	[tilespmem:s20], [sflag:$0x3] =	stream.linear.gather [hbm4b:s8+s2], $0x300, $0x38;
	[tilespmem:$0x1A030] =	vst v63  }
0xcf: {  	_ =	swait.ge [sflag:s17], $0x300  }
0xd0: {  	[sflag:s17] =	ssyncset.done $0x0  }
0xd1: {  	s21 =	simm.s32 $0x12330;
	[sflag:s17] =	ssyncadd.s32 $0xFFFFFD00  }
0xd2: {  	[tilespmem:s21], [sflag:$0x3] =	stream.linear.gather [hbm4b:s9+s2], $0x300, $0x38;
	[tilespmem:$0x1A030] =	vst v63  }
0xd3: {  	_ =	swait.ge [sflag:s17], $0x300  }
0xd4: {  	[sflag:s17] =	ssyncset.done $0x0  }
0xd5: {  	s22 =	simm.s32 $0x12630;
	[sflag:s17] =	ssyncadd.s32 $0xFFFFFD00  }
0xd6: {  	[tilespmem:s22], [sflag:$0x3] =	stream.linear.gather [hbm4b:s10+s2], $0x300, $0x38;
	[tilespmem:$0x1A030] =	vst v63  }
0xd7: {  	_ =	swait.ge [sflag:s17], $0x300  }
0xd8: {  	[sflag:s17] =	ssyncset.done $0x0  }
0xd9: {  	s23 =	simm.s32 $0x12930;
	[sflag:s17] =	ssyncadd.s32 $0xFFFFFD00  }
0xda: {  	[tilespmem:s23], [sflag:$0x3] =	stream.linear.gather [hbm4b:s11+s2], $0x300, $0x38;
	[tilespmem:$0x1A030] =	vst v63  }
0xdb: {  	_ =	swait.ge [sflag:s17], $0x300  }
0xdc: {  	[sflag:s17] =	ssyncset.done $0x0  }
0xdd: {  	s24 =	simm.s32 $0x12C30;
	[sflag:s17] =	ssyncadd.s32 $0xFFFFFD00  }
0xde: {  	[tilespmem:s24], [sflag:$0x3] =	stream.linear.gather [hbm4b:s12+s2], $0x300, $0x38;
	[tilespmem:$0x1A030] =	vst v63  }
0xdf: {  	_ =	swait.ge [sflag:s17], $0x300  }
0xe0: {  	[sflag:s17] =	ssyncset.done $0x0  }
0xe1: {  	[sflag:s17] =	ssyncadd.s32 $0xFFFFFD00  }
0xe2: {  	[tilespmem:s25], [sflag:$0x3] =	stream.linear.gather [hbm4b:s13+s2], $0x300, $0x38;
	[tilespmem:$0x1A030] =	vst v63  }
0xe3: {  	_ =	swait.ge [sflag:s17], $0x300  }
0xe4: {  	[sflag:s17] =	ssyncset.done $0x0  }
0xe5: {  	[sflag:s17] =	ssyncadd.s32 $0xFFFFFD00  }
0xe6: {  	[tilespmem:s26], [sflag:$0x3] =	stream.linear.gather [hbm4b:s14+s2], $0x300, $0x38;
	[tilespmem:$0x1A030] =	vst v63  }
0xe7: {  	_ =	swait.ge [sflag:s17], $0x300  }
0xe8: {  	[sflag:s17] =	ssyncset.done $0x0  }
0xe9: {  	s31 =	simm.s32 $0x0;
	[sflag:s17] =	ssyncadd.s32 $0xFFFFFD00  }
.LBB2_2:
0xea: {  	s1 =	simm.s32 $0xFFFFFD00  }
0xeb: {  	v1 =	vld [tilespmem:s1+$0x12F30]  }
0xec: {  	v2 =	vld [tilespmem:s1+$0x11D30]  }
0xed: {  	v20 =	vld [tilespmem:s1+$0x12330]  }
0xee: {  	v21 =	vld [tilespmem:s1+$0x12630]  }
0xef: {  	v49 =	vld [tilespmem:s1+$0x12930]  }
0xf0: {  	v51 =	vld [tilespmem:s1+$0x12C30]  }
0xf1: {  	v52 =	vld [tilespmem:s1+$0x13530]  }
0xf2: {  	v40 =	vld [tilespmem:s1+$0x13230]  }
0xf3: {  	v4 =	vld [tilespmem:s1+$0x12030];
	v50 =	vshll.u32 v1, $0x4;
	vm0 =	vgt.s32 v1, $0x2;
	v57 =	vshll.u32 v20, $0x4  }
0xf4: {  	v42 =	vshll.u32 v21, $0x4;
	v43 =	vshll.u32 v49, $0x4;
	v1 =	vadd.s32 $0xBB90, v50  }
0xf5: {  	vm1 =	vgt.s32 v21, $0x2;
	v45 =	vshll.u32 v51, $0x4;
	v1 =	vnsel vm0, $0x0, v1  }
0xf6: {  	s0 =	simm.s32 $0xFFFFFD10;
	vm2 =	vgt.s32 v51, $0x2;
	v47 =	vshll.u32 v52, $0x4;
	v21 =	vadd.s32 $0xBB90, v43;
	[tilespmem:s1+$0x14A30] =	vst v1  }
0xf7: {  	v46 =	vadd.s32 $0xBB90, v45;
	v50 =	vshll.u32 v40, $0x4;
	v51 =	vadd.s32 $0x11A10, v47;
	v53 =	vld [tilespmem:s0+$0x12F30]  }
0xf8: {  	vm0 =	vgt.s32 v2, $0x2;
	v1 =	vshll.u32 v2, $0x4;
	v2 =	vshll.u32 v4, $0x4;
	v54 =	vld [tilespmem:s0+$0x11D30]  }
0xf9: {  	v58 =	vadd.s32 $0xFA10, v50;
	v1 =	vadd.s32 $0x10, v1;
	v55 =	vld [tilespmem:s0+$0x12030];
	v2 =	vadd.s32 $0x3E90, v2  }
0xfa: {  	v56 =	vld [tilespmem:s0+$0x12330];
	v1 =	vnsel vm0, $0x0, v1;
	vm0 =	vgt.s32 v4, $0x2;
	v4 =	vadd.s32 $0x7D10, v57  }
0xfb: {  	v57 =	vnsel vm2, $0x0, v46;
	[tilespmem:s1+$0x13830] =	vst v1;
	v2 =	vnsel vm0, $0x0, v2;
	vm0 =	vgt.s32 v20, $0x2  }
0xfc: {  	v20 =	vadd.s32 $0xBB90, v42;
	v1 =	vld [tilespmem:s0+$0x12630];
	[tilespmem:s1+$0x13B30] =	vst v2;
	v4 =	vnsel vm0, $0x0, v4;
	vm0 =	vgt.s32 v49, $0x2  }
0xfd: {  	v20 =	vnsel vm1, $0x0, v20;
	v2 =	vld [tilespmem:s0+$0x12930];
	[tilespmem:s1+$0x13E30] =	vst v4;
	v21 =	vnsel vm0, $0x0, v21;
	v48 =	vshll.u32 v53, $0x4  }
0xfe: {  	v4 =	vld [tilespmem:s0+$0x12C30];
	[tilespmem:s1+$0x14130] =	vst v20;
	vm0 =	vgt.s32 v53, $0x2;
	v59 =	vshll.u32 v54, $0x4;
	v53 =	vadd.s32 $0xBB90, v48  }
0xff: {  	v62 =	vshll.u32 v56, $0x4;
	v20 =	vld [tilespmem:s0+$0x13230];
	[tilespmem:s1+$0x14430] =	vst v21;
	v21 =	vshll.u32 v55, $0x4;
	v52 =	vnsel vm0, $0x0, v53  }
0x100: {  	vm1 =	vgt.s32 v55, $0x2;
	vm2 =	vgt.s32 v56, $0x2;
	v50 =	vadd.s32 $0x3E90, v21;
	v21 =	vld [tilespmem:s0+$0x13530];
	[tilespmem:s0+$0x14A30] =	vst v52  }
0x101: {  	v49 =	vadd.s32 $0x10, v59;
	vm0 =	vgt.s32 v54, $0x2;
	v63 =	vshll.u32 v1, $0x4;
	[tilespmem:s1+$0x14730] =	vst v57  }
0x102: {  	s18 =	simm.s32 $0xFFFFFD20;
	s19 =	simm.s32 $0xFFFFF4C0;
	v52 =	vadd.s32 $0x7D10, v62;
	v53 =	vadd.s32 $0xBB90, v63;
	v54 =	vshll.u32 v2, $0x4;
	[tilespmem:s1+$0x14D30] =	vst v58  }
.LBB2_3:
0x103: {  	p0 =	sne.s32 s19, $0xFFFFFFC0;
	v55 =	vld [tilespmem:s18+$0x12F30];
	vm3 =	vgt.s32 v1, $0x2;
	v54 =	vadd.s32 $0xBB90, v54;
	v1 =	vshll.u32 v4, $0x4;
	[tilespmem:s1+$0x15030] =	vst v51;
	s1 =	smov.u32 s0;
	s0 =	smov.u32 s18  }
0x104: {  	vm4 =	vgt.s32 v2, $0x2;
	vm5 =	vgt.s32 v4, $0x2;
	v56 =	vld [tilespmem:s0+$0x11D30];
	v2 =	vadd.s32 $0xBB90, v1  }
0x105: {  	v1 =	vnsel vm0, $0x0, v49;
	v4 =	vshll.u32 v20, $0x4;
	v57 =	vld [tilespmem:s0+$0x12030];
	v20 =	vshll.u32 v21, $0x4  }
0x106: {  	v49 =	vnsel vm2, $0x0, v52;
	v21 =	vnsel vm1, $0x0, v50;
	v50 =	vnsel vm3, $0x0, v53;
	v58 =	vld [tilespmem:s0+$0x12330];
	[tilespmem:s1+$0x13830] =	vst v1  }
0x107: {  	v53 =	vnsel vm5, $0x0, v2;
	v59 =	vadd.s32 $0xFA10, v4;
	v1 =	vld [tilespmem:s0+$0x12630];
	[tilespmem:s1+$0x13B30] =	vst v21;
	v21 =	vnsel vm4, $0x0, v54  }
0x108: {  	v51 =	vadd.s32 $0x11A10, v20;
	v2 =	vld [tilespmem:s0+$0x12930];
	v52 =	vshll.u32 v55, $0x4;
	[tilespmem:s1+$0x13E30] =	vst v49  }
.Ltmp2:
0x109: {  	vm0 =	vgt.s32 v55, $0x2;
	v20 =	vshll.u32 v56, $0x4;
	v4 =	vld [tilespmem:s0+$0x12C30];
	v52 =	vadd.s32 $0xBB90, v52;
	[tilespmem:s1+$0x14130] =	vst v50;
	(pc) =	sbr.rel @p0 .LBB2_3-.Ltmp2, $4  }
0x10a: {  	v49 =	vadd.s32 $0x10, v20;
	v50 =	vshll.u32 v57, $0x4;
	v52 =	vnsel vm0, $0x0, v52;
	v20 =	vld [tilespmem:s0+$0x13230];
	[tilespmem:s1+$0x14430] =	vst v21  }
0x10b: {  	vm0 =	vgt.s32 v56, $0x2;
	v50 =	vadd.s32 $0x3E90, v50;
	v54 =	vshll.u32 v58, $0x4;
	[tilespmem:s0+$0x14A30] =	vst v52;
	v21 =	vld [tilespmem:s0+$0x13530]  }
0x10c: {  	vm1 =	vgt.s32 v57, $0x2;
	v52 =	vadd.s32 $0x7D10, v54;
	v54 =	vshll.u32 v1, $0x4;
	[tilespmem:s1+$0x14730] =	vst v53  }
0x10d: {  	s18 =	sshra.s32 s19, $0x2;
	s19 =	sadd.s32 $0x40, s19;
	vm2 =	vgt.s32 v58, $0x2;
	v53 =	vadd.s32 $0xBB90, v54;
	v54 =	vshll.u32 v2, $0x4;
	[tilespmem:s1+$0x14D30] =	vst v59  }
0x10e: {  	v55 =	vld [tilespmem:s18+$0x12F30];
	[tilespmem:s1+$0x15030] =	vst v51  }
0x10f: {  	v51 =	vld [tilespmem:s18+$0x11D30]  }
0x110: {  	v49 =	vnsel vm0, $0x0, v49;
	v56 =	vld [tilespmem:s18+$0x12030]  }
0x111: {  	v40 =	vnsel vm1, $0x0, v50;
	v43 =	vnsel vm2, $0x0, v52;
	vm6 =	vgt.s32 v1, $0x2;
	v57 =	vld [tilespmem:s18+$0x12330];
	[tilespmem:s0+$0x13830] =	vst v49  }
0x112: {  	v1 =	vadd.s32 $0xBB90, v54;
	v46 =	vshll.u32 v4, $0x4;
	vm7 =	vgt.s32 v2, $0x2;
	v42 =	vld [tilespmem:s18+$0x12630];
	[tilespmem:s0+$0x13B30] =	vst v40  }
0x113: {  	vm8 =	vgt.s32 v4, $0x2;
	v53 =	vnsel vm6, $0x0, v53;
	v1 =	vnsel vm7, $0x0, v1;
	v45 =	vld [tilespmem:s18+$0x12930];
	[tilespmem:s0+$0x13E30] =	vst v43  }
0x114: {  	v49 =	vadd.s32 $0xBB90, v46;
	v20 =	vshll.u32 v20, $0x4;
	v47 =	vld [tilespmem:s18+$0x12C30];
	[tilespmem:s0+$0x14130] =	vst v53;
	v2 =	vshll.u32 v55, $0x4  }
0x115: {  	vm9 =	vgt.s32 v55, $0x2;
	v4 =	vld [tilespmem:s18+$0x13230];
	[tilespmem:s0+$0x14430] =	vst v1;
	v1 =	vshll.u32 v21, $0x4;
	v2 =	vadd.s32 $0xBB90, v2  }
0x116: {  	v21 =	vnsel vm8, $0x0, v49;
	v58 =	vshll.u32 v51, $0x4;
	v2 =	vnsel vm9, $0x0, v2  }
0x117: {  	v1 =	vadd.s32 $0x11A10, v1;
	v62 =	vshll.u32 v56, $0x4;
	vm10 =	vgt.s32 v51, $0x2;
	[tilespmem:s18+$0x14A30] =	vst v2  }
0x118: {  	v59 =	vld [tilespmem:s18+$0x13530];
	v63 =	vshll.u32 v57, $0x4;
	vm11 =	vgt.s32 v56, $0x2;
	v2 =	vadd.s32 $0xFA10, v20;
	[tilespmem:s0+$0x14730] =	vst v21  }
0x119: {  	vm12 =	vgt.s32 v57, $0x2;
	v51 =	vadd.s32 $0x7D10, v63;
	v20 =	vadd.s32 $0x10, v58;
	[tilespmem:s0+$0x14D30] =	vst v2  }
0x11a: {  	vm13 =	vgt.s32 v42, $0x2;
	v21 =	vadd.s32 $0x3E90, v62;
	[tilespmem:s0+$0x15030] =	vst v1;
	v1 =	vnsel vm10, $0x0, v20  }
0x11b: {  	vm14 =	vgt.s32 v45, $0x2;
	v2 =	vshll.u32 v42, $0x4;
	[tilespmem:s18+$0x13830] =	vst v1;
	v1 =	vnsel vm11, $0x0, v21  }
0x11c: {  	v20 =	vshll.u32 v45, $0x4;
	v2 =	vadd.s32 $0xBB90, v2;
	v21 =	vnsel vm12, $0x0, v51;
	[tilespmem:s18+$0x13B30] =	vst v1  }
0x11d: {  	s24 =	smul.u32 $0x300, s31;
	v20 =	vadd.s32 $0xBB90, v20;
	v1 =	vshll.u32 v47, $0x4;
	v2 =	vnsel vm13, $0x0, v2;
	[tilespmem:s18+$0x13E30] =	vst v21  }
0x11e: {  	vm15 =	vgt.s32 v47, $0x2;
	v20 =	vnsel vm14, $0x0, v20;
	v1 =	vadd.s32 $0xBB90, v1;
	[tilespmem:s18+$0x14130] =	vst v2  }
0x11f: {  	p0 =	seq.s32 s31, $0x7;
	s1 =	sadd.s32 s4, s24;
	v2 =	vshll.u32 v4, $0x4;
	[tilespmem:s18+$0x14430] =	vst v20;
	v1 =	vnsel vm15, $0x0, v1  }
0x120: {  	s0 =	sshrl.u32 @!p0 s1, $0x3;
	v4 =	vshll.u32 v59, $0x4;
	v2 =	vadd.s32 $0xFA10, v2;
	[tilespmem:s18+$0x14730] =	vst v1  }
0x121: {  	s0 =	sadd.s32 @!p0 s3, s0;
	v1 =	vadd.s32 $0x11A10, v4;
	[tilespmem:s18+$0x14D30] =	vst v2  }
0x122: {  	s19 =	simm.s32 @!p0 $0x0;
	s20 =	simm.s32 @!p0 $0x11A30;
	[tilespmem:s18+$0x15030] =	vst v1;
	s18 =	sadd.s32 @!p0 $0x60, s0  }
0x123: {  	[tilespmem:s20], [sflag:$0x1] =	stream.linear.gather @!p0 [hbm4b:s18+s19], $0x300, $0x38;
	[tilespmem:$0x1A030] =	vst v63  }
0x124: {  	s18 =	sadd.s32 @!p0 $0x1860, s0;
	s20 =	simm.s32 @!p0 $0x11D30  }
0x125: {  	[tilespmem:s20], [sflag:$0x1] =	stream.linear.gather @!p0 [hbm4b:s18+s19], $0x300, $0x38;
	[tilespmem:$0x1A030] =	vst v63  }
0x126: {  	s18 =	sadd.s32 @!p0 $0x3060, s0;
	s20 =	simm.s32 @!p0 $0x12030  }
0x127: {  	[tilespmem:s20], [sflag:$0x1] =	stream.linear.gather @!p0 [hbm4b:s18+s19], $0x300, $0x38;
	[tilespmem:$0x1A030] =	vst v63  }
0x128: {  	s18 =	sadd.s32 @!p0 $0x4860, s0;
	s20 =	simm.s32 @!p0 $0x12330  }
0x129: {  	[tilespmem:s20], [sflag:$0x1] =	stream.linear.gather @!p0 [hbm4b:s18+s19], $0x300, $0x38;
	[tilespmem:$0x1A030] =	vst v63  }
0x12a: {  	s18 =	sadd.s32 @!p0 $0x6060, s0;
	s20 =	simm.s32 @!p0 $0x12630  }
0x12b: {  	[tilespmem:s20], [sflag:$0x1] =	stream.linear.gather @!p0 [hbm4b:s18+s19], $0x300, $0x38;
	[tilespmem:$0x1A030] =	vst v63  }
0x12c: {  	s18 =	sadd.s32 @!p0 $0x7860, s0;
	s20 =	simm.s32 @!p0 $0x12930  }
0x12d: {  	[tilespmem:s20], [sflag:$0x1] =	stream.linear.gather @!p0 [hbm4b:s18+s19], $0x300, $0x38;
	[tilespmem:$0x1A030] =	vst v63  }
0x12e: {  	s18 =	sadd.s32 @!p0 $0x9060, s0;
	s20 =	simm.s32 @!p0 $0x12C30  }
0x12f: {  	[tilespmem:s20], [sflag:$0x1] =	stream.linear.gather @!p0 [hbm4b:s18+s19], $0x300, $0x38;
	[tilespmem:$0x1A030] =	vst v63  }
0x130: {  	s22 =	simm.s32 $0x14140;
	s18 =	sadd.s32 @!p0 $0xA860, s0;
	s20 =	simm.s32 @!p0 $0x12F30  }
0x131: {  	[tilespmem:s20], [sflag:$0x1] =	stream.linear.gather @!p0 [hbm4b:s18+s19], $0x300, $0x38;
	[tilespmem:$0x1A030] =	vst v63  }
0x132: {  	s1 =	sshll.u32 s1, $0x4;
	s0 =	sadd.s32 @!p0 $0xC060, s0;
	s18 =	simm.s32 @!p0 $0x13230  }
0x133: {  	[tilespmem:s18], [sflag:$0x1] =	stream.linear.gather @!p0 [hbm4b:s0+s19], $0x300, $0x38;
	[tilespmem:$0x1A030] =	vst v63  }
0x134: {  	s1 =	sadd.s32 s1, s15;
	s0 =	smul.u32 $0x3, s31;
	s18 =	simm.s32 $0x0  }
.LBB2_5:
0x135: {  	_ = 	snop  }
0x136: {  	s19 =	sadd.s32 s0, s18  }
0x137: {  	p1 =	slt.u32 s19, $0x2  }
0x138: {  	s20 =	simm.s32 @!p1 $0x2  }
0x139: {  	_ =	swait.ge @!p1 [sflag:s20], $0x2000  }
0x13a: {  	v43 =	vld [tilespmem:$0x1FF70]  }
0x13b: {  	v45 =	vld [tilespmem:$0x1FF80]  }
0x13c: {  	v46 =	vld [tilespmem:$0x1FF90]  }
0x13d: {  	v47 =	vld [tilespmem:$0x1FFA0]  }
0x13e: {  	v48 =	vld [tilespmem:$0x1FFB0]  }
0x13f: {  	v31 =	vld [tilespmem:$0x1FFC0]  }
0x140: {  	s21 =	simm.s32 $0xFFFFFFFE;
	s19 =	sand.u32 $0x1, s19;
	[sflag:s20] =	ssyncset.done @!p1 $0x0;
	v33 =	vld [tilespmem:$0x1FFD0]  }
0x141: {  	v34 =	vld [tilespmem:$0x1FFE0];
	[sflag:s20] =	ssyncadd.s32 @!p1 $0xFFFFE000;
	p1 =	seq.s32 s19, $0x1;
	s20 =	simm.s32 $0x17830  }
0x142: {  	s23 =	simm.s32 $0x0;
	v36 =	vld [tilespmem:$0x1FFF0];
	s19 =	smov.u32 s22;
	s20 =	simm.s32 @!p1 $0x15030  }
.LBB2_6:
0x143: {  	v2 =	vld [tilespmem:s19+$0xFFFFF3F0]  }
0x144: {  	v21 =	vld [tilespmem:s19+$0xFFFFF6F0]  }
0x145: {  	v63 =	vld [tilespmem:s19+$0xFFFFF9F0]  }
0x146: {  	v39 =	vmov v61;
	v61 =	vld [tilespmem:s19+$0xFFFFFCF0]  }
0x147: {  	v62 =	vld [tilespmem:s19+$0xFFFFFFF0]  }
0x148: {  	v56 =	vld [tilespmem:s19+$0x2F0]  }
0x149: {  	v57 =	vld [tilespmem:s19+$0x5F0]  }
0x14a: {  	v52 =	vld [tilespmem:s19+$0x8F0]  }
0x14b: {  	v54 =	vld [tilespmem:s19+$0xBF0];
	v1 =	vadd.s32 v0, v2  }
0x14c: {  	v37 =	vmov v60;
	v60 =	vld [tilespmem:s19+$0x300];
	v20 =	vadd.s32 v0, v63  }
0x14d: {  	v58 =	vld [tilespmem:s19+$0xFFFFF700];
	v4 =	vadd.s32 v0, v21  }
0x14e: {  	v53 =	vld [tilespmem:s19+$0x600];
	v49 =	vadd.s32 v0, v61  }
0x14f: {  	v30 =	vld [tilespmem:$0x1FE00];
	v50 =	vadd.s32 v0, v62  }
0x150: {  	v59 =	vld.idx.msk [tilespmem:v1+s2+$0x0], $0xffff;
	v1 =	vadd.s32 v0, v56  }
0x151: {  	v5 =	vld.idx.msk [tilespmem:v20+s2+$0x0], $0xffff;
	v20 =	vadd.s32 v0, v52  }
0x152: {  	v4 =	vld.idx.msk [tilespmem:v4+s2+$0x0], $0xffff  }
0x153: {  	v7 =	vld.idx.msk [tilespmem:v49+s2+$0x0], $0xffff  }
0x154: {  	v51 =	vadd.s32 v0, v57;
	v55 =	vld.idx.msk [tilespmem:v50+s2+$0x0], $0xffff  }
0x155: {  	v40 =	vadd.s32 v0, v54;
	v8 =	vld.idx.msk [tilespmem:v1+s2+$0x0], $0xffff  }
0x156: {  	v11 =	vld.idx.msk [tilespmem:v20+s2+$0x0], $0xffff  }
0x157: {  	v1 =	vld [tilespmem:s19+$0xFFFFF400]  }
0x158: {  	v20 =	vld [tilespmem:s19+$0x0]  }
0x159: {  	v10 =	vld.idx.msk [tilespmem:v51+s2+$0x0], $0xffff  }
0x15a: {  	v13 =	vld.idx.msk [tilespmem:v40+s2+$0x0], $0xffff  }
0x15b: {  	v50 =	vld [tilespmem:s19+$0xFFFFFA00]  }
0x15c: {  	v51 =	vld [tilespmem:s19+$0x900];
	v42 =	vadd.s32 v0, v1  }
0x15d: {  	v40 =	vld [tilespmem:$0x1FE10];
	v14 =	vadd.s32 v0, v20;
	v8 =	vadd.bf16 v8, v55  }
0x15e: {  	v17 =	vmov s23;
	v16 =	vadd.s32 v0, v60;
	v4 =	vadd.bf16 v4, v59;
	v55 =	vld [tilespmem:s19+$0xFFFFFD00]  }
0x15f: {  	v19 =	vadd.s32 v0, v58;
	v59 =	vld [tilespmem:s19+$0xC00];
	v8 =	vadd.bf16 v10, v8;
	v10 =	vmul.u32 $0x28, v17  }
0x160: {  	v22 =	vadd.s32 v0, v50;
	v4 =	vadd.bf16 v5, v4  }
0x161: {  	v17 =	vadd.s32 v0, v53;
	v8 =	vadd.bf16 v11, v8;
	v49 =	vbroadcast v10, $0x0;
	v5 =	vld.idx.msk [tilespmem:v42+s2+$0x0], $0xffff  }
0x162: {  	v4 =	vadd.bf16 v7, v4;
	v11 =	vadd.s32 v0, v51;
	v10 =	vld.idx.msk [tilespmem:v14+s2+$0x0], $0xffff  }
0x163: {  	v7 =	vadd.s32 v0, v55;
	v14 =	vld.idx.msk [tilespmem:v16+s2+$0x0], $0xffff;
	v8 =	vadd.bf16 v13, v8;
	v13 =	vadd.s32 v30, v49  }
0x164: {  	v28 =	vadd.s32 v3, v2;
	v16 =	vld.idx.msk [tilespmem:v19+s2+$0x0], $0xffff;
	v19 =	vadd.s32 v0, v59;
	v25 =	vadd.s32 v40, v49  }
0x165: {  	v22 =	vld.idx.msk [tilespmem:v22+s2+$0x0], $0xffff;
	v24 =	vunpack.i.u.bf16.f32 v4;
	v4 =	vunpack.i.l.bf16.f32 v4;
	v27 =	vunpack.i.l.bf16.f32 v8  }
0x166: {  	v17 =	vld.idx.msk [tilespmem:v17+s2+$0x0], $0xffff;
	v8 =	vunpack.i.u.bf16.f32 v8;
	v4 =	vadd.f32 v27, v4;
	v27 =	vadd.s32 v3, v62  }
0x167: {  	v11 =	vld.idx.msk [tilespmem:v11+s2+$0x0], $0xffff;
	v8 =	vadd.f32 v8, v24;
	v24 =	vadd.s32 v3, v56  }
0x168: {  	s24 =	sadd.s32 $0x10, s23;
	v7 =	vld.idx.msk [tilespmem:v7+s2+$0x0], $0xffff;
	[tilespmem:v13+s20+$0x0] =	vst.idx.msk $0xffff, v4;
	v13 =	vadd.s32 v3, v21  }
0x169: {  	v10 =	vadd.bf16 v14, v10;
	v14 =	vld.idx.msk [tilespmem:v19+s2+$0x0], $0xffff;
	v5 =	vadd.bf16 v16, v5;
	v4 =	vmov s24;
	[tilespmem:v25+s20+$0x0] =	vst.idx.msk $0xffff, v8  }
0x16a: {  	v8 =	vadd.s32 v3, v57;
	v4 =	vmul.u32 $0x28, v4;
	v16 =	vld.idx.msk [tilespmem:v28+s2+$0x0], $0xffff  }
0x16b: {  	v10 =	vadd.bf16 v17, v10;
	v17 =	vadd.s32 v3, v63;
	v5 =	vadd.bf16 v22, v5;
	v19 =	vld.idx.msk [tilespmem:v27+s2+$0x0], $0xffff  }
0x16c: {  	v22 =	vadd.s32 v3, v52;
	v4 =	vbroadcast v4, $0x0;
	v24 =	vld.idx.msk [tilespmem:v24+s2+$0x0], $0xffff  }
0x16d: {  	v10 =	vadd.bf16 v11, v10;
	v11 =	vadd.s32 v3, v61;
	v5 =	vadd.bf16 v7, v5;
	v7 =	vld.idx.msk [tilespmem:v13+s2+$0x0], $0xffff  }
0x16e: {  	v13 =	vadd.s32 v3, v54;
	v27 =	vadd.s32 v40, v4;
	v40 =	vld [tilespmem:$0x1FE20]  }
0x16f: {  	v10 =	vadd.bf16 v14, v10;
	v14 =	vadd.s32 v30, v4;
	v8 =	vld.idx.msk [tilespmem:v8+s2+$0x0], $0xffff  }
0x170: {  	v30 =	vadd.s32 v3, v1;
	v25 =	vunpack.i.u.bf16.f32 v5;
	v17 =	vld.idx.msk [tilespmem:v17+s2+$0x0], $0xffff  }
0x171: {  	v5 =	vunpack.i.l.bf16.f32 v5;
	v22 =	vld.idx.msk [tilespmem:v22+s2+$0x0], $0xffff;
	v28 =	vunpack.i.l.bf16.f32 v10;
	v10 =	vunpack.i.u.bf16.f32 v10  }
0x172: {  	v5 =	vadd.f32 v28, v5;
	v28 =	vadd.s32 v3, v20;
	v11 =	vld.idx.msk [tilespmem:v11+s2+$0x0], $0xffff;
	v19 =	vadd.bf16 v24, v19  }
0x173: {  	v10 =	vadd.f32 v10, v25;
	v24 =	vadd.s32 v3, v60;
	v13 =	vld.idx.msk [tilespmem:v13+s2+$0x0], $0xffff;
	v7 =	vadd.bf16 v7, v16  }
0x174: {  	v42 =	vld [tilespmem:$0x1FE30];
	[tilespmem:v14+s20+$0x0] =	vst.idx.msk $0xffff, v5;
	v5 =	vadd.s32 v3, v58;
	v8 =	vadd.bf16 v8, v19  }
0x175: {  	v16 =	vadd.s32 v3, v50;
	[tilespmem:v27+s20+$0x0] =	vst.idx.msk $0xffff, v10;
	v7 =	vadd.bf16 v17, v7  }
0x176: {  	v10 =	vadd.s32 v3, v53;
	v14 =	vld.idx.msk [tilespmem:v30+s2+$0x0], $0xffff;
	v8 =	vadd.bf16 v22, v8  }
0x177: {  	v19 =	vadd.s32 v3, v51;
	v17 =	vld.idx.msk [tilespmem:v28+s2+$0x0], $0xffff;
	v7 =	vadd.bf16 v11, v7  }
0x178: {  	v22 =	vld.idx.msk [tilespmem:v24+s2+$0x0], $0xffff;
	v11 =	vadd.s32 v3, v55;
	v8 =	vadd.bf16 v13, v8;
	v13 =	vadd.s32 v40, v49  }
0x179: {  	v27 =	vadd.s32 v42, v49;
	v30 =	vadd.s32 v6, v2;
	v24 =	vadd.s32 v3, v59;
	v5 =	vld.idx.msk [tilespmem:v5+s2+$0x0], $0xffff  }
0x17a: {  	v16 =	vld.idx.msk [tilespmem:v16+s2+$0x0], $0xffff;
	v25 =	vunpack.i.u.bf16.f32 v7;
	v7 =	vunpack.i.l.bf16.f32 v7;
	v28 =	vunpack.i.l.bf16.f32 v8  }
0x17b: {  	v10 =	vld.idx.msk [tilespmem:v10+s2+$0x0], $0xffff;
	v8 =	vunpack.i.u.bf16.f32 v8;
	v7 =	vadd.f32 v28, v7;
	v28 =	vadd.s32 v6, v62  }
0x17c: {  	v19 =	vld.idx.msk [tilespmem:v19+s2+$0x0], $0xffff;
	v8 =	vadd.f32 v8, v25;
	v25 =	vadd.s32 v6, v56  }
0x17d: {  	v17 =	vadd.bf16 v22, v17;
	v22 =	vadd.s32 v6, v52;
	v11 =	vld.idx.msk [tilespmem:v11+s2+$0x0], $0xffff;
	[tilespmem:v13+s20+$0x0] =	vst.idx.msk $0xffff, v7  }
0x17e: {  	v7 =	vadd.s32 v6, v21;
	v13 =	vld.idx.msk [tilespmem:v24+s2+$0x0], $0xffff;
	v5 =	vadd.bf16 v5, v14;
	[tilespmem:v27+s20+$0x0] =	vst.idx.msk $0xffff, v8  }
0x17f: {  	v8 =	vadd.s32 v6, v57;
	v14 =	vld.idx.msk [tilespmem:v30+s2+$0x0], $0xffff  }
0x180: {  	v10 =	vadd.bf16 v10, v17;
	v17 =	vadd.s32 v6, v63;
	v5 =	vadd.bf16 v16, v5;
	v16 =	vld.idx.msk [tilespmem:v28+s2+$0x0], $0xffff  }
0x181: {  	v24 =	vld.idx.msk [tilespmem:v25+s2+$0x0], $0xffff  }
0x182: {  	v10 =	vadd.bf16 v19, v10;
	v19 =	vadd.s32 v6, v61;
	v22 =	vld.idx.msk [tilespmem:v22+s2+$0x0], $0xffff  }
0x183: {  	v5 =	vadd.bf16 v11, v5;
	v11 =	vadd.s32 v6, v54;
	v7 =	vld.idx.msk [tilespmem:v7+s2+$0x0], $0xffff  }
0x184: {  	v10 =	vadd.bf16 v13, v10;
	v13 =	vadd.s32 v40, v4;
	v8 =	vld.idx.msk [tilespmem:v8+s2+$0x0], $0xffff  }
0x185: {  	v27 =	vadd.s32 v42, v4;
	v30 =	vadd.s32 v6, v1;
	v25 =	vunpack.i.u.bf16.f32 v5;
	v17 =	vld.idx.msk [tilespmem:v17+s2+$0x0], $0xffff  }
0x186: {  	v40 =	vld [tilespmem:$0x1FE40];
	v5 =	vunpack.i.l.bf16.f32 v5;
	v28 =	vunpack.i.l.bf16.f32 v10;
	v10 =	vunpack.i.u.bf16.f32 v10  }
0x187: {  	v5 =	vadd.f32 v28, v5;
	v28 =	vadd.s32 v6, v20;
	v19 =	vld.idx.msk [tilespmem:v19+s2+$0x0], $0xffff;
	v16 =	vadd.bf16 v24, v16  }
0x188: {  	v10 =	vadd.f32 v10, v25;
	v24 =	vadd.s32 v6, v60;
	v11 =	vld.idx.msk [tilespmem:v11+s2+$0x0], $0xffff;
	v7 =	vadd.bf16 v7, v14  }
0x189: {  	v42 =	vld [tilespmem:$0x1FE50];
	[tilespmem:v13+s20+$0x0] =	vst.idx.msk $0xffff, v5;
	v5 =	vadd.s32 v6, v58;
	v8 =	vadd.bf16 v8, v16  }
0x18a: {  	v14 =	vadd.s32 v6, v50;
	[tilespmem:v27+s20+$0x0] =	vst.idx.msk $0xffff, v10;
	v7 =	vadd.bf16 v17, v7  }
0x18b: {  	v10 =	vadd.s32 v6, v53;
	v13 =	vld.idx.msk [tilespmem:v30+s2+$0x0], $0xffff;
	v8 =	vadd.bf16 v22, v8  }
0x18c: {  	v17 =	vadd.s32 v6, v51;
	v16 =	vld.idx.msk [tilespmem:v28+s2+$0x0], $0xffff;
	v7 =	vadd.bf16 v19, v7  }
0x18d: {  	v22 =	vld.idx.msk [tilespmem:v24+s2+$0x0], $0xffff;
	v19 =	vadd.s32 v6, v55;
	v8 =	vadd.bf16 v11, v8;
	v11 =	vadd.s32 v40, v49  }
0x18e: {  	v27 =	vadd.s32 v42, v49;
	v30 =	vadd.s32 v9, v2;
	v24 =	vadd.s32 v6, v59;
	v5 =	vld.idx.msk [tilespmem:v5+s2+$0x0], $0xffff  }
0x18f: {  	v14 =	vld.idx.msk [tilespmem:v14+s2+$0x0], $0xffff;
	v25 =	vunpack.i.u.bf16.f32 v7;
	v7 =	vunpack.i.l.bf16.f32 v7;
	v28 =	vunpack.i.l.bf16.f32 v8  }
0x190: {  	v10 =	vld.idx.msk [tilespmem:v10+s2+$0x0], $0xffff;
	v8 =	vunpack.i.u.bf16.f32 v8;
	v7 =	vadd.f32 v28, v7;
	v28 =	vadd.s32 v9, v62  }
0x191: {  	v17 =	vld.idx.msk [tilespmem:v17+s2+$0x0], $0xffff;
	v8 =	vadd.f32 v8, v25;
	v25 =	vadd.s32 v9, v56  }
0x192: {  	v16 =	vadd.bf16 v22, v16;
	v22 =	vadd.s32 v9, v52;
	v19 =	vld.idx.msk [tilespmem:v19+s2+$0x0], $0xffff;
	[tilespmem:v11+s20+$0x0] =	vst.idx.msk $0xffff, v7  }
0x193: {  	v7 =	vadd.s32 v9, v21;
	v11 =	vld.idx.msk [tilespmem:v24+s2+$0x0], $0xffff;
	v5 =	vadd.bf16 v5, v13;
	[tilespmem:v27+s20+$0x0] =	vst.idx.msk $0xffff, v8  }
0x194: {  	v8 =	vadd.s32 v9, v57;
	v13 =	vld.idx.msk [tilespmem:v30+s2+$0x0], $0xffff  }
0x195: {  	v10 =	vadd.bf16 v10, v16;
	v16 =	vadd.s32 v9, v63;
	v5 =	vadd.bf16 v14, v5;
	v14 =	vld.idx.msk [tilespmem:v28+s2+$0x0], $0xffff  }
0x196: {  	v24 =	vld.idx.msk [tilespmem:v25+s2+$0x0], $0xffff  }
0x197: {  	v10 =	vadd.bf16 v17, v10;
	v17 =	vadd.s32 v9, v61;
	v22 =	vld.idx.msk [tilespmem:v22+s2+$0x0], $0xffff  }
0x198: {  	v5 =	vadd.bf16 v19, v5;
	v19 =	vadd.s32 v9, v54;
	v7 =	vld.idx.msk [tilespmem:v7+s2+$0x0], $0xffff  }
0x199: {  	v10 =	vadd.bf16 v11, v10;
	v11 =	vadd.s32 v40, v4;
	v8 =	vld.idx.msk [tilespmem:v8+s2+$0x0], $0xffff  }
0x19a: {  	v27 =	vadd.s32 v42, v4;
	v30 =	vadd.s32 v9, v1;
	v25 =	vunpack.i.u.bf16.f32 v5;
	v16 =	vld.idx.msk [tilespmem:v16+s2+$0x0], $0xffff  }
0x19b: {  	v40 =	vld [tilespmem:$0x1FE60];
	v5 =	vunpack.i.l.bf16.f32 v5;
	v28 =	vunpack.i.l.bf16.f32 v10;
	v10 =	vunpack.i.u.bf16.f32 v10  }
0x19c: {  	v5 =	vadd.f32 v28, v5;
	v28 =	vadd.s32 v9, v20;
	v17 =	vld.idx.msk [tilespmem:v17+s2+$0x0], $0xffff;
	v14 =	vadd.bf16 v24, v14  }
0x19d: {  	v10 =	vadd.f32 v10, v25;
	v24 =	vadd.s32 v9, v60;
	v19 =	vld.idx.msk [tilespmem:v19+s2+$0x0], $0xffff;
	v7 =	vadd.bf16 v7, v13  }
0x19e: {  	v42 =	vld [tilespmem:$0x1FE70];
	[tilespmem:v11+s20+$0x0] =	vst.idx.msk $0xffff, v5;
	v5 =	vadd.s32 v9, v58;
	v8 =	vadd.bf16 v8, v14  }
0x19f: {  	v13 =	vadd.s32 v9, v50;
	[tilespmem:v27+s20+$0x0] =	vst.idx.msk $0xffff, v10;
	v7 =	vadd.bf16 v16, v7  }
0x1a0: {  	v10 =	vadd.s32 v9, v53;
	v11 =	vld.idx.msk [tilespmem:v30+s2+$0x0], $0xffff;
	v8 =	vadd.bf16 v22, v8  }
0x1a1: {  	v16 =	vadd.s32 v9, v51;
	v14 =	vld.idx.msk [tilespmem:v28+s2+$0x0], $0xffff;
	v7 =	vadd.bf16 v17, v7  }
0x1a2: {  	v22 =	vld.idx.msk [tilespmem:v24+s2+$0x0], $0xffff;
	v17 =	vadd.s32 v9, v55;
	v8 =	vadd.bf16 v19, v8;
	v19 =	vadd.s32 v40, v49  }
0x1a3: {  	v27 =	vadd.s32 v42, v49;
	v30 =	vadd.s32 v12, v2;
	v24 =	vadd.s32 v9, v59;
	v5 =	vld.idx.msk [tilespmem:v5+s2+$0x0], $0xffff  }
0x1a4: {  	v13 =	vld.idx.msk [tilespmem:v13+s2+$0x0], $0xffff;
	v25 =	vunpack.i.u.bf16.f32 v7;
	v7 =	vunpack.i.l.bf16.f32 v7;
	v28 =	vunpack.i.l.bf16.f32 v8  }
0x1a5: {  	v10 =	vld.idx.msk [tilespmem:v10+s2+$0x0], $0xffff;
	v8 =	vunpack.i.u.bf16.f32 v8;
	v7 =	vadd.f32 v28, v7;
	v28 =	vadd.s32 v12, v62  }
0x1a6: {  	v16 =	vld.idx.msk [tilespmem:v16+s2+$0x0], $0xffff;
	v8 =	vadd.f32 v8, v25;
	v25 =	vadd.s32 v12, v56  }
0x1a7: {  	v14 =	vadd.bf16 v22, v14;
	v22 =	vadd.s32 v12, v52;
	v17 =	vld.idx.msk [tilespmem:v17+s2+$0x0], $0xffff;
	[tilespmem:v19+s20+$0x0] =	vst.idx.msk $0xffff, v7  }
0x1a8: {  	v7 =	vadd.s32 v12, v21;
	v19 =	vld.idx.msk [tilespmem:v24+s2+$0x0], $0xffff;
	v5 =	vadd.bf16 v5, v11;
	[tilespmem:v27+s20+$0x0] =	vst.idx.msk $0xffff, v8  }
0x1a9: {  	v8 =	vadd.s32 v12, v57;
	v11 =	vld.idx.msk [tilespmem:v30+s2+$0x0], $0xffff  }
0x1aa: {  	v10 =	vadd.bf16 v10, v14;
	v14 =	vadd.s32 v12, v63;
	v5 =	vadd.bf16 v13, v5;
	v13 =	vld.idx.msk [tilespmem:v28+s2+$0x0], $0xffff  }
0x1ab: {  	v24 =	vld.idx.msk [tilespmem:v25+s2+$0x0], $0xffff  }
0x1ac: {  	v10 =	vadd.bf16 v16, v10;
	v16 =	vadd.s32 v12, v61;
	v22 =	vld.idx.msk [tilespmem:v22+s2+$0x0], $0xffff  }
0x1ad: {  	v5 =	vadd.bf16 v17, v5;
	v17 =	vadd.s32 v12, v54;
	v7 =	vld.idx.msk [tilespmem:v7+s2+$0x0], $0xffff  }
0x1ae: {  	v10 =	vadd.bf16 v19, v10;
	v19 =	vadd.s32 v40, v4;
	v8 =	vld.idx.msk [tilespmem:v8+s2+$0x0], $0xffff  }
0x1af: {  	v27 =	vadd.s32 v42, v4;
	v30 =	vadd.s32 v12, v1;
	v25 =	vunpack.i.u.bf16.f32 v5;
	v14 =	vld.idx.msk [tilespmem:v14+s2+$0x0], $0xffff  }
0x1b0: {  	v40 =	vld [tilespmem:$0x1FE80];
	v5 =	vunpack.i.l.bf16.f32 v5;
	v28 =	vunpack.i.l.bf16.f32 v10;
	v10 =	vunpack.i.u.bf16.f32 v10  }
0x1b1: {  	v5 =	vadd.f32 v28, v5;
	v28 =	vadd.s32 v12, v20;
	v16 =	vld.idx.msk [tilespmem:v16+s2+$0x0], $0xffff;
	v13 =	vadd.bf16 v24, v13  }
0x1b2: {  	v10 =	vadd.f32 v10, v25;
	v24 =	vadd.s32 v12, v60;
	v17 =	vld.idx.msk [tilespmem:v17+s2+$0x0], $0xffff;
	v7 =	vadd.bf16 v7, v11  }
0x1b3: {  	v42 =	vld [tilespmem:$0x1FE90];
	[tilespmem:v19+s20+$0x0] =	vst.idx.msk $0xffff, v5;
	v5 =	vadd.s32 v12, v58;
	v8 =	vadd.bf16 v8, v13  }
0x1b4: {  	[tilespmem:v27+s20+$0x0] =	vst.idx.msk $0xffff, v10;
	v10 =	vadd.s32 v12, v53;
	v7 =	vadd.bf16 v14, v7  }
0x1b5: {  	v13 =	vadd.s32 v12, v50;
	v11 =	vld.idx.msk [tilespmem:v30+s2+$0x0], $0xffff;
	v8 =	vadd.bf16 v22, v8  }
0x1b6: {  	v19 =	vadd.s32 v12, v51;
	v14 =	vld.idx.msk [tilespmem:v28+s2+$0x0], $0xffff;
	v7 =	vadd.bf16 v16, v7  }
0x1b7: {  	v22 =	vld.idx.msk [tilespmem:v24+s2+$0x0], $0xffff;
	v16 =	vadd.s32 v12, v55;
	v8 =	vadd.bf16 v17, v8;
	v17 =	vadd.s32 v40, v49  }
0x1b8: {  	v27 =	vadd.s32 v42, v49;
	v30 =	vadd.s32 v15, v2;
	v24 =	vadd.s32 v12, v59;
	v5 =	vld.idx.msk [tilespmem:v5+s2+$0x0], $0xffff  }
0x1b9: {  	v25 =	vunpack.i.u.bf16.f32 v7;
	v10 =	vld.idx.msk [tilespmem:v10+s2+$0x0], $0xffff;
	v7 =	vunpack.i.l.bf16.f32 v7;
	v28 =	vunpack.i.l.bf16.f32 v8  }
0x1ba: {  	v13 =	vld.idx.msk [tilespmem:v13+s2+$0x0], $0xffff;
	v8 =	vunpack.i.u.bf16.f32 v8;
	v7 =	vadd.f32 v28, v7;
	v28 =	vadd.s32 v15, v62  }
0x1bb: {  	v19 =	vld.idx.msk [tilespmem:v19+s2+$0x0], $0xffff;
	v8 =	vadd.f32 v8, v25;
	v25 =	vadd.s32 v15, v56  }
0x1bc: {  	v14 =	vadd.bf16 v22, v14;
	v22 =	vadd.s32 v15, v52;
	v16 =	vld.idx.msk [tilespmem:v16+s2+$0x0], $0xffff;
	[tilespmem:v17+s20+$0x0] =	vst.idx.msk $0xffff, v7  }
0x1bd: {  	v7 =	vadd.s32 v15, v21;
	v17 =	vld.idx.msk [tilespmem:v24+s2+$0x0], $0xffff;
	v5 =	vadd.bf16 v5, v11;
	[tilespmem:v27+s20+$0x0] =	vst.idx.msk $0xffff, v8  }
0x1be: {  	v8 =	vadd.s32 v15, v57;
	v11 =	vld.idx.msk [tilespmem:v30+s2+$0x0], $0xffff  }
0x1bf: {  	v10 =	vadd.bf16 v10, v14;
	v14 =	vadd.s32 v15, v63;
	v5 =	vadd.bf16 v13, v5;
	v13 =	vld.idx.msk [tilespmem:v28+s2+$0x0], $0xffff  }
0x1c0: {  	v24 =	vld.idx.msk [tilespmem:v25+s2+$0x0], $0xffff  }
0x1c1: {  	v10 =	vadd.bf16 v19, v10;
	v19 =	vadd.s32 v15, v61;
	v22 =	vld.idx.msk [tilespmem:v22+s2+$0x0], $0xffff  }
0x1c2: {  	v5 =	vadd.bf16 v16, v5;
	v16 =	vadd.s32 v15, v54;
	v7 =	vld.idx.msk [tilespmem:v7+s2+$0x0], $0xffff  }
0x1c3: {  	v10 =	vadd.bf16 v17, v10;
	v17 =	vadd.s32 v40, v4;
	v8 =	vld.idx.msk [tilespmem:v8+s2+$0x0], $0xffff  }
0x1c4: {  	v27 =	vadd.s32 v42, v4;
	v30 =	vadd.s32 v15, v1;
	v25 =	vunpack.i.u.bf16.f32 v5;
	v14 =	vld.idx.msk [tilespmem:v14+s2+$0x0], $0xffff  }
0x1c5: {  	v40 =	vld [tilespmem:$0x1FEA0];
	v5 =	vunpack.i.l.bf16.f32 v5;
	v28 =	vunpack.i.l.bf16.f32 v10;
	v10 =	vunpack.i.u.bf16.f32 v10  }
0x1c6: {  	v5 =	vadd.f32 v28, v5;
	v28 =	vadd.s32 v15, v20;
	v19 =	vld.idx.msk [tilespmem:v19+s2+$0x0], $0xffff;
	v13 =	vadd.bf16 v24, v13  }
0x1c7: {  	v10 =	vadd.f32 v10, v25;
	v24 =	vadd.s32 v15, v60;
	v16 =	vld.idx.msk [tilespmem:v16+s2+$0x0], $0xffff;
	v7 =	vadd.bf16 v7, v11  }
0x1c8: {  	v42 =	vld [tilespmem:$0x1FEB0];
	[tilespmem:v17+s20+$0x0] =	vst.idx.msk $0xffff, v5;
	v5 =	vadd.s32 v15, v58;
	v8 =	vadd.bf16 v8, v13  }
0x1c9: {  	[tilespmem:v27+s20+$0x0] =	vst.idx.msk $0xffff, v10;
	v10 =	vadd.s32 v15, v53;
	v7 =	vadd.bf16 v14, v7  }
0x1ca: {  	v13 =	vadd.s32 v15, v50;
	v11 =	vld.idx.msk [tilespmem:v30+s2+$0x0], $0xffff;
	v8 =	vadd.bf16 v22, v8  }
0x1cb: {  	v17 =	vadd.s32 v15, v51;
	v14 =	vld.idx.msk [tilespmem:v28+s2+$0x0], $0xffff;
	v7 =	vadd.bf16 v19, v7  }
0x1cc: {  	v22 =	vld.idx.msk [tilespmem:v24+s2+$0x0], $0xffff;
	v19 =	vadd.s32 v15, v55;
	v8 =	vadd.bf16 v16, v8;
	v16 =	vadd.s32 v40, v49  }
0x1cd: {  	v27 =	vadd.s32 v42, v49;
	v30 =	vadd.s32 v18, v2;
	v24 =	vadd.s32 v15, v59;
	v5 =	vld.idx.msk [tilespmem:v5+s2+$0x0], $0xffff  }
0x1ce: {  	v25 =	vunpack.i.u.bf16.f32 v7;
	v10 =	vld.idx.msk [tilespmem:v10+s2+$0x0], $0xffff;
	v7 =	vunpack.i.l.bf16.f32 v7;
	v28 =	vunpack.i.l.bf16.f32 v8  }
0x1cf: {  	v13 =	vld.idx.msk [tilespmem:v13+s2+$0x0], $0xffff;
	v8 =	vunpack.i.u.bf16.f32 v8;
	v7 =	vadd.f32 v28, v7;
	v28 =	vadd.s32 v18, v62  }
0x1d0: {  	v17 =	vld.idx.msk [tilespmem:v17+s2+$0x0], $0xffff;
	v8 =	vadd.f32 v8, v25;
	v25 =	vadd.s32 v18, v56  }
0x1d1: {  	v14 =	vadd.bf16 v22, v14;
	v22 =	vadd.s32 v18, v52;
	v19 =	vld.idx.msk [tilespmem:v19+s2+$0x0], $0xffff;
	[tilespmem:v16+s20+$0x0] =	vst.idx.msk $0xffff, v7  }
0x1d2: {  	v7 =	vadd.s32 v18, v21;
	v16 =	vld.idx.msk [tilespmem:v24+s2+$0x0], $0xffff;
	v5 =	vadd.bf16 v5, v11;
	[tilespmem:v27+s20+$0x0] =	vst.idx.msk $0xffff, v8  }
0x1d3: {  	v8 =	vadd.s32 v18, v57;
	v11 =	vld.idx.msk [tilespmem:v30+s2+$0x0], $0xffff  }
0x1d4: {  	v10 =	vadd.bf16 v10, v14;
	v14 =	vadd.s32 v18, v63;
	v5 =	vadd.bf16 v13, v5;
	v13 =	vld.idx.msk [tilespmem:v28+s2+$0x0], $0xffff  }
0x1d5: {  	v24 =	vld.idx.msk [tilespmem:v25+s2+$0x0], $0xffff  }
0x1d6: {  	v10 =	vadd.bf16 v17, v10;
	v17 =	vadd.s32 v18, v61;
	v22 =	vld.idx.msk [tilespmem:v22+s2+$0x0], $0xffff  }
0x1d7: {  	v5 =	vadd.bf16 v19, v5;
	v19 =	vadd.s32 v18, v54;
	v7 =	vld.idx.msk [tilespmem:v7+s2+$0x0], $0xffff  }
0x1d8: {  	v10 =	vadd.bf16 v16, v10;
	v16 =	vadd.s32 v40, v4;
	v8 =	vld.idx.msk [tilespmem:v8+s2+$0x0], $0xffff  }
0x1d9: {  	v27 =	vadd.s32 v42, v4;
	v30 =	vadd.s32 v18, v1;
	v25 =	vunpack.i.u.bf16.f32 v5;
	v14 =	vld.idx.msk [tilespmem:v14+s2+$0x0], $0xffff  }
0x1da: {  	v40 =	vld [tilespmem:$0x1FEC0];
	v5 =	vunpack.i.l.bf16.f32 v5;
	v28 =	vunpack.i.l.bf16.f32 v10;
	v10 =	vunpack.i.u.bf16.f32 v10  }
0x1db: {  	v5 =	vadd.f32 v28, v5;
	v28 =	vadd.s32 v18, v20;
	v17 =	vld.idx.msk [tilespmem:v17+s2+$0x0], $0xffff;
	v13 =	vadd.bf16 v24, v13  }
0x1dc: {  	v10 =	vadd.f32 v10, v25;
	v24 =	vadd.s32 v18, v60;
	v19 =	vld.idx.msk [tilespmem:v19+s2+$0x0], $0xffff;
	v7 =	vadd.bf16 v7, v11  }
0x1dd: {  	v42 =	vld [tilespmem:$0x1FEF0];
	[tilespmem:v16+s20+$0x0] =	vst.idx.msk $0xffff, v5;
	v5 =	vadd.s32 v18, v58;
	v8 =	vadd.bf16 v8, v13  }
0x1de: {  	[tilespmem:v27+s20+$0x0] =	vst.idx.msk $0xffff, v10;
	v10 =	vadd.s32 v18, v53;
	v7 =	vadd.bf16 v14, v7  }
0x1df: {  	v13 =	vadd.s32 v18, v50;
	v11 =	vld.idx.msk [tilespmem:v30+s2+$0x0], $0xffff;
	v8 =	vadd.bf16 v22, v8  }
0x1e0: {  	v16 =	vadd.s32 v18, v51;
	v14 =	vld.idx.msk [tilespmem:v28+s2+$0x0], $0xffff;
	v7 =	vadd.bf16 v17, v7  }
0x1e1: {  	v22 =	vld.idx.msk [tilespmem:v24+s2+$0x0], $0xffff;
	v17 =	vadd.s32 v18, v55;
	v8 =	vadd.bf16 v19, v8;
	v19 =	vadd.s32 v40, v49  }
0x1e2: {  	v27 =	vadd.s32 v42, v49;
	v30 =	vadd.s32 v23, v2;
	v24 =	vadd.s32 v18, v59;
	v5 =	vld.idx.msk [tilespmem:v5+s2+$0x0], $0xffff  }
0x1e3: {  	v25 =	vunpack.i.u.bf16.f32 v7;
	v10 =	vld.idx.msk [tilespmem:v10+s2+$0x0], $0xffff;
	v7 =	vunpack.i.l.bf16.f32 v7;
	v28 =	vunpack.i.l.bf16.f32 v8  }
0x1e4: {  	v13 =	vld.idx.msk [tilespmem:v13+s2+$0x0], $0xffff;
	v8 =	vunpack.i.u.bf16.f32 v8;
	v7 =	vadd.f32 v28, v7;
	v28 =	vadd.s32 v23, v62  }
0x1e5: {  	v16 =	vld.idx.msk [tilespmem:v16+s2+$0x0], $0xffff;
	v8 =	vadd.f32 v8, v25;
	v25 =	vadd.s32 v23, v56  }
0x1e6: {  	v14 =	vadd.bf16 v22, v14;
	v22 =	vadd.s32 v23, v52;
	v17 =	vld.idx.msk [tilespmem:v17+s2+$0x0], $0xffff;
	[tilespmem:v19+s20+$0x0] =	vst.idx.msk $0xffff, v7  }
0x1e7: {  	v7 =	vadd.s32 v23, v21;
	v19 =	vld.idx.msk [tilespmem:v24+s2+$0x0], $0xffff;
	v5 =	vadd.bf16 v5, v11;
	[tilespmem:v27+s20+$0x0] =	vst.idx.msk $0xffff, v8  }
0x1e8: {  	v8 =	vadd.s32 v23, v57;
	v11 =	vld.idx.msk [tilespmem:v30+s2+$0x0], $0xffff  }
0x1e9: {  	v10 =	vadd.bf16 v10, v14;
	v14 =	vadd.s32 v23, v63;
	v5 =	vadd.bf16 v13, v5;
	v13 =	vld.idx.msk [tilespmem:v28+s2+$0x0], $0xffff  }
0x1ea: {  	v24 =	vld.idx.msk [tilespmem:v25+s2+$0x0], $0xffff  }
0x1eb: {  	v10 =	vadd.bf16 v16, v10;
	v16 =	vadd.s32 v23, v61;
	v22 =	vld.idx.msk [tilespmem:v22+s2+$0x0], $0xffff  }
0x1ec: {  	v5 =	vadd.bf16 v17, v5;
	v17 =	vadd.s32 v23, v54;
	v7 =	vld.idx.msk [tilespmem:v7+s2+$0x0], $0xffff  }
0x1ed: {  	v10 =	vadd.bf16 v19, v10;
	v19 =	vadd.s32 v40, v4;
	v8 =	vld.idx.msk [tilespmem:v8+s2+$0x0], $0xffff  }
0x1ee: {  	v27 =	vadd.s32 v42, v4;
	v30 =	vadd.s32 v23, v1;
	v25 =	vunpack.i.u.bf16.f32 v5;
	v14 =	vld.idx.msk [tilespmem:v14+s2+$0x0], $0xffff  }
0x1ef: {  	v40 =	vld [tilespmem:$0x1FF00];
	v5 =	vunpack.i.l.bf16.f32 v5;
	v28 =	vunpack.i.l.bf16.f32 v10;
	v10 =	vunpack.i.u.bf16.f32 v10  }
0x1f0: {  	v5 =	vadd.f32 v28, v5;
	v28 =	vadd.s32 v23, v20;
	v16 =	vld.idx.msk [tilespmem:v16+s2+$0x0], $0xffff;
	v13 =	vadd.bf16 v24, v13  }
0x1f1: {  	v10 =	vadd.f32 v10, v25;
	v24 =	vadd.s32 v23, v60;
	v17 =	vld.idx.msk [tilespmem:v17+s2+$0x0], $0xffff;
	v7 =	vadd.bf16 v7, v11  }
0x1f2: {  	v42 =	vld [tilespmem:$0x1FF10];
	[tilespmem:v19+s20+$0x0] =	vst.idx.msk $0xffff, v5;
	v5 =	vadd.s32 v23, v58;
	v8 =	vadd.bf16 v8, v13  }
0x1f3: {  	[tilespmem:v27+s20+$0x0] =	vst.idx.msk $0xffff, v10;
	v10 =	vadd.s32 v23, v53;
	v7 =	vadd.bf16 v14, v7  }
0x1f4: {  	v13 =	vadd.s32 v23, v50;
	v11 =	vld.idx.msk [tilespmem:v30+s2+$0x0], $0xffff;
	v8 =	vadd.bf16 v22, v8  }
0x1f5: {  	v19 =	vadd.s32 v23, v51;
	v14 =	vld.idx.msk [tilespmem:v28+s2+$0x0], $0xffff;
	v7 =	vadd.bf16 v16, v7  }
0x1f6: {  	v22 =	vld.idx.msk [tilespmem:v24+s2+$0x0], $0xffff;
	v16 =	vadd.s32 v23, v55;
	v8 =	vadd.bf16 v17, v8;
	v17 =	vadd.s32 v40, v49  }
0x1f7: {  	v27 =	vadd.s32 v42, v49;
	v30 =	vadd.s32 v26, v2;
	v24 =	vadd.s32 v23, v59;
	v5 =	vld.idx.msk [tilespmem:v5+s2+$0x0], $0xffff  }
0x1f8: {  	v25 =	vunpack.i.u.bf16.f32 v7;
	v10 =	vld.idx.msk [tilespmem:v10+s2+$0x0], $0xffff;
	v7 =	vunpack.i.l.bf16.f32 v7;
	v28 =	vunpack.i.l.bf16.f32 v8  }
0x1f9: {  	v13 =	vld.idx.msk [tilespmem:v13+s2+$0x0], $0xffff;
	v8 =	vunpack.i.u.bf16.f32 v8;
	v7 =	vadd.f32 v28, v7;
	v28 =	vadd.s32 v26, v62  }
0x1fa: {  	v19 =	vld.idx.msk [tilespmem:v19+s2+$0x0], $0xffff;
	v8 =	vadd.f32 v8, v25;
	v25 =	vadd.s32 v26, v56  }
0x1fb: {  	v14 =	vadd.bf16 v22, v14;
	v22 =	vadd.s32 v26, v52;
	v16 =	vld.idx.msk [tilespmem:v16+s2+$0x0], $0xffff;
	[tilespmem:v17+s20+$0x0] =	vst.idx.msk $0xffff, v7  }
0x1fc: {  	v7 =	vadd.s32 v26, v21;
	v17 =	vld.idx.msk [tilespmem:v24+s2+$0x0], $0xffff;
	v5 =	vadd.bf16 v5, v11;
	[tilespmem:v27+s20+$0x0] =	vst.idx.msk $0xffff, v8  }
0x1fd: {  	v8 =	vadd.s32 v26, v57;
	v11 =	vld.idx.msk [tilespmem:v30+s2+$0x0], $0xffff  }
0x1fe: {  	v10 =	vadd.bf16 v10, v14;
	v14 =	vadd.s32 v26, v63;
	v5 =	vadd.bf16 v13, v5;
	v13 =	vld.idx.msk [tilespmem:v28+s2+$0x0], $0xffff  }
0x1ff: {  	v24 =	vld.idx.msk [tilespmem:v25+s2+$0x0], $0xffff  }
0x200: {  	v10 =	vadd.bf16 v19, v10;
	v19 =	vadd.s32 v26, v61;
	v22 =	vld.idx.msk [tilespmem:v22+s2+$0x0], $0xffff  }
0x201: {  	v5 =	vadd.bf16 v16, v5;
	v16 =	vadd.s32 v26, v54;
	v7 =	vld.idx.msk [tilespmem:v7+s2+$0x0], $0xffff  }
0x202: {  	v10 =	vadd.bf16 v17, v10;
	v17 =	vadd.s32 v40, v4;
	v8 =	vld.idx.msk [tilespmem:v8+s2+$0x0], $0xffff  }
0x203: {  	v27 =	vadd.s32 v42, v4;
	v30 =	vadd.s32 v26, v1;
	v25 =	vunpack.i.u.bf16.f32 v5;
	v14 =	vld.idx.msk [tilespmem:v14+s2+$0x0], $0xffff  }
0x204: {  	v40 =	vld [tilespmem:$0x1FF20];
	v5 =	vunpack.i.l.bf16.f32 v5;
	v28 =	vunpack.i.l.bf16.f32 v10;
	v10 =	vunpack.i.u.bf16.f32 v10  }
0x205: {  	v5 =	vadd.f32 v28, v5;
	v28 =	vadd.s32 v26, v20;
	v19 =	vld.idx.msk [tilespmem:v19+s2+$0x0], $0xffff;
	v13 =	vadd.bf16 v24, v13  }
0x206: {  	v10 =	vadd.f32 v10, v25;
	v24 =	vadd.s32 v26, v60;
	v16 =	vld.idx.msk [tilespmem:v16+s2+$0x0], $0xffff;
	v7 =	vadd.bf16 v7, v11  }
0x207: {  	v42 =	vld [tilespmem:$0x1FF30];
	[tilespmem:v17+s20+$0x0] =	vst.idx.msk $0xffff, v5;
	v5 =	vadd.s32 v26, v58;
	v8 =	vadd.bf16 v8, v13  }
0x208: {  	[tilespmem:v27+s20+$0x0] =	vst.idx.msk $0xffff, v10;
	v10 =	vadd.s32 v26, v53;
	v7 =	vadd.bf16 v14, v7  }
0x209: {  	v13 =	vadd.s32 v26, v50;
	v11 =	vld.idx.msk [tilespmem:v30+s2+$0x0], $0xffff;
	v8 =	vadd.bf16 v22, v8  }
0x20a: {  	v17 =	vadd.s32 v26, v51;
	v14 =	vld.idx.msk [tilespmem:v28+s2+$0x0], $0xffff;
	v7 =	vadd.bf16 v19, v7  }
0x20b: {  	v22 =	vld.idx.msk [tilespmem:v24+s2+$0x0], $0xffff;
	v19 =	vadd.s32 v26, v55;
	v8 =	vadd.bf16 v16, v8;
	v16 =	vadd.s32 v40, v49  }
0x20c: {  	v27 =	vadd.s32 v42, v49;
	v30 =	vadd.s32 v29, v2;
	v24 =	vadd.s32 v26, v59;
	v5 =	vld.idx.msk [tilespmem:v5+s2+$0x0], $0xffff  }
0x20d: {  	v25 =	vunpack.i.u.bf16.f32 v7;
	v10 =	vld.idx.msk [tilespmem:v10+s2+$0x0], $0xffff;
	v7 =	vunpack.i.l.bf16.f32 v7;
	v28 =	vunpack.i.l.bf16.f32 v8  }
0x20e: {  	v13 =	vld.idx.msk [tilespmem:v13+s2+$0x0], $0xffff;
	v8 =	vunpack.i.u.bf16.f32 v8;
	v7 =	vadd.f32 v28, v7;
	v28 =	vadd.s32 v29, v62  }
0x20f: {  	v17 =	vld.idx.msk [tilespmem:v17+s2+$0x0], $0xffff;
	v8 =	vadd.f32 v8, v25;
	v25 =	vadd.s32 v29, v56  }
0x210: {  	v14 =	vadd.bf16 v22, v14;
	v22 =	vadd.s32 v29, v52;
	v19 =	vld.idx.msk [tilespmem:v19+s2+$0x0], $0xffff;
	[tilespmem:v16+s20+$0x0] =	vst.idx.msk $0xffff, v7  }
0x211: {  	v7 =	vadd.s32 v29, v21;
	v16 =	vld.idx.msk [tilespmem:v24+s2+$0x0], $0xffff;
	v5 =	vadd.bf16 v5, v11;
	[tilespmem:v27+s20+$0x0] =	vst.idx.msk $0xffff, v8  }
0x212: {  	v8 =	vadd.s32 v29, v57;
	v11 =	vld.idx.msk [tilespmem:v30+s2+$0x0], $0xffff  }
0x213: {  	v10 =	vadd.bf16 v10, v14;
	v14 =	vadd.s32 v29, v63;
	v5 =	vadd.bf16 v13, v5;
	v13 =	vld.idx.msk [tilespmem:v28+s2+$0x0], $0xffff  }
0x214: {  	v24 =	vld.idx.msk [tilespmem:v25+s2+$0x0], $0xffff  }
0x215: {  	v10 =	vadd.bf16 v17, v10;
	v17 =	vadd.s32 v29, v61;
	v22 =	vld.idx.msk [tilespmem:v22+s2+$0x0], $0xffff  }
0x216: {  	v5 =	vadd.bf16 v19, v5;
	v19 =	vadd.s32 v29, v54;
	v7 =	vld.idx.msk [tilespmem:v7+s2+$0x0], $0xffff  }
0x217: {  	v10 =	vadd.bf16 v16, v10;
	v16 =	vadd.s32 v40, v4;
	v8 =	vld.idx.msk [tilespmem:v8+s2+$0x0], $0xffff  }
0x218: {  	v27 =	vadd.s32 v42, v4;
	v30 =	vadd.s32 v29, v1;
	v25 =	vunpack.i.u.bf16.f32 v5;
	v14 =	vld.idx.msk [tilespmem:v14+s2+$0x0], $0xffff  }
0x219: {  	v40 =	vld [tilespmem:$0x1FF40];
	v5 =	vunpack.i.l.bf16.f32 v5;
	v28 =	vunpack.i.l.bf16.f32 v10;
	v10 =	vunpack.i.u.bf16.f32 v10  }
0x21a: {  	v5 =	vadd.f32 v28, v5;
	v28 =	vadd.s32 v29, v20;
	v17 =	vld.idx.msk [tilespmem:v17+s2+$0x0], $0xffff;
	v13 =	vadd.bf16 v24, v13  }
0x21b: {  	v10 =	vadd.f32 v10, v25;
	v24 =	vadd.s32 v29, v60;
	v19 =	vld.idx.msk [tilespmem:v19+s2+$0x0], $0xffff;
	v7 =	vadd.bf16 v7, v11  }
0x21c: {  	v42 =	vld [tilespmem:$0x1FF50];
	[tilespmem:v16+s20+$0x0] =	vst.idx.msk $0xffff, v5;
	v5 =	vadd.s32 v29, v58;
	v8 =	vadd.bf16 v8, v13  }
0x21d: {  	[tilespmem:v27+s20+$0x0] =	vst.idx.msk $0xffff, v10;
	v10 =	vadd.s32 v29, v53;
	v7 =	vadd.bf16 v14, v7  }
0x21e: {  	v13 =	vadd.s32 v29, v50;
	v11 =	vld.idx.msk [tilespmem:v30+s2+$0x0], $0xffff;
	v8 =	vadd.bf16 v22, v8  }
0x21f: {  	v16 =	vadd.s32 v29, v51;
	v14 =	vld.idx.msk [tilespmem:v28+s2+$0x0], $0xffff;
	v7 =	vadd.bf16 v17, v7  }
0x220: {  	v22 =	vld.idx.msk [tilespmem:v24+s2+$0x0], $0xffff;
	v17 =	vadd.s32 v29, v55;
	v8 =	vadd.bf16 v19, v8;
	v19 =	vadd.s32 v40, v49  }
0x221: {  	v27 =	vadd.s32 v42, v49;
	v30 =	vadd.s32 v32, v2;
	v24 =	vadd.s32 v29, v59;
	v5 =	vld.idx.msk [tilespmem:v5+s2+$0x0], $0xffff  }
0x222: {  	v25 =	vunpack.i.u.bf16.f32 v7;
	v10 =	vld.idx.msk [tilespmem:v10+s2+$0x0], $0xffff;
	v7 =	vunpack.i.l.bf16.f32 v7;
	v28 =	vunpack.i.l.bf16.f32 v8  }
0x223: {  	v13 =	vld.idx.msk [tilespmem:v13+s2+$0x0], $0xffff;
	v8 =	vunpack.i.u.bf16.f32 v8;
	v7 =	vadd.f32 v28, v7;
	v28 =	vadd.s32 v32, v62  }
0x224: {  	v16 =	vld.idx.msk [tilespmem:v16+s2+$0x0], $0xffff;
	v8 =	vadd.f32 v8, v25;
	v25 =	vadd.s32 v32, v56  }
0x225: {  	v14 =	vadd.bf16 v22, v14;
	v22 =	vadd.s32 v32, v52;
	v17 =	vld.idx.msk [tilespmem:v17+s2+$0x0], $0xffff;
	[tilespmem:v19+s20+$0x0] =	vst.idx.msk $0xffff, v7  }
0x226: {  	v7 =	vadd.s32 v32, v21;
	v19 =	vld.idx.msk [tilespmem:v24+s2+$0x0], $0xffff;
	v5 =	vadd.bf16 v5, v11;
	[tilespmem:v27+s20+$0x0] =	vst.idx.msk $0xffff, v8  }
0x227: {  	v8 =	vadd.s32 v32, v57;
	v11 =	vld.idx.msk [tilespmem:v30+s2+$0x0], $0xffff  }
0x228: {  	v10 =	vadd.bf16 v10, v14;
	v14 =	vadd.s32 v32, v63;
	v5 =	vadd.bf16 v13, v5;
	v13 =	vld.idx.msk [tilespmem:v28+s2+$0x0], $0xffff  }
0x229: {  	v24 =	vld.idx.msk [tilespmem:v25+s2+$0x0], $0xffff  }
0x22a: {  	v10 =	vadd.bf16 v16, v10;
	v16 =	vadd.s32 v32, v61;
	v22 =	vld.idx.msk [tilespmem:v22+s2+$0x0], $0xffff  }
0x22b: {  	v5 =	vadd.bf16 v17, v5;
	v17 =	vadd.s32 v32, v54;
	v7 =	vld.idx.msk [tilespmem:v7+s2+$0x0], $0xffff  }
0x22c: {  	v10 =	vadd.bf16 v19, v10;
	v19 =	vadd.s32 v40, v4;
	v8 =	vld.idx.msk [tilespmem:v8+s2+$0x0], $0xffff  }
0x22d: {  	v27 =	vadd.s32 v42, v4;
	v30 =	vadd.s32 v32, v1;
	v25 =	vunpack.i.u.bf16.f32 v5;
	v14 =	vld.idx.msk [tilespmem:v14+s2+$0x0], $0xffff  }
0x22e: {  	v40 =	vld [tilespmem:$0x1FF60];
	v5 =	vunpack.i.l.bf16.f32 v5;
	v28 =	vunpack.i.l.bf16.f32 v10;
	v10 =	vunpack.i.u.bf16.f32 v10  }
0x22f: {  	v5 =	vadd.f32 v28, v5;
	v28 =	vadd.s32 v32, v20;
	v16 =	vld.idx.msk [tilespmem:v16+s2+$0x0], $0xffff;
	v13 =	vadd.bf16 v24, v13  }
0x230: {  	v10 =	vadd.f32 v10, v25;
	v24 =	vadd.s32 v32, v60;
	v17 =	vld.idx.msk [tilespmem:v17+s2+$0x0], $0xffff;
	v7 =	vadd.bf16 v7, v11  }
0x231: {  	[tilespmem:v19+s20+$0x0] =	vst.idx.msk $0xffff, v5;
	v5 =	vadd.s32 v32, v58;
	v8 =	vadd.bf16 v8, v13  }
0x232: {  	[tilespmem:v27+s20+$0x0] =	vst.idx.msk $0xffff, v10;
	v10 =	vadd.s32 v32, v53;
	v7 =	vadd.bf16 v14, v7  }
0x233: {  	v13 =	vadd.s32 v32, v50;
	v11 =	vld.idx.msk [tilespmem:v30+s2+$0x0], $0xffff;
	v8 =	vadd.bf16 v22, v8  }
0x234: {  	v19 =	vadd.s32 v32, v51;
	v14 =	vld.idx.msk [tilespmem:v28+s2+$0x0], $0xffff;
	v7 =	vadd.bf16 v16, v7  }
0x235: {  	v22 =	vld.idx.msk [tilespmem:v24+s2+$0x0], $0xffff;
	v16 =	vadd.s32 v32, v55;
	v8 =	vadd.bf16 v17, v8;
	v17 =	vadd.s32 v40, v49  }
0x236: {  	v27 =	vadd.s32 v43, v49;
	v30 =	vadd.s32 v35, v2;
	v24 =	vadd.s32 v32, v59;
	v5 =	vld.idx.msk [tilespmem:v5+s2+$0x0], $0xffff  }
0x237: {  	v25 =	vunpack.i.u.bf16.f32 v7;
	v10 =	vld.idx.msk [tilespmem:v10+s2+$0x0], $0xffff;
	v7 =	vunpack.i.l.bf16.f32 v7;
	v28 =	vunpack.i.l.bf16.f32 v8  }
0x238: {  	v13 =	vld.idx.msk [tilespmem:v13+s2+$0x0], $0xffff;
	v8 =	vunpack.i.u.bf16.f32 v8;
	v7 =	vadd.f32 v28, v7;
	v28 =	vadd.s32 v35, v62  }
0x239: {  	v19 =	vld.idx.msk [tilespmem:v19+s2+$0x0], $0xffff;
	v8 =	vadd.f32 v8, v25;
	v25 =	vadd.s32 v35, v56  }
0x23a: {  	v14 =	vadd.bf16 v22, v14;
	v16 =	vld.idx.msk [tilespmem:v16+s2+$0x0], $0xffff;
	[tilespmem:v17+s20+$0x0] =	vst.idx.msk $0xffff, v7;
	v7 =	vadd.s32 v35, v21  }
0x23b: {  	v17 =	vld.idx.msk [tilespmem:v24+s2+$0x0], $0xffff;
	v5 =	vadd.bf16 v5, v11;
	[tilespmem:v27+s20+$0x0] =	vst.idx.msk $0xffff, v8;
	v8 =	vadd.s32 v35, v57  }
0x23c: {  	v10 =	vadd.bf16 v10, v14;
	v14 =	vadd.s32 v35, v63;
	v11 =	vld.idx.msk [tilespmem:v30+s2+$0x0], $0xffff  }
0x23d: {  	v22 =	vadd.s32 v35, v52;
	v5 =	vadd.bf16 v13, v5;
	v13 =	vld.idx.msk [tilespmem:v28+s2+$0x0], $0xffff  }
0x23e: {  	v10 =	vadd.bf16 v19, v10;
	v19 =	vadd.s32 v35, v61;
	v24 =	vld.idx.msk [tilespmem:v25+s2+$0x0], $0xffff  }
0x23f: {  	v5 =	vadd.bf16 v16, v5;
	v16 =	vadd.s32 v35, v54;
	v7 =	vld.idx.msk [tilespmem:v7+s2+$0x0], $0xffff  }
0x240: {  	v10 =	vadd.bf16 v17, v10;
	v17 =	vadd.s32 v40, v4;
	v8 =	vld.idx.msk [tilespmem:v8+s2+$0x0], $0xffff  }
0x241: {  	v27 =	vadd.s32 v43, v4;
	v30 =	vadd.s32 v35, v1;
	v25 =	vunpack.i.u.bf16.f32 v5;
	v14 =	vld.idx.msk [tilespmem:v14+s2+$0x0], $0xffff  }
0x242: {  	v22 =	vld.idx.msk [tilespmem:v22+s2+$0x0], $0xffff;
	v5 =	vunpack.i.l.bf16.f32 v5;
	v28 =	vunpack.i.l.bf16.f32 v10;
	v10 =	vunpack.i.u.bf16.f32 v10  }
0x243: {  	v5 =	vadd.f32 v28, v5;
	v28 =	vadd.s32 v35, v20;
	v19 =	vld.idx.msk [tilespmem:v19+s2+$0x0], $0xffff;
	v13 =	vadd.bf16 v24, v13  }
0x244: {  	v10 =	vadd.f32 v10, v25;
	v24 =	vadd.s32 v35, v60;
	v16 =	vld.idx.msk [tilespmem:v16+s2+$0x0], $0xffff;
	v7 =	vadd.bf16 v7, v11  }
0x245: {  	[tilespmem:v17+s20+$0x0] =	vst.idx.msk $0xffff, v5;
	v5 =	vadd.s32 v35, v58;
	v8 =	vadd.bf16 v8, v13  }
0x246: {  	[tilespmem:v27+s20+$0x0] =	vst.idx.msk $0xffff, v10;
	v10 =	vadd.s32 v35, v53;
	v7 =	vadd.bf16 v14, v7  }
0x247: {  	v13 =	vadd.s32 v35, v50;
	v11 =	vld.idx.msk [tilespmem:v30+s2+$0x0], $0xffff;
	v8 =	vadd.bf16 v22, v8  }
0x248: {  	v17 =	vadd.s32 v35, v51;
	v14 =	vld.idx.msk [tilespmem:v28+s2+$0x0], $0xffff;
	v7 =	vadd.bf16 v19, v7  }
0x249: {  	v22 =	vld.idx.msk [tilespmem:v24+s2+$0x0], $0xffff;
	v19 =	vadd.s32 v35, v55;
	v8 =	vadd.bf16 v16, v8;
	v16 =	vadd.s32 v45, v49  }
0x24a: {  	v27 =	vadd.s32 v46, v49;
	v30 =	vadd.s32 v38, v2;
	v24 =	vadd.s32 v35, v59;
	v5 =	vld.idx.msk [tilespmem:v5+s2+$0x0], $0xffff  }
0x24b: {  	v25 =	vunpack.i.u.bf16.f32 v7;
	v10 =	vld.idx.msk [tilespmem:v10+s2+$0x0], $0xffff;
	v7 =	vunpack.i.l.bf16.f32 v7;
	v28 =	vunpack.i.l.bf16.f32 v8  }
0x24c: {  	v13 =	vld.idx.msk [tilespmem:v13+s2+$0x0], $0xffff;
	v8 =	vunpack.i.u.bf16.f32 v8;
	v7 =	vadd.f32 v28, v7;
	v28 =	vadd.s32 v38, v62  }
0x24d: {  	v17 =	vld.idx.msk [tilespmem:v17+s2+$0x0], $0xffff;
	v8 =	vadd.f32 v8, v25;
	v25 =	vadd.s32 v38, v56  }
0x24e: {  	v14 =	vadd.bf16 v22, v14;
	v19 =	vld.idx.msk [tilespmem:v19+s2+$0x0], $0xffff;
	[tilespmem:v16+s20+$0x0] =	vst.idx.msk $0xffff, v7;
	v7 =	vadd.s32 v38, v21  }
0x24f: {  	v16 =	vld.idx.msk [tilespmem:v24+s2+$0x0], $0xffff;
	v5 =	vadd.bf16 v5, v11;
	[tilespmem:v27+s20+$0x0] =	vst.idx.msk $0xffff, v8;
	v8 =	vadd.s32 v38, v57  }
0x250: {  	v10 =	vadd.bf16 v10, v14;
	v14 =	vadd.s32 v38, v63;
	v11 =	vld.idx.msk [tilespmem:v30+s2+$0x0], $0xffff  }
0x251: {  	v22 =	vadd.s32 v38, v52;
	v5 =	vadd.bf16 v13, v5;
	v13 =	vld.idx.msk [tilespmem:v28+s2+$0x0], $0xffff  }
0x252: {  	v10 =	vadd.bf16 v17, v10;
	v17 =	vadd.s32 v38, v61;
	v24 =	vld.idx.msk [tilespmem:v25+s2+$0x0], $0xffff  }
0x253: {  	v5 =	vadd.bf16 v19, v5;
	v19 =	vadd.s32 v38, v54;
	v7 =	vld.idx.msk [tilespmem:v7+s2+$0x0], $0xffff  }
0x254: {  	v10 =	vadd.bf16 v16, v10;
	v16 =	vadd.s32 v45, v4;
	v8 =	vld.idx.msk [tilespmem:v8+s2+$0x0], $0xffff  }
0x255: {  	v27 =	vadd.s32 v46, v4;
	v30 =	vadd.s32 v38, v1;
	v25 =	vunpack.i.u.bf16.f32 v5;
	v14 =	vld.idx.msk [tilespmem:v14+s2+$0x0], $0xffff  }
0x256: {  	v22 =	vld.idx.msk [tilespmem:v22+s2+$0x0], $0xffff;
	v5 =	vunpack.i.l.bf16.f32 v5;
	v28 =	vunpack.i.l.bf16.f32 v10;
	v10 =	vunpack.i.u.bf16.f32 v10  }
0x257: {  	v5 =	vadd.f32 v28, v5;
	v28 =	vadd.s32 v38, v20;
	v17 =	vld.idx.msk [tilespmem:v17+s2+$0x0], $0xffff;
	v13 =	vadd.bf16 v24, v13  }
0x258: {  	v10 =	vadd.f32 v10, v25;
	v24 =	vadd.s32 v38, v60;
	v19 =	vld.idx.msk [tilespmem:v19+s2+$0x0], $0xffff;
	v7 =	vadd.bf16 v7, v11  }
0x259: {  	[tilespmem:v16+s20+$0x0] =	vst.idx.msk $0xffff, v5;
	v5 =	vadd.s32 v38, v58;
	v8 =	vadd.bf16 v8, v13  }
0x25a: {  	[tilespmem:v27+s20+$0x0] =	vst.idx.msk $0xffff, v10;
	v10 =	vadd.s32 v38, v53;
	v7 =	vadd.bf16 v14, v7  }
0x25b: {  	v13 =	vadd.s32 v38, v50;
	v11 =	vld.idx.msk [tilespmem:v30+s2+$0x0], $0xffff;
	v8 =	vadd.bf16 v22, v8  }
0x25c: {  	v16 =	vadd.s32 v38, v51;
	v14 =	vld.idx.msk [tilespmem:v28+s2+$0x0], $0xffff;
	v7 =	vadd.bf16 v17, v7  }
0x25d: {  	v22 =	vld.idx.msk [tilespmem:v24+s2+$0x0], $0xffff;
	v17 =	vadd.s32 v38, v55;
	v8 =	vadd.bf16 v19, v8;
	v19 =	vadd.s32 v47, v49  }
0x25e: {  	v27 =	vadd.s32 v48, v49;
	v30 =	vadd.s32 v41, v2;
	v24 =	vadd.s32 v38, v59;
	v5 =	vld.idx.msk [tilespmem:v5+s2+$0x0], $0xffff  }
0x25f: {  	v25 =	vunpack.i.u.bf16.f32 v7;
	v10 =	vld.idx.msk [tilespmem:v10+s2+$0x0], $0xffff;
	v7 =	vunpack.i.l.bf16.f32 v7;
	v28 =	vunpack.i.l.bf16.f32 v8  }
0x260: {  	v13 =	vld.idx.msk [tilespmem:v13+s2+$0x0], $0xffff;
	v8 =	vunpack.i.u.bf16.f32 v8;
	v7 =	vadd.f32 v28, v7;
	v28 =	vadd.s32 v41, v62  }
0x261: {  	v16 =	vld.idx.msk [tilespmem:v16+s2+$0x0], $0xffff;
	v8 =	vadd.f32 v8, v25;
	v25 =	vadd.s32 v41, v56  }
0x262: {  	v14 =	vadd.bf16 v22, v14;
	v17 =	vld.idx.msk [tilespmem:v17+s2+$0x0], $0xffff;
	[tilespmem:v19+s20+$0x0] =	vst.idx.msk $0xffff, v7;
	v7 =	vadd.s32 v41, v21  }
0x263: {  	v19 =	vld.idx.msk [tilespmem:v24+s2+$0x0], $0xffff;
	v5 =	vadd.bf16 v5, v11;
	[tilespmem:v27+s20+$0x0] =	vst.idx.msk $0xffff, v8;
	v8 =	vadd.s32 v41, v57  }
0x264: {  	v10 =	vadd.bf16 v10, v14;
	v14 =	vadd.s32 v41, v63;
	v11 =	vld.idx.msk [tilespmem:v30+s2+$0x0], $0xffff  }
0x265: {  	v22 =	vadd.s32 v41, v52;
	v5 =	vadd.bf16 v13, v5;
	v13 =	vld.idx.msk [tilespmem:v28+s2+$0x0], $0xffff  }
0x266: {  	v10 =	vadd.bf16 v16, v10;
	v16 =	vadd.s32 v41, v61;
	v24 =	vld.idx.msk [tilespmem:v25+s2+$0x0], $0xffff  }
0x267: {  	v5 =	vadd.bf16 v17, v5;
	v17 =	vadd.s32 v41, v54;
	v7 =	vld.idx.msk [tilespmem:v7+s2+$0x0], $0xffff  }
0x268: {  	v10 =	vadd.bf16 v19, v10;
	v19 =	vadd.s32 v47, v4;
	v8 =	vld.idx.msk [tilespmem:v8+s2+$0x0], $0xffff  }
0x269: {  	v27 =	vadd.s32 v48, v4;
	v30 =	vadd.s32 v41, v1;
	v25 =	vunpack.i.u.bf16.f32 v5;
	v14 =	vld.idx.msk [tilespmem:v14+s2+$0x0], $0xffff  }
0x26a: {  	v22 =	vld.idx.msk [tilespmem:v22+s2+$0x0], $0xffff;
	v5 =	vunpack.i.l.bf16.f32 v5;
	v28 =	vunpack.i.l.bf16.f32 v10;
	v10 =	vunpack.i.u.bf16.f32 v10  }
0x26b: {  	v5 =	vadd.f32 v28, v5;
	v28 =	vadd.s32 v41, v20;
	v16 =	vld.idx.msk [tilespmem:v16+s2+$0x0], $0xffff;
	v13 =	vadd.bf16 v24, v13  }
0x26c: {  	v10 =	vadd.f32 v10, v25;
	v24 =	vadd.s32 v41, v60;
	v17 =	vld.idx.msk [tilespmem:v17+s2+$0x0], $0xffff;
	v7 =	vadd.bf16 v7, v11  }
0x26d: {  	[tilespmem:v19+s20+$0x0] =	vst.idx.msk $0xffff, v5;
	v5 =	vadd.s32 v41, v58;
	v8 =	vadd.bf16 v8, v13  }
0x26e: {  	[tilespmem:v27+s20+$0x0] =	vst.idx.msk $0xffff, v10;
	v10 =	vadd.s32 v41, v53;
	v7 =	vadd.bf16 v14, v7  }
0x26f: {  	v13 =	vadd.s32 v41, v50;
	v11 =	vld.idx.msk [tilespmem:v30+s2+$0x0], $0xffff;
	v8 =	vadd.bf16 v22, v8  }
0x270: {  	v19 =	vadd.s32 v41, v51;
	v14 =	vld.idx.msk [tilespmem:v28+s2+$0x0], $0xffff;
	v7 =	vadd.bf16 v16, v7  }
0x271: {  	v22 =	vld.idx.msk [tilespmem:v24+s2+$0x0], $0xffff;
	v16 =	vadd.s32 v41, v55;
	v8 =	vadd.bf16 v17, v8;
	v17 =	vadd.s32 v31, v49  }
0x272: {  	v27 =	vadd.s32 v33, v49;
	v30 =	vadd.s32 v44, v2;
	v24 =	vadd.s32 v41, v59;
	v5 =	vld.idx.msk [tilespmem:v5+s2+$0x0], $0xffff  }
0x273: {  	v25 =	vunpack.i.u.bf16.f32 v7;
	v10 =	vld.idx.msk [tilespmem:v10+s2+$0x0], $0xffff;
	v7 =	vunpack.i.l.bf16.f32 v7;
	v28 =	vunpack.i.l.bf16.f32 v8  }
0x274: {  	v13 =	vld.idx.msk [tilespmem:v13+s2+$0x0], $0xffff;
	v8 =	vunpack.i.u.bf16.f32 v8;
	v7 =	vadd.f32 v28, v7;
	v28 =	vadd.s32 v44, v62  }
0x275: {  	v19 =	vld.idx.msk [tilespmem:v19+s2+$0x0], $0xffff;
	v8 =	vadd.f32 v8, v25;
	v25 =	vadd.s32 v44, v56  }
0x276: {  	v14 =	vadd.bf16 v22, v14;
	v22 =	vadd.s32 v44, v52;
	v16 =	vld.idx.msk [tilespmem:v16+s2+$0x0], $0xffff;
	[tilespmem:v17+s20+$0x0] =	vst.idx.msk $0xffff, v7  }
0x277: {  	v7 =	vadd.s32 v44, v21;
	v17 =	vld.idx.msk [tilespmem:v24+s2+$0x0], $0xffff;
	v5 =	vadd.bf16 v5, v11;
	[tilespmem:v27+s20+$0x0] =	vst.idx.msk $0xffff, v8  }
0x278: {  	v8 =	vadd.s32 v44, v57;
	v10 =	vadd.bf16 v10, v14;
	v11 =	vld.idx.msk [tilespmem:v30+s2+$0x0], $0xffff  }
0x279: {  	v14 =	vadd.s32 v44, v63;
	v5 =	vadd.bf16 v13, v5;
	v13 =	vld.idx.msk [tilespmem:v28+s2+$0x0], $0xffff  }
0x27a: {  	v10 =	vadd.bf16 v19, v10;
	v19 =	vadd.s32 v44, v61;
	v24 =	vld.idx.msk [tilespmem:v25+s2+$0x0], $0xffff  }
0x27b: {  	v22 =	vld.idx.msk [tilespmem:v22+s2+$0x0], $0xffff;
	v5 =	vadd.bf16 v16, v5  }
0x27c: {  	v16 =	vadd.s32 v44, v54;
	v7 =	vld.idx.msk [tilespmem:v7+s2+$0x0], $0xffff;
	v10 =	vadd.bf16 v17, v10;
	v17 =	vadd.s32 v31, v4  }
0x27d: {  	v27 =	vadd.s32 v33, v4;
	v30 =	vadd.s32 v44, v20;
	v8 =	vld.idx.msk [tilespmem:v8+s2+$0x0], $0xffff  }
0x27e: {  	v25 =	vunpack.i.u.bf16.f32 v5;
	v14 =	vld.idx.msk [tilespmem:v14+s2+$0x0], $0xffff;
	v5 =	vunpack.i.l.bf16.f32 v5;
	v28 =	vunpack.i.l.bf16.f32 v10  }
0x27f: {  	v10 =	vunpack.i.u.bf16.f32 v10;
	v5 =	vadd.f32 v28, v5;
	v28 =	vadd.s32 v44, v60;
	v19 =	vld.idx.msk [tilespmem:v19+s2+$0x0], $0xffff  }
0x280: {  	v10 =	vadd.f32 v10, v25;
	v25 =	vld [tilespmem:$0x1FED0]  }
0x281: {  	v13 =	vadd.bf16 v24, v13;
	v24 =	vadd.s32 v44, v1;
	v16 =	vld.idx.msk [tilespmem:v16+s2+$0x0], $0xffff;
	[tilespmem:v17+s20+$0x0] =	vst.idx.msk $0xffff, v5  }
0x282: {  	v7 =	vadd.bf16 v7, v11;
	v5 =	vadd.s32 v44, v58;
	[tilespmem:v27+s20+$0x0] =	vst.idx.msk $0xffff, v10;
	v27 =	vld [tilespmem:$0x1FEE0]  }
0x283: {  	v8 =	vadd.bf16 v8, v13;
	v10 =	vadd.s32 v44, v53;
	v13 =	vld.idx.msk [tilespmem:v30+s2+$0x0], $0xffff  }
0x284: {  	v11 =	vadd.s32 v44, v50;
	v7 =	vadd.bf16 v14, v7;
	v14 =	vld.idx.msk [tilespmem:v28+s2+$0x0], $0xffff  }
0x285: {  	v17 =	vadd.s32 v44, v51;
	v8 =	vadd.bf16 v22, v8  }
0x286: {  	v22 =	vadd.s32 v44, v55;
	v7 =	vadd.bf16 v19, v7;
	v19 =	vld.idx.msk [tilespmem:v24+s2+$0x0], $0xffff;
	v24 =	vadd.s32 v44, v59  }
0x287: {  	v8 =	vadd.bf16 v16, v8;
	v16 =	vadd.s32 v34, v49;
	v5 =	vld.idx.msk [tilespmem:v5+s2+$0x0], $0xffff;
	v25 =	vcombine.low v25, v27  }
0x288: {  	v30 =	vadd.s32 v36, v49;
	v10 =	vld.idx.msk [tilespmem:v10+s2+$0x0], $0xffff;
	v27 =	vunpack.i.l.bf16.f32 v7;
	v7 =	vunpack.i.u.bf16.f32 v7  }
0x289: {  	v11 =	vld.idx.msk [tilespmem:v11+s2+$0x0], $0xffff;
	v28 =	vunpack.i.l.bf16.f32 v8;
	v13 =	vadd.bf16 v14, v13;
	v14 =	vand.u32 $0xF, v25  }
0x28a: {  	v17 =	vld.idx.msk [tilespmem:v17+s2+$0x0], $0xffff;
	v8 =	vunpack.i.u.bf16.f32 v8;
	v27 =	vadd.f32 v28, v27;
	v2 =	vadd.s32 v14, v2  }
0x28b: {  	v22 =	vld.idx.msk [tilespmem:v22+s2+$0x0], $0xffff;
	v7 =	vadd.f32 v8, v7;
	v8 =	vadd.s32 v14, v21  }
0x28c: {  	[tilespmem:v16+s20+$0x0] =	vst.idx.msk $0xffff, v27;
	v16 =	vld.idx.msk [tilespmem:v24+s2+$0x0], $0xffff;
	v5 =	vadd.bf16 v5, v19;
	v19 =	vadd.s32 v14, v62  }
0x28d: {  	v10 =	vadd.bf16 v10, v13;
	v13 =	vadd.s32 v14, v63  }
0x28e: {  	[tilespmem:v30+s20+$0x0] =	vst.idx.msk $0xffff, v7;
	v7 =	vadd.s32 v14, v61;
	v5 =	vadd.bf16 v11, v5  }
0x28f: {  	v11 =	vadd.s32 v14, v56;
	v10 =	vadd.bf16 v17, v10;
	v2 =	vld.idx.msk [tilespmem:v2+s2+$0x0], $0xffff  }
0x290: {  	v17 =	vadd.s32 v14, v57;
	v8 =	vld.idx.msk [tilespmem:v8+s2+$0x0], $0xffff;
	v5 =	vadd.bf16 v22, v5  }
0x291: {  	v22 =	vadd.s32 v34, v4;
	v10 =	vadd.bf16 v16, v10;
	v16 =	vadd.s32 v14, v52;
	v19 =	vld.idx.msk [tilespmem:v19+s2+$0x0], $0xffff  }
0x292: {  	v21 =	vadd.s32 v14, v54;
	v1 =	vadd.s32 v14, v1;
	v27 =	vadd.s32 v36, v4;
	v13 =	vld.idx.msk [tilespmem:v13+s2+$0x0], $0xffff  }
0x293: {  	v20 =	vadd.s32 v14, v20;
	v7 =	vld.idx.msk [tilespmem:v7+s2+$0x0], $0xffff;
	v24 =	vunpack.i.l.bf16.f32 v5;
	v25 =	vunpack.i.l.bf16.f32 v10  }
0x294: {  	v5 =	vunpack.i.u.bf16.f32 v5;
	v11 =	vld.idx.msk [tilespmem:v11+s2+$0x0], $0xffff;
	v10 =	vunpack.i.u.bf16.f32 v10;
	v24 =	vadd.f32 v25, v24  }
0x295: {  	v5 =	vadd.f32 v10, v5;
	v10 =	vld.idx.msk [tilespmem:v17+s2+$0x0], $0xffff;
	v17 =	vadd.s32 v14, v60  }
0x296: {  	[tilespmem:v22+s20+$0x0] =	vst.idx.msk $0xffff, v24;
	v16 =	vld.idx.msk [tilespmem:v16+s2+$0x0], $0xffff;
	v22 =	vadd.s32 v14, v58  }
0x297: {  	[tilespmem:v27+s20+$0x0] =	vst.idx.msk $0xffff, v5;
	v5 =	vld.idx.msk [tilespmem:v21+s2+$0x0], $0xffff;
	v21 =	vadd.s32 v14, v53  }
0x298: {  	v25 =	vadd.s32 v14, v51;
	v1 =	vld.idx.msk [tilespmem:v1+s2+$0x0], $0xffff  }
0x299: {  	v24 =	vadd.s32 v14, v50;
	v20 =	vld.idx.msk [tilespmem:v20+s2+$0x0], $0xffff  }
0x29a: {  	v27 =	vadd.s32 v14, v55;
	v14 =	vadd.s32 v14, v59;
	v11 =	vadd.bf16 v11, v19;
	v17 =	vld.idx.msk [tilespmem:v17+s2+$0x0], $0xffff  }
0x29b: {  	v22 =	vld.idx.msk [tilespmem:v22+s2+$0x0], $0xffff  }
0x29c: {  	v2 =	vadd.bf16 v8, v2;
	v10 =	vadd.bf16 v10, v11;
	v19 =	vld.idx.msk [tilespmem:v21+s2+$0x0], $0xffff  }
0x29d: {  	v11 =	vld.idx.msk [tilespmem:v25+s2+$0x0], $0xffff  }
0x29e: {  	v2 =	vadd.bf16 v13, v2;
	v8 =	vld.idx.msk [tilespmem:v24+s2+$0x0], $0xffff;
	v10 =	vadd.bf16 v16, v10  }
0x29f: {  	v14 =	vld.idx.msk [tilespmem:v14+s2+$0x0], $0xffff;
	v13 =	vadd.bf16 v17, v20  }
0x2a0: {  	v2 =	vadd.bf16 v7, v2;
	v17 =	vld.idx.msk [tilespmem:v27+s2+$0x0], $0xffff;
	v5 =	vadd.bf16 v5, v10  }
0x2a1: {  	v1 =	vadd.bf16 v22, v1;
	v7 =	vadd.bf16 v19, v13  }
0x2a2: {  	v10 =	vadd.s32 v37, v49  }
0x2a3: {  	v13 =	vunpack.i.l.bf16.f32 v5;
	v1 =	vadd.bf16 v8, v1;
	v7 =	vadd.bf16 v11, v7  }
0x2a4: {  	v8 =	vunpack.i.u.bf16.f32 v2;
	v2 =	vunpack.i.l.bf16.f32 v2;
	v11 =	vadd.s32 v39, v49  }
0x2a5: {  	s21 =	sadd.s32 $0x2, s21;
	v1 =	vadd.bf16 v17, v1;
	v7 =	vadd.bf16 v14, v7;
	v14 =	vadd.s32 v37, v4  }
0x2a6: {  	p1 =	slt.u32 s21, $0xE;
	v5 =	vunpack.i.u.bf16.f32 v5;
	v2 =	vadd.f32 v13, v2;
	v4 =	vadd.s32 v39, v4  }
.Ltmp3:
0x2a7: {  	v5 =	vadd.f32 v5, v8;
	v8 =	vunpack.i.l.bf16.f32 v1;
	v13 =	vunpack.i.l.bf16.f32 v7;
	(pc) =	sbr.rel @p1 .LBB2_6-.Ltmp3, $4  }
0x2a8: {  	[tilespmem:v10+s20+$0x0] =	vst.idx.msk $0xffff, v2;
	v1 =	vunpack.i.u.bf16.f32 v1;
	v7 =	vunpack.i.u.bf16.f32 v7;
	v2 =	vadd.f32 v13, v8  }
0x2a9: {  	[tilespmem:v11+s20+$0x0] =	vst.idx.msk $0xffff, v5;
	v1 =	vadd.f32 v7, v1  }
0x2aa: {  	[tilespmem:v14+s20+$0x0] =	vst.idx.msk $0xffff, v2  }
0x2ab: {  	s23 =	sadd.s32 $0x20, s23;
	s19 =	sadd.s32 $0x20, s19;
	v61 =	vmov v39;
	v60 =	vmov v37;
	[tilespmem:v4+s20+$0x0] =	vst.idx.msk $0xffff, v1  }
0x2ac: {  	s19 =	sshll.u32 s18, $0xC  }
0x2ad: {  	s19 =	sadd.s32 s19, s1  }
0x2ae: {  	s21 =	simm.s32 $0x10;
	s23 =	sadd.s32 $0x28, s20;
	s24 =	sadd.s32 $0x0, s19  }
.LBB2_8:
0x2af: {  	[hbm4b:s24+s2] =	stream.linear.scatter [tilespmem:s20], [sflag:$0x2], $0x20, $0x38;
	[tilespmem:$0x1A030] =	vst v63  }
0x2b0: {  	s24 =	smov.u32 s21;
	s20 =	smov.u32 s23;
	p1 =	sne.s32 s21, $0xFF0  }
.Ltmp4:
0x2b1: {  	s21 =	sadd.s32 $0x10, s21;
	(pc) =	sbr.rel @p1 .LBB2_8-.Ltmp4, $2  }
0x2b2: {  	_ =	sdelay $0x2  }
0x2b3: {  	s23 =	sadd.s32 $0x28, s23;
	s24 =	sadd.s32 s24, s19  }
0x2b4: {  	s18 =	sadd.s32 $0x1, s18  }
0x2b5: {  	p1 =	sne.s32 s18, $0x3  }
.Ltmp5:
0x2b6: {  	_ = 	snop;
	(pc) =	sbr.rel @p1 .LBB2_5-.Ltmp5, $3  }
0x2b7: {  	_ =	sdelay $0x1  }
0x2b8: {  	[hbm4b:s24+s2] =	stream.linear.scatter [tilespmem:s20], [sflag:$0x2], $0x20, $0x38;
	[tilespmem:$0x1A030] =	vst v63  }
0x2b9: {  	s22 =	sadd.s32 $0x100, s22  }
.Ltmp6:
0x2ba: {  	(pc) =	sbr.rel @p0 .LBB2_12-.Ltmp6, $1  }
0x2bb: {  	_ =	sdelay $0x3  }
0x2bc: {  	_ =	swait.ge [sflag:s29], $0x300  }
0x2bd: {  	[sflag:s29] =	ssyncset.done $0x0  }
0x2be: {  	[sflag:s29] =	ssyncadd.s32 $0xFFFFFD00  }
0x2bf: {  	_ =	swait.ge [sflag:s29], $0x300  }
0x2c0: {  	[sflag:s29] =	ssyncset.done $0x0  }
0x2c1: {  	[sflag:s29] =	ssyncadd.s32 $0xFFFFFD00  }
0x2c2: {  	_ =	swait.ge [sflag:s29], $0x300  }
0x2c3: {  	[sflag:s29] =	ssyncset.done $0x0  }
0x2c4: {  	[sflag:s29] =	ssyncadd.s32 $0xFFFFFD00  }
0x2c5: {  	_ =	swait.ge [sflag:s29], $0x300  }
0x2c6: {  	[sflag:s29] =	ssyncset.done $0x0  }
0x2c7: {  	[sflag:s29] =	ssyncadd.s32 $0xFFFFFD00  }
0x2c8: {  	_ =	swait.ge [sflag:s29], $0x300  }
0x2c9: {  	[sflag:s29] =	ssyncset.done $0x0  }
0x2ca: {  	[sflag:s29] =	ssyncadd.s32 $0xFFFFFD00  }
0x2cb: {  	_ =	swait.ge [sflag:s29], $0x300  }
0x2cc: {  	[sflag:s29] =	ssyncset.done $0x0  }
0x2cd: {  	[sflag:s29] =	ssyncadd.s32 $0xFFFFFD00  }
0x2ce: {  	_ =	swait.ge [sflag:s29], $0x300  }
0x2cf: {  	[sflag:s29] =	ssyncset.done $0x0  }
0x2d0: {  	[sflag:s29] =	ssyncadd.s32 $0xFFFFFD00  }
0x2d1: {  	_ =	swait.ge [sflag:s29], $0x300  }
.Ltmp7:
0x2d2: {  	[sflag:s29] =	ssyncset.done $0x0;
	(pc) =	sbr.rel .LBB2_2-.Ltmp7, $4  }
0x2d3: {  	[sflag:s29] =	ssyncadd.s32 $0xFFFFFD00  }
0x2d4: {  	_ =	swait.ge [sflag:s29], $0x300  }
0x2d5: {  	[sflag:s29] =	ssyncset.done $0x0  }
0x2d6: {  	s31 =	sadd.s32 $0x1, s31;
	[sflag:s29] =	ssyncadd.s32 $0xFFFFFD00  }
.LBB2_13:
0x2d7: {  	_ =	sfence.sel $0x180000  }
0x2d8: {  	[bflag:$0x0] =	sbarrier.arrive $0xFFFF  }
0x2d9: {  	_ =	strace $0x90000047  }
0x2da: {  	s0 =	stileid.u32;
	[bflag:$0x2] =	sbarrier.arrive $0xFFFF  }
0x2db: {  	p0 =	sne.s32 s0, $0x0;
	s0 =	rddreg [dreg:$0x2]  }
0x2dc: {  	s0 =	sadd.s32 @!p0 $0x100000, s0  }
0x2dd: {  	[sflag:s0] =	ssyncadd.tile.s32 @!p0 $0x1;
	_ =	shalt  }
.Lfunc_end2:
_tile_overlayer_lowered:
.L_overlay_start_2:
0x2de: {  	(tag) =	ssettag $0x2  }
0x2df: {  	s0 =	rddreg [dreg:$0x0];
	s2 =	stileid.u32  }
0x2e0: {  	s1 =	rddreg [dreg:$0x1];
	p0 =	sne.s32 s2, $0x0  }
0x2e1: {  	s3 =	rddreg [dreg:$0x2];
	[bflag:$0x3] =	sbarrier.arrive $0xFFFF;
	s2 =	simm.s32 @!p0 $0x1C03  }
0x2e2: {  	[timem:s3], [sflag:s2] =	dma.local @!p0 [hbm:s0], s1  }
0x2e3: {  	s0 =	simm.s32 @!p0 $0x3  }
0x2e4: {  	_ =	swait.ge @!p0 [sflag:s0], s1  }
0x2e5: {  	s1 =	ssub.s32 @!p0 $0x0, s1;
	[sflag:s0] =	ssyncset.done @!p0 $0x0  }
0x2e6: {  	[sflag:s0] =	ssyncadd.s32 @!p0 s1  }
0x2e7: {  	[bflag:$0x3] =	sbarrier.arrive $0xFFFF  }
0x2e8: {  	_ =	shalt  }

</sc_bundles>
